<compile_context>
chip_gen: v7x
topology: tpu7x:2x2x1
jax: 0.10.2.dev20260603
libtpu: 0.0.44.dev20260713+nightly
codegen_flags: <defaults>
</compile_context>

<pallas_src>
import functools

import jax
import jax.numpy as jnp
from jax import lax
from jax.experimental import pallas as pl
from jax.experimental.pallas import tpu as pltpu
from jax.experimental.pallas import tpu_sc as plsc

N = 10000
D = 128
E = 320000
NC, NS = 2, 16
NW = NC * NS
CHUNK = 128
EROWS = E // CHUNK
RPW = EROWS // NW
XTRA = EROWS - NW * RPW
RL = 80
NP = 10112
NPB = NP // D
RPS = NP // NS
TRASH = NP - 1
BM = 1000
L = 16
PH = 24
PHASES = (PH, PH, PH, RL - 3 * PH)



def _mm_body(x_ref, w_ref, b_ref, o_ref):
    y = jnp.dot(x_ref[...], w_ref[...], preferred_element_type=jnp.float32)
    o_ref[...] = y + b_ref[...]


def _mm(x, w, b):
    return pl.pallas_call(
        _mm_body,
        grid=(N // BM,),
        in_specs=[
            pl.BlockSpec((BM, D), lambda i: (i, 0)),
            pl.BlockSpec((D, D), lambda i: (0, 0)),
            pl.BlockSpec((1, D), lambda i: (0, 0)),
        ],
        out_specs=pl.BlockSpec((BM, D), lambda i: (i, 0)),
        out_shape=jax.ShapeDtypeStruct((N, D), jnp.float32),
    )(x, w, b.reshape(1, D))


def _inv_cnt_col(cnt3):
    csum = jnp.maximum(jnp.sum(cnt3, axis=0), 1.0)
    inv = (1.0 / csum).reshape(NPB, 1, D)
    invT = lax.dot_general(
        inv, jnp.ones((NPB, 1, 1), jnp.float32),
        dimension_numbers=(((1,), (1,)), ((0,), (0,))),
        preferred_element_type=jnp.float32)
    return invT.reshape(NP, 1)


def _combine_mm_body(acc_ref, cnt_ref, w_ref, b_ref, o_ref):
    t = acc_ref[0] + acc_ref[1]
    h = t * _inv_cnt_col(cnt_ref[...])
    h = jnp.where(h >= 0.0, h, 0.01 * h)
    y = jnp.dot(h, w_ref[...], preferred_element_type=jnp.float32)
    o_ref[...] = y + b_ref[...]


def _combine_mm(acc, cnt3, w, b):
    return pl.pallas_call(
        _combine_mm_body,
        out_shape=jax.ShapeDtypeStruct((NP, D), jnp.float32),
    )(acc, cnt3, w, b.reshape(1, D))


def _finalize_body(acc_ref, cnt_ref, o_ref):
    t = acc_ref[0] + acc_ref[1]
    o_ref[...] = t * _inv_cnt_col(cnt_ref[...])


def _finalize(acc, cnt3):
    return pl.pallas_call(
        _finalize_body,
        out_shape=jax.ShapeDtypeStruct((NP, D), jnp.float32),
    )(acc, cnt3)



_MESH = plsc.VectorSubcoreMesh(
    core_axis_name="c", subcore_axis_name="s", num_cores=NC, num_subcores=NS)


@functools.partial(
    pl.kernel,
    out_type=[
        jax.ShapeDtypeStruct((NC, NP, D), jnp.float32),
        jax.ShapeDtypeStruct((NW, NPB, D), jnp.float32),
    ],
    mesh=_MESH,
    compiler_params=pltpu.CompilerParams(needs_layout_passes=False),
    scratch_types=[
        pltpu.VMEM((RL,), jnp.int32),
        pltpu.VMEM((PH, CHUNK), jnp.int32),
        pltpu.VMEM((PH, CHUNK), jnp.int32),
        pltpu.VMEM((CHUNK, D), jnp.float32),
        pltpu.VMEM((CHUNK, D), jnp.float32),
        pltpu.VMEM((NPB, D), jnp.float32),
        pltpu.VMEM_SHARED((NP, D), jnp.float32),
        pltpu.SemaphoreType.DMA,
        pltpu.SemaphoreType.DMA,
        pltpu.SemaphoreType.DMA,
        pltpu.SemaphoreType.DMA,
    ],
)
def _sc_segsum(table_hbm, src_hbm, dst_hbm, acc_out, cnt_out,
               rlist_v, src_v, dst_v, rows_a, rows_b, cnt_v, acc_sh,
               gsa, gsb, ssa, ssb):
    gsem = gsa
    rows_v = rows_a
    c = lax.axis_index("c")
    s = lax.axis_index("s")
    w = s * NC + c
    nrows = RPW + jnp.where(w < XTRA, 1, 0)

    iota = lax.iota(jnp.int32, L)
    for k in range(RL // L):
        slot = k * L + iota
        vals = jnp.where(
            slot < RPW, RPW * w + slot,
            jnp.where((slot == RPW) & (w < XTRA), NW * RPW + w, 0))
        rlist_v[pl.ds(k * L, L)] = vals

    def zrows_body(i, carry):
        rows_v[i // (D // L), pl.ds((i % (D // L)) * L, L)] = (
            jnp.zeros((L,), jnp.float32))
        return carry

    lax.fori_loop(0, CHUNK * (D // L), zrows_body, 0)

    def zcnt_body(i, carry):
        cnt_v[i // (D // L), pl.ds((i % (D // L)) * L, L)] = (
            jnp.zeros((L,), jnp.float32))
        return carry

    lax.fori_loop(0, NPB * (D // L), zcnt_body, 0)

    rem = RPS % CHUNK
    for z in range(RPS // CHUNK):
        pltpu.async_copy(rows_v.at[pl.ds(0, CHUNK)],
                         acc_sh.at[pl.ds(s * RPS + z * CHUNK, CHUNK)], ssa)
    pltpu.async_copy(rows_v.at[pl.ds(0, rem)],
                     acc_sh.at[pl.ds(s * RPS + (RPS // CHUNK) * CHUNK, rem)],
                     ssb)
    for z in range(RPS // CHUNK):
        pltpu.make_async_copy(
            rows_v.at[pl.ds(0, CHUNK)],
            acc_sh.at[pl.ds(s * RPS + z * CHUNK, CHUNK)], ssa).wait()
    pltpu.make_async_copy(
        rows_v.at[pl.ds(0, rem)],
        acc_sh.at[pl.ds(s * RPS + (RPS // CHUNK) * CHUNK, rem)], ssb).wait()
    plsc.subcore_barrier()

    def _hist(j):
        for k in range(CHUNK // L):
            vec = dst_v[j, pl.ds(k * L, L)]
            cnts, last = plsc.scan_count(vec)
            plsc.addupdate_scatter(
                cnt_v, [vec >> 7, vec & 127], cnts.astype(jnp.float32),
                mask=last)

    base = 0
    for pi, ph in enumerate(PHASES):
        nloc = ph if pi < len(PHASES) - 1 else nrows - base
        pltpu.async_copy(
            src_hbm.at[rlist_v.at[pl.ds(base, ph)]],
            src_v.at[pl.ds(0, ph)], gsem)
        pltpu.async_copy(
            dst_hbm.at[rlist_v.at[pl.ds(base, ph)]],
            dst_v.at[pl.ds(0, ph)], gsem)
        pltpu.make_async_copy(
            src_hbm.at[rlist_v.at[pl.ds(base, ph)]],
            src_v.at[pl.ds(0, ph)], gsem).wait()
        pltpu.make_async_copy(
            dst_hbm.at[rlist_v.at[pl.ds(base, ph)]],
            dst_v.at[pl.ds(0, ph)], gsem).wait()

        pltpu.async_copy(table_hbm.at[src_v.at[0]], rows_a, gsa)

        def body(p, carry):
            j0 = 2 * p
            j1 = j0 + 1

            @pl.when(j1 < nloc)
            def _():
                pltpu.async_copy(table_hbm.at[src_v.at[j1]], rows_b, gsb)

            pltpu.make_async_copy(
                table_hbm.at[src_v.at[0]], rows_a, gsa).wait()
            pltpu.async_copy(rows_a, acc_sh.at[dst_v.at[j0]], ssa, add=True)
            _hist(j0)
            pltpu.make_async_copy(rows_a, acc_sh.at[dst_v.at[0]], ssa).wait()

            @pl.when(j0 + 2 < nloc)
            def _():
                pltpu.async_copy(
                    table_hbm.at[src_v.at[j0 + 2]], rows_a, gsa)

            @pl.when(j1 < nloc)
            def _():
                pltpu.make_async_copy(
                    table_hbm.at[src_v.at[0]], rows_b, gsb).wait()
                pltpu.async_copy(
                    rows_b, acc_sh.at[dst_v.at[j1]], ssb, add=True)
                _hist(j1)
                pltpu.make_async_copy(
                    rows_b, acc_sh.at[dst_v.at[0]], ssb).wait()

            return carry

        lax.fori_loop(0, (nloc + 1) // 2, body, 0)
        base += ph
    plsc.subcore_barrier()
    pltpu.sync_copy(acc_sh.at[pl.ds(s * RPS, RPS)],
                    acc_out.at[c, pl.ds(s * RPS, RPS)])
    pltpu.sync_copy(cnt_v, cnt_out.at[w])


def kernel(embed_chemical, embed_gene, W1_affects, b1_affects, W1_binds,
           b1_binds, W2_affects, b2_affects, W2_binds, b2_binds,
           edge_affects, edge_binds):
    src1 = edge_binds[0].astype(jnp.int32).reshape(EROWS, CHUNK)
    dst1 = edge_binds[1].astype(jnp.int32).reshape(EROWS, CHUNK)
    src2 = edge_affects[0].astype(jnp.int32).reshape(EROWS, CHUNK)
    dst2 = edge_affects[1].astype(jnp.int32).reshape(EROWS, CHUNK)

    wh1 = _mm(embed_chemical, W1_binds, b1_binds)
    acc1, cnt1 = _sc_segsum(wh1, src1, dst1)
    wh2 = _combine_mm(acc1, cnt1, W2_affects, b2_affects)
    acc2, cnt2 = _sc_segsum(wh2, src2, dst2)
    out = _finalize(acc2, cnt2)
    return out[:N]

# --- scband reference (transcript-rebuilt; emitter-appended) ---
"""Pipeline reference for scband-ncmodel-8624294330467 (READ-ONLY COPY).

The authoritative reference and input builder live on the scoring server;
editing this copy changes nothing except your own understanding.
"""

import jax, jax.numpy as jnp
import numpy as np

N_CHEM = 10000
N_GENE = 10000
E = 320000
IN_SIZE = 128
HID = 128
OUT = 128

def setup_inputs(seed: int = 0) -> dict:
    key = jax.random.key(seed)
    ks = jax.random.split(key, 14)
    # graph structure: two etypes: (gene, affects, chemical) and (chemical, binds, gene)
    edge_affects = jax.random.randint(ks[0], (2, E), 0, N_GENE)  # row0: src gene, row1: dst chemical
    edge_binds = jax.random.randint(ks[1], (2, E), 0, N_CHEM)    # row0: src chemical, row1: dst gene
    # learned node embeddings (xavier-like)
    def xavier(k, shape):
        fan_in, fan_out = shape[0], shape[1]
        lim = np.sqrt(6.0 / (fan_in + fan_out))
        return jax.random.uniform(k, shape, minval=-lim, maxval=lim, dtype=jnp.float32)
    embed_chemical = xavier(ks[2], (N_CHEM, IN_SIZE))
    embed_gene = xavier(ks[3], (N_GENE, IN_SIZE))
    # layer1 per-etype linear weights
    W1_affects = xavier(ks[4], (IN_SIZE, HID)); b1_affects = jnp.zeros((HID,), jnp.float32)
    W1_binds = xavier(ks[5], (IN_SIZE, HID)); b1_binds = jnp.zeros((HID,), jnp.float32)
    # layer2 per-etype linear weights
    W2_affects = xavier(ks[6], (HID, OUT)); b2_affects = jnp.zeros((OUT,), jnp.float32)
    W2_binds = xavier(ks[7], (HID, OUT)); b2_binds = jnp.zeros((OUT,), jnp.float32)
    return {
        "embed_chemical": embed_chemical, "embed_gene": embed_gene,
        "W1_affects": W1_affects, "b1_affects": b1_affects,
        "W1_binds": W1_binds, "b1_binds": b1_binds,
        "W2_affects": W2_affects, "b2_affects": b2_affects,
        "W2_binds": W2_binds, "b2_binds": b2_binds,
        "edge_affects": edge_affects, "edge_binds": edge_binds,
    }

def _mean_agg(msgs, dst, num_dst):
    # DGL fn.mean('m','h'): mean of incoming messages per dst node
    s = jax.ops.segment_sum(msgs, dst, num_segments=num_dst)
    cnt = jax.ops.segment_sum(jnp.ones((msgs.shape[0],), jnp.float32), dst, num_segments=num_dst)
    return s / jnp.maximum(cnt, 1.0)[:, None]

def _hetero_layer(h_chem, h_gene, W_a, b_a, W_b, b_b, edge_affects, edge_binds):
    # etype 'affects': src=gene -> dst=chemical; copy_u then mean; cross-type reducer 'sum' (single etype per dst)
    Wh_gene = h_gene @ W_a + b_a
    m_a = jnp.take(Wh_gene, edge_affects[0], axis=0)
    out_chem = _mean_agg(m_a, edge_affects[1], N_CHEM)
    # etype 'binds': src=chemical -> dst=gene
    Wh_chem = h_chem @ W_b + b_b
    m_b = jnp.take(Wh_chem, edge_binds[0], axis=0)
    out_gene = _mean_agg(m_b, edge_binds[1], N_GENE)
    return out_chem, out_gene

def reference(embed_chemical, embed_gene, W1_affects, b1_affects, W1_binds, b1_binds,
              W2_affects, b2_affects, W2_binds, b2_binds, edge_affects, edge_binds):
    h_chem, h_gene = _hetero_layer(embed_chemical, embed_gene, W1_affects, b1_affects,
                                   W1_binds, b1_binds, edge_affects, edge_binds)
    h_chem = jax.nn.leaky_relu(h_chem, negative_slope=0.01)
    h_gene = jax.nn.leaky_relu(h_gene, negative_slope=0.01)
    h_chem2, h_gene2 = _hetero_layer(h_chem, h_gene, W2_affects, b2_affects,
                                     W2_binds, b2_binds, edge_affects, edge_binds)
    return h_chem2

if __name__ == "__main__":
    import jax
    _d = setup_inputs()
    print(jax.jit(kernel)(*tuple(_d.values())))

</pallas_src>

<mosaic_0001>
#map = affine_map<(d0, d1) -> (0, 0)>
#map1 = affine_map<(d0, d1) -> (0, 0, 0)>
module attributes {stable_mosaic.version = 14 : i64} {
  func.func @_sc_segsum(%arg0: i32, %arg1: i32, %arg2: memref<10112x128xf32, #tpu.memory_space<hbm>>, %arg3: memref<2500x128xi32, #tpu.memory_space<hbm>>, %arg4: memref<2500x128xi32, #tpu.memory_space<hbm>>, %arg5: memref<2x10112x128xf32, #tpu.memory_space<hbm>>, %arg6: memref<32x79x128xf32, #tpu.memory_space<hbm>>, %arg7: memref<80xi32, #tpu.memory_space<vmem>>, %arg8: memref<24x128xi32, #tpu.memory_space<vmem>>, %arg9: memref<24x128xi32, #tpu.memory_space<vmem>>, %arg10: memref<128x128xf32, #tpu.memory_space<vmem>>, %arg11: memref<128x128xf32, #tpu.memory_space<vmem>>, %arg12: memref<79x128xf32, #tpu.memory_space<vmem>>, %arg13: memref<10112x128xf32, #tpu.memory_space<vmem_shared>>, %arg14: memref<!tpu.dma_semaphore, #tpu.memory_space<semaphore_mem>>, %arg15: memref<!tpu.dma_semaphore, #tpu.memory_space<semaphore_mem>>, %arg16: memref<!tpu.dma_semaphore, #tpu.memory_space<semaphore_mem>>, %arg17: memref<!tpu.dma_semaphore, #tpu.memory_space<semaphore_mem>>) attributes {dimension_semantics = [#tpu.dimension_semantics<core_parallel>, #tpu.dimension_semantics<subcore_parallel>], iteration_bounds = array<i64: 2, 16>, scalar_prefetch = 0 : i64, scratch_operands = 11 : i64, tpu.core_type = #tpu.core_type<sc_vector_subcore>, window_params = [{transform_indices = #map}, {transform_indices = #map}, {transform_indices = #map}, {transform_indices = #map1}, {transform_indices = #map1}]} {
    %mul3A = arith.constant 2 : i32
    %mul3A_0 = arith.muli %arg1, %mul3A : i32
    %add3A = arith.addi %mul3A_0, %arg0 : i32
    %lt3A = arith.constant 4 : i32
    %lt3A_1 = arith.cmpi slt, %add3A, %lt3A : i32
    %jit3A = arith.constant 1 : i32
    %jit3A_2 = arith.constant 0 : i32
    %select_n3A = arith.select %lt3A_1, %jit3A, %jit3A_2 : i32
    %add3A_3 = arith.constant 78 : i32
    %add3A_4 = arith.addi %add3A_3, %select_n3A : i32
    %iota3A = tpu.iota {dimensions = array<i32: 0>} : vector<16xi32>
    %add3A_5 = arith.constant 0 : i32
    %add3A_6 = vector.broadcast %add3A_5 : i32 to vector<16xi32>
    %add3A_7 = arith.addi %add3A_6, %iota3A : vector<16xi32>
    %lt3A_8 = arith.constant 78 : i32
    %lt3A_9 = vector.broadcast %lt3A_8 : i32 to vector<16xi32>
    %lt3A_10 = arith.cmpi slt, %add3A_7, %lt3A_9 : vector<16xi32>
    %mul3A_11 = arith.constant 78 : i32
    %mul3A_12 = arith.muli %mul3A_11, %add3A : i32
    %add3A_13 = vector.broadcast %mul3A_12 : i32 to vector<16xi32>
    %add3A_14 = arith.addi %add3A_13, %add3A_7 : vector<16xi32>
    %eq3A = arith.constant 78 : i32
    %eq3A_15 = vector.broadcast %eq3A : i32 to vector<16xi32>
    %eq3A_16 = arith.cmpi eq, %add3A_7, %eq3A_15 : vector<16xi32>
    %lt3A_17 = arith.constant 4 : i32
    %lt3A_18 = arith.cmpi slt, %add3A, %lt3A_17 : i32
    %and3A = vector.broadcast %lt3A_18 : i1 to vector<16xi1>
    %and3A_19 = arith.andi %eq3A_16, %and3A : vector<16xi1>
    %add3A_20 = arith.constant 2496 : i32
    %add3A_21 = arith.addi %add3A_20, %add3A : i32
    %jit3A_22 = arith.constant 0 : i32
    %broadcast_in_dim3A = vector.broadcast %add3A_21 : i32 to vector<16xi32>
    %broadcast_in_dim3A_23 = vector.broadcast %jit3A_22 : i32 to vector<16xi32>
    %select_n3A_24 = arith.select %and3A_19, %broadcast_in_dim3A, %broadcast_in_dim3A_23 : vector<16xi1>, vector<16xi32>
    %select_n3A_25 = arith.select %lt3A_10, %add3A_14, %select_n3A_24 : vector<16xi1>, vector<16xi32>
    %swap3A = arith.constant 0 : index
    %swap3A_26 = tpu.vector_load %arg7[%swap3A] {strides = array<i32>} : memref<80xi32, #tpu.memory_space<vmem>>, vector<16xi32>,
    tpu.vector_store %arg7[%swap3A], %select_n3A_25 {strides = array<i32>} : memref<80xi32, #tpu.memory_space<vmem>>, vector<16xi32>,
    %add3A_27 = arith.constant 16 : i32
    %add3A_28 = vector.broadcast %add3A_27 : i32 to vector<16xi32>
    %add3A_29 = arith.addi %add3A_28, %iota3A : vector<16xi32>
    %lt3A_30 = arith.constant 78 : i32
    %lt3A_31 = vector.broadcast %lt3A_30 : i32 to vector<16xi32>
    %lt3A_32 = arith.cmpi slt, %add3A_29, %lt3A_31 : vector<16xi32>
    %mul3A_33 = arith.constant 78 : i32
    %mul3A_34 = arith.muli %mul3A_33, %add3A : i32
    %add3A_35 = vector.broadcast %mul3A_34 : i32 to vector<16xi32>
    %add3A_36 = arith.addi %add3A_35, %add3A_29 : vector<16xi32>
    %eq3A_37 = arith.constant 78 : i32
    %eq3A_38 = vector.broadcast %eq3A_37 : i32 to vector<16xi32>
    %eq3A_39 = arith.cmpi eq, %add3A_29, %eq3A_38 : vector<16xi32>
    %lt3A_40 = arith.constant 4 : i32
    %lt3A_41 = arith.cmpi slt, %add3A, %lt3A_40 : i32
    %and3A_42 = vector.broadcast %lt3A_41 : i1 to vector<16xi1>
    %and3A_43 = arith.andi %eq3A_39, %and3A_42 : vector<16xi1>
    %add3A_44 = arith.constant 2496 : i32
    %add3A_45 = arith.addi %add3A_44, %add3A : i32
    %jit3A_46 = arith.constant 0 : i32
    %broadcast_in_dim3A_47 = vector.broadcast %add3A_45 : i32 to vector<16xi32>
    %broadcast_in_dim3A_48 = vector.broadcast %jit3A_46 : i32 to vector<16xi32>
    %select_n3A_49 = arith.select %and3A_43, %broadcast_in_dim3A_47, %broadcast_in_dim3A_48 : vector<16xi1>, vector<16xi32>
    %select_n3A_50 = arith.select %lt3A_32, %add3A_36, %select_n3A_49 : vector<16xi1>, vector<16xi32>
    %swap3A_51 = arith.constant 16 : index
    %swap3A_52 = tpu.vector_load %arg7[%swap3A_51] {strides = array<i32>} : memref<80xi32, #tpu.memory_space<vmem>>, vector<16xi32>,
    tpu.vector_store %arg7[%swap3A_51], %select_n3A_50 {strides = array<i32>} : memref<80xi32, #tpu.memory_space<vmem>>, vector<16xi32>,
    %add3A_53 = arith.constant 32 : i32
    %add3A_54 = vector.broadcast %add3A_53 : i32 to vector<16xi32>
    %add3A_55 = arith.addi %add3A_54, %iota3A : vector<16xi32>
    %lt3A_56 = arith.constant 78 : i32
    %lt3A_57 = vector.broadcast %lt3A_56 : i32 to vector<16xi32>
    %lt3A_58 = arith.cmpi slt, %add3A_55, %lt3A_57 : vector<16xi32>
    %mul3A_59 = arith.constant 78 : i32
    %mul3A_60 = arith.muli %mul3A_59, %add3A : i32
    %add3A_61 = vector.broadcast %mul3A_60 : i32 to vector<16xi32>
    %add3A_62 = arith.addi %add3A_61, %add3A_55 : vector<16xi32>
    %eq3A_63 = arith.constant 78 : i32
    %eq3A_64 = vector.broadcast %eq3A_63 : i32 to vector<16xi32>
    %eq3A_65 = arith.cmpi eq, %add3A_55, %eq3A_64 : vector<16xi32>
    %lt3A_66 = arith.constant 4 : i32
    %lt3A_67 = arith.cmpi slt, %add3A, %lt3A_66 : i32
    %and3A_68 = vector.broadcast %lt3A_67 : i1 to vector<16xi1>
    %and3A_69 = arith.andi %eq3A_65, %and3A_68 : vector<16xi1>
    %add3A_70 = arith.constant 2496 : i32
    %add3A_71 = arith.addi %add3A_70, %add3A : i32
    %jit3A_72 = arith.constant 0 : i32
    %broadcast_in_dim3A_73 = vector.broadcast %add3A_71 : i32 to vector<16xi32>
    %broadcast_in_dim3A_74 = vector.broadcast %jit3A_72 : i32 to vector<16xi32>
    %select_n3A_75 = arith.select %and3A_69, %broadcast_in_dim3A_73, %broadcast_in_dim3A_74 : vector<16xi1>, vector<16xi32>
    %select_n3A_76 = arith.select %lt3A_58, %add3A_62, %select_n3A_75 : vector<16xi1>, vector<16xi32>
    %swap3A_77 = arith.constant 32 : index
    %swap3A_78 = tpu.vector_load %arg7[%swap3A_77] {strides = array<i32>} : memref<80xi32, #tpu.memory_space<vmem>>, vector<16xi32>,
    tpu.vector_store %arg7[%swap3A_77], %select_n3A_76 {strides = array<i32>} : memref<80xi32, #tpu.memory_space<vmem>>, vector<16xi32>,
    %add3A_79 = arith.constant 48 : i32
    %add3A_80 = vector.broadcast %add3A_79 : i32 to vector<16xi32>
    %add3A_81 = arith.addi %add3A_80, %iota3A : vector<16xi32>
    %lt3A_82 = arith.constant 78 : i32
    %lt3A_83 = vector.broadcast %lt3A_82 : i32 to vector<16xi32>
    %lt3A_84 = arith.cmpi slt, %add3A_81, %lt3A_83 : vector<16xi32>
    %mul3A_85 = arith.constant 78 : i32
    %mul3A_86 = arith.muli %mul3A_85, %add3A : i32
    %add3A_87 = vector.broadcast %mul3A_86 : i32 to vector<16xi32>
    %add3A_88 = arith.addi %add3A_87, %add3A_81 : vector<16xi32>
    %eq3A_89 = arith.constant 78 : i32
    %eq3A_90 = vector.broadcast %eq3A_89 : i32 to vector<16xi32>
    %eq3A_91 = arith.cmpi eq, %add3A_81, %eq3A_90 : vector<16xi32>
    %lt3A_92 = arith.constant 4 : i32
    %lt3A_93 = arith.cmpi slt, %add3A, %lt3A_92 : i32
    %and3A_94 = vector.broadcast %lt3A_93 : i1 to vector<16xi1>
    %and3A_95 = arith.andi %eq3A_91, %and3A_94 : vector<16xi1>
    %add3A_96 = arith.constant 2496 : i32
    %add3A_97 = arith.addi %add3A_96, %add3A : i32
    %jit3A_98 = arith.constant 0 : i32
    %broadcast_in_dim3A_99 = vector.broadcast %add3A_97 : i32 to vector<16xi32>
    %broadcast_in_dim3A_100 = vector.broadcast %jit3A_98 : i32 to vector<16xi32>
    %select_n3A_101 = arith.select %and3A_95, %broadcast_in_dim3A_99, %broadcast_in_dim3A_100 : vector<16xi1>, vector<16xi32>
    %select_n3A_102 = arith.select %lt3A_84, %add3A_88, %select_n3A_101 : vector<16xi1>, vector<16xi32>
    %swap3A_103 = arith.constant 48 : index
    %swap3A_104 = tpu.vector_load %arg7[%swap3A_103] {strides = array<i32>} : memref<80xi32, #tpu.memory_space<vmem>>, vector<16xi32>,
    tpu.vector_store %arg7[%swap3A_103], %select_n3A_102 {strides = array<i32>} : memref<80xi32, #tpu.memory_space<vmem>>, vector<16xi32>,
    %add3A_105 = arith.constant 64 : i32
    %add3A_106 = vector.broadcast %add3A_105 : i32 to vector<16xi32>
    %add3A_107 = arith.addi %add3A_106, %iota3A : vector<16xi32>
    %lt3A_108 = arith.constant 78 : i32
    %lt3A_109 = vector.broadcast %lt3A_108 : i32 to vector<16xi32>
    %lt3A_110 = arith.cmpi slt, %add3A_107, %lt3A_109 : vector<16xi32>
    %mul3A_111 = arith.constant 78 : i32
    %mul3A_112 = arith.muli %mul3A_111, %add3A : i32
    %add3A_113 = vector.broadcast %mul3A_112 : i32 to vector<16xi32>
    %add3A_114 = arith.addi %add3A_113, %add3A_107 : vector<16xi32>
    %eq3A_115 = arith.constant 78 : i32
    %eq3A_116 = vector.broadcast %eq3A_115 : i32 to vector<16xi32>
    %eq3A_117 = arith.cmpi eq, %add3A_107, %eq3A_116 : vector<16xi32>
    %lt3A_118 = arith.constant 4 : i32
    %lt3A_119 = arith.cmpi slt, %add3A, %lt3A_118 : i32
    %and3A_120 = vector.broadcast %lt3A_119 : i1 to vector<16xi1>
    %and3A_121 = arith.andi %eq3A_117, %and3A_120 : vector<16xi1>
    %add3A_122 = arith.constant 2496 : i32
    %add3A_123 = arith.addi %add3A_122, %add3A : i32
    %jit3A_124 = arith.constant 0 : i32
    %broadcast_in_dim3A_125 = vector.broadcast %add3A_123 : i32 to vector<16xi32>
    %broadcast_in_dim3A_126 = vector.broadcast %jit3A_124 : i32 to vector<16xi32>
    %select_n3A_127 = arith.select %and3A_121, %broadcast_in_dim3A_125, %broadcast_in_dim3A_126 : vector<16xi1>, vector<16xi32>
    %select_n3A_128 = arith.select %lt3A_110, %add3A_114, %select_n3A_127 : vector<16xi1>, vector<16xi32>
    %swap3A_129 = arith.constant 64 : index
    %swap3A_130 = tpu.vector_load %arg7[%swap3A_129] {strides = array<i32>} : memref<80xi32, #tpu.memory_space<vmem>>, vector<16xi32>,
    tpu.vector_store %arg7[%swap3A_129], %select_n3A_128 {strides = array<i32>} : memref<80xi32, #tpu.memory_space<vmem>>, vector<16xi32>,
    %scan3A = arith.constant 0 : i32
    %scan3A_131 = arith.constant 0 : i32
    %scan3A_132 = arith.constant 1024 : i32
    %scan3A_133 = arith.addi %scan3A_131, %scan3A_132 : i32
    %scan3A_134 = arith.constant 1 : i32
    scf.for %scan3A_491 = %scan3A_131 to %scan3A_133 step %scan3A_134  : i32 {
      %broadcast_in_dim3A_492 = arith.constant 0.000000e+00 : f32
      %broadcast_in_dim3A_493 = vector.broadcast %broadcast_in_dim3A_492 : f32 to vector<16xf32>
      %jit3A_494 = arith.constant 8 : i32
      %div3A_495 = arith.divsi %scan3A_491, %jit3A_494 : i32
      %sign3A_496 = arith.constant 0 : i32
      %sign3A_497 = arith.cmpi sgt, %scan3A_491, %sign3A_496 : i32
      %sign3A_498 = arith.extui %sign3A_497 : i1 to i32
      %sign3A_499 = arith.constant 0 : i32
      %sign3A_500 = arith.cmpi slt, %scan3A_491, %sign3A_499 : i32
      %sign3A_501 = arith.extui %sign3A_500 : i1 to i32
      %sign3A_502 = arith.subi %sign3A_498, %sign3A_501 : i32
      %sign3A_503 = arith.constant 0 : i32
      %sign3A_504 = arith.cmpi sgt, %jit3A_494, %sign3A_503 : i32
      %sign3A_505 = arith.extui %sign3A_504 : i1 to i32
      %sign3A_506 = arith.constant 0 : i32
      %sign3A_507 = arith.cmpi slt, %jit3A_494, %sign3A_506 : i32
      %sign3A_508 = arith.extui %sign3A_507 : i1 to i32
      %sign3A_509 = arith.subi %sign3A_505, %sign3A_508 : i32
      %ne3A_510 = arith.cmpi ne, %sign3A_502, %sign3A_509 : i32
      %rem3A_511 = arith.remsi %scan3A_491, %jit3A_494 : i32
      %ne3A_512 = arith.constant 0 : i32
      %ne3A_513 = arith.cmpi ne, %rem3A_511, %ne3A_512 : i32
      %and3A_514 = arith.andi %ne3A_510, %ne3A_513 : i1
      %sub3A_515 = arith.constant 1 : i32
      %sub3A_516 = arith.subi %div3A_495, %sub3A_515 : i32
      %select_n3A_517 = arith.select %and3A_514, %sub3A_516, %div3A_495 : i32
      %jit3A_518 = arith.constant 8 : i32
      %eq3A_519 = arith.constant 0 : i32
      %eq3A_520 = arith.cmpi eq, %jit3A_518, %eq3A_519 : i32
      %jit3A_521 = arith.constant 1 : i32
      %select_n3A_522 = arith.select %eq3A_520, %jit3A_521, %jit3A_518 : i32
      %rem3A_523 = arith.remsi %scan3A_491, %select_n3A_522 : i32
      %ne3A_524 = arith.constant 0 : i32
      %ne3A_525 = arith.cmpi ne, %rem3A_523, %ne3A_524 : i32
      %lt3A_526 = arith.constant 0 : i32
      %lt3A_527 = arith.cmpi slt, %rem3A_523, %lt3A_526 : i32
      %lt3A_528 = arith.constant 0 : i32
      %lt3A_529 = arith.cmpi slt, %select_n3A_522, %lt3A_528 : i32
      %ne3A_530 = arith.xori %lt3A_527, %lt3A_529 : i1
      %and3A_531 = arith.andi %ne3A_530, %ne3A_525 : i1
      %add3A_532 = arith.addi %rem3A_523, %select_n3A_522 : i32
      %select_n3A_533 = arith.select %and3A_531, %add3A_532, %rem3A_523 : i32
      %mul3A_534 = arith.constant 16 : i32
      %mul3A_535 = arith.muli %select_n3A_533, %mul3A_534 : i32
      %swap3A_536 = arith.index_cast %select_n3A_517 : i32 to index
      %swap3A_537 = arith.index_cast %mul3A_535 : i32 to index
      %swap3A_538 = tpu.vector_load %arg10[%swap3A_536, %swap3A_537] {strides = array<i32>} : memref<128x128xf32, #tpu.memory_space<vmem>>, vector<16xf32>,
      tpu.vector_store %arg10[%swap3A_536, %swap3A_537], %broadcast_in_dim3A_493 {strides = array<i32>} : memref<128x128xf32, #tpu.memory_space<vmem>>, vector<16xf32>,
    }
    %scan3A_135 = arith.constant 1024 : i32
    %scan3A_136 = arith.constant 0 : i32
    %scan3A_137 = arith.constant 0 : i32
    %scan3A_138 = arith.constant 632 : i32
    %scan3A_139 = arith.addi %scan3A_137, %scan3A_138 : i32
    %scan3A_140 = arith.constant 1 : i32
    scf.for %scan3A_491 = %scan3A_137 to %scan3A_139 step %scan3A_140  : i32 {
      %broadcast_in_dim3A_492 = arith.constant 0.000000e+00 : f32
      %broadcast_in_dim3A_493 = vector.broadcast %broadcast_in_dim3A_492 : f32 to vector<16xf32>
      %jit3A_494 = arith.constant 8 : i32
      %div3A_495 = arith.divsi %scan3A_491, %jit3A_494 : i32
      %sign3A_496 = arith.constant 0 : i32
      %sign3A_497 = arith.cmpi sgt, %scan3A_491, %sign3A_496 : i32
      %sign3A_498 = arith.extui %sign3A_497 : i1 to i32
      %sign3A_499 = arith.constant 0 : i32
      %sign3A_500 = arith.cmpi slt, %scan3A_491, %sign3A_499 : i32
      %sign3A_501 = arith.extui %sign3A_500 : i1 to i32
      %sign3A_502 = arith.subi %sign3A_498, %sign3A_501 : i32
      %sign3A_503 = arith.constant 0 : i32
      %sign3A_504 = arith.cmpi sgt, %jit3A_494, %sign3A_503 : i32
      %sign3A_505 = arith.extui %sign3A_504 : i1 to i32
      %sign3A_506 = arith.constant 0 : i32
      %sign3A_507 = arith.cmpi slt, %jit3A_494, %sign3A_506 : i32
      %sign3A_508 = arith.extui %sign3A_507 : i1 to i32
      %sign3A_509 = arith.subi %sign3A_505, %sign3A_508 : i32
      %ne3A_510 = arith.cmpi ne, %sign3A_502, %sign3A_509 : i32
      %rem3A_511 = arith.remsi %scan3A_491, %jit3A_494 : i32
      %ne3A_512 = arith.constant 0 : i32
      %ne3A_513 = arith.cmpi ne, %rem3A_511, %ne3A_512 : i32
      %and3A_514 = arith.andi %ne3A_510, %ne3A_513 : i1
      %sub3A_515 = arith.constant 1 : i32
      %sub3A_516 = arith.subi %div3A_495, %sub3A_515 : i32
      %select_n3A_517 = arith.select %and3A_514, %sub3A_516, %div3A_495 : i32
      %jit3A_518 = arith.constant 8 : i32
      %eq3A_519 = arith.constant 0 : i32
      %eq3A_520 = arith.cmpi eq, %jit3A_518, %eq3A_519 : i32
      %jit3A_521 = arith.constant 1 : i32
      %select_n3A_522 = arith.select %eq3A_520, %jit3A_521, %jit3A_518 : i32
      %rem3A_523 = arith.remsi %scan3A_491, %select_n3A_522 : i32
      %ne3A_524 = arith.constant 0 : i32
      %ne3A_525 = arith.cmpi ne, %rem3A_523, %ne3A_524 : i32
      %lt3A_526 = arith.constant 0 : i32
      %lt3A_527 = arith.cmpi slt, %rem3A_523, %lt3A_526 : i32
      %lt3A_528 = arith.constant 0 : i32
      %lt3A_529 = arith.cmpi slt, %select_n3A_522, %lt3A_528 : i32
      %ne3A_530 = arith.xori %lt3A_527, %lt3A_529 : i1
      %and3A_531 = arith.andi %ne3A_530, %ne3A_525 : i1
      %add3A_532 = arith.addi %rem3A_523, %select_n3A_522 : i32
      %select_n3A_533 = arith.select %and3A_531, %add3A_532, %rem3A_523 : i32
      %mul3A_534 = arith.constant 16 : i32
      %mul3A_535 = arith.muli %select_n3A_533, %mul3A_534 : i32
      %swap3A_536 = arith.index_cast %select_n3A_517 : i32 to index
      %swap3A_537 = arith.index_cast %mul3A_535 : i32 to index
      %swap3A_538 = tpu.vector_load %arg12[%swap3A_536, %swap3A_537] {strides = array<i32>} : memref<79x128xf32, #tpu.memory_space<vmem>>, vector<16xf32>,
      tpu.vector_store %arg12[%swap3A_536, %swap3A_537], %broadcast_in_dim3A_493 {strides = array<i32>} : memref<79x128xf32, #tpu.memory_space<vmem>>, vector<16xf32>,
    }
    %scan3A_141 = arith.constant 632 : i32
    %mul3A_142 = arith.constant 632 : i32
    %mul3A_143 = arith.muli %arg1, %mul3A_142 : i32
    %add3A_144 = arith.constant 0 : i32
    %add3A_145 = arith.addi %mul3A_143, %add3A_144 : i32
    %dma_start3A = arith.constant 0 : i32
    %dma_start3A_146 = arith.constant 0 : i32
    %dma_start3A_147 = tpu.memref_slice %arg10[%dma_start3A, %dma_start3A_146] : memref<128x128xf32, #tpu.memory_space<vmem>> -> memref<128x128xf32, #tpu.memory_space<vmem>>
    %dma_start3A_148 = arith.constant 0 : i32
    %dma_start3A_149 = tpu.memref_slice %arg13[%add3A_145, %dma_start3A_148] : memref<10112x128xf32, #tpu.memory_space<vmem_shared>> -> memref<128x128xf32, #tpu.memory_space<vmem_shared>>
    %dma_start3A_150 = arith.constant 0 : i32
    %dma_start3A_151 = tpu.memref_slice %arg13[%add3A_145, %dma_start3A_150] : memref<10112x128xf32, #tpu.memory_space<vmem_shared>> -> memref<128x128xf32, #tpu.memory_space<vmem_shared>>
    %dma_start3A_152 = arith.constant 0 : i32
    %dma_start3A_153 = arith.constant 0 : i32
    %dma_start3A_154 = tpu.memref_slice %arg10[%dma_start3A_152, %dma_start3A_153] : memref<128x128xf32, #tpu.memory_space<vmem>> -> memref<128x128xf32, #tpu.memory_space<vmem>>
    tpu.enqueue_dma source(%dma_start3A_154 : memref<128x128xf32, #tpu.memory_space<vmem>>) target(%dma_start3A_151 : memref<128x128xf32, #tpu.memory_space<vmem_shared>>) target_semaphore(%arg16 : memref<!tpu.dma_semaphore, #tpu.memory_space<semaphore_mem>>)
    %mul3A_155 = arith.constant 632 : i32
    %mul3A_156 = arith.muli %arg1, %mul3A_155 : i32
    %add3A_157 = arith.constant 128 : i32
    %add3A_158 = arith.addi %mul3A_156, %add3A_157 : i32
    %dma_start3A_159 = arith.constant 0 : i32
    %dma_start3A_160 = arith.constant 0 : i32
    %dma_start3A_161 = tpu.memref_slice %arg10[%dma_start3A_159, %dma_start3A_160] : memref<128x128xf32, #tpu.memory_space<vmem>> -> memref<128x128xf32, #tpu.memory_space<vmem>>
    %dma_start3A_162 = arith.constant 0 : i32
    %dma_start3A_163 = tpu.memref_slice %arg13[%add3A_158, %dma_start3A_162] : memref<10112x128xf32, #tpu.memory_space<vmem_shared>> -> memref<128x128xf32, #tpu.memory_space<vmem_shared>>
    %dma_start3A_164 = arith.constant 0 : i32
    %dma_start3A_165 = tpu.memref_slice %arg13[%add3A_158, %dma_start3A_164] : memref<10112x128xf32, #tpu.memory_space<vmem_shared>> -> memref<128x128xf32, #tpu.memory_space<vmem_shared>>
    %dma_start3A_166 = arith.constant 0 : i32
    %dma_start3A_167 = arith.constant 0 : i32
    %dma_start3A_168 = tpu.memref_slice %arg10[%dma_start3A_166, %dma_start3A_167] : memref<128x128xf32, #tpu.memory_space<vmem>> -> memref<128x128xf32, #tpu.memory_space<vmem>>
    tpu.enqueue_dma source(%dma_start3A_168 : memref<128x128xf32, #tpu.memory_space<vmem>>) target(%dma_start3A_165 : memref<128x128xf32, #tpu.memory_space<vmem_shared>>) target_semaphore(%arg16 : memref<!tpu.dma_semaphore, #tpu.memory_space<semaphore_mem>>)
    %mul3A_169 = arith.constant 632 : i32
    %mul3A_170 = arith.muli %arg1, %mul3A_169 : i32
    %add3A_171 = arith.constant 256 : i32
    %add3A_172 = arith.addi %mul3A_170, %add3A_171 : i32
    %dma_start3A_173 = arith.constant 0 : i32
    %dma_start3A_174 = arith.constant 0 : i32
    %dma_start3A_175 = tpu.memref_slice %arg10[%dma_start3A_173, %dma_start3A_174] : memref<128x128xf32, #tpu.memory_space<vmem>> -> memref<128x128xf32, #tpu.memory_space<vmem>>
    %dma_start3A_176 = arith.constant 0 : i32
    %dma_start3A_177 = tpu.memref_slice %arg13[%add3A_172, %dma_start3A_176] : memref<10112x128xf32, #tpu.memory_space<vmem_shared>> -> memref<128x128xf32, #tpu.memory_space<vmem_shared>>
    %dma_start3A_178 = arith.constant 0 : i32
    %dma_start3A_179 = tpu.memref_slice %arg13[%add3A_172, %dma_start3A_178] : memref<10112x128xf32, #tpu.memory_space<vmem_shared>> -> memref<128x128xf32, #tpu.memory_space<vmem_shared>>
    %dma_start3A_180 = arith.constant 0 : i32
    %dma_start3A_181 = arith.constant 0 : i32
    %dma_start3A_182 = tpu.memref_slice %arg10[%dma_start3A_180, %dma_start3A_181] : memref<128x128xf32, #tpu.memory_space<vmem>> -> memref<128x128xf32, #tpu.memory_space<vmem>>
    tpu.enqueue_dma source(%dma_start3A_182 : memref<128x128xf32, #tpu.memory_space<vmem>>) target(%dma_start3A_179 : memref<128x128xf32, #tpu.memory_space<vmem_shared>>) target_semaphore(%arg16 : memref<!tpu.dma_semaphore, #tpu.memory_space<semaphore_mem>>)
    %mul3A_183 = arith.constant 632 : i32
    %mul3A_184 = arith.muli %arg1, %mul3A_183 : i32
    %add3A_185 = arith.constant 384 : i32
    %add3A_186 = arith.addi %mul3A_184, %add3A_185 : i32
    %dma_start3A_187 = arith.constant 0 : i32
    %dma_start3A_188 = arith.constant 0 : i32
    %dma_start3A_189 = tpu.memref_slice %arg10[%dma_start3A_187, %dma_start3A_188] : memref<128x128xf32, #tpu.memory_space<vmem>> -> memref<128x128xf32, #tpu.memory_space<vmem>>
    %dma_start3A_190 = arith.constant 0 : i32
    %dma_start3A_191 = tpu.memref_slice %arg13[%add3A_186, %dma_start3A_190] : memref<10112x128xf32, #tpu.memory_space<vmem_shared>> -> memref<128x128xf32, #tpu.memory_space<vmem_shared>>
    %dma_start3A_192 = arith.constant 0 : i32
    %dma_start3A_193 = tpu.memref_slice %arg13[%add3A_186, %dma_start3A_192] : memref<10112x128xf32, #tpu.memory_space<vmem_shared>> -> memref<128x128xf32, #tpu.memory_space<vmem_shared>>
    %dma_start3A_194 = arith.constant 0 : i32
    %dma_start3A_195 = arith.constant 0 : i32
    %dma_start3A_196 = tpu.memref_slice %arg10[%dma_start3A_194, %dma_start3A_195] : memref<128x128xf32, #tpu.memory_space<vmem>> -> memref<128x128xf32, #tpu.memory_space<vmem>>
    tpu.enqueue_dma source(%dma_start3A_196 : memref<128x128xf32, #tpu.memory_space<vmem>>) target(%dma_start3A_193 : memref<128x128xf32, #tpu.memory_space<vmem_shared>>) target_semaphore(%arg16 : memref<!tpu.dma_semaphore, #tpu.memory_space<semaphore_mem>>)
    %mul3A_197 = arith.constant 632 : i32
    %mul3A_198 = arith.muli %arg1, %mul3A_197 : i32
    %add3A_199 = arith.constant 512 : i32
    %add3A_200 = arith.addi %mul3A_198, %add3A_199 : i32
    %dma_start3A_201 = arith.constant 0 : i32
    %dma_start3A_202 = arith.constant 0 : i32
    %dma_start3A_203 = tpu.memref_slice %arg10[%dma_start3A_201, %dma_start3A_202] : memref<128x128xf32, #tpu.memory_space<vmem>> -> memref<120x128xf32, #tpu.memory_space<vmem>>
    %dma_start3A_204 = arith.constant 0 : i32
    %dma_start3A_205 = tpu.memref_slice %arg13[%add3A_200, %dma_start3A_204] : memref<10112x128xf32, #tpu.memory_space<vmem_shared>> -> memref<120x128xf32, #tpu.memory_space<vmem_shared>>
    %dma_start3A_206 = arith.constant 0 : i32
    %dma_start3A_207 = tpu.memref_slice %arg13[%add3A_200, %dma_start3A_206] : memref<10112x128xf32, #tpu.memory_space<vmem_shared>> -> memref<120x128xf32, #tpu.memory_space<vmem_shared>>
    %dma_start3A_208 = arith.constant 0 : i32
    %dma_start3A_209 = arith.constant 0 : i32
    %dma_start3A_210 = tpu.memref_slice %arg10[%dma_start3A_208, %dma_start3A_209] : memref<128x128xf32, #tpu.memory_space<vmem>> -> memref<120x128xf32, #tpu.memory_space<vmem>>
    tpu.enqueue_dma source(%dma_start3A_210 : memref<120x128xf32, #tpu.memory_space<vmem>>) target(%dma_start3A_207 : memref<120x128xf32, #tpu.memory_space<vmem_shared>>) target_semaphore(%arg17 : memref<!tpu.dma_semaphore, #tpu.memory_space<semaphore_mem>>)
    %mul3A_211 = arith.constant 632 : i32
    %mul3A_212 = arith.muli %arg1, %mul3A_211 : i32
    %add3A_213 = arith.constant 0 : i32
    %add3A_214 = arith.addi %mul3A_212, %add3A_213 : i32
    %dma_wait3A = arith.constant 0 : i32
    %dma_wait3A_215 = arith.constant 0 : i32
    %dma_wait3A_216 = tpu.memref_slice %arg10[%dma_wait3A, %dma_wait3A_215] : memref<128x128xf32, #tpu.memory_space<vmem>> -> memref<128x128xf32, #tpu.memory_space<vmem>>
    %dma_wait3A_217 = arith.constant 0 : i32
    %dma_wait3A_218 = tpu.memref_slice %arg13[%add3A_214, %dma_wait3A_217] : memref<10112x128xf32, #tpu.memory_space<vmem_shared>> -> memref<128x128xf32, #tpu.memory_space<vmem_shared>>
    %dma_wait3A_219 = arith.constant 0 : i32
    %dma_wait3A_220 = tpu.memref_slice %arg13[%add3A_214, %dma_wait3A_219] : memref<10112x128xf32, #tpu.memory_space<vmem_shared>> -> memref<128x128xf32, #tpu.memory_space<vmem_shared>>
    %dma_wait3A_221 = arith.constant 0 : i32
    %dma_wait3A_222 = arith.constant 0 : i32
    %dma_wait3A_223 = tpu.memref_slice %arg10[%dma_wait3A_221, %dma_wait3A_222] : memref<128x128xf32, #tpu.memory_space<vmem>> -> memref<128x128xf32, #tpu.memory_space<vmem>>
    tpu.wait_dma2 semaphore(%arg16 : memref<!tpu.dma_semaphore, #tpu.memory_space<semaphore_mem>>) src(%dma_wait3A_223 : memref<128x128xf32, #tpu.memory_space<vmem>>) dst(%dma_wait3A_220 : memref<128x128xf32, #tpu.memory_space<vmem_shared>>)
    %mul3A_224 = arith.constant 632 : i32
    %mul3A_225 = arith.muli %arg1, %mul3A_224 : i32
    %add3A_226 = arith.constant 128 : i32
    %add3A_227 = arith.addi %mul3A_225, %add3A_226 : i32
    %dma_wait3A_228 = arith.constant 0 : i32
    %dma_wait3A_229 = arith.constant 0 : i32
    %dma_wait3A_230 = tpu.memref_slice %arg10[%dma_wait3A_228, %dma_wait3A_229] : memref<128x128xf32, #tpu.memory_space<vmem>> -> memref<128x128xf32, #tpu.memory_space<vmem>>
    %dma_wait3A_231 = arith.constant 0 : i32
    %dma_wait3A_232 = tpu.memref_slice %arg13[%add3A_227, %dma_wait3A_231] : memref<10112x128xf32, #tpu.memory_space<vmem_shared>> -> memref<128x128xf32, #tpu.memory_space<vmem_shared>>
    %dma_wait3A_233 = arith.constant 0 : i32
    %dma_wait3A_234 = tpu.memref_slice %arg13[%add3A_227, %dma_wait3A_233] : memref<10112x128xf32, #tpu.memory_space<vmem_shared>> -> memref<128x128xf32, #tpu.memory_space<vmem_shared>>
    %dma_wait3A_235 = arith.constant 0 : i32
    %dma_wait3A_236 = arith.constant 0 : i32
    %dma_wait3A_237 = tpu.memref_slice %arg10[%dma_wait3A_235, %dma_wait3A_236] : memref<128x128xf32, #tpu.memory_space<vmem>> -> memref<128x128xf32, #tpu.memory_space<vmem>>
    tpu.wait_dma2 semaphore(%arg16 : memref<!tpu.dma_semaphore, #tpu.memory_space<semaphore_mem>>) src(%dma_wait3A_237 : memref<128x128xf32, #tpu.memory_space<vmem>>) dst(%dma_wait3A_234 : memref<128x128xf32, #tpu.memory_space<vmem_shared>>)
    %mul3A_238 = arith.constant 632 : i32
    %mul3A_239 = arith.muli %arg1, %mul3A_238 : i32
    %add3A_240 = arith.constant 256 : i32
    %add3A_241 = arith.addi %mul3A_239, %add3A_240 : i32
    %dma_wait3A_242 = arith.constant 0 : i32
    %dma_wait3A_243 = arith.constant 0 : i32
    %dma_wait3A_244 = tpu.memref_slice %arg10[%dma_wait3A_242, %dma_wait3A_243] : memref<128x128xf32, #tpu.memory_space<vmem>> -> memref<128x128xf32, #tpu.memory_space<vmem>>
    %dma_wait3A_245 = arith.constant 0 : i32
    %dma_wait3A_246 = tpu.memref_slice %arg13[%add3A_241, %dma_wait3A_245] : memref<10112x128xf32, #tpu.memory_space<vmem_shared>> -> memref<128x128xf32, #tpu.memory_space<vmem_shared>>
    %dma_wait3A_247 = arith.constant 0 : i32
    %dma_wait3A_248 = tpu.memref_slice %arg13[%add3A_241, %dma_wait3A_247] : memref<10112x128xf32, #tpu.memory_space<vmem_shared>> -> memref<128x128xf32, #tpu.memory_space<vmem_shared>>
    %dma_wait3A_249 = arith.constant 0 : i32
    %dma_wait3A_250 = arith.constant 0 : i32
    %dma_wait3A_251 = tpu.memref_slice %arg10[%dma_wait3A_249, %dma_wait3A_250] : memref<128x128xf32, #tpu.memory_space<vmem>> -> memref<128x128xf32, #tpu.memory_space<vmem>>
    tpu.wait_dma2 semaphore(%arg16 : memref<!tpu.dma_semaphore, #tpu.memory_space<semaphore_mem>>) src(%dma_wait3A_251 : memref<128x128xf32, #tpu.memory_space<vmem>>) dst(%dma_wait3A_248 : memref<128x128xf32, #tpu.memory_space<vmem_shared>>)
    %mul3A_252 = arith.constant 632 : i32
    %mul3A_253 = arith.muli %arg1, %mul3A_252 : i32
    %add3A_254 = arith.constant 384 : i32
    %add3A_255 = arith.addi %mul3A_253, %add3A_254 : i32
    %dma_wait3A_256 = arith.constant 0 : i32
    %dma_wait3A_257 = arith.constant 0 : i32
    %dma_wait3A_258 = tpu.memref_slice %arg10[%dma_wait3A_256, %dma_wait3A_257] : memref<128x128xf32, #tpu.memory_space<vmem>> -> memref<128x128xf32, #tpu.memory_space<vmem>>
    %dma_wait3A_259 = arith.constant 0 : i32
    %dma_wait3A_260 = tpu.memref_slice %arg13[%add3A_255, %dma_wait3A_259] : memref<10112x128xf32, #tpu.memory_space<vmem_shared>> -> memref<128x128xf32, #tpu.memory_space<vmem_shared>>
    %dma_wait3A_261 = arith.constant 0 : i32
    %dma_wait3A_262 = tpu.memref_slice %arg13[%add3A_255, %dma_wait3A_261] : memref<10112x128xf32, #tpu.memory_space<vmem_shared>> -> memref<128x128xf32, #tpu.memory_space<vmem_shared>>
    %dma_wait3A_263 = arith.constant 0 : i32
    %dma_wait3A_264 = arith.constant 0 : i32
    %dma_wait3A_265 = tpu.memref_slice %arg10[%dma_wait3A_263, %dma_wait3A_264] : memref<128x128xf32, #tpu.memory_space<vmem>> -> memref<128x128xf32, #tpu.memory_space<vmem>>
    tpu.wait_dma2 semaphore(%arg16 : memref<!tpu.dma_semaphore, #tpu.memory_space<semaphore_mem>>) src(%dma_wait3A_265 : memref<128x128xf32, #tpu.memory_space<vmem>>) dst(%dma_wait3A_262 : memref<128x128xf32, #tpu.memory_space<vmem_shared>>)
    %mul3A_266 = arith.constant 632 : i32
    %mul3A_267 = arith.muli %arg1, %mul3A_266 : i32
    %add3A_268 = arith.constant 512 : i32
    %add3A_269 = arith.addi %mul3A_267, %add3A_268 : i32
    %dma_wait3A_270 = arith.constant 0 : i32
    %dma_wait3A_271 = arith.constant 0 : i32
    %dma_wait3A_272 = tpu.memref_slice %arg10[%dma_wait3A_270, %dma_wait3A_271] : memref<128x128xf32, #tpu.memory_space<vmem>> -> memref<120x128xf32, #tpu.memory_space<vmem>>
    %dma_wait3A_273 = arith.constant 0 : i32
    %dma_wait3A_274 = tpu.memref_slice %arg13[%add3A_269, %dma_wait3A_273] : memref<10112x128xf32, #tpu.memory_space<vmem_shared>> -> memref<120x128xf32, #tpu.memory_space<vmem_shared>>
    %dma_wait3A_275 = arith.constant 0 : i32
    %dma_wait3A_276 = tpu.memref_slice %arg13[%add3A_269, %dma_wait3A_275] : memref<10112x128xf32, #tpu.memory_space<vmem_shared>> -> memref<120x128xf32, #tpu.memory_space<vmem_shared>>
    %dma_wait3A_277 = arith.constant 0 : i32
    %dma_wait3A_278 = arith.constant 0 : i32
    %dma_wait3A_279 = tpu.memref_slice %arg10[%dma_wait3A_277, %dma_wait3A_278] : memref<128x128xf32, #tpu.memory_space<vmem>> -> memref<120x128xf32, #tpu.memory_space<vmem>>
    tpu.wait_dma2 semaphore(%arg17 : memref<!tpu.dma_semaphore, #tpu.memory_space<semaphore_mem>>) src(%dma_wait3A_279 : memref<120x128xf32, #tpu.memory_space<vmem>>) dst(%dma_wait3A_276 : memref<120x128xf32, #tpu.memory_space<vmem_shared>>)
    %barrier3A = arith.constant 0 : index
    tpu.barrier barrier_id(%barrier3A)
    %dma_start3A_280 = arith.constant 0 : i32
    %dma_start3A_281 = arith.constant 0 : i32
    %dma_start3A_282 = tpu.memref_slice %arg8[%dma_start3A_280, %dma_start3A_281] : memref<24x128xi32, #tpu.memory_space<vmem>> -> memref<24x128xi32, #tpu.memory_space<vmem>>
    %dma_start3A_283 = arith.constant 0 : i32
    %dma_start3A_284 = tpu.memref_slice %arg7[%dma_start3A_283] : memref<80xi32, #tpu.memory_space<vmem>> -> memref<24xi32, #tpu.memory_space<vmem>>
    %dma_start3A_285 = arith.constant 0 : i32
    %dma_start3A_286 = arith.constant 0 : i32
    %dma_start3A_287 = tpu.memref_slice %arg3[%dma_start3A_285, %dma_start3A_286] : memref<2500x128xi32, #tpu.memory_space<hbm>> -> memref<2500x128xi32, #tpu.memory_space<hbm>>
    tpu.enqueue_indirect_dma source(%dma_start3A_287 : memref<2500x128xi32, #tpu.memory_space<hbm>>) target(%dma_start3A_282 : memref<24x128xi32, #tpu.memory_space<vmem>>) offsets(%dma_start3A_284 : memref<24xi32, #tpu.memory_space<vmem>>) semaphore(%arg14 : memref<!tpu.dma_semaphore, #tpu.memory_space<semaphore_mem>>)
    %dma_start3A_288 = arith.constant 0 : i32
    %dma_start3A_289 = arith.constant 0 : i32
    %dma_start3A_290 = tpu.memref_slice %arg9[%dma_start3A_288, %dma_start3A_289] : memref<24x128xi32, #tpu.memory_space<vmem>> -> memref<24x128xi32, #tpu.memory_space<vmem>>
    %dma_start3A_291 = arith.constant 0 : i32
    %dma_start3A_292 = tpu.memref_slice %arg7[%dma_start3A_291] : memref<80xi32, #tpu.memory_space<vmem>> -> memref<24xi32, #tpu.memory_space<vmem>>
    %dma_start3A_293 = arith.constant 0 : i32
    %dma_start3A_294 = arith.constant 0 : i32
    %dma_start3A_295 = tpu.memref_slice %arg4[%dma_start3A_293, %dma_start3A_294] : memref<2500x128xi32, #tpu.memory_space<hbm>> -> memref<2500x128xi32, #tpu.memory_space<hbm>>
    tpu.enqueue_indirect_dma source(%dma_start3A_295 : memref<2500x128xi32, #tpu.memory_space<hbm>>) target(%dma_start3A_290 : memref<24x128xi32, #tpu.memory_space<vmem>>) offsets(%dma_start3A_292 : memref<24xi32, #tpu.memory_space<vmem>>) semaphore(%arg14 : memref<!tpu.dma_semaphore, #tpu.memory_space<semaphore_mem>>)
    %dma_wait3A_296 = arith.constant 0 : i32
    %dma_wait3A_297 = arith.constant 0 : i32
    %dma_wait3A_298 = tpu.memref_slice %arg8[%dma_wait3A_296, %dma_wait3A_297] : memref<24x128xi32, #tpu.memory_space<vmem>> -> memref<24x128xi32, #tpu.memory_space<vmem>>
    %dma_wait3A_299 = arith.constant 0 : i32
    %dma_wait3A_300 = tpu.memref_slice %arg7[%dma_wait3A_299] : memref<80xi32, #tpu.memory_space<vmem>> -> memref<24xi32, #tpu.memory_space<vmem>>
    %dma_wait3A_301 = arith.constant 0 : i32
    %dma_wait3A_302 = arith.constant 0 : i32
    %dma_wait3A_303 = tpu.memref_slice %arg3[%dma_wait3A_301, %dma_wait3A_302] : memref<2500x128xi32, #tpu.memory_space<hbm>> -> memref<2500x128xi32, #tpu.memory_space<hbm>>
    tpu.wait_indirect_dma semaphore(%arg14 : memref<!tpu.dma_semaphore, #tpu.memory_space<semaphore_mem>>) src(%dma_wait3A_303 : memref<2500x128xi32, #tpu.memory_space<hbm>>) dst(%dma_wait3A_298 : memref<24x128xi32, #tpu.memory_space<vmem>>)
    %dma_wait3A_304 = arith.constant 0 : i32
    %dma_wait3A_305 = arith.constant 0 : i32
    %dma_wait3A_306 = tpu.memref_slice %arg9[%dma_wait3A_304, %dma_wait3A_305] : memref<24x128xi32, #tpu.memory_space<vmem>> -> memref<24x128xi32, #tpu.memory_space<vmem>>
    %dma_wait3A_307 = arith.constant 0 : i32
    %dma_wait3A_308 = tpu.memref_slice %arg7[%dma_wait3A_307] : memref<80xi32, #tpu.memory_space<vmem>> -> memref<24xi32, #tpu.memory_space<vmem>>
    %dma_wait3A_309 = arith.constant 0 : i32
    %dma_wait3A_310 = arith.constant 0 : i32
    %dma_wait3A_311 = tpu.memref_slice %arg4[%dma_wait3A_309, %dma_wait3A_310] : memref<2500x128xi32, #tpu.memory_space<hbm>> -> memref<2500x128xi32, #tpu.memory_space<hbm>>
    tpu.wait_indirect_dma semaphore(%arg14 : memref<!tpu.dma_semaphore, #tpu.memory_space<semaphore_mem>>) src(%dma_wait3A_311 : memref<2500x128xi32, #tpu.memory_space<hbm>>) dst(%dma_wait3A_306 : memref<24x128xi32, #tpu.memory_space<vmem>>)
    %dma_start3A_312 = arith.constant 0 : i32
    %dma_start3A_313 = arith.constant 0 : i32
    %dma_start3A_314 = tpu.memref_slice %arg8[%dma_start3A_312, %dma_start3A_313] : memref<24x128xi32, #tpu.memory_space<vmem>> -> memref<1x128xi32, #tpu.memory_space<vmem>>
    %dma_start3A_315 = tpu.memref_squeeze %dma_start3A_314 : memref<1x128xi32, #tpu.memory_space<vmem>> -> memref<128xi32, #tpu.memory_space<vmem>>
    %dma_start3A_316 = arith.constant 0 : i32
    %dma_start3A_317 = arith.constant 0 : i32
    %dma_start3A_318 = tpu.memref_slice %arg2[%dma_start3A_316, %dma_start3A_317] : memref<10112x128xf32, #tpu.memory_space<hbm>> -> memref<10112x128xf32, #tpu.memory_space<hbm>>
    tpu.enqueue_indirect_dma source(%dma_start3A_318 : memref<10112x128xf32, #tpu.memory_space<hbm>>) target(%arg10 : memref<128x128xf32, #tpu.memory_space<vmem>>) offsets(%dma_start3A_315 : memref<128xi32, #tpu.memory_space<vmem>>) semaphore(%arg14 : memref<!tpu.dma_semaphore, #tpu.memory_space<semaphore_mem>>)
    %scan3A_319 = arith.constant 0 : i32
    %scan3A_320 = arith.constant 0 : i32
    %scan3A_321 = arith.constant 12 : i32
    %scan3A_322 = arith.addi %scan3A_320, %scan3A_321 : i32
    %scan3A_323 = arith.constant 1 : i32
    scf.for %scan3A_491 = %scan3A_320 to %scan3A_322 step %scan3A_323  : i32 {
      %mul3A_492 = arith.constant 2 : i32
      %mul3A_493 = arith.muli %mul3A_492, %scan3A_491 : i32
      %add3A_494 = arith.constant 1 : i32
      %add3A_495 = arith.addi %mul3A_493, %add3A_494 : i32
      %lt3A_496 = arith.constant 24 : i32
      %lt3A_497 = arith.cmpi slt, %add3A_495, %lt3A_496 : i32
      %convert_element_type3A = arith.extui %lt3A_497 : i1 to i32
      %cond3A = arith.constant 0 : i32
      %cond3A_498 = arith.cmpi ne, %convert_element_type3A, %cond3A : i32
      scf.if %cond3A_498 {
        %dma_start3A_640 = arith.constant 0 : i32
        %dma_start3A_641 = tpu.memref_slice %arg8[%add3A_495, %dma_start3A_640] : memref<24x128xi32, #tpu.memory_space<vmem>> -> memref<1x128xi32, #tpu.memory_space<vmem>>
        %dma_start3A_642 = tpu.memref_squeeze %dma_start3A_641 : memref<1x128xi32, #tpu.memory_space<vmem>> -> memref<128xi32, #tpu.memory_space<vmem>>
        %dma_start3A_643 = arith.constant 0 : i32
        %dma_start3A_644 = arith.constant 0 : i32
        %dma_start3A_645 = tpu.memref_slice %arg2[%dma_start3A_643, %dma_start3A_644] : memref<10112x128xf32, #tpu.memory_space<hbm>> -> memref<10112x128xf32, #tpu.memory_space<hbm>>
        tpu.enqueue_indirect_dma source(%dma_start3A_645 : memref<10112x128xf32, #tpu.memory_space<hbm>>) target(%arg11 : memref<128x128xf32, #tpu.memory_space<vmem>>) offsets(%dma_start3A_642 : memref<128xi32, #tpu.memory_space<vmem>>) semaphore(%arg15 : memref<!tpu.dma_semaphore, #tpu.memory_space<semaphore_mem>>)
      } else {
      }
      %dma_wait3A_499 = arith.constant 0 : i32
      %dma_wait3A_500 = arith.constant 0 : i32
      %dma_wait3A_501 = tpu.memref_slice %arg8[%dma_wait3A_499, %dma_wait3A_500] : memref<24x128xi32, #tpu.memory_space<vmem>> -> memref<1x128xi32, #tpu.memory_space<vmem>>
      %dma_wait3A_502 = tpu.memref_squeeze %dma_wait3A_501 : memref<1x128xi32, #tpu.memory_space<vmem>> -> memref<128xi32, #tpu.memory_space<vmem>>
      %dma_wait3A_503 = arith.constant 0 : i32
      %dma_wait3A_504 = arith.constant 0 : i32
      %dma_wait3A_505 = tpu.memref_slice %arg2[%dma_wait3A_503, %dma_wait3A_504] : memref<10112x128xf32, #tpu.memory_space<hbm>> -> memref<10112x128xf32, #tpu.memory_space<hbm>>
      tpu.wait_indirect_dma semaphore(%arg14 : memref<!tpu.dma_semaphore, #tpu.memory_space<semaphore_mem>>) src(%dma_wait3A_505 : memref<10112x128xf32, #tpu.memory_space<hbm>>) dst(%arg10 : memref<128x128xf32, #tpu.memory_space<vmem>>)
      %dma_start3A_506 = arith.constant 0 : i32
      %dma_start3A_507 = tpu.memref_slice %arg9[%mul3A_493, %dma_start3A_506] : memref<24x128xi32, #tpu.memory_space<vmem>> -> memref<1x128xi32, #tpu.memory_space<vmem>>
      %dma_start3A_508 = tpu.memref_squeeze %dma_start3A_507 : memref<1x128xi32, #tpu.memory_space<vmem>> -> memref<128xi32, #tpu.memory_space<vmem>>
      %dma_start3A_509 = arith.constant 0 : i32
      %dma_start3A_510 = arith.constant 0 : i32
      %dma_start3A_511 = tpu.memref_slice %arg13[%dma_start3A_509, %dma_start3A_510] : memref<10112x128xf32, #tpu.memory_space<vmem_shared>> -> memref<10112x128xf32, #tpu.memory_space<vmem_shared>>
      tpu.enqueue_indirect_dma source(%arg10 : memref<128x128xf32, #tpu.memory_space<vmem>>) target(%dma_start3A_511 : memref<10112x128xf32, #tpu.memory_space<vmem_shared>>) offsets(%dma_start3A_508 : memref<128xi32, #tpu.memory_space<vmem>>) semaphore(%arg16 : memref<!tpu.dma_semaphore, #tpu.memory_space<semaphore_mem>>) {add = true}
      %get3A = arith.index_cast %mul3A_493 : i32 to index
      %get3A_512 = arith.constant 0 : index
      %get3A_513 = tpu.vector_load %arg9[%get3A, %get3A_512] {strides = array<i32>} : memref<24x128xi32, #tpu.memory_space<vmem>>, vector<16xi32>,
      %broadcast_in_dim3A_514 = arith.constant true
      %broadcast_in_dim3A_515 = vector.broadcast %broadcast_in_dim3A_514 : i1 to vector<16xi1>
      %unique3A, %unique3A_516 = tpu.scan_count mask(%broadcast_in_dim3A_515 : vector<16xi1>) value(%get3A_513 : vector<16xi32>) : vector<16xi1>, vector<16xi32>
      %shift_right_arithmetic3A = arith.constant 7 : i32
      %shift_right_arithmetic3A_517 = vector.broadcast %shift_right_arithmetic3A : i32 to vector<16xi32>
      %shift_right_arithmetic3A_518 = arith.shrsi %get3A_513, %shift_right_arithmetic3A_517 : vector<16xi32>
      %and3A_519 = arith.constant 127 : i32
      %and3A_520 = vector.broadcast %and3A_519 : i32 to vector<16xi32>
      %and3A_521 = arith.andi %get3A_513, %and3A_520 : vector<16xi32>
      %convert_element_type3A_522 = arith.sitofp %unique3A_516 : vector<16xi32> to vector<16xf32>
      tpu.vector_store_idx %arg12[%shift_right_arithmetic3A_518, %and3A_521], %convert_element_type3A_522 masked %unique3A {add = true} : memref<79x128xf32, #tpu.memory_space<vmem>>[vector<16xi32>, vector<16xi32>], vector<16xf32>, vector<16xi1>
      %get3A_523 = arith.index_cast %mul3A_493 : i32 to index
      %get3A_524 = arith.constant 16 : index
      %get3A_525 = tpu.vector_load %arg9[%get3A_523, %get3A_524] {strides = array<i32>} : memref<24x128xi32, #tpu.memory_space<vmem>>, vector<16xi32>,
      %broadcast_in_dim3A_526 = arith.constant true
      %broadcast_in_dim3A_527 = vector.broadcast %broadcast_in_dim3A_526 : i1 to vector<16xi1>
      %unique3A_528, %unique3A_529 = tpu.scan_count mask(%broadcast_in_dim3A_527 : vector<16xi1>) value(%get3A_525 : vector<16xi32>) : vector<16xi1>, vector<16xi32>
      %shift_right_arithmetic3A_530 = arith.constant 7 : i32
      %shift_right_arithmetic3A_531 = vector.broadcast %shift_right_arithmetic3A_530 : i32 to vector<16xi32>
      %shift_right_arithmetic3A_532 = arith.shrsi %get3A_525, %shift_right_arithmetic3A_531 : vector<16xi32>
      %and3A_533 = arith.constant 127 : i32
      %and3A_534 = vector.broadcast %and3A_533 : i32 to vector<16xi32>
      %and3A_535 = arith.andi %get3A_525, %and3A_534 : vector<16xi32>
      %convert_element_type3A_536 = arith.sitofp %unique3A_529 : vector<16xi32> to vector<16xf32>
      tpu.vector_store_idx %arg12[%shift_right_arithmetic3A_532, %and3A_535], %convert_element_type3A_536 masked %unique3A_528 {add = true} : memref<79x128xf32, #tpu.memory_space<vmem>>[vector<16xi32>, vector<16xi32>], vector<16xf32>, vector<16xi1>
      %get3A_537 = arith.index_cast %mul3A_493 : i32 to index
      %get3A_538 = arith.constant 32 : index
      %get3A_539 = tpu.vector_load %arg9[%get3A_537, %get3A_538] {strides = array<i32>} : memref<24x128xi32, #tpu.memory_space<vmem>>, vector<16xi32>,
      %broadcast_in_dim3A_540 = arith.constant true
      %broadcast_in_dim3A_541 = vector.broadcast %broadcast_in_dim3A_540 : i1 to vector<16xi1>
      %unique3A_542, %unique3A_543 = tpu.scan_count mask(%broadcast_in_dim3A_541 : vector<16xi1>) value(%get3A_539 : vector<16xi32>) : vector<16xi1>, vector<16xi32>
      %shift_right_arithmetic3A_544 = arith.constant 7 : i32
      %shift_right_arithmetic3A_545 = vector.broadcast %shift_right_arithmetic3A_544 : i32 to vector<16xi32>
      %shift_right_arithmetic3A_546 = arith.shrsi %get3A_539, %shift_right_arithmetic3A_545 : vector<16xi32>
      %and3A_547 = arith.constant 127 : i32
      %and3A_548 = vector.broadcast %and3A_547 : i32 to vector<16xi32>
      %and3A_549 = arith.andi %get3A_539, %and3A_548 : vector<16xi32>
      %convert_element_type3A_550 = arith.sitofp %unique3A_543 : vector<16xi32> to vector<16xf32>
      tpu.vector_store_idx %arg12[%shift_right_arithmetic3A_546, %and3A_549], %convert_element_type3A_550 masked %unique3A_542 {add = true} : memref<79x128xf32, #tpu.memory_space<vmem>>[vector<16xi32>, vector<16xi32>], vector<16xf32>, vector<16xi1>
      %get3A_551 = arith.index_cast %mul3A_493 : i32 to index
      %get3A_552 = arith.constant 48 : index
      %get3A_553 = tpu.vector_load %arg9[%get3A_551, %get3A_552] {strides = array<i32>} : memref<24x128xi32, #tpu.memory_space<vmem>>, vector<16xi32>,
      %broadcast_in_dim3A_554 = arith.constant true
      %broadcast_in_dim3A_555 = vector.broadcast %broadcast_in_dim3A_554 : i1 to vector<16xi1>
      %unique3A_556, %unique3A_557 = tpu.scan_count mask(%broadcast_in_dim3A_555 : vector<16xi1>) value(%get3A_553 : vector<16xi32>) : vector<16xi1>, vector<16xi32>
      %shift_right_arithmetic3A_558 = arith.constant 7 : i32
      %shift_right_arithmetic3A_559 = vector.broadcast %shift_right_arithmetic3A_558 : i32 to vector<16xi32>
      %shift_right_arithmetic3A_560 = arith.shrsi %get3A_553, %shift_right_arithmetic3A_559 : vector<16xi32>
      %and3A_561 = arith.constant 127 : i32
      %and3A_562 = vector.broadcast %and3A_561 : i32 to vector<16xi32>
      %and3A_563 = arith.andi %get3A_553, %and3A_562 : vector<16xi32>
      %convert_element_type3A_564 = arith.sitofp %unique3A_557 : vector<16xi32> to vector<16xf32>
      tpu.vector_store_idx %arg12[%shift_right_arithmetic3A_560, %and3A_563], %convert_element_type3A_564 masked %unique3A_556 {add = true} : memref<79x128xf32, #tpu.memory_space<vmem>>[vector<16xi32>, vector<16xi32>], vector<16xf32>, vector<16xi1>
      %get3A_565 = arith.index_cast %mul3A_493 : i32 to index
      %get3A_566 = arith.constant 64 : index
      %get3A_567 = tpu.vector_load %arg9[%get3A_565, %get3A_566] {strides = array<i32>} : memref<24x128xi32, #tpu.memory_space<vmem>>, vector<16xi32>,
      %broadcast_in_dim3A_568 = arith.constant true
      %broadcast_in_dim3A_569 = vector.broadcast %broadcast_in_dim3A_568 : i1 to vector<16xi1>
      %unique3A_570, %unique3A_571 = tpu.scan_count mask(%broadcast_in_dim3A_569 : vector<16xi1>) value(%get3A_567 : vector<16xi32>) : vector<16xi1>, vector<16xi32>
      %shift_right_arithmetic3A_572 = arith.constant 7 : i32
      %shift_right_arithmetic3A_573 = vector.broadcast %shift_right_arithmetic3A_572 : i32 to vector<16xi32>
      %shift_right_arithmetic3A_574 = arith.shrsi %get3A_567, %shift_right_arithmetic3A_573 : vector<16xi32>
      %and3A_575 = arith.constant 127 : i32
      %and3A_576 = vector.broadcast %and3A_575 : i32 to vector<16xi32>
      %and3A_577 = arith.andi %get3A_567, %and3A_576 : vector<16xi32>
      %convert_element_type3A_578 = arith.sitofp %unique3A_571 : vector<16xi32> to vector<16xf32>
      tpu.vector_store_idx %arg12[%shift_right_arithmetic3A_574, %and3A_577], %convert_element_type3A_578 masked %unique3A_570 {add = true} : memref<79x128xf32, #tpu.memory_space<vmem>>[vector<16xi32>, vector<16xi32>], vector<16xf32>, vector<16xi1>
      %get3A_579 = arith.index_cast %mul3A_493 : i32 to index
      %get3A_580 = arith.constant 80 : index
      %get3A_581 = tpu.vector_load %arg9[%get3A_579, %get3A_580] {strides = array<i32>} : memref<24x128xi32, #tpu.memory_space<vmem>>, vector<16xi32>,
      %broadcast_in_dim3A_582 = arith.constant true
      %broadcast_in_dim3A_583 = vector.broadcast %broadcast_in_dim3A_582 : i1 to vector<16xi1>
      %unique3A_584, %unique3A_585 = tpu.scan_count mask(%broadcast_in_dim3A_583 : vector<16xi1>) value(%get3A_581 : vector<16xi32>) : vector<16xi1>, vector<16xi32>
      %shift_right_arithmetic3A_586 = arith.constant 7 : i32
      %shift_right_arithmetic3A_587 = vector.broadcast %shift_right_arithmetic3A_586 : i32 to vector<16xi32>
      %shift_right_arithmetic3A_588 = arith.shrsi %get3A_581, %shift_right_arithmetic3A_587 : vector<16xi32>
      %and3A_589 = arith.constant 127 : i32
      %and3A_590 = vector.broadcast %and3A_589 : i32 to vector<16xi32>
      %and3A_591 = arith.andi %get3A_581, %and3A_590 : vector<16xi32>
      %convert_element_type3A_592 = arith.sitofp %unique3A_585 : vector<16xi32> to vector<16xf32>
      tpu.vector_store_idx %arg12[%shift_right_arithmetic3A_588, %and3A_591], %convert_element_type3A_592 masked %unique3A_584 {add = true} : memref<79x128xf32, #tpu.memory_space<vmem>>[vector<16xi32>, vector<16xi32>], vector<16xf32>, vector<16xi1>
      %get3A_593 = arith.index_cast %mul3A_493 : i32 to index
      %get3A_594 = arith.constant 96 : index
      %get3A_595 = tpu.vector_load %arg9[%get3A_593, %get3A_594] {strides = array<i32>} : memref<24x128xi32, #tpu.memory_space<vmem>>, vector<16xi32>,
      %broadcast_in_dim3A_596 = arith.constant true
      %broadcast_in_dim3A_597 = vector.broadcast %broadcast_in_dim3A_596 : i1 to vector<16xi1>
      %unique3A_598, %unique3A_599 = tpu.scan_count mask(%broadcast_in_dim3A_597 : vector<16xi1>) value(%get3A_595 : vector<16xi32>) : vector<16xi1>, vector<16xi32>
      %shift_right_arithmetic3A_600 = arith.constant 7 : i32
      %shift_right_arithmetic3A_601 = vector.broadcast %shift_right_arithmetic3A_600 : i32 to vector<16xi32>
      %shift_right_arithmetic3A_602 = arith.shrsi %get3A_595, %shift_right_arithmetic3A_601 : vector<16xi32>
      %and3A_603 = arith.constant 127 : i32
      %and3A_604 = vector.broadcast %and3A_603 : i32 to vector<16xi32>
      %and3A_605 = arith.andi %get3A_595, %and3A_604 : vector<16xi32>
      %convert_element_type3A_606 = arith.sitofp %unique3A_599 : vector<16xi32> to vector<16xf32>
      tpu.vector_store_idx %arg12[%shift_right_arithmetic3A_602, %and3A_605], %convert_element_type3A_606 masked %unique3A_598 {add = true} : memref<79x128xf32, #tpu.memory_space<vmem>>[vector<16xi32>, vector<16xi32>], vector<16xf32>, vector<16xi1>
      %get3A_607 = arith.index_cast %mul3A_493 : i32 to index
      %get3A_608 = arith.constant 112 : index
      %get3A_609 = tpu.vector_load %arg9[%get3A_607, %get3A_608] {strides = array<i32>} : memref<24x128xi32, #tpu.memory_space<vmem>>, vector<16xi32>,
      %broadcast_in_dim3A_610 = arith.constant true
      %broadcast_in_dim3A_611 = vector.broadcast %broadcast_in_dim3A_610 : i1 to vector<16xi1>
      %unique3A_612, %unique3A_613 = tpu.scan_count mask(%broadcast_in_dim3A_611 : vector<16xi1>) value(%get3A_609 : vector<16xi32>) : vector<16xi1>, vector<16xi32>
      %shift_right_arithmetic3A_614 = arith.constant 7 : i32
      %shift_right_arithmetic3A_615 = vector.broadcast %shift_right_arithmetic3A_614 : i32 to vector<16xi32>
      %shift_right_arithmetic3A_616 = arith.shrsi %get3A_609, %shift_right_arithmetic3A_615 : vector<16xi32>
      %and3A_617 = arith.constant 127 : i32
      %and3A_618 = vector.broadcast %and3A_617 : i32 to vector<16xi32>
      %and3A_619 = arith.andi %get3A_609, %and3A_618 : vector<16xi32>
      %convert_element_type3A_620 = arith.sitofp %unique3A_613 : vector<16xi32> to vector<16xf32>
      tpu.vector_store_idx %arg12[%shift_right_arithmetic3A_616, %and3A_619], %convert_element_type3A_620 masked %unique3A_612 {add = true} : memref<79x128xf32, #tpu.memory_space<vmem>>[vector<16xi32>, vector<16xi32>], vector<16xf32>, vector<16xi1>
      %dma_wait3A_621 = arith.constant 0 : i32
      %dma_wait3A_622 = arith.constant 0 : i32
      %dma_wait3A_623 = tpu.memref_slice %arg9[%dma_wait3A_621, %dma_wait3A_622] : memref<24x128xi32, #tpu.memory_space<vmem>> -> memref<1x128xi32, #tpu.memory_space<vmem>>
      %dma_wait3A_624 = tpu.memref_squeeze %dma_wait3A_623 : memref<1x128xi32, #tpu.memory_space<vmem>> -> memref<128xi32, #tpu.memory_space<vmem>>
      %dma_wait3A_625 = arith.constant 0 : i32
      %dma_wait3A_626 = arith.constant 0 : i32
      %dma_wait3A_627 = tpu.memref_slice %arg13[%dma_wait3A_625, %dma_wait3A_626] : memref<10112x128xf32, #tpu.memory_space<vmem_shared>> -> memref<10112x128xf32, #tpu.memory_space<vmem_shared>>
      tpu.wait_indirect_dma semaphore(%arg16 : memref<!tpu.dma_semaphore, #tpu.memory_space<semaphore_mem>>) src(%arg10 : memref<128x128xf32, #tpu.memory_space<vmem>>) dst(%dma_wait3A_627 : memref<10112x128xf32, #tpu.memory_space<vmem_shared>>)
      %add3A_628 = arith.constant 2 : i32
      %add3A_629 = arith.addi %mul3A_493, %add3A_628 : i32
      %lt3A_630 = arith.constant 24 : i32
      %lt3A_631 = arith.cmpi slt, %add3A_629, %lt3A_630 : i32
      %convert_element_type3A_632 = arith.extui %lt3A_631 : i1 to i32
      %cond3A_633 = arith.constant 0 : i32
      %cond3A_634 = arith.cmpi ne, %convert_element_type3A_632, %cond3A_633 : i32
      scf.if %cond3A_634 {
        %add3A_640 = arith.constant 2 : i32
        %add3A_641 = arith.addi %mul3A_493, %add3A_640 : i32
        %dma_start3A_642 = arith.constant 0 : i32
        %dma_start3A_643 = tpu.memref_slice %arg8[%add3A_641, %dma_start3A_642] : memref<24x128xi32, #tpu.memory_space<vmem>> -> memref<1x128xi32, #tpu.memory_space<vmem>>
        %dma_start3A_644 = tpu.memref_squeeze %dma_start3A_643 : memref<1x128xi32, #tpu.memory_space<vmem>> -> memref<128xi32, #tpu.memory_space<vmem>>
        %dma_start3A_645 = arith.constant 0 : i32
        %dma_start3A_646 = arith.constant 0 : i32
        %dma_start3A_647 = tpu.memref_slice %arg2[%dma_start3A_645, %dma_start3A_646] : memref<10112x128xf32, #tpu.memory_space<hbm>> -> memref<10112x128xf32, #tpu.memory_space<hbm>>
        tpu.enqueue_indirect_dma source(%dma_start3A_647 : memref<10112x128xf32, #tpu.memory_space<hbm>>) target(%arg10 : memref<128x128xf32, #tpu.memory_space<vmem>>) offsets(%dma_start3A_644 : memref<128xi32, #tpu.memory_space<vmem>>) semaphore(%arg14 : memref<!tpu.dma_semaphore, #tpu.memory_space<semaphore_mem>>)
      } else {
      }
      %lt3A_635 = arith.constant 24 : i32
      %lt3A_636 = arith.cmpi slt, %add3A_495, %lt3A_635 : i32
      %convert_element_type3A_637 = arith.extui %lt3A_636 : i1 to i32
      %cond3A_638 = arith.constant 0 : i32
      %cond3A_639 = arith.cmpi ne, %convert_element_type3A_637, %cond3A_638 : i32
      scf.if %cond3A_639 {
        %dma_wait3A_640 = arith.constant 0 : i32
        %dma_wait3A_641 = arith.constant 0 : i32
        %dma_wait3A_642 = tpu.memref_slice %arg8[%dma_wait3A_640, %dma_wait3A_641] : memref<24x128xi32, #tpu.memory_space<vmem>> -> memref<1x128xi32, #tpu.memory_space<vmem>>
        %dma_wait3A_643 = tpu.memref_squeeze %dma_wait3A_642 : memref<1x128xi32, #tpu.memory_space<vmem>> -> memref<128xi32, #tpu.memory_space<vmem>>
        %dma_wait3A_644 = arith.constant 0 : i32
        %dma_wait3A_645 = arith.constant 0 : i32
        %dma_wait3A_646 = tpu.memref_slice %arg2[%dma_wait3A_644, %dma_wait3A_645] : memref<10112x128xf32, #tpu.memory_space<hbm>> -> memref<10112x128xf32, #tpu.memory_space<hbm>>
        tpu.wait_indirect_dma semaphore(%arg15 : memref<!tpu.dma_semaphore, #tpu.memory_space<semaphore_mem>>) src(%dma_wait3A_646 : memref<10112x128xf32, #tpu.memory_space<hbm>>) dst(%arg11 : memref<128x128xf32, #tpu.memory_space<vmem>>)
        %dma_start3A_647 = arith.constant 0 : i32
        %dma_start3A_648 = tpu.memref_slice %arg9[%add3A_495, %dma_start3A_647] : memref<24x128xi32, #tpu.memory_space<vmem>> -> memref<1x128xi32, #tpu.memory_space<vmem>>
        %dma_start3A_649 = tpu.memref_squeeze %dma_start3A_648 : memref<1x128xi32, #tpu.memory_space<vmem>> -> memref<128xi32, #tpu.memory_space<vmem>>
        %dma_start3A_650 = arith.constant 0 : i32
        %dma_start3A_651 = arith.constant 0 : i32
        %dma_start3A_652 = tpu.memref_slice %arg13[%dma_start3A_650, %dma_start3A_651] : memref<10112x128xf32, #tpu.memory_space<vmem_shared>> -> memref<10112x128xf32, #tpu.memory_space<vmem_shared>>
        tpu.enqueue_indirect_dma source(%arg11 : memref<128x128xf32, #tpu.memory_space<vmem>>) target(%dma_start3A_652 : memref<10112x128xf32, #tpu.memory_space<vmem_shared>>) offsets(%dma_start3A_649 : memref<128xi32, #tpu.memory_space<vmem>>) semaphore(%arg17 : memref<!tpu.dma_semaphore, #tpu.memory_space<semaphore_mem>>) {add = true}
        %get3A_653 = arith.index_cast %add3A_495 : i32 to index
        %get3A_654 = arith.constant 0 : index
        %get3A_655 = tpu.vector_load %arg9[%get3A_653, %get3A_654] {strides = array<i32>} : memref<24x128xi32, #tpu.memory_space<vmem>>, vector<16xi32>,
        %broadcast_in_dim3A_656 = arith.constant true
        %broadcast_in_dim3A_657 = vector.broadcast %broadcast_in_dim3A_656 : i1 to vector<16xi1>
        %unique3A_658, %unique3A_659 = tpu.scan_count mask(%broadcast_in_dim3A_657 : vector<16xi1>) value(%get3A_655 : vector<16xi32>) : vector<16xi1>, vector<16xi32>
        %shift_right_arithmetic3A_660 = arith.constant 7 : i32
        %shift_right_arithmetic3A_661 = vector.broadcast %shift_right_arithmetic3A_660 : i32 to vector<16xi32>
        %shift_right_arithmetic3A_662 = arith.shrsi %get3A_655, %shift_right_arithmetic3A_661 : vector<16xi32>
        %and3A_663 = arith.constant 127 : i32
        %and3A_664 = vector.broadcast %and3A_663 : i32 to vector<16xi32>
        %and3A_665 = arith.andi %get3A_655, %and3A_664 : vector<16xi32>
        %convert_element_type3A_666 = arith.sitofp %unique3A_659 : vector<16xi32> to vector<16xf32>
        tpu.vector_store_idx %arg12[%shift_right_arithmetic3A_662, %and3A_665], %convert_element_type3A_666 masked %unique3A_658 {add = true} : memref<79x128xf32, #tpu.memory_space<vmem>>[vector<16xi32>, vector<16xi32>], vector<16xf32>, vector<16xi1>
        %get3A_667 = arith.index_cast %add3A_495 : i32 to index
        %get3A_668 = arith.constant 16 : index
        %get3A_669 = tpu.vector_load %arg9[%get3A_667, %get3A_668] {strides = array<i32>} : memref<24x128xi32, #tpu.memory_space<vmem>>, vector<16xi32>,
        %broadcast_in_dim3A_670 = arith.constant true
        %broadcast_in_dim3A_671 = vector.broadcast %broadcast_in_dim3A_670 : i1 to vector<16xi1>
        %unique3A_672, %unique3A_673 = tpu.scan_count mask(%broadcast_in_dim3A_671 : vector<16xi1>) value(%get3A_669 : vector<16xi32>) : vector<16xi1>, vector<16xi32>
        %shift_right_arithmetic3A_674 = arith.constant 7 : i32
        %shift_right_arithmetic3A_675 = vector.broadcast %shift_right_arithmetic3A_674 : i32 to vector<16xi32>
        %shift_right_arithmetic3A_676 = arith.shrsi %get3A_669, %shift_right_arithmetic3A_675 : vector<16xi32>
        %and3A_677 = arith.constant 127 : i32
        %and3A_678 = vector.broadcast %and3A_677 : i32 to vector<16xi32>
        %and3A_679 = arith.andi %get3A_669, %and3A_678 : vector<16xi32>
        %convert_element_type3A_680 = arith.sitofp %unique3A_673 : vector<16xi32> to vector<16xf32>
        tpu.vector_store_idx %arg12[%shift_right_arithmetic3A_676, %and3A_679], %convert_element_type3A_680 masked %unique3A_672 {add = true} : memref<79x128xf32, #tpu.memory_space<vmem>>[vector<16xi32>, vector<16xi32>], vector<16xf32>, vector<16xi1>
        %get3A_681 = arith.index_cast %add3A_495 : i32 to index
        %get3A_682 = arith.constant 32 : index
        %get3A_683 = tpu.vector_load %arg9[%get3A_681, %get3A_682] {strides = array<i32>} : memref<24x128xi32, #tpu.memory_space<vmem>>, vector<16xi32>,
        %broadcast_in_dim3A_684 = arith.constant true
        %broadcast_in_dim3A_685 = vector.broadcast %broadcast_in_dim3A_684 : i1 to vector<16xi1>
        %unique3A_686, %unique3A_687 = tpu.scan_count mask(%broadcast_in_dim3A_685 : vector<16xi1>) value(%get3A_683 : vector<16xi32>) : vector<16xi1>, vector<16xi32>
        %shift_right_arithmetic3A_688 = arith.constant 7 : i32
        %shift_right_arithmetic3A_689 = vector.broadcast %shift_right_arithmetic3A_688 : i32 to vector<16xi32>
        %shift_right_arithmetic3A_690 = arith.shrsi %get3A_683, %shift_right_arithmetic3A_689 : vector<16xi32>
        %and3A_691 = arith.constant 127 : i32
        %and3A_692 = vector.broadcast %and3A_691 : i32 to vector<16xi32>
        %and3A_693 = arith.andi %get3A_683, %and3A_692 : vector<16xi32>
        %convert_element_type3A_694 = arith.sitofp %unique3A_687 : vector<16xi32> to vector<16xf32>
        tpu.vector_store_idx %arg12[%shift_right_arithmetic3A_690, %and3A_693], %convert_element_type3A_694 masked %unique3A_686 {add = true} : memref<79x128xf32, #tpu.memory_space<vmem>>[vector<16xi32>, vector<16xi32>], vector<16xf32>, vector<16xi1>
        %get3A_695 = arith.index_cast %add3A_495 : i32 to index
        %get3A_696 = arith.constant 48 : index
        %get3A_697 = tpu.vector_load %arg9[%get3A_695, %get3A_696] {strides = array<i32>} : memref<24x128xi32, #tpu.memory_space<vmem>>, vector<16xi32>,
        %broadcast_in_dim3A_698 = arith.constant true
        %broadcast_in_dim3A_699 = vector.broadcast %broadcast_in_dim3A_698 : i1 to vector<16xi1>
        %unique3A_700, %unique3A_701 = tpu.scan_count mask(%broadcast_in_dim3A_699 : vector<16xi1>) value(%get3A_697 : vector<16xi32>) : vector<16xi1>, vector<16xi32>
        %shift_right_arithmetic3A_702 = arith.constant 7 : i32
        %shift_right_arithmetic3A_703 = vector.broadcast %shift_right_arithmetic3A_702 : i32 to vector<16xi32>
        %shift_right_arithmetic3A_704 = arith.shrsi %get3A_697, %shift_right_arithmetic3A_703 : vector<16xi32>
        %and3A_705 = arith.constant 127 : i32
        %and3A_706 = vector.broadcast %and3A_705 : i32 to vector<16xi32>
        %and3A_707 = arith.andi %get3A_697, %and3A_706 : vector<16xi32>
        %convert_element_type3A_708 = arith.sitofp %unique3A_701 : vector<16xi32> to vector<16xf32>
        tpu.vector_store_idx %arg12[%shift_right_arithmetic3A_704, %and3A_707], %convert_element_type3A_708 masked %unique3A_700 {add = true} : memref<79x128xf32, #tpu.memory_space<vmem>>[vector<16xi32>, vector<16xi32>], vector<16xf32>, vector<16xi1>
        %get3A_709 = arith.index_cast %add3A_495 : i32 to index
        %get3A_710 = arith.constant 64 : index
        %get3A_711 = tpu.vector_load %arg9[%get3A_709, %get3A_710] {strides = array<i32>} : memref<24x128xi32, #tpu.memory_space<vmem>>, vector<16xi32>,
        %broadcast_in_dim3A_712 = arith.constant true
        %broadcast_in_dim3A_713 = vector.broadcast %broadcast_in_dim3A_712 : i1 to vector<16xi1>
        %unique3A_714, %unique3A_715 = tpu.scan_count mask(%broadcast_in_dim3A_713 : vector<16xi1>) value(%get3A_711 : vector<16xi32>) : vector<16xi1>, vector<16xi32>
        %shift_right_arithmetic3A_716 = arith.constant 7 : i32
        %shift_right_arithmetic3A_717 = vector.broadcast %shift_right_arithmetic3A_716 : i32 to vector<16xi32>
        %shift_right_arithmetic3A_718 = arith.shrsi %get3A_711, %shift_right_arithmetic3A_717 : vector<16xi32>
        %and3A_719 = arith.constant 127 : i32
        %and3A_720 = vector.broadcast %and3A_719 : i32 to vector<16xi32>
        %and3A_721 = arith.andi %get3A_711, %and3A_720 : vector<16xi32>
        %convert_element_type3A_722 = arith.sitofp %unique3A_715 : vector<16xi32> to vector<16xf32>
        tpu.vector_store_idx %arg12[%shift_right_arithmetic3A_718, %and3A_721], %convert_element_type3A_722 masked %unique3A_714 {add = true} : memref<79x128xf32, #tpu.memory_space<vmem>>[vector<16xi32>, vector<16xi32>], vector<16xf32>, vector<16xi1>
        %get3A_723 = arith.index_cast %add3A_495 : i32 to index
        %get3A_724 = arith.constant 80 : index
        %get3A_725 = tpu.vector_load %arg9[%get3A_723, %get3A_724] {strides = array<i32>} : memref<24x128xi32, #tpu.memory_space<vmem>>, vector<16xi32>,
        %broadcast_in_dim3A_726 = arith.constant true
        %broadcast_in_dim3A_727 = vector.broadcast %broadcast_in_dim3A_726 : i1 to vector<16xi1>
        %unique3A_728, %unique3A_729 = tpu.scan_count mask(%broadcast_in_dim3A_727 : vector<16xi1>) value(%get3A_725 : vector<16xi32>) : vector<16xi1>, vector<16xi32>
        %shift_right_arithmetic3A_730 = arith.constant 7 : i32
        %shift_right_arithmetic3A_731 = vector.broadcast %shift_right_arithmetic3A_730 : i32 to vector<16xi32>
        %shift_right_arithmetic3A_732 = arith.shrsi %get3A_725, %shift_right_arithmetic3A_731 : vector<16xi32>
        %and3A_733 = arith.constant 127 : i32
        %and3A_734 = vector.broadcast %and3A_733 : i32 to vector<16xi32>
        %and3A_735 = arith.andi %get3A_725, %and3A_734 : vector<16xi32>
        %convert_element_type3A_736 = arith.sitofp %unique3A_729 : vector<16xi32> to vector<16xf32>
        tpu.vector_store_idx %arg12[%shift_right_arithmetic3A_732, %and3A_735], %convert_element_type3A_736 masked %unique3A_728 {add = true} : memref<79x128xf32, #tpu.memory_space<vmem>>[vector<16xi32>, vector<16xi32>], vector<16xf32>, vector<16xi1>
        %get3A_737 = arith.index_cast %add3A_495 : i32 to index
        %get3A_738 = arith.constant 96 : index
        %get3A_739 = tpu.vector_load %arg9[%get3A_737, %get3A_738] {strides = array<i32>} : memref<24x128xi32, #tpu.memory_space<vmem>>, vector<16xi32>,
        %broadcast_in_dim3A_740 = arith.constant true
        %broadcast_in_dim3A_741 = vector.broadcast %broadcast_in_dim3A_740 : i1 to vector<16xi1>
        %unique3A_742, %unique3A_743 = tpu.scan_count mask(%broadcast_in_dim3A_741 : vector<16xi1>) value(%get3A_739 : vector<16xi32>) : vector<16xi1>, vector<16xi32>
        %shift_right_arithmetic3A_744 = arith.constant 7 : i32
        %shift_right_arithmetic3A_745 = vector.broadcast %shift_right_arithmetic3A_744 : i32 to vector<16xi32>
        %shift_right_arithmetic3A_746 = arith.shrsi %get3A_739, %shift_right_arithmetic3A_745 : vector<16xi32>
        %and3A_747 = arith.constant 127 : i32
        %and3A_748 = vector.broadcast %and3A_747 : i32 to vector<16xi32>
        %and3A_749 = arith.andi %get3A_739, %and3A_748 : vector<16xi32>
        %convert_element_type3A_750 = arith.sitofp %unique3A_743 : vector<16xi32> to vector<16xf32>
        tpu.vector_store_idx %arg12[%shift_right_arithmetic3A_746, %and3A_749], %convert_element_type3A_750 masked %unique3A_742 {add = true} : memref<79x128xf32, #tpu.memory_space<vmem>>[vector<16xi32>, vector<16xi32>], vector<16xf32>, vector<16xi1>
        %get3A_751 = arith.index_cast %add3A_495 : i32 to index
        %get3A_752 = arith.constant 112 : index
        %get3A_753 = tpu.vector_load %arg9[%get3A_751, %get3A_752] {strides = array<i32>} : memref<24x128xi32, #tpu.memory_space<vmem>>, vector<16xi32>,
        %broadcast_in_dim3A_754 = arith.constant true
        %broadcast_in_dim3A_755 = vector.broadcast %broadcast_in_dim3A_754 : i1 to vector<16xi1>
        %unique3A_756, %unique3A_757 = tpu.scan_count mask(%broadcast_in_dim3A_755 : vector<16xi1>) value(%get3A_753 : vector<16xi32>) : vector<16xi1>, vector<16xi32>
        %shift_right_arithmetic3A_758 = arith.constant 7 : i32
        %shift_right_arithmetic3A_759 = vector.broadcast %shift_right_arithmetic3A_758 : i32 to vector<16xi32>
        %shift_right_arithmetic3A_760 = arith.shrsi %get3A_753, %shift_right_arithmetic3A_759 : vector<16xi32>
        %and3A_761 = arith.constant 127 : i32
        %and3A_762 = vector.broadcast %and3A_761 : i32 to vector<16xi32>
        %and3A_763 = arith.andi %get3A_753, %and3A_762 : vector<16xi32>
        %convert_element_type3A_764 = arith.sitofp %unique3A_757 : vector<16xi32> to vector<16xf32>
        tpu.vector_store_idx %arg12[%shift_right_arithmetic3A_760, %and3A_763], %convert_element_type3A_764 masked %unique3A_756 {add = true} : memref<79x128xf32, #tpu.memory_space<vmem>>[vector<16xi32>, vector<16xi32>], vector<16xf32>, vector<16xi1>
        %dma_wait3A_765 = arith.constant 0 : i32
        %dma_wait3A_766 = arith.constant 0 : i32
        %dma_wait3A_767 = tpu.memref_slice %arg9[%dma_wait3A_765, %dma_wait3A_766] : memref<24x128xi32, #tpu.memory_space<vmem>> -> memref<1x128xi32, #tpu.memory_space<vmem>>
        %dma_wait3A_768 = tpu.memref_squeeze %dma_wait3A_767 : memref<1x128xi32, #tpu.memory_space<vmem>> -> memref<128xi32, #tpu.memory_space<vmem>>
        %dma_wait3A_769 = arith.constant 0 : i32
        %dma_wait3A_770 = arith.constant 0 : i32
        %dma_wait3A_771 = tpu.memref_slice %arg13[%dma_wait3A_769, %dma_wait3A_770] : memref<10112x128xf32, #tpu.memory_space<vmem_shared>> -> memref<10112x128xf32, #tpu.memory_space<vmem_shared>>
        tpu.wait_indirect_dma semaphore(%arg17 : memref<!tpu.dma_semaphore, #tpu.memory_space<semaphore_mem>>) src(%arg11 : memref<128x128xf32, #tpu.memory_space<vmem>>) dst(%dma_wait3A_771 : memref<10112x128xf32, #tpu.memory_space<vmem_shared>>)
      } else {
      }
    }
    %scan3A_324 = arith.constant 12 : i32
    %dma_start3A_325 = arith.constant 0 : i32
    %dma_start3A_326 = arith.constant 0 : i32
    %dma_start3A_327 = tpu.memref_slice %arg8[%dma_start3A_325, %dma_start3A_326] : memref<24x128xi32, #tpu.memory_space<vmem>> -> memref<24x128xi32, #tpu.memory_space<vmem>>
    %dma_start3A_328 = arith.constant 24 : i32
    %dma_start3A_329 = tpu.memref_slice %arg7[%dma_start3A_328] : memref<80xi32, #tpu.memory_space<vmem>> -> memref<24xi32, #tpu.memory_space<vmem>>
    %dma_start3A_330 = arith.constant 0 : i32
    %dma_start3A_331 = arith.constant 0 : i32
    %dma_start3A_332 = tpu.memref_slice %arg3[%dma_start3A_330, %dma_start3A_331] : memref<2500x128xi32, #tpu.memory_space<hbm>> -> memref<2500x128xi32, #tpu.memory_space<hbm>>
    tpu.enqueue_indirect_dma source(%dma_start3A_332 : memref<2500x128xi32, #tpu.memory_space<hbm>>) target(%dma_start3A_327 : memref<24x128xi32, #tpu.memory_space<vmem>>) offsets(%dma_start3A_329 : memref<24xi32, #tpu.memory_space<vmem>>) semaphore(%arg14 : memref<!tpu.dma_semaphore, #tpu.memory_space<semaphore_mem>>)
    %dma_start3A_333 = arith.constant 0 : i32
    %dma_start3A_334 = arith.constant 0 : i32
    %dma_start3A_335 = tpu.memref_slice %arg9[%dma_start3A_333, %dma_start3A_334] : memref<24x128xi32, #tpu.memory_space<vmem>> -> memref<24x128xi32, #tpu.memory_space<vmem>>
    %dma_start3A_336 = arith.constant 24 : i32
    %dma_start3A_337 = tpu.memref_slice %arg7[%dma_start3A_336] : memref<80xi32, #tpu.memory_space<vmem>> -> memref<24xi32, #tpu.memory_space<vmem>>
    %dma_start3A_338 = arith.constant 0 : i32
    %dma_start3A_339 = arith.constant 0 : i32
    %dma_start3A_340 = tpu.memref_slice %arg4[%dma_start3A_338, %dma_start3A_339] : memref<2500x128xi32, #tpu.memory_space<hbm>> -> memref<2500x128xi32, #tpu.memory_space<hbm>>
    tpu.enqueue_indirect_dma source(%dma_start3A_340 : memref<2500x128xi32, #tpu.memory_space<hbm>>) target(%dma_start3A_335 : memref<24x128xi32, #tpu.memory_space<vmem>>) offsets(%dma_start3A_337 : memref<24xi32, #tpu.memory_space<vmem>>) semaphore(%arg14 : memref<!tpu.dma_semaphore, #tpu.memory_space<semaphore_mem>>)
    %dma_wait3A_341 = arith.constant 0 : i32
    %dma_wait3A_342 = arith.constant 0 : i32
    %dma_wait3A_343 = tpu.memref_slice %arg8[%dma_wait3A_341, %dma_wait3A_342] : memref<24x128xi32, #tpu.memory_space<vmem>> -> memref<24x128xi32, #tpu.memory_space<vmem>>
    %dma_wait3A_344 = arith.constant 24 : i32
    %dma_wait3A_345 = tpu.memref_slice %arg7[%dma_wait3A_344] : memref<80xi32, #tpu.memory_space<vmem>> -> memref<24xi32, #tpu.memory_space<vmem>>
    %dma_wait3A_346 = arith.constant 0 : i32
    %dma_wait3A_347 = arith.constant 0 : i32
    %dma_wait3A_348 = tpu.memref_slice %arg3[%dma_wait3A_346, %dma_wait3A_347] : memref<2500x128xi32, #tpu.memory_space<hbm>> -> memref<2500x128xi32, #tpu.memory_space<hbm>>
    tpu.wait_indirect_dma semaphore(%arg14 : memref<!tpu.dma_semaphore, #tpu.memory_space<semaphore_mem>>) src(%dma_wait3A_348 : memref<2500x128xi32, #tpu.memory_space<hbm>>) dst(%dma_wait3A_343 : memref<24x128xi32, #tpu.memory_space<vmem>>)
    %dma_wait3A_349 = arith.constant 0 : i32
    %dma_wait3A_350 = arith.constant 0 : i32
    %dma_wait3A_351 = tpu.memref_slice %arg9[%dma_wait3A_349, %dma_wait3A_350] : memref<24x128xi32, #tpu.memory_space<vmem>> -> memref<24x128xi32, #tpu.memory_space<vmem>>
    %dma_wait3A_352 = arith.constant 24 : i32
    %dma_wait3A_353 = tpu.memref_slice %arg7[%dma_wait3A_352] : memref<80xi32, #tpu.memory_space<vmem>> -> memref<24xi32, #tpu.memory_space<vmem>>
    %dma_wait3A_354 = arith.constant 0 : i32
    %dma_wait3A_355 = arith.constant 0 : i32
    %dma_wait3A_356 = tpu.memref_slice %arg4[%dma_wait3A_354, %dma_wait3A_355] : memref<2500x128xi32, #tpu.memory_space<hbm>> -> memref<2500x128xi32, #tpu.memory_space<hbm>>
    tpu.wait_indirect_dma semaphore(%arg14 : memref<!tpu.dma_semaphore, #tpu.memory_space<semaphore_mem>>) src(%dma_wait3A_356 : memref<2500x128xi32, #tpu.memory_space<hbm>>) dst(%dma_wait3A_351 : memref<24x128xi32, #tpu.memory_space<vmem>>)
    %dma_start3A_357 = arith.constant 0 : i32
    %dma_start3A_358 = arith.constant 0 : i32
    %dma_start3A_359 = tpu.memref_slice %arg8[%dma_start3A_357, %dma_start3A_358] : memref<24x128xi32, #tpu.memory_space<vmem>> -> memref<1x128xi32, #tpu.memory_space<vmem>>
    %dma_start3A_360 = tpu.memref_squeeze %dma_start3A_359 : memref<1x128xi32, #tpu.memory_space<vmem>> -> memref<128xi32, #tpu.memory_space<vmem>>
    %dma_start3A_361 = arith.constant 0 : i32
    %dma_start3A_362 = arith.constant 0 : i32
    %dma_start3A_363 = tpu.memref_slice %arg2[%dma_start3A_361, %dma_start3A_362] : memref<10112x128xf32, #tpu.memory_space<hbm>> -> memref<10112x128xf32, #tpu.memory_space<hbm>>
    tpu.enqueue_indirect_dma source(%dma_start3A_363 : memref<10112x128xf32, #tpu.memory_space<hbm>>) target(%arg10 : memref<128x128xf32, #tpu.memory_space<vmem>>) offsets(%dma_start3A_360 : memref<128xi32, #tpu.memory_space<vmem>>) semaphore(%arg14 : memref<!tpu.dma_semaphore, #tpu.memory_space<semaphore_mem>>)
    %scan3A_364 = arith.constant 0 : i32
    %scan3A_365 = arith.constant 0 : i32
    %scan3A_366 = arith.constant 12 : i32
    %scan3A_367 = arith.addi %scan3A_365, %scan3A_366 : i32
    %scan3A_368 = arith.constant 1 : i32
    scf.for %scan3A_491 = %scan3A_365 to %scan3A_367 step %scan3A_368  : i32 {
      %mul3A_492 = arith.constant 2 : i32
      %mul3A_493 = arith.muli %mul3A_492, %scan3A_491 : i32
      %add3A_494 = arith.constant 1 : i32
      %add3A_495 = arith.addi %mul3A_493, %add3A_494 : i32
      %lt3A_496 = arith.constant 24 : i32
      %lt3A_497 = arith.cmpi slt, %add3A_495, %lt3A_496 : i32
      %convert_element_type3A = arith.extui %lt3A_497 : i1 to i32
      %cond3A = arith.constant 0 : i32
      %cond3A_498 = arith.cmpi ne, %convert_element_type3A, %cond3A : i32
      scf.if %cond3A_498 {
        %dma_start3A_640 = arith.constant 0 : i32
        %dma_start3A_641 = tpu.memref_slice %arg8[%add3A_495, %dma_start3A_640] : memref<24x128xi32, #tpu.memory_space<vmem>> -> memref<1x128xi32, #tpu.memory_space<vmem>>
        %dma_start3A_642 = tpu.memref_squeeze %dma_start3A_641 : memref<1x128xi32, #tpu.memory_space<vmem>> -> memref<128xi32, #tpu.memory_space<vmem>>
        %dma_start3A_643 = arith.constant 0 : i32
        %dma_start3A_644 = arith.constant 0 : i32
        %dma_start3A_645 = tpu.memref_slice %arg2[%dma_start3A_643, %dma_start3A_644] : memref<10112x128xf32, #tpu.memory_space<hbm>> -> memref<10112x128xf32, #tpu.memory_space<hbm>>
        tpu.enqueue_indirect_dma source(%dma_start3A_645 : memref<10112x128xf32, #tpu.memory_space<hbm>>) target(%arg11 : memref<128x128xf32, #tpu.memory_space<vmem>>) offsets(%dma_start3A_642 : memref<128xi32, #tpu.memory_space<vmem>>) semaphore(%arg15 : memref<!tpu.dma_semaphore, #tpu.memory_space<semaphore_mem>>)
      } else {
      }
      %dma_wait3A_499 = arith.constant 0 : i32
      %dma_wait3A_500 = arith.constant 0 : i32
      %dma_wait3A_501 = tpu.memref_slice %arg8[%dma_wait3A_499, %dma_wait3A_500] : memref<24x128xi32, #tpu.memory_space<vmem>> -> memref<1x128xi32, #tpu.memory_space<vmem>>
      %dma_wait3A_502 = tpu.memref_squeeze %dma_wait3A_501 : memref<1x128xi32, #tpu.memory_space<vmem>> -> memref<128xi32, #tpu.memory_space<vmem>>
      %dma_wait3A_503 = arith.constant 0 : i32
      %dma_wait3A_504 = arith.constant 0 : i32
      %dma_wait3A_505 = tpu.memref_slice %arg2[%dma_wait3A_503, %dma_wait3A_504] : memref<10112x128xf32, #tpu.memory_space<hbm>> -> memref<10112x128xf32, #tpu.memory_space<hbm>>
      tpu.wait_indirect_dma semaphore(%arg14 : memref<!tpu.dma_semaphore, #tpu.memory_space<semaphore_mem>>) src(%dma_wait3A_505 : memref<10112x128xf32, #tpu.memory_space<hbm>>) dst(%arg10 : memref<128x128xf32, #tpu.memory_space<vmem>>)
      %dma_start3A_506 = arith.constant 0 : i32
      %dma_start3A_507 = tpu.memref_slice %arg9[%mul3A_493, %dma_start3A_506] : memref<24x128xi32, #tpu.memory_space<vmem>> -> memref<1x128xi32, #tpu.memory_space<vmem>>
      %dma_start3A_508 = tpu.memref_squeeze %dma_start3A_507 : memref<1x128xi32, #tpu.memory_space<vmem>> -> memref<128xi32, #tpu.memory_space<vmem>>
      %dma_start3A_509 = arith.constant 0 : i32
      %dma_start3A_510 = arith.constant 0 : i32
      %dma_start3A_511 = tpu.memref_slice %arg13[%dma_start3A_509, %dma_start3A_510] : memref<10112x128xf32, #tpu.memory_space<vmem_shared>> -> memref<10112x128xf32, #tpu.memory_space<vmem_shared>>
      tpu.enqueue_indirect_dma source(%arg10 : memref<128x128xf32, #tpu.memory_space<vmem>>) target(%dma_start3A_511 : memref<10112x128xf32, #tpu.memory_space<vmem_shared>>) offsets(%dma_start3A_508 : memref<128xi32, #tpu.memory_space<vmem>>) semaphore(%arg16 : memref<!tpu.dma_semaphore, #tpu.memory_space<semaphore_mem>>) {add = true}
      %get3A = arith.index_cast %mul3A_493 : i32 to index
      %get3A_512 = arith.constant 0 : index
      %get3A_513 = tpu.vector_load %arg9[%get3A, %get3A_512] {strides = array<i32>} : memref<24x128xi32, #tpu.memory_space<vmem>>, vector<16xi32>,
      %broadcast_in_dim3A_514 = arith.constant true
      %broadcast_in_dim3A_515 = vector.broadcast %broadcast_in_dim3A_514 : i1 to vector<16xi1>
      %unique3A, %unique3A_516 = tpu.scan_count mask(%broadcast_in_dim3A_515 : vector<16xi1>) value(%get3A_513 : vector<16xi32>) : vector<16xi1>, vector<16xi32>
      %shift_right_arithmetic3A = arith.constant 7 : i32
      %shift_right_arithmetic3A_517 = vector.broadcast %shift_right_arithmetic3A : i32 to vector<16xi32>
      %shift_right_arithmetic3A_518 = arith.shrsi %get3A_513, %shift_right_arithmetic3A_517 : vector<16xi32>
      %and3A_519 = arith.constant 127 : i32
      %and3A_520 = vector.broadcast %and3A_519 : i32 to vector<16xi32>
      %and3A_521 = arith.andi %get3A_513, %and3A_520 : vector<16xi32>
      %convert_element_type3A_522 = arith.sitofp %unique3A_516 : vector<16xi32> to vector<16xf32>
      tpu.vector_store_idx %arg12[%shift_right_arithmetic3A_518, %and3A_521], %convert_element_type3A_522 masked %unique3A {add = true} : memref<79x128xf32, #tpu.memory_space<vmem>>[vector<16xi32>, vector<16xi32>], vector<16xf32>, vector<16xi1>
      %get3A_523 = arith.index_cast %mul3A_493 : i32 to index
      %get3A_524 = arith.constant 16 : index
      %get3A_525 = tpu.vector_load %arg9[%get3A_523, %get3A_524] {strides = array<i32>} : memref<24x128xi32, #tpu.memory_space<vmem>>, vector<16xi32>,
      %broadcast_in_dim3A_526 = arith.constant true
      %broadcast_in_dim3A_527 = vector.broadcast %broadcast_in_dim3A_526 : i1 to vector<16xi1>
      %unique3A_528, %unique3A_529 = tpu.scan_count mask(%broadcast_in_dim3A_527 : vector<16xi1>) value(%get3A_525 : vector<16xi32>) : vector<16xi1>, vector<16xi32>
      %shift_right_arithmetic3A_530 = arith.constant 7 : i32
      %shift_right_arithmetic3A_531 = vector.broadcast %shift_right_arithmetic3A_530 : i32 to vector<16xi32>
      %shift_right_arithmetic3A_532 = arith.shrsi %get3A_525, %shift_right_arithmetic3A_531 : vector<16xi32>
      %and3A_533 = arith.constant 127 : i32
      %and3A_534 = vector.broadcast %and3A_533 : i32 to vector<16xi32>
      %and3A_535 = arith.andi %get3A_525, %and3A_534 : vector<16xi32>
      %convert_element_type3A_536 = arith.sitofp %unique3A_529 : vector<16xi32> to vector<16xf32>
      tpu.vector_store_idx %arg12[%shift_right_arithmetic3A_532, %and3A_535], %convert_element_type3A_536 masked %unique3A_528 {add = true} : memref<79x128xf32, #tpu.memory_space<vmem>>[vector<16xi32>, vector<16xi32>], vector<16xf32>, vector<16xi1>
      %get3A_537 = arith.index_cast %mul3A_493 : i32 to index
      %get3A_538 = arith.constant 32 : index
      %get3A_539 = tpu.vector_load %arg9[%get3A_537, %get3A_538] {strides = array<i32>} : memref<24x128xi32, #tpu.memory_space<vmem>>, vector<16xi32>,
      %broadcast_in_dim3A_540 = arith.constant true
      %broadcast_in_dim3A_541 = vector.broadcast %broadcast_in_dim3A_540 : i1 to vector<16xi1>
      %unique3A_542, %unique3A_543 = tpu.scan_count mask(%broadcast_in_dim3A_541 : vector<16xi1>) value(%get3A_539 : vector<16xi32>) : vector<16xi1>, vector<16xi32>
      %shift_right_arithmetic3A_544 = arith.constant 7 : i32
      %shift_right_arithmetic3A_545 = vector.broadcast %shift_right_arithmetic3A_544 : i32 to vector<16xi32>
      %shift_right_arithmetic3A_546 = arith.shrsi %get3A_539, %shift_right_arithmetic3A_545 : vector<16xi32>
      %and3A_547 = arith.constant 127 : i32
      %and3A_548 = vector.broadcast %and3A_547 : i32 to vector<16xi32>
      %and3A_549 = arith.andi %get3A_539, %and3A_548 : vector<16xi32>
      %convert_element_type3A_550 = arith.sitofp %unique3A_543 : vector<16xi32> to vector<16xf32>
      tpu.vector_store_idx %arg12[%shift_right_arithmetic3A_546, %and3A_549], %convert_element_type3A_550 masked %unique3A_542 {add = true} : memref<79x128xf32, #tpu.memory_space<vmem>>[vector<16xi32>, vector<16xi32>], vector<16xf32>, vector<16xi1>
      %get3A_551 = arith.index_cast %mul3A_493 : i32 to index
      %get3A_552 = arith.constant 48 : index
      %get3A_553 = tpu.vector_load %arg9[%get3A_551, %get3A_552] {strides = array<i32>} : memref<24x128xi32, #tpu.memory_space<vmem>>, vector<16xi32>,
      %broadcast_in_dim3A_554 = arith.constant true
      %broadcast_in_dim3A_555 = vector.broadcast %broadcast_in_dim3A_554 : i1 to vector<16xi1>
      %unique3A_556, %unique3A_557 = tpu.scan_count mask(%broadcast_in_dim3A_555 : vector<16xi1>) value(%get3A_553 : vector<16xi32>) : vector<16xi1>, vector<16xi32>
      %shift_right_arithmetic3A_558 = arith.constant 7 : i32
      %shift_right_arithmetic3A_559 = vector.broadcast %shift_right_arithmetic3A_558 : i32 to vector<16xi32>
      %shift_right_arithmetic3A_560 = arith.shrsi %get3A_553, %shift_right_arithmetic3A_559 : vector<16xi32>
      %and3A_561 = arith.constant 127 : i32
      %and3A_562 = vector.broadcast %and3A_561 : i32 to vector<16xi32>
      %and3A_563 = arith.andi %get3A_553, %and3A_562 : vector<16xi32>
      %convert_element_type3A_564 = arith.sitofp %unique3A_557 : vector<16xi32> to vector<16xf32>
      tpu.vector_store_idx %arg12[%shift_right_arithmetic3A_560, %and3A_563], %convert_element_type3A_564 masked %unique3A_556 {add = true} : memref<79x128xf32, #tpu.memory_space<vmem>>[vector<16xi32>, vector<16xi32>], vector<16xf32>, vector<16xi1>
      %get3A_565 = arith.index_cast %mul3A_493 : i32 to index
      %get3A_566 = arith.constant 64 : index
      %get3A_567 = tpu.vector_load %arg9[%get3A_565, %get3A_566] {strides = array<i32>} : memref<24x128xi32, #tpu.memory_space<vmem>>, vector<16xi32>,
      %broadcast_in_dim3A_568 = arith.constant true
      %broadcast_in_dim3A_569 = vector.broadcast %broadcast_in_dim3A_568 : i1 to vector<16xi1>
      %unique3A_570, %unique3A_571 = tpu.scan_count mask(%broadcast_in_dim3A_569 : vector<16xi1>) value(%get3A_567 : vector<16xi32>) : vector<16xi1>, vector<16xi32>
      %shift_right_arithmetic3A_572 = arith.constant 7 : i32
      %shift_right_arithmetic3A_573 = vector.broadcast %shift_right_arithmetic3A_572 : i32 to vector<16xi32>
      %shift_right_arithmetic3A_574 = arith.shrsi %get3A_567, %shift_right_arithmetic3A_573 : vector<16xi32>
      %and3A_575 = arith.constant 127 : i32
      %and3A_576 = vector.broadcast %and3A_575 : i32 to vector<16xi32>
      %and3A_577 = arith.andi %get3A_567, %and3A_576 : vector<16xi32>
      %convert_element_type3A_578 = arith.sitofp %unique3A_571 : vector<16xi32> to vector<16xf32>
      tpu.vector_store_idx %arg12[%shift_right_arithmetic3A_574, %and3A_577], %convert_element_type3A_578 masked %unique3A_570 {add = true} : memref<79x128xf32, #tpu.memory_space<vmem>>[vector<16xi32>, vector<16xi32>], vector<16xf32>, vector<16xi1>
      %get3A_579 = arith.index_cast %mul3A_493 : i32 to index
      %get3A_580 = arith.constant 80 : index
      %get3A_581 = tpu.vector_load %arg9[%get3A_579, %get3A_580] {strides = array<i32>} : memref<24x128xi32, #tpu.memory_space<vmem>>, vector<16xi32>,
      %broadcast_in_dim3A_582 = arith.constant true
      %broadcast_in_dim3A_583 = vector.broadcast %broadcast_in_dim3A_582 : i1 to vector<16xi1>
      %unique3A_584, %unique3A_585 = tpu.scan_count mask(%broadcast_in_dim3A_583 : vector<16xi1>) value(%get3A_581 : vector<16xi32>) : vector<16xi1>, vector<16xi32>
      %shift_right_arithmetic3A_586 = arith.constant 7 : i32
      %shift_right_arithmetic3A_587 = vector.broadcast %shift_right_arithmetic3A_586 : i32 to vector<16xi32>
      %shift_right_arithmetic3A_588 = arith.shrsi %get3A_581, %shift_right_arithmetic3A_587 : vector<16xi32>
      %and3A_589 = arith.constant 127 : i32
      %and3A_590 = vector.broadcast %and3A_589 : i32 to vector<16xi32>
      %and3A_591 = arith.andi %get3A_581, %and3A_590 : vector<16xi32>
      %convert_element_type3A_592 = arith.sitofp %unique3A_585 : vector<16xi32> to vector<16xf32>
      tpu.vector_store_idx %arg12[%shift_right_arithmetic3A_588, %and3A_591], %convert_element_type3A_592 masked %unique3A_584 {add = true} : memref<79x128xf32, #tpu.memory_space<vmem>>[vector<16xi32>, vector<16xi32>], vector<16xf32>, vector<16xi1>
      %get3A_593 = arith.index_cast %mul3A_493 : i32 to index
      %get3A_594 = arith.constant 96 : index
      %get3A_595 = tpu.vector_load %arg9[%get3A_593, %get3A_594] {strides = array<i32>} : memref<24x128xi32, #tpu.memory_space<vmem>>, vector<16xi32>,
      %broadcast_in_dim3A_596 = arith.constant true
      %broadcast_in_dim3A_597 = vector.broadcast %broadcast_in_dim3A_596 : i1 to vector<16xi1>
      %unique3A_598, %unique3A_599 = tpu.scan_count mask(%broadcast_in_dim3A_597 : vector<16xi1>) value(%get3A_595 : vector<16xi32>) : vector<16xi1>, vector<16xi32>
      %shift_right_arithmetic3A_600 = arith.constant 7 : i32
      %shift_right_arithmetic3A_601 = vector.broadcast %shift_right_arithmetic3A_600 : i32 to vector<16xi32>
      %shift_right_arithmetic3A_602 = arith.shrsi %get3A_595, %shift_right_arithmetic3A_601 : vector<16xi32>
      %and3A_603 = arith.constant 127 : i32
      %and3A_604 = vector.broadcast %and3A_603 : i32 to vector<16xi32>
      %and3A_605 = arith.andi %get3A_595, %and3A_604 : vector<16xi32>
      %convert_element_type3A_606 = arith.sitofp %unique3A_599 : vector<16xi32> to vector<16xf32>
      tpu.vector_store_idx %arg12[%shift_right_arithmetic3A_602, %and3A_605], %convert_element_type3A_606 masked %unique3A_598 {add = true} : memref<79x128xf32, #tpu.memory_space<vmem>>[vector<16xi32>, vector<16xi32>], vector<16xf32>, vector<16xi1>
      %get3A_607 = arith.index_cast %mul3A_493 : i32 to index
      %get3A_608 = arith.constant 112 : index
      %get3A_609 = tpu.vector_load %arg9[%get3A_607, %get3A_608] {strides = array<i32>} : memref<24x128xi32, #tpu.memory_space<vmem>>, vector<16xi32>,
      %broadcast_in_dim3A_610 = arith.constant true
      %broadcast_in_dim3A_611 = vector.broadcast %broadcast_in_dim3A_610 : i1 to vector<16xi1>
      %unique3A_612, %unique3A_613 = tpu.scan_count mask(%broadcast_in_dim3A_611 : vector<16xi1>) value(%get3A_609 : vector<16xi32>) : vector<16xi1>, vector<16xi32>
      %shift_right_arithmetic3A_614 = arith.constant 7 : i32
      %shift_right_arithmetic3A_615 = vector.broadcast %shift_right_arithmetic3A_614 : i32 to vector<16xi32>
      %shift_right_arithmetic3A_616 = arith.shrsi %get3A_609, %shift_right_arithmetic3A_615 : vector<16xi32>
      %and3A_617 = arith.constant 127 : i32
      %and3A_618 = vector.broadcast %and3A_617 : i32 to vector<16xi32>
      %and3A_619 = arith.andi %get3A_609, %and3A_618 : vector<16xi32>
      %convert_element_type3A_620 = arith.sitofp %unique3A_613 : vector<16xi32> to vector<16xf32>
      tpu.vector_store_idx %arg12[%shift_right_arithmetic3A_616, %and3A_619], %convert_element_type3A_620 masked %unique3A_612 {add = true} : memref<79x128xf32, #tpu.memory_space<vmem>>[vector<16xi32>, vector<16xi32>], vector<16xf32>, vector<16xi1>
      %dma_wait3A_621 = arith.constant 0 : i32
      %dma_wait3A_622 = arith.constant 0 : i32
      %dma_wait3A_623 = tpu.memref_slice %arg9[%dma_wait3A_621, %dma_wait3A_622] : memref<24x128xi32, #tpu.memory_space<vmem>> -> memref<1x128xi32, #tpu.memory_space<vmem>>
      %dma_wait3A_624 = tpu.memref_squeeze %dma_wait3A_623 : memref<1x128xi32, #tpu.memory_space<vmem>> -> memref<128xi32, #tpu.memory_space<vmem>>
      %dma_wait3A_625 = arith.constant 0 : i32
      %dma_wait3A_626 = arith.constant 0 : i32
      %dma_wait3A_627 = tpu.memref_slice %arg13[%dma_wait3A_625, %dma_wait3A_626] : memref<10112x128xf32, #tpu.memory_space<vmem_shared>> -> memref<10112x128xf32, #tpu.memory_space<vmem_shared>>
      tpu.wait_indirect_dma semaphore(%arg16 : memref<!tpu.dma_semaphore, #tpu.memory_space<semaphore_mem>>) src(%arg10 : memref<128x128xf32, #tpu.memory_space<vmem>>) dst(%dma_wait3A_627 : memref<10112x128xf32, #tpu.memory_space<vmem_shared>>)
      %add3A_628 = arith.constant 2 : i32
      %add3A_629 = arith.addi %mul3A_493, %add3A_628 : i32
      %lt3A_630 = arith.constant 24 : i32
      %lt3A_631 = arith.cmpi slt, %add3A_629, %lt3A_630 : i32
      %convert_element_type3A_632 = arith.extui %lt3A_631 : i1 to i32
      %cond3A_633 = arith.constant 0 : i32
      %cond3A_634 = arith.cmpi ne, %convert_element_type3A_632, %cond3A_633 : i32
      scf.if %cond3A_634 {
        %add3A_640 = arith.constant 2 : i32
        %add3A_641 = arith.addi %mul3A_493, %add3A_640 : i32
        %dma_start3A_642 = arith.constant 0 : i32
        %dma_start3A_643 = tpu.memref_slice %arg8[%add3A_641, %dma_start3A_642] : memref<24x128xi32, #tpu.memory_space<vmem>> -> memref<1x128xi32, #tpu.memory_space<vmem>>
        %dma_start3A_644 = tpu.memref_squeeze %dma_start3A_643 : memref<1x128xi32, #tpu.memory_space<vmem>> -> memref<128xi32, #tpu.memory_space<vmem>>
        %dma_start3A_645 = arith.constant 0 : i32
        %dma_start3A_646 = arith.constant 0 : i32
        %dma_start3A_647 = tpu.memref_slice %arg2[%dma_start3A_645, %dma_start3A_646] : memref<10112x128xf32, #tpu.memory_space<hbm>> -> memref<10112x128xf32, #tpu.memory_space<hbm>>
        tpu.enqueue_indirect_dma source(%dma_start3A_647 : memref<10112x128xf32, #tpu.memory_space<hbm>>) target(%arg10 : memref<128x128xf32, #tpu.memory_space<vmem>>) offsets(%dma_start3A_644 : memref<128xi32, #tpu.memory_space<vmem>>) semaphore(%arg14 : memref<!tpu.dma_semaphore, #tpu.memory_space<semaphore_mem>>)
      } else {
      }
      %lt3A_635 = arith.constant 24 : i32
      %lt3A_636 = arith.cmpi slt, %add3A_495, %lt3A_635 : i32
      %convert_element_type3A_637 = arith.extui %lt3A_636 : i1 to i32
      %cond3A_638 = arith.constant 0 : i32
      %cond3A_639 = arith.cmpi ne, %convert_element_type3A_637, %cond3A_638 : i32
      scf.if %cond3A_639 {
        %dma_wait3A_640 = arith.constant 0 : i32
        %dma_wait3A_641 = arith.constant 0 : i32
        %dma_wait3A_642 = tpu.memref_slice %arg8[%dma_wait3A_640, %dma_wait3A_641] : memref<24x128xi32, #tpu.memory_space<vmem>> -> memref<1x128xi32, #tpu.memory_space<vmem>>
        %dma_wait3A_643 = tpu.memref_squeeze %dma_wait3A_642 : memref<1x128xi32, #tpu.memory_space<vmem>> -> memref<128xi32, #tpu.memory_space<vmem>>
        %dma_wait3A_644 = arith.constant 0 : i32
        %dma_wait3A_645 = arith.constant 0 : i32
        %dma_wait3A_646 = tpu.memref_slice %arg2[%dma_wait3A_644, %dma_wait3A_645] : memref<10112x128xf32, #tpu.memory_space<hbm>> -> memref<10112x128xf32, #tpu.memory_space<hbm>>
        tpu.wait_indirect_dma semaphore(%arg15 : memref<!tpu.dma_semaphore, #tpu.memory_space<semaphore_mem>>) src(%dma_wait3A_646 : memref<10112x128xf32, #tpu.memory_space<hbm>>) dst(%arg11 : memref<128x128xf32, #tpu.memory_space<vmem>>)
        %dma_start3A_647 = arith.constant 0 : i32
        %dma_start3A_648 = tpu.memref_slice %arg9[%add3A_495, %dma_start3A_647] : memref<24x128xi32, #tpu.memory_space<vmem>> -> memref<1x128xi32, #tpu.memory_space<vmem>>
        %dma_start3A_649 = tpu.memref_squeeze %dma_start3A_648 : memref<1x128xi32, #tpu.memory_space<vmem>> -> memref<128xi32, #tpu.memory_space<vmem>>
        %dma_start3A_650 = arith.constant 0 : i32
        %dma_start3A_651 = arith.constant 0 : i32
        %dma_start3A_652 = tpu.memref_slice %arg13[%dma_start3A_650, %dma_start3A_651] : memref<10112x128xf32, #tpu.memory_space<vmem_shared>> -> memref<10112x128xf32, #tpu.memory_space<vmem_shared>>
        tpu.enqueue_indirect_dma source(%arg11 : memref<128x128xf32, #tpu.memory_space<vmem>>) target(%dma_start3A_652 : memref<10112x128xf32, #tpu.memory_space<vmem_shared>>) offsets(%dma_start3A_649 : memref<128xi32, #tpu.memory_space<vmem>>) semaphore(%arg17 : memref<!tpu.dma_semaphore, #tpu.memory_space<semaphore_mem>>) {add = true}
        %get3A_653 = arith.index_cast %add3A_495 : i32 to index
        %get3A_654 = arith.constant 0 : index
        %get3A_655 = tpu.vector_load %arg9[%get3A_653, %get3A_654] {strides = array<i32>} : memref<24x128xi32, #tpu.memory_space<vmem>>, vector<16xi32>,
        %broadcast_in_dim3A_656 = arith.constant true
        %broadcast_in_dim3A_657 = vector.broadcast %broadcast_in_dim3A_656 : i1 to vector<16xi1>
        %unique3A_658, %unique3A_659 = tpu.scan_count mask(%broadcast_in_dim3A_657 : vector<16xi1>) value(%get3A_655 : vector<16xi32>) : vector<16xi1>, vector<16xi32>
        %shift_right_arithmetic3A_660 = arith.constant 7 : i32
        %shift_right_arithmetic3A_661 = vector.broadcast %shift_right_arithmetic3A_660 : i32 to vector<16xi32>
        %shift_right_arithmetic3A_662 = arith.shrsi %get3A_655, %shift_right_arithmetic3A_661 : vector<16xi32>
        %and3A_663 = arith.constant 127 : i32
        %and3A_664 = vector.broadcast %and3A_663 : i32 to vector<16xi32>
        %and3A_665 = arith.andi %get3A_655, %and3A_664 : vector<16xi32>
        %convert_element_type3A_666 = arith.sitofp %unique3A_659 : vector<16xi32> to vector<16xf32>
        tpu.vector_store_idx %arg12[%shift_right_arithmetic3A_662, %and3A_665], %convert_element_type3A_666 masked %unique3A_658 {add = true} : memref<79x128xf32, #tpu.memory_space<vmem>>[vector<16xi32>, vector<16xi32>], vector<16xf32>, vector<16xi1>
        %get3A_667 = arith.index_cast %add3A_495 : i32 to index
        %get3A_668 = arith.constant 16 : index
        %get3A_669 = tpu.vector_load %arg9[%get3A_667, %get3A_668] {strides = array<i32>} : memref<24x128xi32, #tpu.memory_space<vmem>>, vector<16xi32>,
        %broadcast_in_dim3A_670 = arith.constant true
        %broadcast_in_dim3A_671 = vector.broadcast %broadcast_in_dim3A_670 : i1 to vector<16xi1>
        %unique3A_672, %unique3A_673 = tpu.scan_count mask(%broadcast_in_dim3A_671 : vector<16xi1>) value(%get3A_669 : vector<16xi32>) : vector<16xi1>, vector<16xi32>
        %shift_right_arithmetic3A_674 = arith.constant 7 : i32
        %shift_right_arithmetic3A_675 = vector.broadcast %shift_right_arithmetic3A_674 : i32 to vector<16xi32>
        %shift_right_arithmetic3A_676 = arith.shrsi %get3A_669, %shift_right_arithmetic3A_675 : vector<16xi32>
        %and3A_677 = arith.constant 127 : i32
        %and3A_678 = vector.broadcast %and3A_677 : i32 to vector<16xi32>
        %and3A_679 = arith.andi %get3A_669, %and3A_678 : vector<16xi32>
        %convert_element_type3A_680 = arith.sitofp %unique3A_673 : vector<16xi32> to vector<16xf32>
        tpu.vector_store_idx %arg12[%shift_right_arithmetic3A_676, %and3A_679], %convert_element_type3A_680 masked %unique3A_672 {add = true} : memref<79x128xf32, #tpu.memory_space<vmem>>[vector<16xi32>, vector<16xi32>], vector<16xf32>, vector<16xi1>
        %get3A_681 = arith.index_cast %add3A_495 : i32 to index
        %get3A_682 = arith.constant 32 : index
        %get3A_683 = tpu.vector_load %arg9[%get3A_681, %get3A_682] {strides = array<i32>} : memref<24x128xi32, #tpu.memory_space<vmem>>, vector<16xi32>,
        %broadcast_in_dim3A_684 = arith.constant true
        %broadcast_in_dim3A_685 = vector.broadcast %broadcast_in_dim3A_684 : i1 to vector<16xi1>
        %unique3A_686, %unique3A_687 = tpu.scan_count mask(%broadcast_in_dim3A_685 : vector<16xi1>) value(%get3A_683 : vector<16xi32>) : vector<16xi1>, vector<16xi32>
        %shift_right_arithmetic3A_688 = arith.constant 7 : i32
        %shift_right_arithmetic3A_689 = vector.broadcast %shift_right_arithmetic3A_688 : i32 to vector<16xi32>
        %shift_right_arithmetic3A_690 = arith.shrsi %get3A_683, %shift_right_arithmetic3A_689 : vector<16xi32>
        %and3A_691 = arith.constant 127 : i32
        %and3A_692 = vector.broadcast %and3A_691 : i32 to vector<16xi32>
        %and3A_693 = arith.andi %get3A_683, %and3A_692 : vector<16xi32>
        %convert_element_type3A_694 = arith.sitofp %unique3A_687 : vector<16xi32> to vector<16xf32>
        tpu.vector_store_idx %arg12[%shift_right_arithmetic3A_690, %and3A_693], %convert_element_type3A_694 masked %unique3A_686 {add = true} : memref<79x128xf32, #tpu.memory_space<vmem>>[vector<16xi32>, vector<16xi32>], vector<16xf32>, vector<16xi1>
        %get3A_695 = arith.index_cast %add3A_495 : i32 to index
        %get3A_696 = arith.constant 48 : index
        %get3A_697 = tpu.vector_load %arg9[%get3A_695, %get3A_696] {strides = array<i32>} : memref<24x128xi32, #tpu.memory_space<vmem>>, vector<16xi32>,
        %broadcast_in_dim3A_698 = arith.constant true
        %broadcast_in_dim3A_699 = vector.broadcast %broadcast_in_dim3A_698 : i1 to vector<16xi1>
        %unique3A_700, %unique3A_701 = tpu.scan_count mask(%broadcast_in_dim3A_699 : vector<16xi1>) value(%get3A_697 : vector<16xi32>) : vector<16xi1>, vector<16xi32>
        %shift_right_arithmetic3A_702 = arith.constant 7 : i32
        %shift_right_arithmetic3A_703 = vector.broadcast %shift_right_arithmetic3A_702 : i32 to vector<16xi32>
        %shift_right_arithmetic3A_704 = arith.shrsi %get3A_697, %shift_right_arithmetic3A_703 : vector<16xi32>
        %and3A_705 = arith.constant 127 : i32
        %and3A_706 = vector.broadcast %and3A_705 : i32 to vector<16xi32>
        %and3A_707 = arith.andi %get3A_697, %and3A_706 : vector<16xi32>
        %convert_element_type3A_708 = arith.sitofp %unique3A_701 : vector<16xi32> to vector<16xf32>
        tpu.vector_store_idx %arg12[%shift_right_arithmetic3A_704, %and3A_707], %convert_element_type3A_708 masked %unique3A_700 {add = true} : memref<79x128xf32, #tpu.memory_space<vmem>>[vector<16xi32>, vector<16xi32>], vector<16xf32>, vector<16xi1>
        %get3A_709 = arith.index_cast %add3A_495 : i32 to index
        %get3A_710 = arith.constant 64 : index
        %get3A_711 = tpu.vector_load %arg9[%get3A_709, %get3A_710] {strides = array<i32>} : memref<24x128xi32, #tpu.memory_space<vmem>>, vector<16xi32>,
        %broadcast_in_dim3A_712 = arith.constant true
        %broadcast_in_dim3A_713 = vector.broadcast %broadcast_in_dim3A_712 : i1 to vector<16xi1>
        %unique3A_714, %unique3A_715 = tpu.scan_count mask(%broadcast_in_dim3A_713 : vector<16xi1>) value(%get3A_711 : vector<16xi32>) : vector<16xi1>, vector<16xi32>
        %shift_right_arithmetic3A_716 = arith.constant 7 : i32
        %shift_right_arithmetic3A_717 = vector.broadcast %shift_right_arithmetic3A_716 : i32 to vector<16xi32>
        %shift_right_arithmetic3A_718 = arith.shrsi %get3A_711, %shift_right_arithmetic3A_717 : vector<16xi32>
        %and3A_719 = arith.constant 127 : i32
        %and3A_720 = vector.broadcast %and3A_719 : i32 to vector<16xi32>
        %and3A_721 = arith.andi %get3A_711, %and3A_720 : vector<16xi32>
        %convert_element_type3A_722 = arith.sitofp %unique3A_715 : vector<16xi32> to vector<16xf32>
        tpu.vector_store_idx %arg12[%shift_right_arithmetic3A_718, %and3A_721], %convert_element_type3A_722 masked %unique3A_714 {add = true} : memref<79x128xf32, #tpu.memory_space<vmem>>[vector<16xi32>, vector<16xi32>], vector<16xf32>, vector<16xi1>
        %get3A_723 = arith.index_cast %add3A_495 : i32 to index
        %get3A_724 = arith.constant 80 : index
        %get3A_725 = tpu.vector_load %arg9[%get3A_723, %get3A_724] {strides = array<i32>} : memref<24x128xi32, #tpu.memory_space<vmem>>, vector<16xi32>,
        %broadcast_in_dim3A_726 = arith.constant true
        %broadcast_in_dim3A_727 = vector.broadcast %broadcast_in_dim3A_726 : i1 to vector<16xi1>
        %unique3A_728, %unique3A_729 = tpu.scan_count mask(%broadcast_in_dim3A_727 : vector<16xi1>) value(%get3A_725 : vector<16xi32>) : vector<16xi1>, vector<16xi32>
        %shift_right_arithmetic3A_730 = arith.constant 7 : i32
        %shift_right_arithmetic3A_731 = vector.broadcast %shift_right_arithmetic3A_730 : i32 to vector<16xi32>
        %shift_right_arithmetic3A_732 = arith.shrsi %get3A_725, %shift_right_arithmetic3A_731 : vector<16xi32>
        %and3A_733 = arith.constant 127 : i32
        %and3A_734 = vector.broadcast %and3A_733 : i32 to vector<16xi32>
        %and3A_735 = arith.andi %get3A_725, %and3A_734 : vector<16xi32>
        %convert_element_type3A_736 = arith.sitofp %unique3A_729 : vector<16xi32> to vector<16xf32>
        tpu.vector_store_idx %arg12[%shift_right_arithmetic3A_732, %and3A_735], %convert_element_type3A_736 masked %unique3A_728 {add = true} : memref<79x128xf32, #tpu.memory_space<vmem>>[vector<16xi32>, vector<16xi32>], vector<16xf32>, vector<16xi1>
        %get3A_737 = arith.index_cast %add3A_495 : i32 to index
        %get3A_738 = arith.constant 96 : index
        %get3A_739 = tpu.vector_load %arg9[%get3A_737, %get3A_738] {strides = array<i32>} : memref<24x128xi32, #tpu.memory_space<vmem>>, vector<16xi32>,
        %broadcast_in_dim3A_740 = arith.constant true
        %broadcast_in_dim3A_741 = vector.broadcast %broadcast_in_dim3A_740 : i1 to vector<16xi1>
        %unique3A_742, %unique3A_743 = tpu.scan_count mask(%broadcast_in_dim3A_741 : vector<16xi1>) value(%get3A_739 : vector<16xi32>) : vector<16xi1>, vector<16xi32>
        %shift_right_arithmetic3A_744 = arith.constant 7 : i32
        %shift_right_arithmetic3A_745 = vector.broadcast %shift_right_arithmetic3A_744 : i32 to vector<16xi32>
        %shift_right_arithmetic3A_746 = arith.shrsi %get3A_739, %shift_right_arithmetic3A_745 : vector<16xi32>
        %and3A_747 = arith.constant 127 : i32
        %and3A_748 = vector.broadcast %and3A_747 : i32 to vector<16xi32>
        %and3A_749 = arith.andi %get3A_739, %and3A_748 : vector<16xi32>
        %convert_element_type3A_750 = arith.sitofp %unique3A_743 : vector<16xi32> to vector<16xf32>
        tpu.vector_store_idx %arg12[%shift_right_arithmetic3A_746, %and3A_749], %convert_element_type3A_750 masked %unique3A_742 {add = true} : memref<79x128xf32, #tpu.memory_space<vmem>>[vector<16xi32>, vector<16xi32>], vector<16xf32>, vector<16xi1>
        %get3A_751 = arith.index_cast %add3A_495 : i32 to index
        %get3A_752 = arith.constant 112 : index
        %get3A_753 = tpu.vector_load %arg9[%get3A_751, %get3A_752] {strides = array<i32>} : memref<24x128xi32, #tpu.memory_space<vmem>>, vector<16xi32>,
        %broadcast_in_dim3A_754 = arith.constant true
        %broadcast_in_dim3A_755 = vector.broadcast %broadcast_in_dim3A_754 : i1 to vector<16xi1>
        %unique3A_756, %unique3A_757 = tpu.scan_count mask(%broadcast_in_dim3A_755 : vector<16xi1>) value(%get3A_753 : vector<16xi32>) : vector<16xi1>, vector<16xi32>
        %shift_right_arithmetic3A_758 = arith.constant 7 : i32
        %shift_right_arithmetic3A_759 = vector.broadcast %shift_right_arithmetic3A_758 : i32 to vector<16xi32>
        %shift_right_arithmetic3A_760 = arith.shrsi %get3A_753, %shift_right_arithmetic3A_759 : vector<16xi32>
        %and3A_761 = arith.constant 127 : i32
        %and3A_762 = vector.broadcast %and3A_761 : i32 to vector<16xi32>
        %and3A_763 = arith.andi %get3A_753, %and3A_762 : vector<16xi32>
        %convert_element_type3A_764 = arith.sitofp %unique3A_757 : vector<16xi32> to vector<16xf32>
        tpu.vector_store_idx %arg12[%shift_right_arithmetic3A_760, %and3A_763], %convert_element_type3A_764 masked %unique3A_756 {add = true} : memref<79x128xf32, #tpu.memory_space<vmem>>[vector<16xi32>, vector<16xi32>], vector<16xf32>, vector<16xi1>
        %dma_wait3A_765 = arith.constant 0 : i32
        %dma_wait3A_766 = arith.constant 0 : i32
        %dma_wait3A_767 = tpu.memref_slice %arg9[%dma_wait3A_765, %dma_wait3A_766] : memref<24x128xi32, #tpu.memory_space<vmem>> -> memref<1x128xi32, #tpu.memory_space<vmem>>
        %dma_wait3A_768 = tpu.memref_squeeze %dma_wait3A_767 : memref<1x128xi32, #tpu.memory_space<vmem>> -> memref<128xi32, #tpu.memory_space<vmem>>
        %dma_wait3A_769 = arith.constant 0 : i32
        %dma_wait3A_770 = arith.constant 0 : i32
        %dma_wait3A_771 = tpu.memref_slice %arg13[%dma_wait3A_769, %dma_wait3A_770] : memref<10112x128xf32, #tpu.memory_space<vmem_shared>> -> memref<10112x128xf32, #tpu.memory_space<vmem_shared>>
        tpu.wait_indirect_dma semaphore(%arg17 : memref<!tpu.dma_semaphore, #tpu.memory_space<semaphore_mem>>) src(%arg11 : memref<128x128xf32, #tpu.memory_space<vmem>>) dst(%dma_wait3A_771 : memref<10112x128xf32, #tpu.memory_space<vmem_shared>>)
      } else {
      }
    }
    %scan3A_369 = arith.constant 12 : i32
    %dma_start3A_370 = arith.constant 0 : i32
    %dma_start3A_371 = arith.constant 0 : i32
    %dma_start3A_372 = tpu.memref_slice %arg8[%dma_start3A_370, %dma_start3A_371] : memref<24x128xi32, #tpu.memory_space<vmem>> -> memref<24x128xi32, #tpu.memory_space<vmem>>
    %dma_start3A_373 = arith.constant 48 : i32
    %dma_start3A_374 = tpu.memref_slice %arg7[%dma_start3A_373] : memref<80xi32, #tpu.memory_space<vmem>> -> memref<24xi32, #tpu.memory_space<vmem>>
    %dma_start3A_375 = arith.constant 0 : i32
    %dma_start3A_376 = arith.constant 0 : i32
    %dma_start3A_377 = tpu.memref_slice %arg3[%dma_start3A_375, %dma_start3A_376] : memref<2500x128xi32, #tpu.memory_space<hbm>> -> memref<2500x128xi32, #tpu.memory_space<hbm>>
    tpu.enqueue_indirect_dma source(%dma_start3A_377 : memref<2500x128xi32, #tpu.memory_space<hbm>>) target(%dma_start3A_372 : memref<24x128xi32, #tpu.memory_space<vmem>>) offsets(%dma_start3A_374 : memref<24xi32, #tpu.memory_space<vmem>>) semaphore(%arg14 : memref<!tpu.dma_semaphore, #tpu.memory_space<semaphore_mem>>)
    %dma_start3A_378 = arith.constant 0 : i32
    %dma_start3A_379 = arith.constant 0 : i32
    %dma_start3A_380 = tpu.memref_slice %arg9[%dma_start3A_378, %dma_start3A_379] : memref<24x128xi32, #tpu.memory_space<vmem>> -> memref<24x128xi32, #tpu.memory_space<vmem>>
    %dma_start3A_381 = arith.constant 48 : i32
    %dma_start3A_382 = tpu.memref_slice %arg7[%dma_start3A_381] : memref<80xi32, #tpu.memory_space<vmem>> -> memref<24xi32, #tpu.memory_space<vmem>>
    %dma_start3A_383 = arith.constant 0 : i32
    %dma_start3A_384 = arith.constant 0 : i32
    %dma_start3A_385 = tpu.memref_slice %arg4[%dma_start3A_383, %dma_start3A_384] : memref<2500x128xi32, #tpu.memory_space<hbm>> -> memref<2500x128xi32, #tpu.memory_space<hbm>>
    tpu.enqueue_indirect_dma source(%dma_start3A_385 : memref<2500x128xi32, #tpu.memory_space<hbm>>) target(%dma_start3A_380 : memref<24x128xi32, #tpu.memory_space<vmem>>) offsets(%dma_start3A_382 : memref<24xi32, #tpu.memory_space<vmem>>) semaphore(%arg14 : memref<!tpu.dma_semaphore, #tpu.memory_space<semaphore_mem>>)
    %dma_wait3A_386 = arith.constant 0 : i32
    %dma_wait3A_387 = arith.constant 0 : i32
    %dma_wait3A_388 = tpu.memref_slice %arg8[%dma_wait3A_386, %dma_wait3A_387] : memref<24x128xi32, #tpu.memory_space<vmem>> -> memref<24x128xi32, #tpu.memory_space<vmem>>
    %dma_wait3A_389 = arith.constant 48 : i32
    %dma_wait3A_390 = tpu.memref_slice %arg7[%dma_wait3A_389] : memref<80xi32, #tpu.memory_space<vmem>> -> memref<24xi32, #tpu.memory_space<vmem>>
    %dma_wait3A_391 = arith.constant 0 : i32
    %dma_wait3A_392 = arith.constant 0 : i32
    %dma_wait3A_393 = tpu.memref_slice %arg3[%dma_wait3A_391, %dma_wait3A_392] : memref<2500x128xi32, #tpu.memory_space<hbm>> -> memref<2500x128xi32, #tpu.memory_space<hbm>>
    tpu.wait_indirect_dma semaphore(%arg14 : memref<!tpu.dma_semaphore, #tpu.memory_space<semaphore_mem>>) src(%dma_wait3A_393 : memref<2500x128xi32, #tpu.memory_space<hbm>>) dst(%dma_wait3A_388 : memref<24x128xi32, #tpu.memory_space<vmem>>)
    %dma_wait3A_394 = arith.constant 0 : i32
    %dma_wait3A_395 = arith.constant 0 : i32
    %dma_wait3A_396 = tpu.memref_slice %arg9[%dma_wait3A_394, %dma_wait3A_395] : memref<24x128xi32, #tpu.memory_space<vmem>> -> memref<24x128xi32, #tpu.memory_space<vmem>>
    %dma_wait3A_397 = arith.constant 48 : i32
    %dma_wait3A_398 = tpu.memref_slice %arg7[%dma_wait3A_397] : memref<80xi32, #tpu.memory_space<vmem>> -> memref<24xi32, #tpu.memory_space<vmem>>
    %dma_wait3A_399 = arith.constant 0 : i32
    %dma_wait3A_400 = arith.constant 0 : i32
    %dma_wait3A_401 = tpu.memref_slice %arg4[%dma_wait3A_399, %dma_wait3A_400] : memref<2500x128xi32, #tpu.memory_space<hbm>> -> memref<2500x128xi32, #tpu.memory_space<hbm>>
    tpu.wait_indirect_dma semaphore(%arg14 : memref<!tpu.dma_semaphore, #tpu.memory_space<semaphore_mem>>) src(%dma_wait3A_401 : memref<2500x128xi32, #tpu.memory_space<hbm>>) dst(%dma_wait3A_396 : memref<24x128xi32, #tpu.memory_space<vmem>>)
    %dma_start3A_402 = arith.constant 0 : i32
    %dma_start3A_403 = arith.constant 0 : i32
    %dma_start3A_404 = tpu.memref_slice %arg8[%dma_start3A_402, %dma_start3A_403] : memref<24x128xi32, #tpu.memory_space<vmem>> -> memref<1x128xi32, #tpu.memory_space<vmem>>
    %dma_start3A_405 = tpu.memref_squeeze %dma_start3A_404 : memref<1x128xi32, #tpu.memory_space<vmem>> -> memref<128xi32, #tpu.memory_space<vmem>>
    %dma_start3A_406 = arith.constant 0 : i32
    %dma_start3A_407 = arith.constant 0 : i32
    %dma_start3A_408 = tpu.memref_slice %arg2[%dma_start3A_406, %dma_start3A_407] : memref<10112x128xf32, #tpu.memory_space<hbm>> -> memref<10112x128xf32, #tpu.memory_space<hbm>>
    tpu.enqueue_indirect_dma source(%dma_start3A_408 : memref<10112x128xf32, #tpu.memory_space<hbm>>) target(%arg10 : memref<128x128xf32, #tpu.memory_space<vmem>>) offsets(%dma_start3A_405 : memref<128xi32, #tpu.memory_space<vmem>>) semaphore(%arg14 : memref<!tpu.dma_semaphore, #tpu.memory_space<semaphore_mem>>)
    %scan3A_409 = arith.constant 0 : i32
    %scan3A_410 = arith.constant 0 : i32
    %scan3A_411 = arith.constant 12 : i32
    %scan3A_412 = arith.addi %scan3A_410, %scan3A_411 : i32
    %scan3A_413 = arith.constant 1 : i32
    scf.for %scan3A_491 = %scan3A_410 to %scan3A_412 step %scan3A_413  : i32 {
      %mul3A_492 = arith.constant 2 : i32
      %mul3A_493 = arith.muli %mul3A_492, %scan3A_491 : i32
      %add3A_494 = arith.constant 1 : i32
      %add3A_495 = arith.addi %mul3A_493, %add3A_494 : i32
      %lt3A_496 = arith.constant 24 : i32
      %lt3A_497 = arith.cmpi slt, %add3A_495, %lt3A_496 : i32
      %convert_element_type3A = arith.extui %lt3A_497 : i1 to i32
      %cond3A = arith.constant 0 : i32
      %cond3A_498 = arith.cmpi ne, %convert_element_type3A, %cond3A : i32
      scf.if %cond3A_498 {
        %dma_start3A_640 = arith.constant 0 : i32
        %dma_start3A_641 = tpu.memref_slice %arg8[%add3A_495, %dma_start3A_640] : memref<24x128xi32, #tpu.memory_space<vmem>> -> memref<1x128xi32, #tpu.memory_space<vmem>>
        %dma_start3A_642 = tpu.memref_squeeze %dma_start3A_641 : memref<1x128xi32, #tpu.memory_space<vmem>> -> memref<128xi32, #tpu.memory_space<vmem>>
        %dma_start3A_643 = arith.constant 0 : i32
        %dma_start3A_644 = arith.constant 0 : i32
        %dma_start3A_645 = tpu.memref_slice %arg2[%dma_start3A_643, %dma_start3A_644] : memref<10112x128xf32, #tpu.memory_space<hbm>> -> memref<10112x128xf32, #tpu.memory_space<hbm>>
        tpu.enqueue_indirect_dma source(%dma_start3A_645 : memref<10112x128xf32, #tpu.memory_space<hbm>>) target(%arg11 : memref<128x128xf32, #tpu.memory_space<vmem>>) offsets(%dma_start3A_642 : memref<128xi32, #tpu.memory_space<vmem>>) semaphore(%arg15 : memref<!tpu.dma_semaphore, #tpu.memory_space<semaphore_mem>>)
      } else {
      }
      %dma_wait3A_499 = arith.constant 0 : i32
      %dma_wait3A_500 = arith.constant 0 : i32
      %dma_wait3A_501 = tpu.memref_slice %arg8[%dma_wait3A_499, %dma_wait3A_500] : memref<24x128xi32, #tpu.memory_space<vmem>> -> memref<1x128xi32, #tpu.memory_space<vmem>>
      %dma_wait3A_502 = tpu.memref_squeeze %dma_wait3A_501 : memref<1x128xi32, #tpu.memory_space<vmem>> -> memref<128xi32, #tpu.memory_space<vmem>>
      %dma_wait3A_503 = arith.constant 0 : i32
      %dma_wait3A_504 = arith.constant 0 : i32
      %dma_wait3A_505 = tpu.memref_slice %arg2[%dma_wait3A_503, %dma_wait3A_504] : memref<10112x128xf32, #tpu.memory_space<hbm>> -> memref<10112x128xf32, #tpu.memory_space<hbm>>
      tpu.wait_indirect_dma semaphore(%arg14 : memref<!tpu.dma_semaphore, #tpu.memory_space<semaphore_mem>>) src(%dma_wait3A_505 : memref<10112x128xf32, #tpu.memory_space<hbm>>) dst(%arg10 : memref<128x128xf32, #tpu.memory_space<vmem>>)
      %dma_start3A_506 = arith.constant 0 : i32
      %dma_start3A_507 = tpu.memref_slice %arg9[%mul3A_493, %dma_start3A_506] : memref<24x128xi32, #tpu.memory_space<vmem>> -> memref<1x128xi32, #tpu.memory_space<vmem>>
      %dma_start3A_508 = tpu.memref_squeeze %dma_start3A_507 : memref<1x128xi32, #tpu.memory_space<vmem>> -> memref<128xi32, #tpu.memory_space<vmem>>
      %dma_start3A_509 = arith.constant 0 : i32
      %dma_start3A_510 = arith.constant 0 : i32
      %dma_start3A_511 = tpu.memref_slice %arg13[%dma_start3A_509, %dma_start3A_510] : memref<10112x128xf32, #tpu.memory_space<vmem_shared>> -> memref<10112x128xf32, #tpu.memory_space<vmem_shared>>
      tpu.enqueue_indirect_dma source(%arg10 : memref<128x128xf32, #tpu.memory_space<vmem>>) target(%dma_start3A_511 : memref<10112x128xf32, #tpu.memory_space<vmem_shared>>) offsets(%dma_start3A_508 : memref<128xi32, #tpu.memory_space<vmem>>) semaphore(%arg16 : memref<!tpu.dma_semaphore, #tpu.memory_space<semaphore_mem>>) {add = true}
      %get3A = arith.index_cast %mul3A_493 : i32 to index
      %get3A_512 = arith.constant 0 : index
      %get3A_513 = tpu.vector_load %arg9[%get3A, %get3A_512] {strides = array<i32>} : memref<24x128xi32, #tpu.memory_space<vmem>>, vector<16xi32>,
      %broadcast_in_dim3A_514 = arith.constant true
      %broadcast_in_dim3A_515 = vector.broadcast %broadcast_in_dim3A_514 : i1 to vector<16xi1>
      %unique3A, %unique3A_516 = tpu.scan_count mask(%broadcast_in_dim3A_515 : vector<16xi1>) value(%get3A_513 : vector<16xi32>) : vector<16xi1>, vector<16xi32>
      %shift_right_arithmetic3A = arith.constant 7 : i32
      %shift_right_arithmetic3A_517 = vector.broadcast %shift_right_arithmetic3A : i32 to vector<16xi32>
      %shift_right_arithmetic3A_518 = arith.shrsi %get3A_513, %shift_right_arithmetic3A_517 : vector<16xi32>
      %and3A_519 = arith.constant 127 : i32
      %and3A_520 = vector.broadcast %and3A_519 : i32 to vector<16xi32>
      %and3A_521 = arith.andi %get3A_513, %and3A_520 : vector<16xi32>
      %convert_element_type3A_522 = arith.sitofp %unique3A_516 : vector<16xi32> to vector<16xf32>
      tpu.vector_store_idx %arg12[%shift_right_arithmetic3A_518, %and3A_521], %convert_element_type3A_522 masked %unique3A {add = true} : memref<79x128xf32, #tpu.memory_space<vmem>>[vector<16xi32>, vector<16xi32>], vector<16xf32>, vector<16xi1>
      %get3A_523 = arith.index_cast %mul3A_493 : i32 to index
      %get3A_524 = arith.constant 16 : index
      %get3A_525 = tpu.vector_load %arg9[%get3A_523, %get3A_524] {strides = array<i32>} : memref<24x128xi32, #tpu.memory_space<vmem>>, vector<16xi32>,
      %broadcast_in_dim3A_526 = arith.constant true
      %broadcast_in_dim3A_527 = vector.broadcast %broadcast_in_dim3A_526 : i1 to vector<16xi1>
      %unique3A_528, %unique3A_529 = tpu.scan_count mask(%broadcast_in_dim3A_527 : vector<16xi1>) value(%get3A_525 : vector<16xi32>) : vector<16xi1>, vector<16xi32>
      %shift_right_arithmetic3A_530 = arith.constant 7 : i32
      %shift_right_arithmetic3A_531 = vector.broadcast %shift_right_arithmetic3A_530 : i32 to vector<16xi32>
      %shift_right_arithmetic3A_532 = arith.shrsi %get3A_525, %shift_right_arithmetic3A_531 : vector<16xi32>
      %and3A_533 = arith.constant 127 : i32
      %and3A_534 = vector.broadcast %and3A_533 : i32 to vector<16xi32>
      %and3A_535 = arith.andi %get3A_525, %and3A_534 : vector<16xi32>
      %convert_element_type3A_536 = arith.sitofp %unique3A_529 : vector<16xi32> to vector<16xf32>
      tpu.vector_store_idx %arg12[%shift_right_arithmetic3A_532, %and3A_535], %convert_element_type3A_536 masked %unique3A_528 {add = true} : memref<79x128xf32, #tpu.memory_space<vmem>>[vector<16xi32>, vector<16xi32>], vector<16xf32>, vector<16xi1>
      %get3A_537 = arith.index_cast %mul3A_493 : i32 to index
      %get3A_538 = arith.constant 32 : index
      %get3A_539 = tpu.vector_load %arg9[%get3A_537, %get3A_538] {strides = array<i32>} : memref<24x128xi32, #tpu.memory_space<vmem>>, vector<16xi32>,
      %broadcast_in_dim3A_540 = arith.constant true
      %broadcast_in_dim3A_541 = vector.broadcast %broadcast_in_dim3A_540 : i1 to vector<16xi1>
      %unique3A_542, %unique3A_543 = tpu.scan_count mask(%broadcast_in_dim3A_541 : vector<16xi1>) value(%get3A_539 : vector<16xi32>) : vector<16xi1>, vector<16xi32>
      %shift_right_arithmetic3A_544 = arith.constant 7 : i32
      %shift_right_arithmetic3A_545 = vector.broadcast %shift_right_arithmetic3A_544 : i32 to vector<16xi32>
      %shift_right_arithmetic3A_546 = arith.shrsi %get3A_539, %shift_right_arithmetic3A_545 : vector<16xi32>
      %and3A_547 = arith.constant 127 : i32
      %and3A_548 = vector.broadcast %and3A_547 : i32 to vector<16xi32>
      %and3A_549 = arith.andi %get3A_539, %and3A_548 : vector<16xi32>
      %convert_element_type3A_550 = arith.sitofp %unique3A_543 : vector<16xi32> to vector<16xf32>
      tpu.vector_store_idx %arg12[%shift_right_arithmetic3A_546, %and3A_549], %convert_element_type3A_550 masked %unique3A_542 {add = true} : memref<79x128xf32, #tpu.memory_space<vmem>>[vector<16xi32>, vector<16xi32>], vector<16xf32>, vector<16xi1>
      %get3A_551 = arith.index_cast %mul3A_493 : i32 to index
      %get3A_552 = arith.constant 48 : index
      %get3A_553 = tpu.vector_load %arg9[%get3A_551, %get3A_552] {strides = array<i32>} : memref<24x128xi32, #tpu.memory_space<vmem>>, vector<16xi32>,
      %broadcast_in_dim3A_554 = arith.constant true
      %broadcast_in_dim3A_555 = vector.broadcast %broadcast_in_dim3A_554 : i1 to vector<16xi1>
      %unique3A_556, %unique3A_557 = tpu.scan_count mask(%broadcast_in_dim3A_555 : vector<16xi1>) value(%get3A_553 : vector<16xi32>) : vector<16xi1>, vector<16xi32>
      %shift_right_arithmetic3A_558 = arith.constant 7 : i32
      %shift_right_arithmetic3A_559 = vector.broadcast %shift_right_arithmetic3A_558 : i32 to vector<16xi32>
      %shift_right_arithmetic3A_560 = arith.shrsi %get3A_553, %shift_right_arithmetic3A_559 : vector<16xi32>
      %and3A_561 = arith.constant 127 : i32
      %and3A_562 = vector.broadcast %and3A_561 : i32 to vector<16xi32>
      %and3A_563 = arith.andi %get3A_553, %and3A_562 : vector<16xi32>
      %convert_element_type3A_564 = arith.sitofp %unique3A_557 : vector<16xi32> to vector<16xf32>
      tpu.vector_store_idx %arg12[%shift_right_arithmetic3A_560, %and3A_563], %convert_element_type3A_564 masked %unique3A_556 {add = true} : memref<79x128xf32, #tpu.memory_space<vmem>>[vector<16xi32>, vector<16xi32>], vector<16xf32>, vector<16xi1>
      %get3A_565 = arith.index_cast %mul3A_493 : i32 to index
      %get3A_566 = arith.constant 64 : index
      %get3A_567 = tpu.vector_load %arg9[%get3A_565, %get3A_566] {strides = array<i32>} : memref<24x128xi32, #tpu.memory_space<vmem>>, vector<16xi32>,
      %broadcast_in_dim3A_568 = arith.constant true
      %broadcast_in_dim3A_569 = vector.broadcast %broadcast_in_dim3A_568 : i1 to vector<16xi1>
      %unique3A_570, %unique3A_571 = tpu.scan_count mask(%broadcast_in_dim3A_569 : vector<16xi1>) value(%get3A_567 : vector<16xi32>) : vector<16xi1>, vector<16xi32>
      %shift_right_arithmetic3A_572 = arith.constant 7 : i32
      %shift_right_arithmetic3A_573 = vector.broadcast %shift_right_arithmetic3A_572 : i32 to vector<16xi32>
      %shift_right_arithmetic3A_574 = arith.shrsi %get3A_567, %shift_right_arithmetic3A_573 : vector<16xi32>
      %and3A_575 = arith.constant 127 : i32
      %and3A_576 = vector.broadcast %and3A_575 : i32 to vector<16xi32>
      %and3A_577 = arith.andi %get3A_567, %and3A_576 : vector<16xi32>
      %convert_element_type3A_578 = arith.sitofp %unique3A_571 : vector<16xi32> to vector<16xf32>
      tpu.vector_store_idx %arg12[%shift_right_arithmetic3A_574, %and3A_577], %convert_element_type3A_578 masked %unique3A_570 {add = true} : memref<79x128xf32, #tpu.memory_space<vmem>>[vector<16xi32>, vector<16xi32>], vector<16xf32>, vector<16xi1>
      %get3A_579 = arith.index_cast %mul3A_493 : i32 to index
      %get3A_580 = arith.constant 80 : index
      %get3A_581 = tpu.vector_load %arg9[%get3A_579, %get3A_580] {strides = array<i32>} : memref<24x128xi32, #tpu.memory_space<vmem>>, vector<16xi32>,
      %broadcast_in_dim3A_582 = arith.constant true
      %broadcast_in_dim3A_583 = vector.broadcast %broadcast_in_dim3A_582 : i1 to vector<16xi1>
      %unique3A_584, %unique3A_585 = tpu.scan_count mask(%broadcast_in_dim3A_583 : vector<16xi1>) value(%get3A_581 : vector<16xi32>) : vector<16xi1>, vector<16xi32>
      %shift_right_arithmetic3A_586 = arith.constant 7 : i32
      %shift_right_arithmetic3A_587 = vector.broadcast %shift_right_arithmetic3A_586 : i32 to vector<16xi32>
      %shift_right_arithmetic3A_588 = arith.shrsi %get3A_581, %shift_right_arithmetic3A_587 : vector<16xi32>
      %and3A_589 = arith.constant 127 : i32
      %and3A_590 = vector.broadcast %and3A_589 : i32 to vector<16xi32>
      %and3A_591 = arith.andi %get3A_581, %and3A_590 : vector<16xi32>
      %convert_element_type3A_592 = arith.sitofp %unique3A_585 : vector<16xi32> to vector<16xf32>
      tpu.vector_store_idx %arg12[%shift_right_arithmetic3A_588, %and3A_591], %convert_element_type3A_592 masked %unique3A_584 {add = true} : memref<79x128xf32, #tpu.memory_space<vmem>>[vector<16xi32>, vector<16xi32>], vector<16xf32>, vector<16xi1>
      %get3A_593 = arith.index_cast %mul3A_493 : i32 to index
      %get3A_594 = arith.constant 96 : index
      %get3A_595 = tpu.vector_load %arg9[%get3A_593, %get3A_594] {strides = array<i32>} : memref<24x128xi32, #tpu.memory_space<vmem>>, vector<16xi32>,
      %broadcast_in_dim3A_596 = arith.constant true
      %broadcast_in_dim3A_597 = vector.broadcast %broadcast_in_dim3A_596 : i1 to vector<16xi1>
      %unique3A_598, %unique3A_599 = tpu.scan_count mask(%broadcast_in_dim3A_597 : vector<16xi1>) value(%get3A_595 : vector<16xi32>) : vector<16xi1>, vector<16xi32>
      %shift_right_arithmetic3A_600 = arith.constant 7 : i32
      %shift_right_arithmetic3A_601 = vector.broadcast %shift_right_arithmetic3A_600 : i32 to vector<16xi32>
      %shift_right_arithmetic3A_602 = arith.shrsi %get3A_595, %shift_right_arithmetic3A_601 : vector<16xi32>
      %and3A_603 = arith.constant 127 : i32
      %and3A_604 = vector.broadcast %and3A_603 : i32 to vector<16xi32>
      %and3A_605 = arith.andi %get3A_595, %and3A_604 : vector<16xi32>
      %convert_element_type3A_606 = arith.sitofp %unique3A_599 : vector<16xi32> to vector<16xf32>
      tpu.vector_store_idx %arg12[%shift_right_arithmetic3A_602, %and3A_605], %convert_element_type3A_606 masked %unique3A_598 {add = true} : memref<79x128xf32, #tpu.memory_space<vmem>>[vector<16xi32>, vector<16xi32>], vector<16xf32>, vector<16xi1>
      %get3A_607 = arith.index_cast %mul3A_493 : i32 to index
      %get3A_608 = arith.constant 112 : index
      %get3A_609 = tpu.vector_load %arg9[%get3A_607, %get3A_608] {strides = array<i32>} : memref<24x128xi32, #tpu.memory_space<vmem>>, vector<16xi32>,
      %broadcast_in_dim3A_610 = arith.constant true
      %broadcast_in_dim3A_611 = vector.broadcast %broadcast_in_dim3A_610 : i1 to vector<16xi1>
      %unique3A_612, %unique3A_613 = tpu.scan_count mask(%broadcast_in_dim3A_611 : vector<16xi1>) value(%get3A_609 : vector<16xi32>) : vector<16xi1>, vector<16xi32>
      %shift_right_arithmetic3A_614 = arith.constant 7 : i32
      %shift_right_arithmetic3A_615 = vector.broadcast %shift_right_arithmetic3A_614 : i32 to vector<16xi32>
      %shift_right_arithmetic3A_616 = arith.shrsi %get3A_609, %shift_right_arithmetic3A_615 : vector<16xi32>
      %and3A_617 = arith.constant 127 : i32
      %and3A_618 = vector.broadcast %and3A_617 : i32 to vector<16xi32>
      %and3A_619 = arith.andi %get3A_609, %and3A_618 : vector<16xi32>
      %convert_element_type3A_620 = arith.sitofp %unique3A_613 : vector<16xi32> to vector<16xf32>
      tpu.vector_store_idx %arg12[%shift_right_arithmetic3A_616, %and3A_619], %convert_element_type3A_620 masked %unique3A_612 {add = true} : memref<79x128xf32, #tpu.memory_space<vmem>>[vector<16xi32>, vector<16xi32>], vector<16xf32>, vector<16xi1>
      %dma_wait3A_621 = arith.constant 0 : i32
      %dma_wait3A_622 = arith.constant 0 : i32
      %dma_wait3A_623 = tpu.memref_slice %arg9[%dma_wait3A_621, %dma_wait3A_622] : memref<24x128xi32, #tpu.memory_space<vmem>> -> memref<1x128xi32, #tpu.memory_space<vmem>>
      %dma_wait3A_624 = tpu.memref_squeeze %dma_wait3A_623 : memref<1x128xi32, #tpu.memory_space<vmem>> -> memref<128xi32, #tpu.memory_space<vmem>>
      %dma_wait3A_625 = arith.constant 0 : i32
      %dma_wait3A_626 = arith.constant 0 : i32
      %dma_wait3A_627 = tpu.memref_slice %arg13[%dma_wait3A_625, %dma_wait3A_626] : memref<10112x128xf32, #tpu.memory_space<vmem_shared>> -> memref<10112x128xf32, #tpu.memory_space<vmem_shared>>
      tpu.wait_indirect_dma semaphore(%arg16 : memref<!tpu.dma_semaphore, #tpu.memory_space<semaphore_mem>>) src(%arg10 : memref<128x128xf32, #tpu.memory_space<vmem>>) dst(%dma_wait3A_627 : memref<10112x128xf32, #tpu.memory_space<vmem_shared>>)
      %add3A_628 = arith.constant 2 : i32
      %add3A_629 = arith.addi %mul3A_493, %add3A_628 : i32
      %lt3A_630 = arith.constant 24 : i32
      %lt3A_631 = arith.cmpi slt, %add3A_629, %lt3A_630 : i32
      %convert_element_type3A_632 = arith.extui %lt3A_631 : i1 to i32
      %cond3A_633 = arith.constant 0 : i32
      %cond3A_634 = arith.cmpi ne, %convert_element_type3A_632, %cond3A_633 : i32
      scf.if %cond3A_634 {
        %add3A_640 = arith.constant 2 : i32
        %add3A_641 = arith.addi %mul3A_493, %add3A_640 : i32
        %dma_start3A_642 = arith.constant 0 : i32
        %dma_start3A_643 = tpu.memref_slice %arg8[%add3A_641, %dma_start3A_642] : memref<24x128xi32, #tpu.memory_space<vmem>> -> memref<1x128xi32, #tpu.memory_space<vmem>>
        %dma_start3A_644 = tpu.memref_squeeze %dma_start3A_643 : memref<1x128xi32, #tpu.memory_space<vmem>> -> memref<128xi32, #tpu.memory_space<vmem>>
        %dma_start3A_645 = arith.constant 0 : i32
        %dma_start3A_646 = arith.constant 0 : i32
        %dma_start3A_647 = tpu.memref_slice %arg2[%dma_start3A_645, %dma_start3A_646] : memref<10112x128xf32, #tpu.memory_space<hbm>> -> memref<10112x128xf32, #tpu.memory_space<hbm>>
        tpu.enqueue_indirect_dma source(%dma_start3A_647 : memref<10112x128xf32, #tpu.memory_space<hbm>>) target(%arg10 : memref<128x128xf32, #tpu.memory_space<vmem>>) offsets(%dma_start3A_644 : memref<128xi32, #tpu.memory_space<vmem>>) semaphore(%arg14 : memref<!tpu.dma_semaphore, #tpu.memory_space<semaphore_mem>>)
      } else {
      }
      %lt3A_635 = arith.constant 24 : i32
      %lt3A_636 = arith.cmpi slt, %add3A_495, %lt3A_635 : i32
      %convert_element_type3A_637 = arith.extui %lt3A_636 : i1 to i32
      %cond3A_638 = arith.constant 0 : i32
      %cond3A_639 = arith.cmpi ne, %convert_element_type3A_637, %cond3A_638 : i32
      scf.if %cond3A_639 {
        %dma_wait3A_640 = arith.constant 0 : i32
        %dma_wait3A_641 = arith.constant 0 : i32
        %dma_wait3A_642 = tpu.memref_slice %arg8[%dma_wait3A_640, %dma_wait3A_641] : memref<24x128xi32, #tpu.memory_space<vmem>> -> memref<1x128xi32, #tpu.memory_space<vmem>>
        %dma_wait3A_643 = tpu.memref_squeeze %dma_wait3A_642 : memref<1x128xi32, #tpu.memory_space<vmem>> -> memref<128xi32, #tpu.memory_space<vmem>>
        %dma_wait3A_644 = arith.constant 0 : i32
        %dma_wait3A_645 = arith.constant 0 : i32
        %dma_wait3A_646 = tpu.memref_slice %arg2[%dma_wait3A_644, %dma_wait3A_645] : memref<10112x128xf32, #tpu.memory_space<hbm>> -> memref<10112x128xf32, #tpu.memory_space<hbm>>
        tpu.wait_indirect_dma semaphore(%arg15 : memref<!tpu.dma_semaphore, #tpu.memory_space<semaphore_mem>>) src(%dma_wait3A_646 : memref<10112x128xf32, #tpu.memory_space<hbm>>) dst(%arg11 : memref<128x128xf32, #tpu.memory_space<vmem>>)
        %dma_start3A_647 = arith.constant 0 : i32
        %dma_start3A_648 = tpu.memref_slice %arg9[%add3A_495, %dma_start3A_647] : memref<24x128xi32, #tpu.memory_space<vmem>> -> memref<1x128xi32, #tpu.memory_space<vmem>>
        %dma_start3A_649 = tpu.memref_squeeze %dma_start3A_648 : memref<1x128xi32, #tpu.memory_space<vmem>> -> memref<128xi32, #tpu.memory_space<vmem>>
        %dma_start3A_650 = arith.constant 0 : i32
        %dma_start3A_651 = arith.constant 0 : i32
        %dma_start3A_652 = tpu.memref_slice %arg13[%dma_start3A_650, %dma_start3A_651] : memref<10112x128xf32, #tpu.memory_space<vmem_shared>> -> memref<10112x128xf32, #tpu.memory_space<vmem_shared>>
        tpu.enqueue_indirect_dma source(%arg11 : memref<128x128xf32, #tpu.memory_space<vmem>>) target(%dma_start3A_652 : memref<10112x128xf32, #tpu.memory_space<vmem_shared>>) offsets(%dma_start3A_649 : memref<128xi32, #tpu.memory_space<vmem>>) semaphore(%arg17 : memref<!tpu.dma_semaphore, #tpu.memory_space<semaphore_mem>>) {add = true}
        %get3A_653 = arith.index_cast %add3A_495 : i32 to index
        %get3A_654 = arith.constant 0 : index
        %get3A_655 = tpu.vector_load %arg9[%get3A_653, %get3A_654] {strides = array<i32>} : memref<24x128xi32, #tpu.memory_space<vmem>>, vector<16xi32>,
        %broadcast_in_dim3A_656 = arith.constant true
        %broadcast_in_dim3A_657 = vector.broadcast %broadcast_in_dim3A_656 : i1 to vector<16xi1>
        %unique3A_658, %unique3A_659 = tpu.scan_count mask(%broadcast_in_dim3A_657 : vector<16xi1>) value(%get3A_655 : vector<16xi32>) : vector<16xi1>, vector<16xi32>
        %shift_right_arithmetic3A_660 = arith.constant 7 : i32
        %shift_right_arithmetic3A_661 = vector.broadcast %shift_right_arithmetic3A_660 : i32 to vector<16xi32>
        %shift_right_arithmetic3A_662 = arith.shrsi %get3A_655, %shift_right_arithmetic3A_661 : vector<16xi32>
        %and3A_663 = arith.constant 127 : i32
        %and3A_664 = vector.broadcast %and3A_663 : i32 to vector<16xi32>
        %and3A_665 = arith.andi %get3A_655, %and3A_664 : vector<16xi32>
        %convert_element_type3A_666 = arith.sitofp %unique3A_659 : vector<16xi32> to vector<16xf32>
        tpu.vector_store_idx %arg12[%shift_right_arithmetic3A_662, %and3A_665], %convert_element_type3A_666 masked %unique3A_658 {add = true} : memref<79x128xf32, #tpu.memory_space<vmem>>[vector<16xi32>, vector<16xi32>], vector<16xf32>, vector<16xi1>
        %get3A_667 = arith.index_cast %add3A_495 : i32 to index
        %get3A_668 = arith.constant 16 : index
        %get3A_669 = tpu.vector_load %arg9[%get3A_667, %get3A_668] {strides = array<i32>} : memref<24x128xi32, #tpu.memory_space<vmem>>, vector<16xi32>,
        %broadcast_in_dim3A_670 = arith.constant true
        %broadcast_in_dim3A_671 = vector.broadcast %broadcast_in_dim3A_670 : i1 to vector<16xi1>
        %unique3A_672, %unique3A_673 = tpu.scan_count mask(%broadcast_in_dim3A_671 : vector<16xi1>) value(%get3A_669 : vector<16xi32>) : vector<16xi1>, vector<16xi32>
        %shift_right_arithmetic3A_674 = arith.constant 7 : i32
        %shift_right_arithmetic3A_675 = vector.broadcast %shift_right_arithmetic3A_674 : i32 to vector<16xi32>
        %shift_right_arithmetic3A_676 = arith.shrsi %get3A_669, %shift_right_arithmetic3A_675 : vector<16xi32>
        %and3A_677 = arith.constant 127 : i32
        %and3A_678 = vector.broadcast %and3A_677 : i32 to vector<16xi32>
        %and3A_679 = arith.andi %get3A_669, %and3A_678 : vector<16xi32>
        %convert_element_type3A_680 = arith.sitofp %unique3A_673 : vector<16xi32> to vector<16xf32>
        tpu.vector_store_idx %arg12[%shift_right_arithmetic3A_676, %and3A_679], %convert_element_type3A_680 masked %unique3A_672 {add = true} : memref<79x128xf32, #tpu.memory_space<vmem>>[vector<16xi32>, vector<16xi32>], vector<16xf32>, vector<16xi1>
        %get3A_681 = arith.index_cast %add3A_495 : i32 to index
        %get3A_682 = arith.constant 32 : index
        %get3A_683 = tpu.vector_load %arg9[%get3A_681, %get3A_682] {strides = array<i32>} : memref<24x128xi32, #tpu.memory_space<vmem>>, vector<16xi32>,
        %broadcast_in_dim3A_684 = arith.constant true
        %broadcast_in_dim3A_685 = vector.broadcast %broadcast_in_dim3A_684 : i1 to vector<16xi1>
        %unique3A_686, %unique3A_687 = tpu.scan_count mask(%broadcast_in_dim3A_685 : vector<16xi1>) value(%get3A_683 : vector<16xi32>) : vector<16xi1>, vector<16xi32>
        %shift_right_arithmetic3A_688 = arith.constant 7 : i32
        %shift_right_arithmetic3A_689 = vector.broadcast %shift_right_arithmetic3A_688 : i32 to vector<16xi32>
        %shift_right_arithmetic3A_690 = arith.shrsi %get3A_683, %shift_right_arithmetic3A_689 : vector<16xi32>
        %and3A_691 = arith.constant 127 : i32
        %and3A_692 = vector.broadcast %and3A_691 : i32 to vector<16xi32>
        %and3A_693 = arith.andi %get3A_683, %and3A_692 : vector<16xi32>
        %convert_element_type3A_694 = arith.sitofp %unique3A_687 : vector<16xi32> to vector<16xf32>
        tpu.vector_store_idx %arg12[%shift_right_arithmetic3A_690, %and3A_693], %convert_element_type3A_694 masked %unique3A_686 {add = true} : memref<79x128xf32, #tpu.memory_space<vmem>>[vector<16xi32>, vector<16xi32>], vector<16xf32>, vector<16xi1>
        %get3A_695 = arith.index_cast %add3A_495 : i32 to index
        %get3A_696 = arith.constant 48 : index
        %get3A_697 = tpu.vector_load %arg9[%get3A_695, %get3A_696] {strides = array<i32>} : memref<24x128xi32, #tpu.memory_space<vmem>>, vector<16xi32>,
        %broadcast_in_dim3A_698 = arith.constant true
        %broadcast_in_dim3A_699 = vector.broadcast %broadcast_in_dim3A_698 : i1 to vector<16xi1>
        %unique3A_700, %unique3A_701 = tpu.scan_count mask(%broadcast_in_dim3A_699 : vector<16xi1>) value(%get3A_697 : vector<16xi32>) : vector<16xi1>, vector<16xi32>
        %shift_right_arithmetic3A_702 = arith.constant 7 : i32
        %shift_right_arithmetic3A_703 = vector.broadcast %shift_right_arithmetic3A_702 : i32 to vector<16xi32>
        %shift_right_arithmetic3A_704 = arith.shrsi %get3A_697, %shift_right_arithmetic3A_703 : vector<16xi32>
        %and3A_705 = arith.constant 127 : i32
        %and3A_706 = vector.broadcast %and3A_705 : i32 to vector<16xi32>
        %and3A_707 = arith.andi %get3A_697, %and3A_706 : vector<16xi32>
        %convert_element_type3A_708 = arith.sitofp %unique3A_701 : vector<16xi32> to vector<16xf32>
        tpu.vector_store_idx %arg12[%shift_right_arithmetic3A_704, %and3A_707], %convert_element_type3A_708 masked %unique3A_700 {add = true} : memref<79x128xf32, #tpu.memory_space<vmem>>[vector<16xi32>, vector<16xi32>], vector<16xf32>, vector<16xi1>
        %get3A_709 = arith.index_cast %add3A_495 : i32 to index
        %get3A_710 = arith.constant 64 : index
        %get3A_711 = tpu.vector_load %arg9[%get3A_709, %get3A_710] {strides = array<i32>} : memref<24x128xi32, #tpu.memory_space<vmem>>, vector<16xi32>,
        %broadcast_in_dim3A_712 = arith.constant true
        %broadcast_in_dim3A_713 = vector.broadcast %broadcast_in_dim3A_712 : i1 to vector<16xi1>
        %unique3A_714, %unique3A_715 = tpu.scan_count mask(%broadcast_in_dim3A_713 : vector<16xi1>) value(%get3A_711 : vector<16xi32>) : vector<16xi1>, vector<16xi32>
        %shift_right_arithmetic3A_716 = arith.constant 7 : i32
        %shift_right_arithmetic3A_717 = vector.broadcast %shift_right_arithmetic3A_716 : i32 to vector<16xi32>
        %shift_right_arithmetic3A_718 = arith.shrsi %get3A_711, %shift_right_arithmetic3A_717 : vector<16xi32>
        %and3A_719 = arith.constant 127 : i32
        %and3A_720 = vector.broadcast %and3A_719 : i32 to vector<16xi32>
        %and3A_721 = arith.andi %get3A_711, %and3A_720 : vector<16xi32>
        %convert_element_type3A_722 = arith.sitofp %unique3A_715 : vector<16xi32> to vector<16xf32>
        tpu.vector_store_idx %arg12[%shift_right_arithmetic3A_718, %and3A_721], %convert_element_type3A_722 masked %unique3A_714 {add = true} : memref<79x128xf32, #tpu.memory_space<vmem>>[vector<16xi32>, vector<16xi32>], vector<16xf32>, vector<16xi1>
        %get3A_723 = arith.index_cast %add3A_495 : i32 to index
        %get3A_724 = arith.constant 80 : index
        %get3A_725 = tpu.vector_load %arg9[%get3A_723, %get3A_724] {strides = array<i32>} : memref<24x128xi32, #tpu.memory_space<vmem>>, vector<16xi32>,
        %broadcast_in_dim3A_726 = arith.constant true
        %broadcast_in_dim3A_727 = vector.broadcast %broadcast_in_dim3A_726 : i1 to vector<16xi1>
        %unique3A_728, %unique3A_729 = tpu.scan_count mask(%broadcast_in_dim3A_727 : vector<16xi1>) value(%get3A_725 : vector<16xi32>) : vector<16xi1>, vector<16xi32>
        %shift_right_arithmetic3A_730 = arith.constant 7 : i32
        %shift_right_arithmetic3A_731 = vector.broadcast %shift_right_arithmetic3A_730 : i32 to vector<16xi32>
        %shift_right_arithmetic3A_732 = arith.shrsi %get3A_725, %shift_right_arithmetic3A_731 : vector<16xi32>
        %and3A_733 = arith.constant 127 : i32
        %and3A_734 = vector.broadcast %and3A_733 : i32 to vector<16xi32>
        %and3A_735 = arith.andi %get3A_725, %and3A_734 : vector<16xi32>
        %convert_element_type3A_736 = arith.sitofp %unique3A_729 : vector<16xi32> to vector<16xf32>
        tpu.vector_store_idx %arg12[%shift_right_arithmetic3A_732, %and3A_735], %convert_element_type3A_736 masked %unique3A_728 {add = true} : memref<79x128xf32, #tpu.memory_space<vmem>>[vector<16xi32>, vector<16xi32>], vector<16xf32>, vector<16xi1>
        %get3A_737 = arith.index_cast %add3A_495 : i32 to index
        %get3A_738 = arith.constant 96 : index
        %get3A_739 = tpu.vector_load %arg9[%get3A_737, %get3A_738] {strides = array<i32>} : memref<24x128xi32, #tpu.memory_space<vmem>>, vector<16xi32>,
        %broadcast_in_dim3A_740 = arith.constant true
        %broadcast_in_dim3A_741 = vector.broadcast %broadcast_in_dim3A_740 : i1 to vector<16xi1>
        %unique3A_742, %unique3A_743 = tpu.scan_count mask(%broadcast_in_dim3A_741 : vector<16xi1>) value(%get3A_739 : vector<16xi32>) : vector<16xi1>, vector<16xi32>
        %shift_right_arithmetic3A_744 = arith.constant 7 : i32
        %shift_right_arithmetic3A_745 = vector.broadcast %shift_right_arithmetic3A_744 : i32 to vector<16xi32>
        %shift_right_arithmetic3A_746 = arith.shrsi %get3A_739, %shift_right_arithmetic3A_745 : vector<16xi32>
        %and3A_747 = arith.constant 127 : i32
        %and3A_748 = vector.broadcast %and3A_747 : i32 to vector<16xi32>
        %and3A_749 = arith.andi %get3A_739, %and3A_748 : vector<16xi32>
        %convert_element_type3A_750 = arith.sitofp %unique3A_743 : vector<16xi32> to vector<16xf32>
        tpu.vector_store_idx %arg12[%shift_right_arithmetic3A_746, %and3A_749], %convert_element_type3A_750 masked %unique3A_742 {add = true} : memref<79x128xf32, #tpu.memory_space<vmem>>[vector<16xi32>, vector<16xi32>], vector<16xf32>, vector<16xi1>
        %get3A_751 = arith.index_cast %add3A_495 : i32 to index
        %get3A_752 = arith.constant 112 : index
        %get3A_753 = tpu.vector_load %arg9[%get3A_751, %get3A_752] {strides = array<i32>} : memref<24x128xi32, #tpu.memory_space<vmem>>, vector<16xi32>,
        %broadcast_in_dim3A_754 = arith.constant true
        %broadcast_in_dim3A_755 = vector.broadcast %broadcast_in_dim3A_754 : i1 to vector<16xi1>
        %unique3A_756, %unique3A_757 = tpu.scan_count mask(%broadcast_in_dim3A_755 : vector<16xi1>) value(%get3A_753 : vector<16xi32>) : vector<16xi1>, vector<16xi32>
        %shift_right_arithmetic3A_758 = arith.constant 7 : i32
        %shift_right_arithmetic3A_759 = vector.broadcast %shift_right_arithmetic3A_758 : i32 to vector<16xi32>
        %shift_right_arithmetic3A_760 = arith.shrsi %get3A_753, %shift_right_arithmetic3A_759 : vector<16xi32>
        %and3A_761 = arith.constant 127 : i32
        %and3A_762 = vector.broadcast %and3A_761 : i32 to vector<16xi32>
        %and3A_763 = arith.andi %get3A_753, %and3A_762 : vector<16xi32>
        %convert_element_type3A_764 = arith.sitofp %unique3A_757 : vector<16xi32> to vector<16xf32>
        tpu.vector_store_idx %arg12[%shift_right_arithmetic3A_760, %and3A_763], %convert_element_type3A_764 masked %unique3A_756 {add = true} : memref<79x128xf32, #tpu.memory_space<vmem>>[vector<16xi32>, vector<16xi32>], vector<16xf32>, vector<16xi1>
        %dma_wait3A_765 = arith.constant 0 : i32
        %dma_wait3A_766 = arith.constant 0 : i32
        %dma_wait3A_767 = tpu.memref_slice %arg9[%dma_wait3A_765, %dma_wait3A_766] : memref<24x128xi32, #tpu.memory_space<vmem>> -> memref<1x128xi32, #tpu.memory_space<vmem>>
        %dma_wait3A_768 = tpu.memref_squeeze %dma_wait3A_767 : memref<1x128xi32, #tpu.memory_space<vmem>> -> memref<128xi32, #tpu.memory_space<vmem>>
        %dma_wait3A_769 = arith.constant 0 : i32
        %dma_wait3A_770 = arith.constant 0 : i32
        %dma_wait3A_771 = tpu.memref_slice %arg13[%dma_wait3A_769, %dma_wait3A_770] : memref<10112x128xf32, #tpu.memory_space<vmem_shared>> -> memref<10112x128xf32, #tpu.memory_space<vmem_shared>>
        tpu.wait_indirect_dma semaphore(%arg17 : memref<!tpu.dma_semaphore, #tpu.memory_space<semaphore_mem>>) src(%arg11 : memref<128x128xf32, #tpu.memory_space<vmem>>) dst(%dma_wait3A_771 : memref<10112x128xf32, #tpu.memory_space<vmem_shared>>)
      } else {
      }
    }
    %scan3A_414 = arith.constant 12 : i32
    %sub3A = arith.constant 72 : i32
    %sub3A_415 = arith.subi %add3A_4, %sub3A : i32
    %dma_start3A_416 = arith.constant 0 : i32
    %dma_start3A_417 = arith.constant 0 : i32
    %dma_start3A_418 = tpu.memref_slice %arg8[%dma_start3A_416, %dma_start3A_417] : memref<24x128xi32, #tpu.memory_space<vmem>> -> memref<8x128xi32, #tpu.memory_space<vmem>>
    %dma_start3A_419 = arith.constant 72 : i32
    %dma_start3A_420 = tpu.memref_slice %arg7[%dma_start3A_419] : memref<80xi32, #tpu.memory_space<vmem>> -> memref<8xi32, #tpu.memory_space<vmem>>
    %dma_start3A_421 = arith.constant 0 : i32
    %dma_start3A_422 = arith.constant 0 : i32
    %dma_start3A_423 = tpu.memref_slice %arg3[%dma_start3A_421, %dma_start3A_422] : memref<2500x128xi32, #tpu.memory_space<hbm>> -> memref<2500x128xi32, #tpu.memory_space<hbm>>
    tpu.enqueue_indirect_dma source(%dma_start3A_423 : memref<2500x128xi32, #tpu.memory_space<hbm>>) target(%dma_start3A_418 : memref<8x128xi32, #tpu.memory_space<vmem>>) offsets(%dma_start3A_420 : memref<8xi32, #tpu.memory_space<vmem>>) semaphore(%arg14 : memref<!tpu.dma_semaphore, #tpu.memory_space<semaphore_mem>>)
    %dma_start3A_424 = arith.constant 0 : i32
    %dma_start3A_425 = arith.constant 0 : i32
    %dma_start3A_426 = tpu.memref_slice %arg9[%dma_start3A_424, %dma_start3A_425] : memref<24x128xi32, #tpu.memory_space<vmem>> -> memref<8x128xi32, #tpu.memory_space<vmem>>
    %dma_start3A_427 = arith.constant 72 : i32
    %dma_start3A_428 = tpu.memref_slice %arg7[%dma_start3A_427] : memref<80xi32, #tpu.memory_space<vmem>> -> memref<8xi32, #tpu.memory_space<vmem>>
    %dma_start3A_429 = arith.constant 0 : i32
    %dma_start3A_430 = arith.constant 0 : i32
    %dma_start3A_431 = tpu.memref_slice %arg4[%dma_start3A_429, %dma_start3A_430] : memref<2500x128xi32, #tpu.memory_space<hbm>> -> memref<2500x128xi32, #tpu.memory_space<hbm>>
    tpu.enqueue_indirect_dma source(%dma_start3A_431 : memref<2500x128xi32, #tpu.memory_space<hbm>>) target(%dma_start3A_426 : memref<8x128xi32, #tpu.memory_space<vmem>>) offsets(%dma_start3A_428 : memref<8xi32, #tpu.memory_space<vmem>>) semaphore(%arg14 : memref<!tpu.dma_semaphore, #tpu.memory_space<semaphore_mem>>)
    %dma_wait3A_432 = arith.constant 0 : i32
    %dma_wait3A_433 = arith.constant 0 : i32
    %dma_wait3A_434 = tpu.memref_slice %arg8[%dma_wait3A_432, %dma_wait3A_433] : memref<24x128xi32, #tpu.memory_space<vmem>> -> memref<8x128xi32, #tpu.memory_space<vmem>>
    %dma_wait3A_435 = arith.constant 72 : i32
    %dma_wait3A_436 = tpu.memref_slice %arg7[%dma_wait3A_435] : memref<80xi32, #tpu.memory_space<vmem>> -> memref<8xi32, #tpu.memory_space<vmem>>
    %dma_wait3A_437 = arith.constant 0 : i32
    %dma_wait3A_438 = arith.constant 0 : i32
    %dma_wait3A_439 = tpu.memref_slice %arg3[%dma_wait3A_437, %dma_wait3A_438] : memref<2500x128xi32, #tpu.memory_space<hbm>> -> memref<2500x128xi32, #tpu.memory_space<hbm>>
    tpu.wait_indirect_dma semaphore(%arg14 : memref<!tpu.dma_semaphore, #tpu.memory_space<semaphore_mem>>) src(%dma_wait3A_439 : memref<2500x128xi32, #tpu.memory_space<hbm>>) dst(%dma_wait3A_434 : memref<8x128xi32, #tpu.memory_space<vmem>>)
    %dma_wait3A_440 = arith.constant 0 : i32
    %dma_wait3A_441 = arith.constant 0 : i32
    %dma_wait3A_442 = tpu.memref_slice %arg9[%dma_wait3A_440, %dma_wait3A_441] : memref<24x128xi32, #tpu.memory_space<vmem>> -> memref<8x128xi32, #tpu.memory_space<vmem>>
    %dma_wait3A_443 = arith.constant 72 : i32
    %dma_wait3A_444 = tpu.memref_slice %arg7[%dma_wait3A_443] : memref<80xi32, #tpu.memory_space<vmem>> -> memref<8xi32, #tpu.memory_space<vmem>>
    %dma_wait3A_445 = arith.constant 0 : i32
    %dma_wait3A_446 = arith.constant 0 : i32
    %dma_wait3A_447 = tpu.memref_slice %arg4[%dma_wait3A_445, %dma_wait3A_446] : memref<2500x128xi32, #tpu.memory_space<hbm>> -> memref<2500x128xi32, #tpu.memory_space<hbm>>
    tpu.wait_indirect_dma semaphore(%arg14 : memref<!tpu.dma_semaphore, #tpu.memory_space<semaphore_mem>>) src(%dma_wait3A_447 : memref<2500x128xi32, #tpu.memory_space<hbm>>) dst(%dma_wait3A_442 : memref<8x128xi32, #tpu.memory_space<vmem>>)
    %dma_start3A_448 = arith.constant 0 : i32
    %dma_start3A_449 = arith.constant 0 : i32
    %dma_start3A_450 = tpu.memref_slice %arg8[%dma_start3A_448, %dma_start3A_449] : memref<24x128xi32, #tpu.memory_space<vmem>> -> memref<1x128xi32, #tpu.memory_space<vmem>>
    %dma_start3A_451 = tpu.memref_squeeze %dma_start3A_450 : memref<1x128xi32, #tpu.memory_space<vmem>> -> memref<128xi32, #tpu.memory_space<vmem>>
    %dma_start3A_452 = arith.constant 0 : i32
    %dma_start3A_453 = arith.constant 0 : i32
    %dma_start3A_454 = tpu.memref_slice %arg2[%dma_start3A_452, %dma_start3A_453] : memref<10112x128xf32, #tpu.memory_space<hbm>> -> memref<10112x128xf32, #tpu.memory_space<hbm>>
    tpu.enqueue_indirect_dma source(%dma_start3A_454 : memref<10112x128xf32, #tpu.memory_space<hbm>>) target(%arg10 : memref<128x128xf32, #tpu.memory_space<vmem>>) offsets(%dma_start3A_451 : memref<128xi32, #tpu.memory_space<vmem>>) semaphore(%arg14 : memref<!tpu.dma_semaphore, #tpu.memory_space<semaphore_mem>>)
    %add3A_455 = arith.constant 1 : i32
    %add3A_456 = arith.addi %sub3A_415, %add3A_455 : i32
    %jit3A_457 = arith.constant 2 : i32
    %div3A = arith.divsi %add3A_456, %jit3A_457 : i32
    %sign3A = arith.constant 0 : i32
    %sign3A_458 = arith.cmpi sgt, %add3A_456, %sign3A : i32
    %sign3A_459 = arith.extui %sign3A_458 : i1 to i32
    %sign3A_460 = arith.constant 0 : i32
    %sign3A_461 = arith.cmpi slt, %add3A_456, %sign3A_460 : i32
    %sign3A_462 = arith.extui %sign3A_461 : i1 to i32
    %sign3A_463 = arith.subi %sign3A_459, %sign3A_462 : i32
    %sign3A_464 = arith.constant 0 : i32
    %sign3A_465 = arith.cmpi sgt, %jit3A_457, %sign3A_464 : i32
    %sign3A_466 = arith.extui %sign3A_465 : i1 to i32
    %sign3A_467 = arith.constant 0 : i32
    %sign3A_468 = arith.cmpi slt, %jit3A_457, %sign3A_467 : i32
    %sign3A_469 = arith.extui %sign3A_468 : i1 to i32
    %sign3A_470 = arith.subi %sign3A_466, %sign3A_469 : i32
    %ne3A = arith.cmpi ne, %sign3A_463, %sign3A_470 : i32
    %rem3A = arith.remsi %add3A_456, %jit3A_457 : i32
    %ne3A_471 = arith.constant 0 : i32
    %ne3A_472 = arith.cmpi ne, %rem3A, %ne3A_471 : i32
    %and3A_473 = arith.andi %ne3A, %ne3A_472 : i1
    %sub3A_474 = arith.constant 1 : i32
    %sub3A_475 = arith.subi %div3A, %sub3A_474 : i32
    %select_n3A_476 = arith.select %and3A_473, %sub3A_475, %div3A : i32
    %while3A = arith.constant 0 : i32
    %while3A_477 = arith.constant 0 : i32
    %while3A_478 = arith.subi %select_n3A_476, %while3A_477 : i32
    %while3A_479 = arith.addi %while3A_477, %while3A_478 : i32
    %while3A_480 = arith.constant 1 : i32
    %while3A_481 = arith.divsi %while3A_478, %while3A_480 : i32
    %while3A_482 = arith.muli %while3A_481, %while3A_480 : i32
    %while3A_483 = arith.addi %while3A_477, %while3A_482 : i32
    %while3A_484 = arith.constant 1 : i32
    scf.for %while3A_491 = %while3A_477 to %while3A_483 step %while3A_484  : i32 {
      %mul3A_492 = arith.constant 2 : i32
      %mul3A_493 = arith.muli %mul3A_492, %while3A_491 : i32
      %add3A_494 = arith.constant 1 : i32
      %add3A_495 = arith.addi %mul3A_493, %add3A_494 : i32
      %lt3A_496 = arith.cmpi slt, %add3A_495, %sub3A_415 : i32
      %convert_element_type3A = arith.extui %lt3A_496 : i1 to i32
      %cond3A = arith.constant 0 : i32
      %cond3A_497 = arith.cmpi ne, %convert_element_type3A, %cond3A : i32
      scf.if %cond3A_497 {
        %dma_start3A_637 = arith.constant 0 : i32
        %dma_start3A_638 = tpu.memref_slice %arg8[%add3A_495, %dma_start3A_637] : memref<24x128xi32, #tpu.memory_space<vmem>> -> memref<1x128xi32, #tpu.memory_space<vmem>>
        %dma_start3A_639 = tpu.memref_squeeze %dma_start3A_638 : memref<1x128xi32, #tpu.memory_space<vmem>> -> memref<128xi32, #tpu.memory_space<vmem>>
        %dma_start3A_640 = arith.constant 0 : i32
        %dma_start3A_641 = arith.constant 0 : i32
        %dma_start3A_642 = tpu.memref_slice %arg2[%dma_start3A_640, %dma_start3A_641] : memref<10112x128xf32, #tpu.memory_space<hbm>> -> memref<10112x128xf32, #tpu.memory_space<hbm>>
        tpu.enqueue_indirect_dma source(%dma_start3A_642 : memref<10112x128xf32, #tpu.memory_space<hbm>>) target(%arg11 : memref<128x128xf32, #tpu.memory_space<vmem>>) offsets(%dma_start3A_639 : memref<128xi32, #tpu.memory_space<vmem>>) semaphore(%arg15 : memref<!tpu.dma_semaphore, #tpu.memory_space<semaphore_mem>>)
      } else {
      }
      %dma_wait3A_498 = arith.constant 0 : i32
      %dma_wait3A_499 = arith.constant 0 : i32
      %dma_wait3A_500 = tpu.memref_slice %arg8[%dma_wait3A_498, %dma_wait3A_499] : memref<24x128xi32, #tpu.memory_space<vmem>> -> memref<1x128xi32, #tpu.memory_space<vmem>>
      %dma_wait3A_501 = tpu.memref_squeeze %dma_wait3A_500 : memref<1x128xi32, #tpu.memory_space<vmem>> -> memref<128xi32, #tpu.memory_space<vmem>>
      %dma_wait3A_502 = arith.constant 0 : i32
      %dma_wait3A_503 = arith.constant 0 : i32
      %dma_wait3A_504 = tpu.memref_slice %arg2[%dma_wait3A_502, %dma_wait3A_503] : memref<10112x128xf32, #tpu.memory_space<hbm>> -> memref<10112x128xf32, #tpu.memory_space<hbm>>
      tpu.wait_indirect_dma semaphore(%arg14 : memref<!tpu.dma_semaphore, #tpu.memory_space<semaphore_mem>>) src(%dma_wait3A_504 : memref<10112x128xf32, #tpu.memory_space<hbm>>) dst(%arg10 : memref<128x128xf32, #tpu.memory_space<vmem>>)
      %dma_start3A_505 = arith.constant 0 : i32
      %dma_start3A_506 = tpu.memref_slice %arg9[%mul3A_493, %dma_start3A_505] : memref<24x128xi32, #tpu.memory_space<vmem>> -> memref<1x128xi32, #tpu.memory_space<vmem>>
      %dma_start3A_507 = tpu.memref_squeeze %dma_start3A_506 : memref<1x128xi32, #tpu.memory_space<vmem>> -> memref<128xi32, #tpu.memory_space<vmem>>
      %dma_start3A_508 = arith.constant 0 : i32
      %dma_start3A_509 = arith.constant 0 : i32
      %dma_start3A_510 = tpu.memref_slice %arg13[%dma_start3A_508, %dma_start3A_509] : memref<10112x128xf32, #tpu.memory_space<vmem_shared>> -> memref<10112x128xf32, #tpu.memory_space<vmem_shared>>
      tpu.enqueue_indirect_dma source(%arg10 : memref<128x128xf32, #tpu.memory_space<vmem>>) target(%dma_start3A_510 : memref<10112x128xf32, #tpu.memory_space<vmem_shared>>) offsets(%dma_start3A_507 : memref<128xi32, #tpu.memory_space<vmem>>) semaphore(%arg16 : memref<!tpu.dma_semaphore, #tpu.memory_space<semaphore_mem>>) {add = true}
      %get3A = arith.index_cast %mul3A_493 : i32 to index
      %get3A_511 = arith.constant 0 : index
      %get3A_512 = tpu.vector_load %arg9[%get3A, %get3A_511] {strides = array<i32>} : memref<24x128xi32, #tpu.memory_space<vmem>>, vector<16xi32>,
      %broadcast_in_dim3A_513 = arith.constant true
      %broadcast_in_dim3A_514 = vector.broadcast %broadcast_in_dim3A_513 : i1 to vector<16xi1>
      %unique3A, %unique3A_515 = tpu.scan_count mask(%broadcast_in_dim3A_514 : vector<16xi1>) value(%get3A_512 : vector<16xi32>) : vector<16xi1>, vector<16xi32>
      %shift_right_arithmetic3A = arith.constant 7 : i32
      %shift_right_arithmetic3A_516 = vector.broadcast %shift_right_arithmetic3A : i32 to vector<16xi32>
      %shift_right_arithmetic3A_517 = arith.shrsi %get3A_512, %shift_right_arithmetic3A_516 : vector<16xi32>
      %and3A_518 = arith.constant 127 : i32
      %and3A_519 = vector.broadcast %and3A_518 : i32 to vector<16xi32>
      %and3A_520 = arith.andi %get3A_512, %and3A_519 : vector<16xi32>
      %convert_element_type3A_521 = arith.sitofp %unique3A_515 : vector<16xi32> to vector<16xf32>
      tpu.vector_store_idx %arg12[%shift_right_arithmetic3A_517, %and3A_520], %convert_element_type3A_521 masked %unique3A {add = true} : memref<79x128xf32, #tpu.memory_space<vmem>>[vector<16xi32>, vector<16xi32>], vector<16xf32>, vector<16xi1>
      %get3A_522 = arith.index_cast %mul3A_493 : i32 to index
      %get3A_523 = arith.constant 16 : index
      %get3A_524 = tpu.vector_load %arg9[%get3A_522, %get3A_523] {strides = array<i32>} : memref<24x128xi32, #tpu.memory_space<vmem>>, vector<16xi32>,
      %broadcast_in_dim3A_525 = arith.constant true
      %broadcast_in_dim3A_526 = vector.broadcast %broadcast_in_dim3A_525 : i1 to vector<16xi1>
      %unique3A_527, %unique3A_528 = tpu.scan_count mask(%broadcast_in_dim3A_526 : vector<16xi1>) value(%get3A_524 : vector<16xi32>) : vector<16xi1>, vector<16xi32>
      %shift_right_arithmetic3A_529 = arith.constant 7 : i32
      %shift_right_arithmetic3A_530 = vector.broadcast %shift_right_arithmetic3A_529 : i32 to vector<16xi32>
      %shift_right_arithmetic3A_531 = arith.shrsi %get3A_524, %shift_right_arithmetic3A_530 : vector<16xi32>
      %and3A_532 = arith.constant 127 : i32
      %and3A_533 = vector.broadcast %and3A_532 : i32 to vector<16xi32>
      %and3A_534 = arith.andi %get3A_524, %and3A_533 : vector<16xi32>
      %convert_element_type3A_535 = arith.sitofp %unique3A_528 : vector<16xi32> to vector<16xf32>
      tpu.vector_store_idx %arg12[%shift_right_arithmetic3A_531, %and3A_534], %convert_element_type3A_535 masked %unique3A_527 {add = true} : memref<79x128xf32, #tpu.memory_space<vmem>>[vector<16xi32>, vector<16xi32>], vector<16xf32>, vector<16xi1>
      %get3A_536 = arith.index_cast %mul3A_493 : i32 to index
      %get3A_537 = arith.constant 32 : index
      %get3A_538 = tpu.vector_load %arg9[%get3A_536, %get3A_537] {strides = array<i32>} : memref<24x128xi32, #tpu.memory_space<vmem>>, vector<16xi32>,
      %broadcast_in_dim3A_539 = arith.constant true
      %broadcast_in_dim3A_540 = vector.broadcast %broadcast_in_dim3A_539 : i1 to vector<16xi1>
      %unique3A_541, %unique3A_542 = tpu.scan_count mask(%broadcast_in_dim3A_540 : vector<16xi1>) value(%get3A_538 : vector<16xi32>) : vector<16xi1>, vector<16xi32>
      %shift_right_arithmetic3A_543 = arith.constant 7 : i32
      %shift_right_arithmetic3A_544 = vector.broadcast %shift_right_arithmetic3A_543 : i32 to vector<16xi32>
      %shift_right_arithmetic3A_545 = arith.shrsi %get3A_538, %shift_right_arithmetic3A_544 : vector<16xi32>
      %and3A_546 = arith.constant 127 : i32
      %and3A_547 = vector.broadcast %and3A_546 : i32 to vector<16xi32>
      %and3A_548 = arith.andi %get3A_538, %and3A_547 : vector<16xi32>
      %convert_element_type3A_549 = arith.sitofp %unique3A_542 : vector<16xi32> to vector<16xf32>
      tpu.vector_store_idx %arg12[%shift_right_arithmetic3A_545, %and3A_548], %convert_element_type3A_549 masked %unique3A_541 {add = true} : memref<79x128xf32, #tpu.memory_space<vmem>>[vector<16xi32>, vector<16xi32>], vector<16xf32>, vector<16xi1>
      %get3A_550 = arith.index_cast %mul3A_493 : i32 to index
      %get3A_551 = arith.constant 48 : index
      %get3A_552 = tpu.vector_load %arg9[%get3A_550, %get3A_551] {strides = array<i32>} : memref<24x128xi32, #tpu.memory_space<vmem>>, vector<16xi32>,
      %broadcast_in_dim3A_553 = arith.constant true
      %broadcast_in_dim3A_554 = vector.broadcast %broadcast_in_dim3A_553 : i1 to vector<16xi1>
      %unique3A_555, %unique3A_556 = tpu.scan_count mask(%broadcast_in_dim3A_554 : vector<16xi1>) value(%get3A_552 : vector<16xi32>) : vector<16xi1>, vector<16xi32>
      %shift_right_arithmetic3A_557 = arith.constant 7 : i32
      %shift_right_arithmetic3A_558 = vector.broadcast %shift_right_arithmetic3A_557 : i32 to vector<16xi32>
      %shift_right_arithmetic3A_559 = arith.shrsi %get3A_552, %shift_right_arithmetic3A_558 : vector<16xi32>
      %and3A_560 = arith.constant 127 : i32
      %and3A_561 = vector.broadcast %and3A_560 : i32 to vector<16xi32>
      %and3A_562 = arith.andi %get3A_552, %and3A_561 : vector<16xi32>
      %convert_element_type3A_563 = arith.sitofp %unique3A_556 : vector<16xi32> to vector<16xf32>
      tpu.vector_store_idx %arg12[%shift_right_arithmetic3A_559, %and3A_562], %convert_element_type3A_563 masked %unique3A_555 {add = true} : memref<79x128xf32, #tpu.memory_space<vmem>>[vector<16xi32>, vector<16xi32>], vector<16xf32>, vector<16xi1>
      %get3A_564 = arith.index_cast %mul3A_493 : i32 to index
      %get3A_565 = arith.constant 64 : index
      %get3A_566 = tpu.vector_load %arg9[%get3A_564, %get3A_565] {strides = array<i32>} : memref<24x128xi32, #tpu.memory_space<vmem>>, vector<16xi32>,
      %broadcast_in_dim3A_567 = arith.constant true
      %broadcast_in_dim3A_568 = vector.broadcast %broadcast_in_dim3A_567 : i1 to vector<16xi1>
      %unique3A_569, %unique3A_570 = tpu.scan_count mask(%broadcast_in_dim3A_568 : vector<16xi1>) value(%get3A_566 : vector<16xi32>) : vector<16xi1>, vector<16xi32>
      %shift_right_arithmetic3A_571 = arith.constant 7 : i32
      %shift_right_arithmetic3A_572 = vector.broadcast %shift_right_arithmetic3A_571 : i32 to vector<16xi32>
      %shift_right_arithmetic3A_573 = arith.shrsi %get3A_566, %shift_right_arithmetic3A_572 : vector<16xi32>
      %and3A_574 = arith.constant 127 : i32
      %and3A_575 = vector.broadcast %and3A_574 : i32 to vector<16xi32>
      %and3A_576 = arith.andi %get3A_566, %and3A_575 : vector<16xi32>
      %convert_element_type3A_577 = arith.sitofp %unique3A_570 : vector<16xi32> to vector<16xf32>
      tpu.vector_store_idx %arg12[%shift_right_arithmetic3A_573, %and3A_576], %convert_element_type3A_577 masked %unique3A_569 {add = true} : memref<79x128xf32, #tpu.memory_space<vmem>>[vector<16xi32>, vector<16xi32>], vector<16xf32>, vector<16xi1>
      %get3A_578 = arith.index_cast %mul3A_493 : i32 to index
      %get3A_579 = arith.constant 80 : index
      %get3A_580 = tpu.vector_load %arg9[%get3A_578, %get3A_579] {strides = array<i32>} : memref<24x128xi32, #tpu.memory_space<vmem>>, vector<16xi32>,
      %broadcast_in_dim3A_581 = arith.constant true
      %broadcast_in_dim3A_582 = vector.broadcast %broadcast_in_dim3A_581 : i1 to vector<16xi1>
      %unique3A_583, %unique3A_584 = tpu.scan_count mask(%broadcast_in_dim3A_582 : vector<16xi1>) value(%get3A_580 : vector<16xi32>) : vector<16xi1>, vector<16xi32>
      %shift_right_arithmetic3A_585 = arith.constant 7 : i32
      %shift_right_arithmetic3A_586 = vector.broadcast %shift_right_arithmetic3A_585 : i32 to vector<16xi32>
      %shift_right_arithmetic3A_587 = arith.shrsi %get3A_580, %shift_right_arithmetic3A_586 : vector<16xi32>
      %and3A_588 = arith.constant 127 : i32
      %and3A_589 = vector.broadcast %and3A_588 : i32 to vector<16xi32>
      %and3A_590 = arith.andi %get3A_580, %and3A_589 : vector<16xi32>
      %convert_element_type3A_591 = arith.sitofp %unique3A_584 : vector<16xi32> to vector<16xf32>
      tpu.vector_store_idx %arg12[%shift_right_arithmetic3A_587, %and3A_590], %convert_element_type3A_591 masked %unique3A_583 {add = true} : memref<79x128xf32, #tpu.memory_space<vmem>>[vector<16xi32>, vector<16xi32>], vector<16xf32>, vector<16xi1>
      %get3A_592 = arith.index_cast %mul3A_493 : i32 to index
      %get3A_593 = arith.constant 96 : index
      %get3A_594 = tpu.vector_load %arg9[%get3A_592, %get3A_593] {strides = array<i32>} : memref<24x128xi32, #tpu.memory_space<vmem>>, vector<16xi32>,
      %broadcast_in_dim3A_595 = arith.constant true
      %broadcast_in_dim3A_596 = vector.broadcast %broadcast_in_dim3A_595 : i1 to vector<16xi1>
      %unique3A_597, %unique3A_598 = tpu.scan_count mask(%broadcast_in_dim3A_596 : vector<16xi1>) value(%get3A_594 : vector<16xi32>) : vector<16xi1>, vector<16xi32>
      %shift_right_arithmetic3A_599 = arith.constant 7 : i32
      %shift_right_arithmetic3A_600 = vector.broadcast %shift_right_arithmetic3A_599 : i32 to vector<16xi32>
      %shift_right_arithmetic3A_601 = arith.shrsi %get3A_594, %shift_right_arithmetic3A_600 : vector<16xi32>
      %and3A_602 = arith.constant 127 : i32
      %and3A_603 = vector.broadcast %and3A_602 : i32 to vector<16xi32>
      %and3A_604 = arith.andi %get3A_594, %and3A_603 : vector<16xi32>
      %convert_element_type3A_605 = arith.sitofp %unique3A_598 : vector<16xi32> to vector<16xf32>
      tpu.vector_store_idx %arg12[%shift_right_arithmetic3A_601, %and3A_604], %convert_element_type3A_605 masked %unique3A_597 {add = true} : memref<79x128xf32, #tpu.memory_space<vmem>>[vector<16xi32>, vector<16xi32>], vector<16xf32>, vector<16xi1>
      %get3A_606 = arith.index_cast %mul3A_493 : i32 to index
      %get3A_607 = arith.constant 112 : index
      %get3A_608 = tpu.vector_load %arg9[%get3A_606, %get3A_607] {strides = array<i32>} : memref<24x128xi32, #tpu.memory_space<vmem>>, vector<16xi32>,
      %broadcast_in_dim3A_609 = arith.constant true
      %broadcast_in_dim3A_610 = vector.broadcast %broadcast_in_dim3A_609 : i1 to vector<16xi1>
      %unique3A_611, %unique3A_612 = tpu.scan_count mask(%broadcast_in_dim3A_610 : vector<16xi1>) value(%get3A_608 : vector<16xi32>) : vector<16xi1>, vector<16xi32>
      %shift_right_arithmetic3A_613 = arith.constant 7 : i32
      %shift_right_arithmetic3A_614 = vector.broadcast %shift_right_arithmetic3A_613 : i32 to vector<16xi32>
      %shift_right_arithmetic3A_615 = arith.shrsi %get3A_608, %shift_right_arithmetic3A_614 : vector<16xi32>
      %and3A_616 = arith.constant 127 : i32
      %and3A_617 = vector.broadcast %and3A_616 : i32 to vector<16xi32>
      %and3A_618 = arith.andi %get3A_608, %and3A_617 : vector<16xi32>
      %convert_element_type3A_619 = arith.sitofp %unique3A_612 : vector<16xi32> to vector<16xf32>
      tpu.vector_store_idx %arg12[%shift_right_arithmetic3A_615, %and3A_618], %convert_element_type3A_619 masked %unique3A_611 {add = true} : memref<79x128xf32, #tpu.memory_space<vmem>>[vector<16xi32>, vector<16xi32>], vector<16xf32>, vector<16xi1>
      %dma_wait3A_620 = arith.constant 0 : i32
      %dma_wait3A_621 = arith.constant 0 : i32
      %dma_wait3A_622 = tpu.memref_slice %arg9[%dma_wait3A_620, %dma_wait3A_621] : memref<24x128xi32, #tpu.memory_space<vmem>> -> memref<1x128xi32, #tpu.memory_space<vmem>>
      %dma_wait3A_623 = tpu.memref_squeeze %dma_wait3A_622 : memref<1x128xi32, #tpu.memory_space<vmem>> -> memref<128xi32, #tpu.memory_space<vmem>>
      %dma_wait3A_624 = arith.constant 0 : i32
      %dma_wait3A_625 = arith.constant 0 : i32
      %dma_wait3A_626 = tpu.memref_slice %arg13[%dma_wait3A_624, %dma_wait3A_625] : memref<10112x128xf32, #tpu.memory_space<vmem_shared>> -> memref<10112x128xf32, #tpu.memory_space<vmem_shared>>
      tpu.wait_indirect_dma semaphore(%arg16 : memref<!tpu.dma_semaphore, #tpu.memory_space<semaphore_mem>>) src(%arg10 : memref<128x128xf32, #tpu.memory_space<vmem>>) dst(%dma_wait3A_626 : memref<10112x128xf32, #tpu.memory_space<vmem_shared>>)
      %add3A_627 = arith.constant 2 : i32
      %add3A_628 = arith.addi %mul3A_493, %add3A_627 : i32
      %lt3A_629 = arith.cmpi slt, %add3A_628, %sub3A_415 : i32
      %convert_element_type3A_630 = arith.extui %lt3A_629 : i1 to i32
      %cond3A_631 = arith.constant 0 : i32
      %cond3A_632 = arith.cmpi ne, %convert_element_type3A_630, %cond3A_631 : i32
      scf.if %cond3A_632 {
        %add3A_637 = arith.constant 2 : i32
        %add3A_638 = arith.addi %mul3A_493, %add3A_637 : i32
        %dma_start3A_639 = arith.constant 0 : i32
        %dma_start3A_640 = tpu.memref_slice %arg8[%add3A_638, %dma_start3A_639] : memref<24x128xi32, #tpu.memory_space<vmem>> -> memref<1x128xi32, #tpu.memory_space<vmem>>
        %dma_start3A_641 = tpu.memref_squeeze %dma_start3A_640 : memref<1x128xi32, #tpu.memory_space<vmem>> -> memref<128xi32, #tpu.memory_space<vmem>>
        %dma_start3A_642 = arith.constant 0 : i32
        %dma_start3A_643 = arith.constant 0 : i32
        %dma_start3A_644 = tpu.memref_slice %arg2[%dma_start3A_642, %dma_start3A_643] : memref<10112x128xf32, #tpu.memory_space<hbm>> -> memref<10112x128xf32, #tpu.memory_space<hbm>>
        tpu.enqueue_indirect_dma source(%dma_start3A_644 : memref<10112x128xf32, #tpu.memory_space<hbm>>) target(%arg10 : memref<128x128xf32, #tpu.memory_space<vmem>>) offsets(%dma_start3A_641 : memref<128xi32, #tpu.memory_space<vmem>>) semaphore(%arg14 : memref<!tpu.dma_semaphore, #tpu.memory_space<semaphore_mem>>)
      } else {
      }
      %lt3A_633 = arith.cmpi slt, %add3A_495, %sub3A_415 : i32
      %convert_element_type3A_634 = arith.extui %lt3A_633 : i1 to i32
      %cond3A_635 = arith.constant 0 : i32
      %cond3A_636 = arith.cmpi ne, %convert_element_type3A_634, %cond3A_635 : i32
      scf.if %cond3A_636 {
        %dma_wait3A_637 = arith.constant 0 : i32
        %dma_wait3A_638 = arith.constant 0 : i32
        %dma_wait3A_639 = tpu.memref_slice %arg8[%dma_wait3A_637, %dma_wait3A_638] : memref<24x128xi32, #tpu.memory_space<vmem>> -> memref<1x128xi32, #tpu.memory_space<vmem>>
        %dma_wait3A_640 = tpu.memref_squeeze %dma_wait3A_639 : memref<1x128xi32, #tpu.memory_space<vmem>> -> memref<128xi32, #tpu.memory_space<vmem>>
        %dma_wait3A_641 = arith.constant 0 : i32
        %dma_wait3A_642 = arith.constant 0 : i32
        %dma_wait3A_643 = tpu.memref_slice %arg2[%dma_wait3A_641, %dma_wait3A_642] : memref<10112x128xf32, #tpu.memory_space<hbm>> -> memref<10112x128xf32, #tpu.memory_space<hbm>>
        tpu.wait_indirect_dma semaphore(%arg15 : memref<!tpu.dma_semaphore, #tpu.memory_space<semaphore_mem>>) src(%dma_wait3A_643 : memref<10112x128xf32, #tpu.memory_space<hbm>>) dst(%arg11 : memref<128x128xf32, #tpu.memory_space<vmem>>)
        %dma_start3A_644 = arith.constant 0 : i32
        %dma_start3A_645 = tpu.memref_slice %arg9[%add3A_495, %dma_start3A_644] : memref<24x128xi32, #tpu.memory_space<vmem>> -> memref<1x128xi32, #tpu.memory_space<vmem>>
        %dma_start3A_646 = tpu.memref_squeeze %dma_start3A_645 : memref<1x128xi32, #tpu.memory_space<vmem>> -> memref<128xi32, #tpu.memory_space<vmem>>
        %dma_start3A_647 = arith.constant 0 : i32
        %dma_start3A_648 = arith.constant 0 : i32
        %dma_start3A_649 = tpu.memref_slice %arg13[%dma_start3A_647, %dma_start3A_648] : memref<10112x128xf32, #tpu.memory_space<vmem_shared>> -> memref<10112x128xf32, #tpu.memory_space<vmem_shared>>
        tpu.enqueue_indirect_dma source(%arg11 : memref<128x128xf32, #tpu.memory_space<vmem>>) target(%dma_start3A_649 : memref<10112x128xf32, #tpu.memory_space<vmem_shared>>) offsets(%dma_start3A_646 : memref<128xi32, #tpu.memory_space<vmem>>) semaphore(%arg17 : memref<!tpu.dma_semaphore, #tpu.memory_space<semaphore_mem>>) {add = true}
        %get3A_650 = arith.index_cast %add3A_495 : i32 to index
        %get3A_651 = arith.constant 0 : index
        %get3A_652 = tpu.vector_load %arg9[%get3A_650, %get3A_651] {strides = array<i32>} : memref<24x128xi32, #tpu.memory_space<vmem>>, vector<16xi32>,
        %broadcast_in_dim3A_653 = arith.constant true
        %broadcast_in_dim3A_654 = vector.broadcast %broadcast_in_dim3A_653 : i1 to vector<16xi1>
        %unique3A_655, %unique3A_656 = tpu.scan_count mask(%broadcast_in_dim3A_654 : vector<16xi1>) value(%get3A_652 : vector<16xi32>) : vector<16xi1>, vector<16xi32>
        %shift_right_arithmetic3A_657 = arith.constant 7 : i32
        %shift_right_arithmetic3A_658 = vector.broadcast %shift_right_arithmetic3A_657 : i32 to vector<16xi32>
        %shift_right_arithmetic3A_659 = arith.shrsi %get3A_652, %shift_right_arithmetic3A_658 : vector<16xi32>
        %and3A_660 = arith.constant 127 : i32
        %and3A_661 = vector.broadcast %and3A_660 : i32 to vector<16xi32>
        %and3A_662 = arith.andi %get3A_652, %and3A_661 : vector<16xi32>
        %convert_element_type3A_663 = arith.sitofp %unique3A_656 : vector<16xi32> to vector<16xf32>
        tpu.vector_store_idx %arg12[%shift_right_arithmetic3A_659, %and3A_662], %convert_element_type3A_663 masked %unique3A_655 {add = true} : memref<79x128xf32, #tpu.memory_space<vmem>>[vector<16xi32>, vector<16xi32>], vector<16xf32>, vector<16xi1>
        %get3A_664 = arith.index_cast %add3A_495 : i32 to index
        %get3A_665 = arith.constant 16 : index
        %get3A_666 = tpu.vector_load %arg9[%get3A_664, %get3A_665] {strides = array<i32>} : memref<24x128xi32, #tpu.memory_space<vmem>>, vector<16xi32>,
        %broadcast_in_dim3A_667 = arith.constant true
        %broadcast_in_dim3A_668 = vector.broadcast %broadcast_in_dim3A_667 : i1 to vector<16xi1>
        %unique3A_669, %unique3A_670 = tpu.scan_count mask(%broadcast_in_dim3A_668 : vector<16xi1>) value(%get3A_666 : vector<16xi32>) : vector<16xi1>, vector<16xi32>
        %shift_right_arithmetic3A_671 = arith.constant 7 : i32
        %shift_right_arithmetic3A_672 = vector.broadcast %shift_right_arithmetic3A_671 : i32 to vector<16xi32>
        %shift_right_arithmetic3A_673 = arith.shrsi %get3A_666, %shift_right_arithmetic3A_672 : vector<16xi32>
        %and3A_674 = arith.constant 127 : i32
        %and3A_675 = vector.broadcast %and3A_674 : i32 to vector<16xi32>
        %and3A_676 = arith.andi %get3A_666, %and3A_675 : vector<16xi32>
        %convert_element_type3A_677 = arith.sitofp %unique3A_670 : vector<16xi32> to vector<16xf32>
        tpu.vector_store_idx %arg12[%shift_right_arithmetic3A_673, %and3A_676], %convert_element_type3A_677 masked %unique3A_669 {add = true} : memref<79x128xf32, #tpu.memory_space<vmem>>[vector<16xi32>, vector<16xi32>], vector<16xf32>, vector<16xi1>
        %get3A_678 = arith.index_cast %add3A_495 : i32 to index
        %get3A_679 = arith.constant 32 : index
        %get3A_680 = tpu.vector_load %arg9[%get3A_678, %get3A_679] {strides = array<i32>} : memref<24x128xi32, #tpu.memory_space<vmem>>, vector<16xi32>,
        %broadcast_in_dim3A_681 = arith.constant true
        %broadcast_in_dim3A_682 = vector.broadcast %broadcast_in_dim3A_681 : i1 to vector<16xi1>
        %unique3A_683, %unique3A_684 = tpu.scan_count mask(%broadcast_in_dim3A_682 : vector<16xi1>) value(%get3A_680 : vector<16xi32>) : vector<16xi1>, vector<16xi32>
        %shift_right_arithmetic3A_685 = arith.constant 7 : i32
        %shift_right_arithmetic3A_686 = vector.broadcast %shift_right_arithmetic3A_685 : i32 to vector<16xi32>
        %shift_right_arithmetic3A_687 = arith.shrsi %get3A_680, %shift_right_arithmetic3A_686 : vector<16xi32>
        %and3A_688 = arith.constant 127 : i32
        %and3A_689 = vector.broadcast %and3A_688 : i32 to vector<16xi32>
        %and3A_690 = arith.andi %get3A_680, %and3A_689 : vector<16xi32>
        %convert_element_type3A_691 = arith.sitofp %unique3A_684 : vector<16xi32> to vector<16xf32>
        tpu.vector_store_idx %arg12[%shift_right_arithmetic3A_687, %and3A_690], %convert_element_type3A_691 masked %unique3A_683 {add = true} : memref<79x128xf32, #tpu.memory_space<vmem>>[vector<16xi32>, vector<16xi32>], vector<16xf32>, vector<16xi1>
        %get3A_692 = arith.index_cast %add3A_495 : i32 to index
        %get3A_693 = arith.constant 48 : index
        %get3A_694 = tpu.vector_load %arg9[%get3A_692, %get3A_693] {strides = array<i32>} : memref<24x128xi32, #tpu.memory_space<vmem>>, vector<16xi32>,
        %broadcast_in_dim3A_695 = arith.constant true
        %broadcast_in_dim3A_696 = vector.broadcast %broadcast_in_dim3A_695 : i1 to vector<16xi1>
        %unique3A_697, %unique3A_698 = tpu.scan_count mask(%broadcast_in_dim3A_696 : vector<16xi1>) value(%get3A_694 : vector<16xi32>) : vector<16xi1>, vector<16xi32>
        %shift_right_arithmetic3A_699 = arith.constant 7 : i32
        %shift_right_arithmetic3A_700 = vector.broadcast %shift_right_arithmetic3A_699 : i32 to vector<16xi32>
        %shift_right_arithmetic3A_701 = arith.shrsi %get3A_694, %shift_right_arithmetic3A_700 : vector<16xi32>
        %and3A_702 = arith.constant 127 : i32
        %and3A_703 = vector.broadcast %and3A_702 : i32 to vector<16xi32>
        %and3A_704 = arith.andi %get3A_694, %and3A_703 : vector<16xi32>
        %convert_element_type3A_705 = arith.sitofp %unique3A_698 : vector<16xi32> to vector<16xf32>
        tpu.vector_store_idx %arg12[%shift_right_arithmetic3A_701, %and3A_704], %convert_element_type3A_705 masked %unique3A_697 {add = true} : memref<79x128xf32, #tpu.memory_space<vmem>>[vector<16xi32>, vector<16xi32>], vector<16xf32>, vector<16xi1>
        %get3A_706 = arith.index_cast %add3A_495 : i32 to index
        %get3A_707 = arith.constant 64 : index
        %get3A_708 = tpu.vector_load %arg9[%get3A_706, %get3A_707] {strides = array<i32>} : memref<24x128xi32, #tpu.memory_space<vmem>>, vector<16xi32>,
        %broadcast_in_dim3A_709 = arith.constant true
        %broadcast_in_dim3A_710 = vector.broadcast %broadcast_in_dim3A_709 : i1 to vector<16xi1>
        %unique3A_711, %unique3A_712 = tpu.scan_count mask(%broadcast_in_dim3A_710 : vector<16xi1>) value(%get3A_708 : vector<16xi32>) : vector<16xi1>, vector<16xi32>
        %shift_right_arithmetic3A_713 = arith.constant 7 : i32
        %shift_right_arithmetic3A_714 = vector.broadcast %shift_right_arithmetic3A_713 : i32 to vector<16xi32>
        %shift_right_arithmetic3A_715 = arith.shrsi %get3A_708, %shift_right_arithmetic3A_714 : vector<16xi32>
        %and3A_716 = arith.constant 127 : i32
        %and3A_717 = vector.broadcast %and3A_716 : i32 to vector<16xi32>
        %and3A_718 = arith.andi %get3A_708, %and3A_717 : vector<16xi32>
        %convert_element_type3A_719 = arith.sitofp %unique3A_712 : vector<16xi32> to vector<16xf32>
        tpu.vector_store_idx %arg12[%shift_right_arithmetic3A_715, %and3A_718], %convert_element_type3A_719 masked %unique3A_711 {add = true} : memref<79x128xf32, #tpu.memory_space<vmem>>[vector<16xi32>, vector<16xi32>], vector<16xf32>, vector<16xi1>
        %get3A_720 = arith.index_cast %add3A_495 : i32 to index
        %get3A_721 = arith.constant 80 : index
        %get3A_722 = tpu.vector_load %arg9[%get3A_720, %get3A_721] {strides = array<i32>} : memref<24x128xi32, #tpu.memory_space<vmem>>, vector<16xi32>,
        %broadcast_in_dim3A_723 = arith.constant true
        %broadcast_in_dim3A_724 = vector.broadcast %broadcast_in_dim3A_723 : i1 to vector<16xi1>
        %unique3A_725, %unique3A_726 = tpu.scan_count mask(%broadcast_in_dim3A_724 : vector<16xi1>) value(%get3A_722 : vector<16xi32>) : vector<16xi1>, vector<16xi32>
        %shift_right_arithmetic3A_727 = arith.constant 7 : i32
        %shift_right_arithmetic3A_728 = vector.broadcast %shift_right_arithmetic3A_727 : i32 to vector<16xi32>
        %shift_right_arithmetic3A_729 = arith.shrsi %get3A_722, %shift_right_arithmetic3A_728 : vector<16xi32>
        %and3A_730 = arith.constant 127 : i32
        %and3A_731 = vector.broadcast %and3A_730 : i32 to vector<16xi32>
        %and3A_732 = arith.andi %get3A_722, %and3A_731 : vector<16xi32>
        %convert_element_type3A_733 = arith.sitofp %unique3A_726 : vector<16xi32> to vector<16xf32>
        tpu.vector_store_idx %arg12[%shift_right_arithmetic3A_729, %and3A_732], %convert_element_type3A_733 masked %unique3A_725 {add = true} : memref<79x128xf32, #tpu.memory_space<vmem>>[vector<16xi32>, vector<16xi32>], vector<16xf32>, vector<16xi1>
        %get3A_734 = arith.index_cast %add3A_495 : i32 to index
        %get3A_735 = arith.constant 96 : index
        %get3A_736 = tpu.vector_load %arg9[%get3A_734, %get3A_735] {strides = array<i32>} : memref<24x128xi32, #tpu.memory_space<vmem>>, vector<16xi32>,
        %broadcast_in_dim3A_737 = arith.constant true
        %broadcast_in_dim3A_738 = vector.broadcast %broadcast_in_dim3A_737 : i1 to vector<16xi1>
        %unique3A_739, %unique3A_740 = tpu.scan_count mask(%broadcast_in_dim3A_738 : vector<16xi1>) value(%get3A_736 : vector<16xi32>) : vector<16xi1>, vector<16xi32>
        %shift_right_arithmetic3A_741 = arith.constant 7 : i32
        %shift_right_arithmetic3A_742 = vector.broadcast %shift_right_arithmetic3A_741 : i32 to vector<16xi32>
        %shift_right_arithmetic3A_743 = arith.shrsi %get3A_736, %shift_right_arithmetic3A_742 : vector<16xi32>
        %and3A_744 = arith.constant 127 : i32
        %and3A_745 = vector.broadcast %and3A_744 : i32 to vector<16xi32>
        %and3A_746 = arith.andi %get3A_736, %and3A_745 : vector<16xi32>
        %convert_element_type3A_747 = arith.sitofp %unique3A_740 : vector<16xi32> to vector<16xf32>
        tpu.vector_store_idx %arg12[%shift_right_arithmetic3A_743, %and3A_746], %convert_element_type3A_747 masked %unique3A_739 {add = true} : memref<79x128xf32, #tpu.memory_space<vmem>>[vector<16xi32>, vector<16xi32>], vector<16xf32>, vector<16xi1>
        %get3A_748 = arith.index_cast %add3A_495 : i32 to index
        %get3A_749 = arith.constant 112 : index
        %get3A_750 = tpu.vector_load %arg9[%get3A_748, %get3A_749] {strides = array<i32>} : memref<24x128xi32, #tpu.memory_space<vmem>>, vector<16xi32>,
        %broadcast_in_dim3A_751 = arith.constant true
        %broadcast_in_dim3A_752 = vector.broadcast %broadcast_in_dim3A_751 : i1 to vector<16xi1>
        %unique3A_753, %unique3A_754 = tpu.scan_count mask(%broadcast_in_dim3A_752 : vector<16xi1>) value(%get3A_750 : vector<16xi32>) : vector<16xi1>, vector<16xi32>
        %shift_right_arithmetic3A_755 = arith.constant 7 : i32
        %shift_right_arithmetic3A_756 = vector.broadcast %shift_right_arithmetic3A_755 : i32 to vector<16xi32>
        %shift_right_arithmetic3A_757 = arith.shrsi %get3A_750, %shift_right_arithmetic3A_756 : vector<16xi32>
        %and3A_758 = arith.constant 127 : i32
        %and3A_759 = vector.broadcast %and3A_758 : i32 to vector<16xi32>
        %and3A_760 = arith.andi %get3A_750, %and3A_759 : vector<16xi32>
        %convert_element_type3A_761 = arith.sitofp %unique3A_754 : vector<16xi32> to vector<16xf32>
        tpu.vector_store_idx %arg12[%shift_right_arithmetic3A_757, %and3A_760], %convert_element_type3A_761 masked %unique3A_753 {add = true} : memref<79x128xf32, #tpu.memory_space<vmem>>[vector<16xi32>, vector<16xi32>], vector<16xf32>, vector<16xi1>
        %dma_wait3A_762 = arith.constant 0 : i32
        %dma_wait3A_763 = arith.constant 0 : i32
        %dma_wait3A_764 = tpu.memref_slice %arg9[%dma_wait3A_762, %dma_wait3A_763] : memref<24x128xi32, #tpu.memory_space<vmem>> -> memref<1x128xi32, #tpu.memory_space<vmem>>
        %dma_wait3A_765 = tpu.memref_squeeze %dma_wait3A_764 : memref<1x128xi32, #tpu.memory_space<vmem>> -> memref<128xi32, #tpu.memory_space<vmem>>
        %dma_wait3A_766 = arith.constant 0 : i32
        %dma_wait3A_767 = arith.constant 0 : i32
        %dma_wait3A_768 = tpu.memref_slice %arg13[%dma_wait3A_766, %dma_wait3A_767] : memref<10112x128xf32, #tpu.memory_space<vmem_shared>> -> memref<10112x128xf32, #tpu.memory_space<vmem_shared>>
        tpu.wait_indirect_dma semaphore(%arg17 : memref<!tpu.dma_semaphore, #tpu.memory_space<semaphore_mem>>) src(%arg11 : memref<128x128xf32, #tpu.memory_space<vmem>>) dst(%dma_wait3A_768 : memref<10112x128xf32, #tpu.memory_space<vmem_shared>>)
      } else {
      }
    }
    %while3A_485 = arith.constant 1 : i32
    scf.for %while3A_491 = %while3A_483 to %while3A_479 step %while3A_485  : i32 {
      %mul3A_492 = arith.constant 2 : i32
      %mul3A_493 = arith.muli %mul3A_492, %while3A_491 : i32
      %add3A_494 = arith.constant 1 : i32
      %add3A_495 = arith.addi %mul3A_493, %add3A_494 : i32
      %lt3A_496 = arith.cmpi slt, %add3A_495, %sub3A_415 : i32
      %convert_element_type3A = arith.extui %lt3A_496 : i1 to i32
      %cond3A = arith.constant 0 : i32
      %cond3A_497 = arith.cmpi ne, %convert_element_type3A, %cond3A : i32
      scf.if %cond3A_497 {
        %dma_start3A_637 = arith.constant 0 : i32
        %dma_start3A_638 = tpu.memref_slice %arg8[%add3A_495, %dma_start3A_637] : memref<24x128xi32, #tpu.memory_space<vmem>> -> memref<1x128xi32, #tpu.memory_space<vmem>>
        %dma_start3A_639 = tpu.memref_squeeze %dma_start3A_638 : memref<1x128xi32, #tpu.memory_space<vmem>> -> memref<128xi32, #tpu.memory_space<vmem>>
        %dma_start3A_640 = arith.constant 0 : i32
        %dma_start3A_641 = arith.constant 0 : i32
        %dma_start3A_642 = tpu.memref_slice %arg2[%dma_start3A_640, %dma_start3A_641] : memref<10112x128xf32, #tpu.memory_space<hbm>> -> memref<10112x128xf32, #tpu.memory_space<hbm>>
        tpu.enqueue_indirect_dma source(%dma_start3A_642 : memref<10112x128xf32, #tpu.memory_space<hbm>>) target(%arg11 : memref<128x128xf32, #tpu.memory_space<vmem>>) offsets(%dma_start3A_639 : memref<128xi32, #tpu.memory_space<vmem>>) semaphore(%arg15 : memref<!tpu.dma_semaphore, #tpu.memory_space<semaphore_mem>>)
      } else {
      }
      %dma_wait3A_498 = arith.constant 0 : i32
      %dma_wait3A_499 = arith.constant 0 : i32
      %dma_wait3A_500 = tpu.memref_slice %arg8[%dma_wait3A_498, %dma_wait3A_499] : memref<24x128xi32, #tpu.memory_space<vmem>> -> memref<1x128xi32, #tpu.memory_space<vmem>>
      %dma_wait3A_501 = tpu.memref_squeeze %dma_wait3A_500 : memref<1x128xi32, #tpu.memory_space<vmem>> -> memref<128xi32, #tpu.memory_space<vmem>>
      %dma_wait3A_502 = arith.constant 0 : i32
      %dma_wait3A_503 = arith.constant 0 : i32
      %dma_wait3A_504 = tpu.memref_slice %arg2[%dma_wait3A_502, %dma_wait3A_503] : memref<10112x128xf32, #tpu.memory_space<hbm>> -> memref<10112x128xf32, #tpu.memory_space<hbm>>
      tpu.wait_indirect_dma semaphore(%arg14 : memref<!tpu.dma_semaphore, #tpu.memory_space<semaphore_mem>>) src(%dma_wait3A_504 : memref<10112x128xf32, #tpu.memory_space<hbm>>) dst(%arg10 : memref<128x128xf32, #tpu.memory_space<vmem>>)
      %dma_start3A_505 = arith.constant 0 : i32
      %dma_start3A_506 = tpu.memref_slice %arg9[%mul3A_493, %dma_start3A_505] : memref<24x128xi32, #tpu.memory_space<vmem>> -> memref<1x128xi32, #tpu.memory_space<vmem>>
      %dma_start3A_507 = tpu.memref_squeeze %dma_start3A_506 : memref<1x128xi32, #tpu.memory_space<vmem>> -> memref<128xi32, #tpu.memory_space<vmem>>
      %dma_start3A_508 = arith.constant 0 : i32
      %dma_start3A_509 = arith.constant 0 : i32
      %dma_start3A_510 = tpu.memref_slice %arg13[%dma_start3A_508, %dma_start3A_509] : memref<10112x128xf32, #tpu.memory_space<vmem_shared>> -> memref<10112x128xf32, #tpu.memory_space<vmem_shared>>
      tpu.enqueue_indirect_dma source(%arg10 : memref<128x128xf32, #tpu.memory_space<vmem>>) target(%dma_start3A_510 : memref<10112x128xf32, #tpu.memory_space<vmem_shared>>) offsets(%dma_start3A_507 : memref<128xi32, #tpu.memory_space<vmem>>) semaphore(%arg16 : memref<!tpu.dma_semaphore, #tpu.memory_space<semaphore_mem>>) {add = true}
      %get3A = arith.index_cast %mul3A_493 : i32 to index
      %get3A_511 = arith.constant 0 : index
      %get3A_512 = tpu.vector_load %arg9[%get3A, %get3A_511] {strides = array<i32>} : memref<24x128xi32, #tpu.memory_space<vmem>>, vector<16xi32>,
      %broadcast_in_dim3A_513 = arith.constant true
      %broadcast_in_dim3A_514 = vector.broadcast %broadcast_in_dim3A_513 : i1 to vector<16xi1>
      %unique3A, %unique3A_515 = tpu.scan_count mask(%broadcast_in_dim3A_514 : vector<16xi1>) value(%get3A_512 : vector<16xi32>) : vector<16xi1>, vector<16xi32>
      %shift_right_arithmetic3A = arith.constant 7 : i32
      %shift_right_arithmetic3A_516 = vector.broadcast %shift_right_arithmetic3A : i32 to vector<16xi32>
      %shift_right_arithmetic3A_517 = arith.shrsi %get3A_512, %shift_right_arithmetic3A_516 : vector<16xi32>
      %and3A_518 = arith.constant 127 : i32
      %and3A_519 = vector.broadcast %and3A_518 : i32 to vector<16xi32>
      %and3A_520 = arith.andi %get3A_512, %and3A_519 : vector<16xi32>
      %convert_element_type3A_521 = arith.sitofp %unique3A_515 : vector<16xi32> to vector<16xf32>
      tpu.vector_store_idx %arg12[%shift_right_arithmetic3A_517, %and3A_520], %convert_element_type3A_521 masked %unique3A {add = true} : memref<79x128xf32, #tpu.memory_space<vmem>>[vector<16xi32>, vector<16xi32>], vector<16xf32>, vector<16xi1>
      %get3A_522 = arith.index_cast %mul3A_493 : i32 to index
      %get3A_523 = arith.constant 16 : index
      %get3A_524 = tpu.vector_load %arg9[%get3A_522, %get3A_523] {strides = array<i32>} : memref<24x128xi32, #tpu.memory_space<vmem>>, vector<16xi32>,
      %broadcast_in_dim3A_525 = arith.constant true
      %broadcast_in_dim3A_526 = vector.broadcast %broadcast_in_dim3A_525 : i1 to vector<16xi1>
      %unique3A_527, %unique3A_528 = tpu.scan_count mask(%broadcast_in_dim3A_526 : vector<16xi1>) value(%get3A_524 : vector<16xi32>) : vector<16xi1>, vector<16xi32>
      %shift_right_arithmetic3A_529 = arith.constant 7 : i32
      %shift_right_arithmetic3A_530 = vector.broadcast %shift_right_arithmetic3A_529 : i32 to vector<16xi32>
      %shift_right_arithmetic3A_531 = arith.shrsi %get3A_524, %shift_right_arithmetic3A_530 : vector<16xi32>
      %and3A_532 = arith.constant 127 : i32
      %and3A_533 = vector.broadcast %and3A_532 : i32 to vector<16xi32>
      %and3A_534 = arith.andi %get3A_524, %and3A_533 : vector<16xi32>
      %convert_element_type3A_535 = arith.sitofp %unique3A_528 : vector<16xi32> to vector<16xf32>
      tpu.vector_store_idx %arg12[%shift_right_arithmetic3A_531, %and3A_534], %convert_element_type3A_535 masked %unique3A_527 {add = true} : memref<79x128xf32, #tpu.memory_space<vmem>>[vector<16xi32>, vector<16xi32>], vector<16xf32>, vector<16xi1>
      %get3A_536 = arith.index_cast %mul3A_493 : i32 to index
      %get3A_537 = arith.constant 32 : index
      %get3A_538 = tpu.vector_load %arg9[%get3A_536, %get3A_537] {strides = array<i32>} : memref<24x128xi32, #tpu.memory_space<vmem>>, vector<16xi32>,
      %broadcast_in_dim3A_539 = arith.constant true
      %broadcast_in_dim3A_540 = vector.broadcast %broadcast_in_dim3A_539 : i1 to vector<16xi1>
      %unique3A_541, %unique3A_542 = tpu.scan_count mask(%broadcast_in_dim3A_540 : vector<16xi1>) value(%get3A_538 : vector<16xi32>) : vector<16xi1>, vector<16xi32>
      %shift_right_arithmetic3A_543 = arith.constant 7 : i32
      %shift_right_arithmetic3A_544 = vector.broadcast %shift_right_arithmetic3A_543 : i32 to vector<16xi32>
      %shift_right_arithmetic3A_545 = arith.shrsi %get3A_538, %shift_right_arithmetic3A_544 : vector<16xi32>
      %and3A_546 = arith.constant 127 : i32
      %and3A_547 = vector.broadcast %and3A_546 : i32 to vector<16xi32>
      %and3A_548 = arith.andi %get3A_538, %and3A_547 : vector<16xi32>
      %convert_element_type3A_549 = arith.sitofp %unique3A_542 : vector<16xi32> to vector<16xf32>
      tpu.vector_store_idx %arg12[%shift_right_arithmetic3A_545, %and3A_548], %convert_element_type3A_549 masked %unique3A_541 {add = true} : memref<79x128xf32, #tpu.memory_space<vmem>>[vector<16xi32>, vector<16xi32>], vector<16xf32>, vector<16xi1>
      %get3A_550 = arith.index_cast %mul3A_493 : i32 to index
      %get3A_551 = arith.constant 48 : index
      %get3A_552 = tpu.vector_load %arg9[%get3A_550, %get3A_551] {strides = array<i32>} : memref<24x128xi32, #tpu.memory_space<vmem>>, vector<16xi32>,
      %broadcast_in_dim3A_553 = arith.constant true
      %broadcast_in_dim3A_554 = vector.broadcast %broadcast_in_dim3A_553 : i1 to vector<16xi1>
      %unique3A_555, %unique3A_556 = tpu.scan_count mask(%broadcast_in_dim3A_554 : vector<16xi1>) value(%get3A_552 : vector<16xi32>) : vector<16xi1>, vector<16xi32>
      %shift_right_arithmetic3A_557 = arith.constant 7 : i32
      %shift_right_arithmetic3A_558 = vector.broadcast %shift_right_arithmetic3A_557 : i32 to vector<16xi32>
      %shift_right_arithmetic3A_559 = arith.shrsi %get3A_552, %shift_right_arithmetic3A_558 : vector<16xi32>
      %and3A_560 = arith.constant 127 : i32
      %and3A_561 = vector.broadcast %and3A_560 : i32 to vector<16xi32>
      %and3A_562 = arith.andi %get3A_552, %and3A_561 : vector<16xi32>
      %convert_element_type3A_563 = arith.sitofp %unique3A_556 : vector<16xi32> to vector<16xf32>
      tpu.vector_store_idx %arg12[%shift_right_arithmetic3A_559, %and3A_562], %convert_element_type3A_563 masked %unique3A_555 {add = true} : memref<79x128xf32, #tpu.memory_space<vmem>>[vector<16xi32>, vector<16xi32>], vector<16xf32>, vector<16xi1>
      %get3A_564 = arith.index_cast %mul3A_493 : i32 to index
      %get3A_565 = arith.constant 64 : index
      %get3A_566 = tpu.vector_load %arg9[%get3A_564, %get3A_565] {strides = array<i32>} : memref<24x128xi32, #tpu.memory_space<vmem>>, vector<16xi32>,
      %broadcast_in_dim3A_567 = arith.constant true
      %broadcast_in_dim3A_568 = vector.broadcast %broadcast_in_dim3A_567 : i1 to vector<16xi1>
      %unique3A_569, %unique3A_570 = tpu.scan_count mask(%broadcast_in_dim3A_568 : vector<16xi1>) value(%get3A_566 : vector<16xi32>) : vector<16xi1>, vector<16xi32>
      %shift_right_arithmetic3A_571 = arith.constant 7 : i32
      %shift_right_arithmetic3A_572 = vector.broadcast %shift_right_arithmetic3A_571 : i32 to vector<16xi32>
      %shift_right_arithmetic3A_573 = arith.shrsi %get3A_566, %shift_right_arithmetic3A_572 : vector<16xi32>
      %and3A_574 = arith.constant 127 : i32
      %and3A_575 = vector.broadcast %and3A_574 : i32 to vector<16xi32>
      %and3A_576 = arith.andi %get3A_566, %and3A_575 : vector<16xi32>
      %convert_element_type3A_577 = arith.sitofp %unique3A_570 : vector<16xi32> to vector<16xf32>
      tpu.vector_store_idx %arg12[%shift_right_arithmetic3A_573, %and3A_576], %convert_element_type3A_577 masked %unique3A_569 {add = true} : memref<79x128xf32, #tpu.memory_space<vmem>>[vector<16xi32>, vector<16xi32>], vector<16xf32>, vector<16xi1>
      %get3A_578 = arith.index_cast %mul3A_493 : i32 to index
      %get3A_579 = arith.constant 80 : index
      %get3A_580 = tpu.vector_load %arg9[%get3A_578, %get3A_579] {strides = array<i32>} : memref<24x128xi32, #tpu.memory_space<vmem>>, vector<16xi32>,
      %broadcast_in_dim3A_581 = arith.constant true
      %broadcast_in_dim3A_582 = vector.broadcast %broadcast_in_dim3A_581 : i1 to vector<16xi1>
      %unique3A_583, %unique3A_584 = tpu.scan_count mask(%broadcast_in_dim3A_582 : vector<16xi1>) value(%get3A_580 : vector<16xi32>) : vector<16xi1>, vector<16xi32>
      %shift_right_arithmetic3A_585 = arith.constant 7 : i32
      %shift_right_arithmetic3A_586 = vector.broadcast %shift_right_arithmetic3A_585 : i32 to vector<16xi32>
      %shift_right_arithmetic3A_587 = arith.shrsi %get3A_580, %shift_right_arithmetic3A_586 : vector<16xi32>
      %and3A_588 = arith.constant 127 : i32
      %and3A_589 = vector.broadcast %and3A_588 : i32 to vector<16xi32>
      %and3A_590 = arith.andi %get3A_580, %and3A_589 : vector<16xi32>
      %convert_element_type3A_591 = arith.sitofp %unique3A_584 : vector<16xi32> to vector<16xf32>
      tpu.vector_store_idx %arg12[%shift_right_arithmetic3A_587, %and3A_590], %convert_element_type3A_591 masked %unique3A_583 {add = true} : memref<79x128xf32, #tpu.memory_space<vmem>>[vector<16xi32>, vector<16xi32>], vector<16xf32>, vector<16xi1>
      %get3A_592 = arith.index_cast %mul3A_493 : i32 to index
      %get3A_593 = arith.constant 96 : index
      %get3A_594 = tpu.vector_load %arg9[%get3A_592, %get3A_593] {strides = array<i32>} : memref<24x128xi32, #tpu.memory_space<vmem>>, vector<16xi32>,
      %broadcast_in_dim3A_595 = arith.constant true
      %broadcast_in_dim3A_596 = vector.broadcast %broadcast_in_dim3A_595 : i1 to vector<16xi1>
      %unique3A_597, %unique3A_598 = tpu.scan_count mask(%broadcast_in_dim3A_596 : vector<16xi1>) value(%get3A_594 : vector<16xi32>) : vector<16xi1>, vector<16xi32>
      %shift_right_arithmetic3A_599 = arith.constant 7 : i32
      %shift_right_arithmetic3A_600 = vector.broadcast %shift_right_arithmetic3A_599 : i32 to vector<16xi32>
      %shift_right_arithmetic3A_601 = arith.shrsi %get3A_594, %shift_right_arithmetic3A_600 : vector<16xi32>
      %and3A_602 = arith.constant 127 : i32
      %and3A_603 = vector.broadcast %and3A_602 : i32 to vector<16xi32>
      %and3A_604 = arith.andi %get3A_594, %and3A_603 : vector<16xi32>
      %convert_element_type3A_605 = arith.sitofp %unique3A_598 : vector<16xi32> to vector<16xf32>
      tpu.vector_store_idx %arg12[%shift_right_arithmetic3A_601, %and3A_604], %convert_element_type3A_605 masked %unique3A_597 {add = true} : memref<79x128xf32, #tpu.memory_space<vmem>>[vector<16xi32>, vector<16xi32>], vector<16xf32>, vector<16xi1>
      %get3A_606 = arith.index_cast %mul3A_493 : i32 to index
      %get3A_607 = arith.constant 112 : index
      %get3A_608 = tpu.vector_load %arg9[%get3A_606, %get3A_607] {strides = array<i32>} : memref<24x128xi32, #tpu.memory_space<vmem>>, vector<16xi32>,
      %broadcast_in_dim3A_609 = arith.constant true
      %broadcast_in_dim3A_610 = vector.broadcast %broadcast_in_dim3A_609 : i1 to vector<16xi1>
      %unique3A_611, %unique3A_612 = tpu.scan_count mask(%broadcast_in_dim3A_610 : vector<16xi1>) value(%get3A_608 : vector<16xi32>) : vector<16xi1>, vector<16xi32>
      %shift_right_arithmetic3A_613 = arith.constant 7 : i32
      %shift_right_arithmetic3A_614 = vector.broadcast %shift_right_arithmetic3A_613 : i32 to vector<16xi32>
      %shift_right_arithmetic3A_615 = arith.shrsi %get3A_608, %shift_right_arithmetic3A_614 : vector<16xi32>
      %and3A_616 = arith.constant 127 : i32
      %and3A_617 = vector.broadcast %and3A_616 : i32 to vector<16xi32>
      %and3A_618 = arith.andi %get3A_608, %and3A_617 : vector<16xi32>
      %convert_element_type3A_619 = arith.sitofp %unique3A_612 : vector<16xi32> to vector<16xf32>
      tpu.vector_store_idx %arg12[%shift_right_arithmetic3A_615, %and3A_618], %convert_element_type3A_619 masked %unique3A_611 {add = true} : memref<79x128xf32, #tpu.memory_space<vmem>>[vector<16xi32>, vector<16xi32>], vector<16xf32>, vector<16xi1>
      %dma_wait3A_620 = arith.constant 0 : i32
      %dma_wait3A_621 = arith.constant 0 : i32
      %dma_wait3A_622 = tpu.memref_slice %arg9[%dma_wait3A_620, %dma_wait3A_621] : memref<24x128xi32, #tpu.memory_space<vmem>> -> memref<1x128xi32, #tpu.memory_space<vmem>>
      %dma_wait3A_623 = tpu.memref_squeeze %dma_wait3A_622 : memref<1x128xi32, #tpu.memory_space<vmem>> -> memref<128xi32, #tpu.memory_space<vmem>>
      %dma_wait3A_624 = arith.constant 0 : i32
      %dma_wait3A_625 = arith.constant 0 : i32
      %dma_wait3A_626 = tpu.memref_slice %arg13[%dma_wait3A_624, %dma_wait3A_625] : memref<10112x128xf32, #tpu.memory_space<vmem_shared>> -> memref<10112x128xf32, #tpu.memory_space<vmem_shared>>
      tpu.wait_indirect_dma semaphore(%arg16 : memref<!tpu.dma_semaphore, #tpu.memory_space<semaphore_mem>>) src(%arg10 : memref<128x128xf32, #tpu.memory_space<vmem>>) dst(%dma_wait3A_626 : memref<10112x128xf32, #tpu.memory_space<vmem_shared>>)
      %add3A_627 = arith.constant 2 : i32
      %add3A_628 = arith.addi %mul3A_493, %add3A_627 : i32
      %lt3A_629 = arith.cmpi slt, %add3A_628, %sub3A_415 : i32
      %convert_element_type3A_630 = arith.extui %lt3A_629 : i1 to i32
      %cond3A_631 = arith.constant 0 : i32
      %cond3A_632 = arith.cmpi ne, %convert_element_type3A_630, %cond3A_631 : i32
      scf.if %cond3A_632 {
        %add3A_637 = arith.constant 2 : i32
        %add3A_638 = arith.addi %mul3A_493, %add3A_637 : i32
        %dma_start3A_639 = arith.constant 0 : i32
        %dma_start3A_640 = tpu.memref_slice %arg8[%add3A_638, %dma_start3A_639] : memref<24x128xi32, #tpu.memory_space<vmem>> -> memref<1x128xi32, #tpu.memory_space<vmem>>
        %dma_start3A_641 = tpu.memref_squeeze %dma_start3A_640 : memref<1x128xi32, #tpu.memory_space<vmem>> -> memref<128xi32, #tpu.memory_space<vmem>>
        %dma_start3A_642 = arith.constant 0 : i32
        %dma_start3A_643 = arith.constant 0 : i32
        %dma_start3A_644 = tpu.memref_slice %arg2[%dma_start3A_642, %dma_start3A_643] : memref<10112x128xf32, #tpu.memory_space<hbm>> -> memref<10112x128xf32, #tpu.memory_space<hbm>>
        tpu.enqueue_indirect_dma source(%dma_start3A_644 : memref<10112x128xf32, #tpu.memory_space<hbm>>) target(%arg10 : memref<128x128xf32, #tpu.memory_space<vmem>>) offsets(%dma_start3A_641 : memref<128xi32, #tpu.memory_space<vmem>>) semaphore(%arg14 : memref<!tpu.dma_semaphore, #tpu.memory_space<semaphore_mem>>)
      } else {
      }
      %lt3A_633 = arith.cmpi slt, %add3A_495, %sub3A_415 : i32
      %convert_element_type3A_634 = arith.extui %lt3A_633 : i1 to i32
      %cond3A_635 = arith.constant 0 : i32
      %cond3A_636 = arith.cmpi ne, %convert_element_type3A_634, %cond3A_635 : i32
      scf.if %cond3A_636 {
        %dma_wait3A_637 = arith.constant 0 : i32
        %dma_wait3A_638 = arith.constant 0 : i32
        %dma_wait3A_639 = tpu.memref_slice %arg8[%dma_wait3A_637, %dma_wait3A_638] : memref<24x128xi32, #tpu.memory_space<vmem>> -> memref<1x128xi32, #tpu.memory_space<vmem>>
        %dma_wait3A_640 = tpu.memref_squeeze %dma_wait3A_639 : memref<1x128xi32, #tpu.memory_space<vmem>> -> memref<128xi32, #tpu.memory_space<vmem>>
        %dma_wait3A_641 = arith.constant 0 : i32
        %dma_wait3A_642 = arith.constant 0 : i32
        %dma_wait3A_643 = tpu.memref_slice %arg2[%dma_wait3A_641, %dma_wait3A_642] : memref<10112x128xf32, #tpu.memory_space<hbm>> -> memref<10112x128xf32, #tpu.memory_space<hbm>>
        tpu.wait_indirect_dma semaphore(%arg15 : memref<!tpu.dma_semaphore, #tpu.memory_space<semaphore_mem>>) src(%dma_wait3A_643 : memref<10112x128xf32, #tpu.memory_space<hbm>>) dst(%arg11 : memref<128x128xf32, #tpu.memory_space<vmem>>)
        %dma_start3A_644 = arith.constant 0 : i32
        %dma_start3A_645 = tpu.memref_slice %arg9[%add3A_495, %dma_start3A_644] : memref<24x128xi32, #tpu.memory_space<vmem>> -> memref<1x128xi32, #tpu.memory_space<vmem>>
        %dma_start3A_646 = tpu.memref_squeeze %dma_start3A_645 : memref<1x128xi32, #tpu.memory_space<vmem>> -> memref<128xi32, #tpu.memory_space<vmem>>
        %dma_start3A_647 = arith.constant 0 : i32
        %dma_start3A_648 = arith.constant 0 : i32
        %dma_start3A_649 = tpu.memref_slice %arg13[%dma_start3A_647, %dma_start3A_648] : memref<10112x128xf32, #tpu.memory_space<vmem_shared>> -> memref<10112x128xf32, #tpu.memory_space<vmem_shared>>
        tpu.enqueue_indirect_dma source(%arg11 : memref<128x128xf32, #tpu.memory_space<vmem>>) target(%dma_start3A_649 : memref<10112x128xf32, #tpu.memory_space<vmem_shared>>) offsets(%dma_start3A_646 : memref<128xi32, #tpu.memory_space<vmem>>) semaphore(%arg17 : memref<!tpu.dma_semaphore, #tpu.memory_space<semaphore_mem>>) {add = true}
        %get3A_650 = arith.index_cast %add3A_495 : i32 to index
        %get3A_651 = arith.constant 0 : index
        %get3A_652 = tpu.vector_load %arg9[%get3A_650, %get3A_651] {strides = array<i32>} : memref<24x128xi32, #tpu.memory_space<vmem>>, vector<16xi32>,
        %broadcast_in_dim3A_653 = arith.constant true
        %broadcast_in_dim3A_654 = vector.broadcast %broadcast_in_dim3A_653 : i1 to vector<16xi1>
        %unique3A_655, %unique3A_656 = tpu.scan_count mask(%broadcast_in_dim3A_654 : vector<16xi1>) value(%get3A_652 : vector<16xi32>) : vector<16xi1>, vector<16xi32>
        %shift_right_arithmetic3A_657 = arith.constant 7 : i32
        %shift_right_arithmetic3A_658 = vector.broadcast %shift_right_arithmetic3A_657 : i32 to vector<16xi32>
        %shift_right_arithmetic3A_659 = arith.shrsi %get3A_652, %shift_right_arithmetic3A_658 : vector<16xi32>
        %and3A_660 = arith.constant 127 : i32
        %and3A_661 = vector.broadcast %and3A_660 : i32 to vector<16xi32>
        %and3A_662 = arith.andi %get3A_652, %and3A_661 : vector<16xi32>
        %convert_element_type3A_663 = arith.sitofp %unique3A_656 : vector<16xi32> to vector<16xf32>
        tpu.vector_store_idx %arg12[%shift_right_arithmetic3A_659, %and3A_662], %convert_element_type3A_663 masked %unique3A_655 {add = true} : memref<79x128xf32, #tpu.memory_space<vmem>>[vector<16xi32>, vector<16xi32>], vector<16xf32>, vector<16xi1>
        %get3A_664 = arith.index_cast %add3A_495 : i32 to index
        %get3A_665 = arith.constant 16 : index
        %get3A_666 = tpu.vector_load %arg9[%get3A_664, %get3A_665] {strides = array<i32>} : memref<24x128xi32, #tpu.memory_space<vmem>>, vector<16xi32>,
        %broadcast_in_dim3A_667 = arith.constant true
        %broadcast_in_dim3A_668 = vector.broadcast %broadcast_in_dim3A_667 : i1 to vector<16xi1>
        %unique3A_669, %unique3A_670 = tpu.scan_count mask(%broadcast_in_dim3A_668 : vector<16xi1>) value(%get3A_666 : vector<16xi32>) : vector<16xi1>, vector<16xi32>
        %shift_right_arithmetic3A_671 = arith.constant 7 : i32
        %shift_right_arithmetic3A_672 = vector.broadcast %shift_right_arithmetic3A_671 : i32 to vector<16xi32>
        %shift_right_arithmetic3A_673 = arith.shrsi %get3A_666, %shift_right_arithmetic3A_672 : vector<16xi32>
        %and3A_674 = arith.constant 127 : i32
        %and3A_675 = vector.broadcast %and3A_674 : i32 to vector<16xi32>
        %and3A_676 = arith.andi %get3A_666, %and3A_675 : vector<16xi32>
        %convert_element_type3A_677 = arith.sitofp %unique3A_670 : vector<16xi32> to vector<16xf32>
        tpu.vector_store_idx %arg12[%shift_right_arithmetic3A_673, %and3A_676], %convert_element_type3A_677 masked %unique3A_669 {add = true} : memref<79x128xf32, #tpu.memory_space<vmem>>[vector<16xi32>, vector<16xi32>], vector<16xf32>, vector<16xi1>
        %get3A_678 = arith.index_cast %add3A_495 : i32 to index
        %get3A_679 = arith.constant 32 : index
        %get3A_680 = tpu.vector_load %arg9[%get3A_678, %get3A_679] {strides = array<i32>} : memref<24x128xi32, #tpu.memory_space<vmem>>, vector<16xi32>,
        %broadcast_in_dim3A_681 = arith.constant true
        %broadcast_in_dim3A_682 = vector.broadcast %broadcast_in_dim3A_681 : i1 to vector<16xi1>
        %unique3A_683, %unique3A_684 = tpu.scan_count mask(%broadcast_in_dim3A_682 : vector<16xi1>) value(%get3A_680 : vector<16xi32>) : vector<16xi1>, vector<16xi32>
        %shift_right_arithmetic3A_685 = arith.constant 7 : i32
        %shift_right_arithmetic3A_686 = vector.broadcast %shift_right_arithmetic3A_685 : i32 to vector<16xi32>
        %shift_right_arithmetic3A_687 = arith.shrsi %get3A_680, %shift_right_arithmetic3A_686 : vector<16xi32>
        %and3A_688 = arith.constant 127 : i32
        %and3A_689 = vector.broadcast %and3A_688 : i32 to vector<16xi32>
        %and3A_690 = arith.andi %get3A_680, %and3A_689 : vector<16xi32>
        %convert_element_type3A_691 = arith.sitofp %unique3A_684 : vector<16xi32> to vector<16xf32>
        tpu.vector_store_idx %arg12[%shift_right_arithmetic3A_687, %and3A_690], %convert_element_type3A_691 masked %unique3A_683 {add = true} : memref<79x128xf32, #tpu.memory_space<vmem>>[vector<16xi32>, vector<16xi32>], vector<16xf32>, vector<16xi1>
        %get3A_692 = arith.index_cast %add3A_495 : i32 to index
        %get3A_693 = arith.constant 48 : index
        %get3A_694 = tpu.vector_load %arg9[%get3A_692, %get3A_693] {strides = array<i32>} : memref<24x128xi32, #tpu.memory_space<vmem>>, vector<16xi32>,
        %broadcast_in_dim3A_695 = arith.constant true
        %broadcast_in_dim3A_696 = vector.broadcast %broadcast_in_dim3A_695 : i1 to vector<16xi1>
        %unique3A_697, %unique3A_698 = tpu.scan_count mask(%broadcast_in_dim3A_696 : vector<16xi1>) value(%get3A_694 : vector<16xi32>) : vector<16xi1>, vector<16xi32>
        %shift_right_arithmetic3A_699 = arith.constant 7 : i32
        %shift_right_arithmetic3A_700 = vector.broadcast %shift_right_arithmetic3A_699 : i32 to vector<16xi32>
        %shift_right_arithmetic3A_701 = arith.shrsi %get3A_694, %shift_right_arithmetic3A_700 : vector<16xi32>
        %and3A_702 = arith.constant 127 : i32
        %and3A_703 = vector.broadcast %and3A_702 : i32 to vector<16xi32>
        %and3A_704 = arith.andi %get3A_694, %and3A_703 : vector<16xi32>
        %convert_element_type3A_705 = arith.sitofp %unique3A_698 : vector<16xi32> to vector<16xf32>
        tpu.vector_store_idx %arg12[%shift_right_arithmetic3A_701, %and3A_704], %convert_element_type3A_705 masked %unique3A_697 {add = true} : memref<79x128xf32, #tpu.memory_space<vmem>>[vector<16xi32>, vector<16xi32>], vector<16xf32>, vector<16xi1>
        %get3A_706 = arith.index_cast %add3A_495 : i32 to index
        %get3A_707 = arith.constant 64 : index
        %get3A_708 = tpu.vector_load %arg9[%get3A_706, %get3A_707] {strides = array<i32>} : memref<24x128xi32, #tpu.memory_space<vmem>>, vector<16xi32>,
        %broadcast_in_dim3A_709 = arith.constant true
        %broadcast_in_dim3A_710 = vector.broadcast %broadcast_in_dim3A_709 : i1 to vector<16xi1>
        %unique3A_711, %unique3A_712 = tpu.scan_count mask(%broadcast_in_dim3A_710 : vector<16xi1>) value(%get3A_708 : vector<16xi32>) : vector<16xi1>, vector<16xi32>
        %shift_right_arithmetic3A_713 = arith.constant 7 : i32
        %shift_right_arithmetic3A_714 = vector.broadcast %shift_right_arithmetic3A_713 : i32 to vector<16xi32>
        %shift_right_arithmetic3A_715 = arith.shrsi %get3A_708, %shift_right_arithmetic3A_714 : vector<16xi32>
        %and3A_716 = arith.constant 127 : i32
        %and3A_717 = vector.broadcast %and3A_716 : i32 to vector<16xi32>
        %and3A_718 = arith.andi %get3A_708, %and3A_717 : vector<16xi32>
        %convert_element_type3A_719 = arith.sitofp %unique3A_712 : vector<16xi32> to vector<16xf32>
        tpu.vector_store_idx %arg12[%shift_right_arithmetic3A_715, %and3A_718], %convert_element_type3A_719 masked %unique3A_711 {add = true} : memref<79x128xf32, #tpu.memory_space<vmem>>[vector<16xi32>, vector<16xi32>], vector<16xf32>, vector<16xi1>
        %get3A_720 = arith.index_cast %add3A_495 : i32 to index
        %get3A_721 = arith.constant 80 : index
        %get3A_722 = tpu.vector_load %arg9[%get3A_720, %get3A_721] {strides = array<i32>} : memref<24x128xi32, #tpu.memory_space<vmem>>, vector<16xi32>,
        %broadcast_in_dim3A_723 = arith.constant true
        %broadcast_in_dim3A_724 = vector.broadcast %broadcast_in_dim3A_723 : i1 to vector<16xi1>
        %unique3A_725, %unique3A_726 = tpu.scan_count mask(%broadcast_in_dim3A_724 : vector<16xi1>) value(%get3A_722 : vector<16xi32>) : vector<16xi1>, vector<16xi32>
        %shift_right_arithmetic3A_727 = arith.constant 7 : i32
        %shift_right_arithmetic3A_728 = vector.broadcast %shift_right_arithmetic3A_727 : i32 to vector<16xi32>
        %shift_right_arithmetic3A_729 = arith.shrsi %get3A_722, %shift_right_arithmetic3A_728 : vector<16xi32>
        %and3A_730 = arith.constant 127 : i32
        %and3A_731 = vector.broadcast %and3A_730 : i32 to vector<16xi32>
        %and3A_732 = arith.andi %get3A_722, %and3A_731 : vector<16xi32>
        %convert_element_type3A_733 = arith.sitofp %unique3A_726 : vector<16xi32> to vector<16xf32>
        tpu.vector_store_idx %arg12[%shift_right_arithmetic3A_729, %and3A_732], %convert_element_type3A_733 masked %unique3A_725 {add = true} : memref<79x128xf32, #tpu.memory_space<vmem>>[vector<16xi32>, vector<16xi32>], vector<16xf32>, vector<16xi1>
        %get3A_734 = arith.index_cast %add3A_495 : i32 to index
        %get3A_735 = arith.constant 96 : index
        %get3A_736 = tpu.vector_load %arg9[%get3A_734, %get3A_735] {strides = array<i32>} : memref<24x128xi32, #tpu.memory_space<vmem>>, vector<16xi32>,
        %broadcast_in_dim3A_737 = arith.constant true
        %broadcast_in_dim3A_738 = vector.broadcast %broadcast_in_dim3A_737 : i1 to vector<16xi1>
        %unique3A_739, %unique3A_740 = tpu.scan_count mask(%broadcast_in_dim3A_738 : vector<16xi1>) value(%get3A_736 : vector<16xi32>) : vector<16xi1>, vector<16xi32>
        %shift_right_arithmetic3A_741 = arith.constant 7 : i32
        %shift_right_arithmetic3A_742 = vector.broadcast %shift_right_arithmetic3A_741 : i32 to vector<16xi32>
        %shift_right_arithmetic3A_743 = arith.shrsi %get3A_736, %shift_right_arithmetic3A_742 : vector<16xi32>
        %and3A_744 = arith.constant 127 : i32
        %and3A_745 = vector.broadcast %and3A_744 : i32 to vector<16xi32>
        %and3A_746 = arith.andi %get3A_736, %and3A_745 : vector<16xi32>
        %convert_element_type3A_747 = arith.sitofp %unique3A_740 : vector<16xi32> to vector<16xf32>
        tpu.vector_store_idx %arg12[%shift_right_arithmetic3A_743, %and3A_746], %convert_element_type3A_747 masked %unique3A_739 {add = true} : memref<79x128xf32, #tpu.memory_space<vmem>>[vector<16xi32>, vector<16xi32>], vector<16xf32>, vector<16xi1>
        %get3A_748 = arith.index_cast %add3A_495 : i32 to index
        %get3A_749 = arith.constant 112 : index
        %get3A_750 = tpu.vector_load %arg9[%get3A_748, %get3A_749] {strides = array<i32>} : memref<24x128xi32, #tpu.memory_space<vmem>>, vector<16xi32>,
        %broadcast_in_dim3A_751 = arith.constant true
        %broadcast_in_dim3A_752 = vector.broadcast %broadcast_in_dim3A_751 : i1 to vector<16xi1>
        %unique3A_753, %unique3A_754 = tpu.scan_count mask(%broadcast_in_dim3A_752 : vector<16xi1>) value(%get3A_750 : vector<16xi32>) : vector<16xi1>, vector<16xi32>
        %shift_right_arithmetic3A_755 = arith.constant 7 : i32
        %shift_right_arithmetic3A_756 = vector.broadcast %shift_right_arithmetic3A_755 : i32 to vector<16xi32>
        %shift_right_arithmetic3A_757 = arith.shrsi %get3A_750, %shift_right_arithmetic3A_756 : vector<16xi32>
        %and3A_758 = arith.constant 127 : i32
        %and3A_759 = vector.broadcast %and3A_758 : i32 to vector<16xi32>
        %and3A_760 = arith.andi %get3A_750, %and3A_759 : vector<16xi32>
        %convert_element_type3A_761 = arith.sitofp %unique3A_754 : vector<16xi32> to vector<16xf32>
        tpu.vector_store_idx %arg12[%shift_right_arithmetic3A_757, %and3A_760], %convert_element_type3A_761 masked %unique3A_753 {add = true} : memref<79x128xf32, #tpu.memory_space<vmem>>[vector<16xi32>, vector<16xi32>], vector<16xf32>, vector<16xi1>
        %dma_wait3A_762 = arith.constant 0 : i32
        %dma_wait3A_763 = arith.constant 0 : i32
        %dma_wait3A_764 = tpu.memref_slice %arg9[%dma_wait3A_762, %dma_wait3A_763] : memref<24x128xi32, #tpu.memory_space<vmem>> -> memref<1x128xi32, #tpu.memory_space<vmem>>
        %dma_wait3A_765 = tpu.memref_squeeze %dma_wait3A_764 : memref<1x128xi32, #tpu.memory_space<vmem>> -> memref<128xi32, #tpu.memory_space<vmem>>
        %dma_wait3A_766 = arith.constant 0 : i32
        %dma_wait3A_767 = arith.constant 0 : i32
        %dma_wait3A_768 = tpu.memref_slice %arg13[%dma_wait3A_766, %dma_wait3A_767] : memref<10112x128xf32, #tpu.memory_space<vmem_shared>> -> memref<10112x128xf32, #tpu.memory_space<vmem_shared>>
        tpu.wait_indirect_dma semaphore(%arg17 : memref<!tpu.dma_semaphore, #tpu.memory_space<semaphore_mem>>) src(%arg11 : memref<128x128xf32, #tpu.memory_space<vmem>>) dst(%dma_wait3A_768 : memref<10112x128xf32, #tpu.memory_space<vmem_shared>>)
      } else {
      }
    }
    %barrier3A_486 = arith.constant 0 : index
    tpu.barrier barrier_id(%barrier3A_486)
    %mul3A_487 = arith.constant 632 : i32
    %mul3A_488 = arith.muli %arg1, %mul3A_487 : i32
    %mul3A_489 = arith.constant 632 : i32
    %mul3A_490 = arith.muli %arg1, %mul3A_489 : i32
    "tpu.region"() ({
      %run_scoped3A = tpu.sem_alloc : memref<!tpu.dma_semaphore, #tpu.memory_space<semaphore_mem>>
      %dma_start3A_491 = arith.constant 0 : i32
      %dma_start3A_492 = tpu.memref_slice %arg5[%arg0, %mul3A_490, %dma_start3A_491] : memref<2x10112x128xf32, #tpu.memory_space<hbm>> -> memref<1x632x128xf32, #tpu.memory_space<hbm>>
      %dma_start3A_493 = tpu.memref_squeeze %dma_start3A_492 : memref<1x632x128xf32, #tpu.memory_space<hbm>> -> memref<632x128xf32, #tpu.memory_space<hbm>>
      %dma_start3A_494 = arith.constant 0 : i32
      %dma_start3A_495 = tpu.memref_slice %arg13[%mul3A_488, %dma_start3A_494] : memref<10112x128xf32, #tpu.memory_space<vmem_shared>> -> memref<632x128xf32, #tpu.memory_space<vmem_shared>>
      tpu.enqueue_dma source(%dma_start3A_495 : memref<632x128xf32, #tpu.memory_space<vmem_shared>>) target(%dma_start3A_493 : memref<632x128xf32, #tpu.memory_space<hbm>>) target_semaphore(%run_scoped3A : memref<!tpu.dma_semaphore, #tpu.memory_space<semaphore_mem>>)
      %dma_wait3A_496 = arith.constant 0 : i32
      %dma_wait3A_497 = tpu.memref_slice %arg5[%arg0, %mul3A_490, %dma_wait3A_496] : memref<2x10112x128xf32, #tpu.memory_space<hbm>> -> memref<1x632x128xf32, #tpu.memory_space<hbm>>
      %dma_wait3A_498 = tpu.memref_squeeze %dma_wait3A_497 : memref<1x632x128xf32, #tpu.memory_space<hbm>> -> memref<632x128xf32, #tpu.memory_space<hbm>>
      %dma_wait3A_499 = arith.constant 0 : i32
      %dma_wait3A_500 = tpu.memref_slice %arg13[%mul3A_488, %dma_wait3A_499] : memref<10112x128xf32, #tpu.memory_space<vmem_shared>> -> memref<632x128xf32, #tpu.memory_space<vmem_shared>>
      tpu.wait_dma2 semaphore(%run_scoped3A : memref<!tpu.dma_semaphore, #tpu.memory_space<semaphore_mem>>) src(%dma_wait3A_500 : memref<632x128xf32, #tpu.memory_space<vmem_shared>>) dst(%dma_wait3A_498 : memref<632x128xf32, #tpu.memory_space<hbm>>)
      tpu.yield
    }) : () -> ()
    "tpu.region"() ({
      %run_scoped3A = tpu.sem_alloc : memref<!tpu.dma_semaphore, #tpu.memory_space<semaphore_mem>>
      %dma_start3A_491 = arith.constant 0 : i32
      %dma_start3A_492 = arith.constant 0 : i32
      %dma_start3A_493 = tpu.memref_slice %arg6[%add3A, %dma_start3A_491, %dma_start3A_492] : memref<32x79x128xf32, #tpu.memory_space<hbm>> -> memref<1x79x128xf32, #tpu.memory_space<hbm>>
      %dma_start3A_494 = tpu.memref_squeeze %dma_start3A_493 : memref<1x79x128xf32, #tpu.memory_space<hbm>> -> memref<79x128xf32, #tpu.memory_space<hbm>>
      %dma_start3A_495 = arith.constant 0 : i32
      %dma_start3A_496 = arith.constant 0 : i32
      %dma_start3A_497 = tpu.memref_slice %arg6[%add3A, %dma_start3A_495, %dma_start3A_496] : memref<32x79x128xf32, #tpu.memory_space<hbm>> -> memref<1x79x128xf32, #tpu.memory_space<hbm>>
      %dma_start3A_498 = tpu.memref_squeeze %dma_start3A_497 : memref<1x79x128xf32, #tpu.memory_space<hbm>> -> memref<79x128xf32, #tpu.memory_space<hbm>>
      tpu.enqueue_dma source(%arg12 : memref<79x128xf32, #tpu.memory_space<vmem>>) target(%dma_start3A_498 : memref<79x128xf32, #tpu.memory_space<hbm>>) target_semaphore(%run_scoped3A : memref<!tpu.dma_semaphore, #tpu.memory_space<semaphore_mem>>)
      %dma_wait3A_499 = arith.constant 0 : i32
      %dma_wait3A_500 = arith.constant 0 : i32
      %dma_wait3A_501 = tpu.memref_slice %arg6[%add3A, %dma_wait3A_499, %dma_wait3A_500] : memref<32x79x128xf32, #tpu.memory_space<hbm>> -> memref<1x79x128xf32, #tpu.memory_space<hbm>>
      %dma_wait3A_502 = tpu.memref_squeeze %dma_wait3A_501 : memref<1x79x128xf32, #tpu.memory_space<hbm>> -> memref<79x128xf32, #tpu.memory_space<hbm>>
      %dma_wait3A_503 = arith.constant 0 : i32
      %dma_wait3A_504 = arith.constant 0 : i32
      %dma_wait3A_505 = tpu.memref_slice %arg6[%add3A, %dma_wait3A_503, %dma_wait3A_504] : memref<32x79x128xf32, #tpu.memory_space<hbm>> -> memref<1x79x128xf32, #tpu.memory_space<hbm>>
      %dma_wait3A_506 = tpu.memref_squeeze %dma_wait3A_505 : memref<1x79x128xf32, #tpu.memory_space<hbm>> -> memref<79x128xf32, #tpu.memory_space<hbm>>
      tpu.wait_dma2 semaphore(%run_scoped3A : memref<!tpu.dma_semaphore, #tpu.memory_space<semaphore_mem>>) src(%arg12 : memref<79x128xf32, #tpu.memory_space<vmem>>) dst(%dma_wait3A_506 : memref<79x128xf32, #tpu.memory_space<hbm>>)
      tpu.yield
    }) : () -> ()
    return
  }
}

#map = affine_map<(d0, d1) -> (0, 0)>
#map1 = affine_map<(d0, d1) -> (0, 0, 0)>
module attributes {stable_mosaic.version = 14 : i64} {
  func.func @_sc_segsum(%arg0: i32, %arg1: i32, %arg2: memref<10000x128xf32, #tpu.memory_space<hbm>>, %arg3: memref<2500x128xi32, #tpu.memory_space<hbm>>, %arg4: memref<2500x128xi32, #tpu.memory_space<hbm>>, %arg5: memref<2x10112x128xf32, #tpu.memory_space<hbm>>, %arg6: memref<32x79x128xf32, #tpu.memory_space<hbm>>, %arg7: memref<80xi32, #tpu.memory_space<vmem>>, %arg8: memref<24x128xi32, #tpu.memory_space<vmem>>, %arg9: memref<24x128xi32, #tpu.memory_space<vmem>>, %arg10: memref<128x128xf32, #tpu.memory_space<vmem>>, %arg11: memref<128x128xf32, #tpu.memory_space<vmem>>, %arg12: memref<79x128xf32, #tpu.memory_space<vmem>>, %arg13: memref<10112x128xf32, #tpu.memory_space<vmem_shared>>, %arg14: memref<!tpu.dma_semaphore, #tpu.memory_space<semaphore_mem>>, %arg15: memref<!tpu.dma_semaphore, #tpu.memory_space<semaphore_mem>>, %arg16: memref<!tpu.dma_semaphore, #tpu.memory_space<semaphore_mem>>, %arg17: memref<!tpu.dma_semaphore, #tpu.memory_space<semaphore_mem>>) attributes {dimension_semantics = [#tpu.dimension_semantics<core_parallel>, #tpu.dimension_semantics<subcore_parallel>], iteration_bounds = array<i64: 2, 16>, scalar_prefetch = 0 : i64, scratch_operands = 11 : i64, tpu.core_type = #tpu.core_type<sc_vector_subcore>, window_params = [{transform_indices = #map}, {transform_indices = #map}, {transform_indices = #map}, {transform_indices = #map1}, {transform_indices = #map1}]} {
    %mul3A = arith.constant 2 : i32
    %mul3A_0 = arith.muli %arg1, %mul3A : i32
    %add3A = arith.addi %mul3A_0, %arg0 : i32
    %lt3A = arith.constant 4 : i32
    %lt3A_1 = arith.cmpi slt, %add3A, %lt3A : i32
    %jit3A = arith.constant 1 : i32
    %jit3A_2 = arith.constant 0 : i32
    %select_n3A = arith.select %lt3A_1, %jit3A, %jit3A_2 : i32
    %add3A_3 = arith.constant 78 : i32
    %add3A_4 = arith.addi %add3A_3, %select_n3A : i32
    %iota3A = tpu.iota {dimensions = array<i32: 0>} : vector<16xi32>
    %add3A_5 = arith.constant 0 : i32
    %add3A_6 = vector.broadcast %add3A_5 : i32 to vector<16xi32>
    %add3A_7 = arith.addi %add3A_6, %iota3A : vector<16xi32>
    %lt3A_8 = arith.constant 78 : i32
    %lt3A_9 = vector.broadcast %lt3A_8 : i32 to vector<16xi32>
    %lt3A_10 = arith.cmpi slt, %add3A_7, %lt3A_9 : vector<16xi32>
    %mul3A_11 = arith.constant 78 : i32
    %mul3A_12 = arith.muli %mul3A_11, %add3A : i32
    %add3A_13 = vector.broadcast %mul3A_12 : i32 to vector<16xi32>
    %add3A_14 = arith.addi %add3A_13, %add3A_7 : vector<16xi32>
    %eq3A = arith.constant 78 : i32
    %eq3A_15 = vector.broadcast %eq3A : i32 to vector<16xi32>
    %eq3A_16 = arith.cmpi eq, %add3A_7, %eq3A_15 : vector<16xi32>
    %lt3A_17 = arith.constant 4 : i32
    %lt3A_18 = arith.cmpi slt, %add3A, %lt3A_17 : i32
    %and3A = vector.broadcast %lt3A_18 : i1 to vector<16xi1>
    %and3A_19 = arith.andi %eq3A_16, %and3A : vector<16xi1>
    %add3A_20 = arith.constant 2496 : i32
    %add3A_21 = arith.addi %add3A_20, %add3A : i32
    %jit3A_22 = arith.constant 0 : i32
    %broadcast_in_dim3A = vector.broadcast %add3A_21 : i32 to vector<16xi32>
    %broadcast_in_dim3A_23 = vector.broadcast %jit3A_22 : i32 to vector<16xi32>
    %select_n3A_24 = arith.select %and3A_19, %broadcast_in_dim3A, %broadcast_in_dim3A_23 : vector<16xi1>, vector<16xi32>
    %select_n3A_25 = arith.select %lt3A_10, %add3A_14, %select_n3A_24 : vector<16xi1>, vector<16xi32>
    %swap3A = arith.constant 0 : index
    %swap3A_26 = tpu.vector_load %arg7[%swap3A] {strides = array<i32>} : memref<80xi32, #tpu.memory_space<vmem>>, vector<16xi32>,
    tpu.vector_store %arg7[%swap3A], %select_n3A_25 {strides = array<i32>} : memref<80xi32, #tpu.memory_space<vmem>>, vector<16xi32>,
    %add3A_27 = arith.constant 16 : i32
    %add3A_28 = vector.broadcast %add3A_27 : i32 to vector<16xi32>
    %add3A_29 = arith.addi %add3A_28, %iota3A : vector<16xi32>
    %lt3A_30 = arith.constant 78 : i32
    %lt3A_31 = vector.broadcast %lt3A_30 : i32 to vector<16xi32>
    %lt3A_32 = arith.cmpi slt, %add3A_29, %lt3A_31 : vector<16xi32>
    %mul3A_33 = arith.constant 78 : i32
    %mul3A_34 = arith.muli %mul3A_33, %add3A : i32
    %add3A_35 = vector.broadcast %mul3A_34 : i32 to vector<16xi32>
    %add3A_36 = arith.addi %add3A_35, %add3A_29 : vector<16xi32>
    %eq3A_37 = arith.constant 78 : i32
    %eq3A_38 = vector.broadcast %eq3A_37 : i32 to vector<16xi32>
    %eq3A_39 = arith.cmpi eq, %add3A_29, %eq3A_38 : vector<16xi32>
    %lt3A_40 = arith.constant 4 : i32
    %lt3A_41 = arith.cmpi slt, %add3A, %lt3A_40 : i32
    %and3A_42 = vector.broadcast %lt3A_41 : i1 to vector<16xi1>
    %and3A_43 = arith.andi %eq3A_39, %and3A_42 : vector<16xi1>
    %add3A_44 = arith.constant 2496 : i32
    %add3A_45 = arith.addi %add3A_44, %add3A : i32
    %jit3A_46 = arith.constant 0 : i32
    %broadcast_in_dim3A_47 = vector.broadcast %add3A_45 : i32 to vector<16xi32>
    %broadcast_in_dim3A_48 = vector.broadcast %jit3A_46 : i32 to vector<16xi32>
    %select_n3A_49 = arith.select %and3A_43, %broadcast_in_dim3A_47, %broadcast_in_dim3A_48 : vector<16xi1>, vector<16xi32>
    %select_n3A_50 = arith.select %lt3A_32, %add3A_36, %select_n3A_49 : vector<16xi1>, vector<16xi32>
    %swap3A_51 = arith.constant 16 : index
    %swap3A_52 = tpu.vector_load %arg7[%swap3A_51] {strides = array<i32>} : memref<80xi32, #tpu.memory_space<vmem>>, vector<16xi32>,
    tpu.vector_store %arg7[%swap3A_51], %select_n3A_50 {strides = array<i32>} : memref<80xi32, #tpu.memory_space<vmem>>, vector<16xi32>,
    %add3A_53 = arith.constant 32 : i32
    %add3A_54 = vector.broadcast %add3A_53 : i32 to vector<16xi32>
    %add3A_55 = arith.addi %add3A_54, %iota3A : vector<16xi32>
    %lt3A_56 = arith.constant 78 : i32
    %lt3A_57 = vector.broadcast %lt3A_56 : i32 to vector<16xi32>
    %lt3A_58 = arith.cmpi slt, %add3A_55, %lt3A_57 : vector<16xi32>
    %mul3A_59 = arith.constant 78 : i32
    %mul3A_60 = arith.muli %mul3A_59, %add3A : i32
    %add3A_61 = vector.broadcast %mul3A_60 : i32 to vector<16xi32>
    %add3A_62 = arith.addi %add3A_61, %add3A_55 : vector<16xi32>
    %eq3A_63 = arith.constant 78 : i32
    %eq3A_64 = vector.broadcast %eq3A_63 : i32 to vector<16xi32>
    %eq3A_65 = arith.cmpi eq, %add3A_55, %eq3A_64 : vector<16xi32>
    %lt3A_66 = arith.constant 4 : i32
    %lt3A_67 = arith.cmpi slt, %add3A, %lt3A_66 : i32
    %and3A_68 = vector.broadcast %lt3A_67 : i1 to vector<16xi1>
    %and3A_69 = arith.andi %eq3A_65, %and3A_68 : vector<16xi1>
    %add3A_70 = arith.constant 2496 : i32
    %add3A_71 = arith.addi %add3A_70, %add3A : i32
    %jit3A_72 = arith.constant 0 : i32
    %broadcast_in_dim3A_73 = vector.broadcast %add3A_71 : i32 to vector<16xi32>
    %broadcast_in_dim3A_74 = vector.broadcast %jit3A_72 : i32 to vector<16xi32>
    %select_n3A_75 = arith.select %and3A_69, %broadcast_in_dim3A_73, %broadcast_in_dim3A_74 : vector<16xi1>, vector<16xi32>
    %select_n3A_76 = arith.select %lt3A_58, %add3A_62, %select_n3A_75 : vector<16xi1>, vector<16xi32>
    %swap3A_77 = arith.constant 32 : index
    %swap3A_78 = tpu.vector_load %arg7[%swap3A_77] {strides = array<i32>} : memref<80xi32, #tpu.memory_space<vmem>>, vector<16xi32>,
    tpu.vector_store %arg7[%swap3A_77], %select_n3A_76 {strides = array<i32>} : memref<80xi32, #tpu.memory_space<vmem>>, vector<16xi32>,
    %add3A_79 = arith.constant 48 : i32
    %add3A_80 = vector.broadcast %add3A_79 : i32 to vector<16xi32>
    %add3A_81 = arith.addi %add3A_80, %iota3A : vector<16xi32>
    %lt3A_82 = arith.constant 78 : i32
    %lt3A_83 = vector.broadcast %lt3A_82 : i32 to vector<16xi32>
    %lt3A_84 = arith.cmpi slt, %add3A_81, %lt3A_83 : vector<16xi32>
    %mul3A_85 = arith.constant 78 : i32
    %mul3A_86 = arith.muli %mul3A_85, %add3A : i32
    %add3A_87 = vector.broadcast %mul3A_86 : i32 to vector<16xi32>
    %add3A_88 = arith.addi %add3A_87, %add3A_81 : vector<16xi32>
    %eq3A_89 = arith.constant 78 : i32
    %eq3A_90 = vector.broadcast %eq3A_89 : i32 to vector<16xi32>
    %eq3A_91 = arith.cmpi eq, %add3A_81, %eq3A_90 : vector<16xi32>
    %lt3A_92 = arith.constant 4 : i32
    %lt3A_93 = arith.cmpi slt, %add3A, %lt3A_92 : i32
    %and3A_94 = vector.broadcast %lt3A_93 : i1 to vector<16xi1>
    %and3A_95 = arith.andi %eq3A_91, %and3A_94 : vector<16xi1>
    %add3A_96 = arith.constant 2496 : i32
    %add3A_97 = arith.addi %add3A_96, %add3A : i32
    %jit3A_98 = arith.constant 0 : i32
    %broadcast_in_dim3A_99 = vector.broadcast %add3A_97 : i32 to vector<16xi32>
    %broadcast_in_dim3A_100 = vector.broadcast %jit3A_98 : i32 to vector<16xi32>
    %select_n3A_101 = arith.select %and3A_95, %broadcast_in_dim3A_99, %broadcast_in_dim3A_100 : vector<16xi1>, vector<16xi32>
    %select_n3A_102 = arith.select %lt3A_84, %add3A_88, %select_n3A_101 : vector<16xi1>, vector<16xi32>
    %swap3A_103 = arith.constant 48 : index
    %swap3A_104 = tpu.vector_load %arg7[%swap3A_103] {strides = array<i32>} : memref<80xi32, #tpu.memory_space<vmem>>, vector<16xi32>,
    tpu.vector_store %arg7[%swap3A_103], %select_n3A_102 {strides = array<i32>} : memref<80xi32, #tpu.memory_space<vmem>>, vector<16xi32>,
    %add3A_105 = arith.constant 64 : i32
    %add3A_106 = vector.broadcast %add3A_105 : i32 to vector<16xi32>
    %add3A_107 = arith.addi %add3A_106, %iota3A : vector<16xi32>
    %lt3A_108 = arith.constant 78 : i32
    %lt3A_109 = vector.broadcast %lt3A_108 : i32 to vector<16xi32>
    %lt3A_110 = arith.cmpi slt, %add3A_107, %lt3A_109 : vector<16xi32>
    %mul3A_111 = arith.constant 78 : i32
    %mul3A_112 = arith.muli %mul3A_111, %add3A : i32
    %add3A_113 = vector.broadcast %mul3A_112 : i32 to vector<16xi32>
    %add3A_114 = arith.addi %add3A_113, %add3A_107 : vector<16xi32>
    %eq3A_115 = arith.constant 78 : i32
    %eq3A_116 = vector.broadcast %eq3A_115 : i32 to vector<16xi32>
    %eq3A_117 = arith.cmpi eq, %add3A_107, %eq3A_116 : vector<16xi32>
    %lt3A_118 = arith.constant 4 : i32
    %lt3A_119 = arith.cmpi slt, %add3A, %lt3A_118 : i32
    %and3A_120 = vector.broadcast %lt3A_119 : i1 to vector<16xi1>
    %and3A_121 = arith.andi %eq3A_117, %and3A_120 : vector<16xi1>
    %add3A_122 = arith.constant 2496 : i32
    %add3A_123 = arith.addi %add3A_122, %add3A : i32
    %jit3A_124 = arith.constant 0 : i32
    %broadcast_in_dim3A_125 = vector.broadcast %add3A_123 : i32 to vector<16xi32>
    %broadcast_in_dim3A_126 = vector.broadcast %jit3A_124 : i32 to vector<16xi32>
    %select_n3A_127 = arith.select %and3A_121, %broadcast_in_dim3A_125, %broadcast_in_dim3A_126 : vector<16xi1>, vector<16xi32>
    %select_n3A_128 = arith.select %lt3A_110, %add3A_114, %select_n3A_127 : vector<16xi1>, vector<16xi32>
    %swap3A_129 = arith.constant 64 : index
    %swap3A_130 = tpu.vector_load %arg7[%swap3A_129] {strides = array<i32>} : memref<80xi32, #tpu.memory_space<vmem>>, vector<16xi32>,
    tpu.vector_store %arg7[%swap3A_129], %select_n3A_128 {strides = array<i32>} : memref<80xi32, #tpu.memory_space<vmem>>, vector<16xi32>,
    %scan3A = arith.constant 0 : i32
    %scan3A_131 = arith.constant 0 : i32
    %scan3A_132 = arith.constant 1024 : i32
    %scan3A_133 = arith.addi %scan3A_131, %scan3A_132 : i32
    %scan3A_134 = arith.constant 1 : i32
    scf.for %scan3A_491 = %scan3A_131 to %scan3A_133 step %scan3A_134  : i32 {
      %broadcast_in_dim3A_492 = arith.constant 0.000000e+00 : f32
      %broadcast_in_dim3A_493 = vector.broadcast %broadcast_in_dim3A_492 : f32 to vector<16xf32>
      %jit3A_494 = arith.constant 8 : i32
      %div3A_495 = arith.divsi %scan3A_491, %jit3A_494 : i32
      %sign3A_496 = arith.constant 0 : i32
      %sign3A_497 = arith.cmpi sgt, %scan3A_491, %sign3A_496 : i32
      %sign3A_498 = arith.extui %sign3A_497 : i1 to i32
      %sign3A_499 = arith.constant 0 : i32
      %sign3A_500 = arith.cmpi slt, %scan3A_491, %sign3A_499 : i32
      %sign3A_501 = arith.extui %sign3A_500 : i1 to i32
      %sign3A_502 = arith.subi %sign3A_498, %sign3A_501 : i32
      %sign3A_503 = arith.constant 0 : i32
      %sign3A_504 = arith.cmpi sgt, %jit3A_494, %sign3A_503 : i32
      %sign3A_505 = arith.extui %sign3A_504 : i1 to i32
      %sign3A_506 = arith.constant 0 : i32
      %sign3A_507 = arith.cmpi slt, %jit3A_494, %sign3A_506 : i32
      %sign3A_508 = arith.extui %sign3A_507 : i1 to i32
      %sign3A_509 = arith.subi %sign3A_505, %sign3A_508 : i32
      %ne3A_510 = arith.cmpi ne, %sign3A_502, %sign3A_509 : i32
      %rem3A_511 = arith.remsi %scan3A_491, %jit3A_494 : i32
      %ne3A_512 = arith.constant 0 : i32
      %ne3A_513 = arith.cmpi ne, %rem3A_511, %ne3A_512 : i32
      %and3A_514 = arith.andi %ne3A_510, %ne3A_513 : i1
      %sub3A_515 = arith.constant 1 : i32
      %sub3A_516 = arith.subi %div3A_495, %sub3A_515 : i32
      %select_n3A_517 = arith.select %and3A_514, %sub3A_516, %div3A_495 : i32
      %jit3A_518 = arith.constant 8 : i32
      %eq3A_519 = arith.constant 0 : i32
      %eq3A_520 = arith.cmpi eq, %jit3A_518, %eq3A_519 : i32
      %jit3A_521 = arith.constant 1 : i32
      %select_n3A_522 = arith.select %eq3A_520, %jit3A_521, %jit3A_518 : i32
      %rem3A_523 = arith.remsi %scan3A_491, %select_n3A_522 : i32
      %ne3A_524 = arith.constant 0 : i32
      %ne3A_525 = arith.cmpi ne, %rem3A_523, %ne3A_524 : i32
      %lt3A_526 = arith.constant 0 : i32
      %lt3A_527 = arith.cmpi slt, %rem3A_523, %lt3A_526 : i32
      %lt3A_528 = arith.constant 0 : i32
      %lt3A_529 = arith.cmpi slt, %select_n3A_522, %lt3A_528 : i32
      %ne3A_530 = arith.xori %lt3A_527, %lt3A_529 : i1
      %and3A_531 = arith.andi %ne3A_530, %ne3A_525 : i1
      %add3A_532 = arith.addi %rem3A_523, %select_n3A_522 : i32
      %select_n3A_533 = arith.select %and3A_531, %add3A_532, %rem3A_523 : i32
      %mul3A_534 = arith.constant 16 : i32
      %mul3A_535 = arith.muli %select_n3A_533, %mul3A_534 : i32
      %swap3A_536 = arith.index_cast %select_n3A_517 : i32 to index
      %swap3A_537 = arith.index_cast %mul3A_535 : i32 to index
      %swap3A_538 = tpu.vector_load %arg10[%swap3A_536, %swap3A_537] {strides = array<i32>} : memref<128x128xf32, #tpu.memory_space<vmem>>, vector<16xf32>,
      tpu.vector_store %arg10[%swap3A_536, %swap3A_537], %broadcast_in_dim3A_493 {strides = array<i32>} : memref<128x128xf32, #tpu.memory_space<vmem>>, vector<16xf32>,
    }
    %scan3A_135 = arith.constant 1024 : i32
    %scan3A_136 = arith.constant 0 : i32
    %scan3A_137 = arith.constant 0 : i32
    %scan3A_138 = arith.constant 632 : i32
    %scan3A_139 = arith.addi %scan3A_137, %scan3A_138 : i32
    %scan3A_140 = arith.constant 1 : i32
    scf.for %scan3A_491 = %scan3A_137 to %scan3A_139 step %scan3A_140  : i32 {
      %broadcast_in_dim3A_492 = arith.constant 0.000000e+00 : f32
      %broadcast_in_dim3A_493 = vector.broadcast %broadcast_in_dim3A_492 : f32 to vector<16xf32>
      %jit3A_494 = arith.constant 8 : i32
      %div3A_495 = arith.divsi %scan3A_491, %jit3A_494 : i32
      %sign3A_496 = arith.constant 0 : i32
      %sign3A_497 = arith.cmpi sgt, %scan3A_491, %sign3A_496 : i32
      %sign3A_498 = arith.extui %sign3A_497 : i1 to i32
      %sign3A_499 = arith.constant 0 : i32
      %sign3A_500 = arith.cmpi slt, %scan3A_491, %sign3A_499 : i32
      %sign3A_501 = arith.extui %sign3A_500 : i1 to i32
      %sign3A_502 = arith.subi %sign3A_498, %sign3A_501 : i32
      %sign3A_503 = arith.constant 0 : i32
      %sign3A_504 = arith.cmpi sgt, %jit3A_494, %sign3A_503 : i32
      %sign3A_505 = arith.extui %sign3A_504 : i1 to i32
      %sign3A_506 = arith.constant 0 : i32
      %sign3A_507 = arith.cmpi slt, %jit3A_494, %sign3A_506 : i32
      %sign3A_508 = arith.extui %sign3A_507 : i1 to i32
      %sign3A_509 = arith.subi %sign3A_505, %sign3A_508 : i32
      %ne3A_510 = arith.cmpi ne, %sign3A_502, %sign3A_509 : i32
      %rem3A_511 = arith.remsi %scan3A_491, %jit3A_494 : i32
      %ne3A_512 = arith.constant 0 : i32
      %ne3A_513 = arith.cmpi ne, %rem3A_511, %ne3A_512 : i32
      %and3A_514 = arith.andi %ne3A_510, %ne3A_513 : i1
      %sub3A_515 = arith.constant 1 : i32
      %sub3A_516 = arith.subi %div3A_495, %sub3A_515 : i32
      %select_n3A_517 = arith.select %and3A_514, %sub3A_516, %div3A_495 : i32
      %jit3A_518 = arith.constant 8 : i32
      %eq3A_519 = arith.constant 0 : i32
      %eq3A_520 = arith.cmpi eq, %jit3A_518, %eq3A_519 : i32
      %jit3A_521 = arith.constant 1 : i32
      %select_n3A_522 = arith.select %eq3A_520, %jit3A_521, %jit3A_518 : i32
      %rem3A_523 = arith.remsi %scan3A_491, %select_n3A_522 : i32
      %ne3A_524 = arith.constant 0 : i32
      %ne3A_525 = arith.cmpi ne, %rem3A_523, %ne3A_524 : i32
      %lt3A_526 = arith.constant 0 : i32
      %lt3A_527 = arith.cmpi slt, %rem3A_523, %lt3A_526 : i32
      %lt3A_528 = arith.constant 0 : i32
      %lt3A_529 = arith.cmpi slt, %select_n3A_522, %lt3A_528 : i32
      %ne3A_530 = arith.xori %lt3A_527, %lt3A_529 : i1
      %and3A_531 = arith.andi %ne3A_530, %ne3A_525 : i1
      %add3A_532 = arith.addi %rem3A_523, %select_n3A_522 : i32
      %select_n3A_533 = arith.select %and3A_531, %add3A_532, %rem3A_523 : i32
      %mul3A_534 = arith.constant 16 : i32
      %mul3A_535 = arith.muli %select_n3A_533, %mul3A_534 : i32
      %swap3A_536 = arith.index_cast %select_n3A_517 : i32 to index
      %swap3A_537 = arith.index_cast %mul3A_535 : i32 to index
      %swap3A_538 = tpu.vector_load %arg12[%swap3A_536, %swap3A_537] {strides = array<i32>} : memref<79x128xf32, #tpu.memory_space<vmem>>, vector<16xf32>,
      tpu.vector_store %arg12[%swap3A_536, %swap3A_537], %broadcast_in_dim3A_493 {strides = array<i32>} : memref<79x128xf32, #tpu.memory_space<vmem>>, vector<16xf32>,
    }
    %scan3A_141 = arith.constant 632 : i32
    %mul3A_142 = arith.constant 632 : i32
    %mul3A_143 = arith.muli %arg1, %mul3A_142 : i32
    %add3A_144 = arith.constant 0 : i32
    %add3A_145 = arith.addi %mul3A_143, %add3A_144 : i32
    %dma_start3A = arith.constant 0 : i32
    %dma_start3A_146 = arith.constant 0 : i32
    %dma_start3A_147 = tpu.memref_slice %arg10[%dma_start3A, %dma_start3A_146] : memref<128x128xf32, #tpu.memory_space<vmem>> -> memref<128x128xf32, #tpu.memory_space<vmem>>
    %dma_start3A_148 = arith.constant 0 : i32
    %dma_start3A_149 = tpu.memref_slice %arg13[%add3A_145, %dma_start3A_148] : memref<10112x128xf32, #tpu.memory_space<vmem_shared>> -> memref<128x128xf32, #tpu.memory_space<vmem_shared>>
    %dma_start3A_150 = arith.constant 0 : i32
    %dma_start3A_151 = tpu.memref_slice %arg13[%add3A_145, %dma_start3A_150] : memref<10112x128xf32, #tpu.memory_space<vmem_shared>> -> memref<128x128xf32, #tpu.memory_space<vmem_shared>>
    %dma_start3A_152 = arith.constant 0 : i32
    %dma_start3A_153 = arith.constant 0 : i32
    %dma_start3A_154 = tpu.memref_slice %arg10[%dma_start3A_152, %dma_start3A_153] : memref<128x128xf32, #tpu.memory_space<vmem>> -> memref<128x128xf32, #tpu.memory_space<vmem>>
    tpu.enqueue_dma source(%dma_start3A_154 : memref<128x128xf32, #tpu.memory_space<vmem>>) target(%dma_start3A_151 : memref<128x128xf32, #tpu.memory_space<vmem_shared>>) target_semaphore(%arg16 : memref<!tpu.dma_semaphore, #tpu.memory_space<semaphore_mem>>)
    %mul3A_155 = arith.constant 632 : i32
    %mul3A_156 = arith.muli %arg1, %mul3A_155 : i32
    %add3A_157 = arith.constant 128 : i32
    %add3A_158 = arith.addi %mul3A_156, %add3A_157 : i32
    %dma_start3A_159 = arith.constant 0 : i32
    %dma_start3A_160 = arith.constant 0 : i32
    %dma_start3A_161 = tpu.memref_slice %arg10[%dma_start3A_159, %dma_start3A_160] : memref<128x128xf32, #tpu.memory_space<vmem>> -> memref<128x128xf32, #tpu.memory_space<vmem>>
    %dma_start3A_162 = arith.constant 0 : i32
    %dma_start3A_163 = tpu.memref_slice %arg13[%add3A_158, %dma_start3A_162] : memref<10112x128xf32, #tpu.memory_space<vmem_shared>> -> memref<128x128xf32, #tpu.memory_space<vmem_shared>>
    %dma_start3A_164 = arith.constant 0 : i32
    %dma_start3A_165 = tpu.memref_slice %arg13[%add3A_158, %dma_start3A_164] : memref<10112x128xf32, #tpu.memory_space<vmem_shared>> -> memref<128x128xf32, #tpu.memory_space<vmem_shared>>
    %dma_start3A_166 = arith.constant 0 : i32
    %dma_start3A_167 = arith.constant 0 : i32
    %dma_start3A_168 = tpu.memref_slice %arg10[%dma_start3A_166, %dma_start3A_167] : memref<128x128xf32, #tpu.memory_space<vmem>> -> memref<128x128xf32, #tpu.memory_space<vmem>>
    tpu.enqueue_dma source(%dma_start3A_168 : memref<128x128xf32, #tpu.memory_space<vmem>>) target(%dma_start3A_165 : memref<128x128xf32, #tpu.memory_space<vmem_shared>>) target_semaphore(%arg16 : memref<!tpu.dma_semaphore, #tpu.memory_space<semaphore_mem>>)
    %mul3A_169 = arith.constant 632 : i32
    %mul3A_170 = arith.muli %arg1, %mul3A_169 : i32
    %add3A_171 = arith.constant 256 : i32
    %add3A_172 = arith.addi %mul3A_170, %add3A_171 : i32
    %dma_start3A_173 = arith.constant 0 : i32
    %dma_start3A_174 = arith.constant 0 : i32
    %dma_start3A_175 = tpu.memref_slice %arg10[%dma_start3A_173, %dma_start3A_174] : memref<128x128xf32, #tpu.memory_space<vmem>> -> memref<128x128xf32, #tpu.memory_space<vmem>>
    %dma_start3A_176 = arith.constant 0 : i32
    %dma_start3A_177 = tpu.memref_slice %arg13[%add3A_172, %dma_start3A_176] : memref<10112x128xf32, #tpu.memory_space<vmem_shared>> -> memref<128x128xf32, #tpu.memory_space<vmem_shared>>
    %dma_start3A_178 = arith.constant 0 : i32
    %dma_start3A_179 = tpu.memref_slice %arg13[%add3A_172, %dma_start3A_178] : memref<10112x128xf32, #tpu.memory_space<vmem_shared>> -> memref<128x128xf32, #tpu.memory_space<vmem_shared>>
    %dma_start3A_180 = arith.constant 0 : i32
    %dma_start3A_181 = arith.constant 0 : i32
    %dma_start3A_182 = tpu.memref_slice %arg10[%dma_start3A_180, %dma_start3A_181] : memref<128x128xf32, #tpu.memory_space<vmem>> -> memref<128x128xf32, #tpu.memory_space<vmem>>
    tpu.enqueue_dma source(%dma_start3A_182 : memref<128x128xf32, #tpu.memory_space<vmem>>) target(%dma_start3A_179 : memref<128x128xf32, #tpu.memory_space<vmem_shared>>) target_semaphore(%arg16 : memref<!tpu.dma_semaphore, #tpu.memory_space<semaphore_mem>>)
    %mul3A_183 = arith.constant 632 : i32
    %mul3A_184 = arith.muli %arg1, %mul3A_183 : i32
    %add3A_185 = arith.constant 384 : i32
    %add3A_186 = arith.addi %mul3A_184, %add3A_185 : i32
    %dma_start3A_187 = arith.constant 0 : i32
    %dma_start3A_188 = arith.constant 0 : i32
    %dma_start3A_189 = tpu.memref_slice %arg10[%dma_start3A_187, %dma_start3A_188] : memref<128x128xf32, #tpu.memory_space<vmem>> -> memref<128x128xf32, #tpu.memory_space<vmem>>
    %dma_start3A_190 = arith.constant 0 : i32
    %dma_start3A_191 = tpu.memref_slice %arg13[%add3A_186, %dma_start3A_190] : memref<10112x128xf32, #tpu.memory_space<vmem_shared>> -> memref<128x128xf32, #tpu.memory_space<vmem_shared>>
    %dma_start3A_192 = arith.constant 0 : i32
    %dma_start3A_193 = tpu.memref_slice %arg13[%add3A_186, %dma_start3A_192] : memref<10112x128xf32, #tpu.memory_space<vmem_shared>> -> memref<128x128xf32, #tpu.memory_space<vmem_shared>>
    %dma_start3A_194 = arith.constant 0 : i32
    %dma_start3A_195 = arith.constant 0 : i32
    %dma_start3A_196 = tpu.memref_slice %arg10[%dma_start3A_194, %dma_start3A_195] : memref<128x128xf32, #tpu.memory_space<vmem>> -> memref<128x128xf32, #tpu.memory_space<vmem>>
    tpu.enqueue_dma source(%dma_start3A_196 : memref<128x128xf32, #tpu.memory_space<vmem>>) target(%dma_start3A_193 : memref<128x128xf32, #tpu.memory_space<vmem_shared>>) target_semaphore(%arg16 : memref<!tpu.dma_semaphore, #tpu.memory_space<semaphore_mem>>)
    %mul3A_197 = arith.constant 632 : i32
    %mul3A_198 = arith.muli %arg1, %mul3A_197 : i32
    %add3A_199 = arith.constant 512 : i32
    %add3A_200 = arith.addi %mul3A_198, %add3A_199 : i32
    %dma_start3A_201 = arith.constant 0 : i32
    %dma_start3A_202 = arith.constant 0 : i32
    %dma_start3A_203 = tpu.memref_slice %arg10[%dma_start3A_201, %dma_start3A_202] : memref<128x128xf32, #tpu.memory_space<vmem>> -> memref<120x128xf32, #tpu.memory_space<vmem>>
    %dma_start3A_204 = arith.constant 0 : i32
    %dma_start3A_205 = tpu.memref_slice %arg13[%add3A_200, %dma_start3A_204] : memref<10112x128xf32, #tpu.memory_space<vmem_shared>> -> memref<120x128xf32, #tpu.memory_space<vmem_shared>>
    %dma_start3A_206 = arith.constant 0 : i32
    %dma_start3A_207 = tpu.memref_slice %arg13[%add3A_200, %dma_start3A_206] : memref<10112x128xf32, #tpu.memory_space<vmem_shared>> -> memref<120x128xf32, #tpu.memory_space<vmem_shared>>
    %dma_start3A_208 = arith.constant 0 : i32
    %dma_start3A_209 = arith.constant 0 : i32
    %dma_start3A_210 = tpu.memref_slice %arg10[%dma_start3A_208, %dma_start3A_209] : memref<128x128xf32, #tpu.memory_space<vmem>> -> memref<120x128xf32, #tpu.memory_space<vmem>>
    tpu.enqueue_dma source(%dma_start3A_210 : memref<120x128xf32, #tpu.memory_space<vmem>>) target(%dma_start3A_207 : memref<120x128xf32, #tpu.memory_space<vmem_shared>>) target_semaphore(%arg17 : memref<!tpu.dma_semaphore, #tpu.memory_space<semaphore_mem>>)
    %mul3A_211 = arith.constant 632 : i32
    %mul3A_212 = arith.muli %arg1, %mul3A_211 : i32
    %add3A_213 = arith.constant 0 : i32
    %add3A_214 = arith.addi %mul3A_212, %add3A_213 : i32
    %dma_wait3A = arith.constant 0 : i32
    %dma_wait3A_215 = arith.constant 0 : i32
    %dma_wait3A_216 = tpu.memref_slice %arg10[%dma_wait3A, %dma_wait3A_215] : memref<128x128xf32, #tpu.memory_space<vmem>> -> memref<128x128xf32, #tpu.memory_space<vmem>>
    %dma_wait3A_217 = arith.constant 0 : i32
    %dma_wait3A_218 = tpu.memref_slice %arg13[%add3A_214, %dma_wait3A_217] : memref<10112x128xf32, #tpu.memory_space<vmem_shared>> -> memref<128x128xf32, #tpu.memory_space<vmem_shared>>
    %dma_wait3A_219 = arith.constant 0 : i32
    %dma_wait3A_220 = tpu.memref_slice %arg13[%add3A_214, %dma_wait3A_219] : memref<10112x128xf32, #tpu.memory_space<vmem_shared>> -> memref<128x128xf32, #tpu.memory_space<vmem_shared>>
    %dma_wait3A_221 = arith.constant 0 : i32
    %dma_wait3A_222 = arith.constant 0 : i32
    %dma_wait3A_223 = tpu.memref_slice %arg10[%dma_wait3A_221, %dma_wait3A_222] : memref<128x128xf32, #tpu.memory_space<vmem>> -> memref<128x128xf32, #tpu.memory_space<vmem>>
    tpu.wait_dma2 semaphore(%arg16 : memref<!tpu.dma_semaphore, #tpu.memory_space<semaphore_mem>>) src(%dma_wait3A_223 : memref<128x128xf32, #tpu.memory_space<vmem>>) dst(%dma_wait3A_220 : memref<128x128xf32, #tpu.memory_space<vmem_shared>>)
    %mul3A_224 = arith.constant 632 : i32
    %mul3A_225 = arith.muli %arg1, %mul3A_224 : i32
    %add3A_226 = arith.constant 128 : i32
    %add3A_227 = arith.addi %mul3A_225, %add3A_226 : i32
    %dma_wait3A_228 = arith.constant 0 : i32
    %dma_wait3A_229 = arith.constant 0 : i32
    %dma_wait3A_230 = tpu.memref_slice %arg10[%dma_wait3A_228, %dma_wait3A_229] : memref<128x128xf32, #tpu.memory_space<vmem>> -> memref<128x128xf32, #tpu.memory_space<vmem>>
    %dma_wait3A_231 = arith.constant 0 : i32
    %dma_wait3A_232 = tpu.memref_slice %arg13[%add3A_227, %dma_wait3A_231] : memref<10112x128xf32, #tpu.memory_space<vmem_shared>> -> memref<128x128xf32, #tpu.memory_space<vmem_shared>>
    %dma_wait3A_233 = arith.constant 0 : i32
    %dma_wait3A_234 = tpu.memref_slice %arg13[%add3A_227, %dma_wait3A_233] : memref<10112x128xf32, #tpu.memory_space<vmem_shared>> -> memref<128x128xf32, #tpu.memory_space<vmem_shared>>
    %dma_wait3A_235 = arith.constant 0 : i32
    %dma_wait3A_236 = arith.constant 0 : i32
    %dma_wait3A_237 = tpu.memref_slice %arg10[%dma_wait3A_235, %dma_wait3A_236] : memref<128x128xf32, #tpu.memory_space<vmem>> -> memref<128x128xf32, #tpu.memory_space<vmem>>
    tpu.wait_dma2 semaphore(%arg16 : memref<!tpu.dma_semaphore, #tpu.memory_space<semaphore_mem>>) src(%dma_wait3A_237 : memref<128x128xf32, #tpu.memory_space<vmem>>) dst(%dma_wait3A_234 : memref<128x128xf32, #tpu.memory_space<vmem_shared>>)
    %mul3A_238 = arith.constant 632 : i32
    %mul3A_239 = arith.muli %arg1, %mul3A_238 : i32
    %add3A_240 = arith.constant 256 : i32
    %add3A_241 = arith.addi %mul3A_239, %add3A_240 : i32
    %dma_wait3A_242 = arith.constant 0 : i32
    %dma_wait3A_243 = arith.constant 0 : i32
    %dma_wait3A_244 = tpu.memref_slice %arg10[%dma_wait3A_242, %dma_wait3A_243] : memref<128x128xf32, #tpu.memory_space<vmem>> -> memref<128x128xf32, #tpu.memory_space<vmem>>
    %dma_wait3A_245 = arith.constant 0 : i32
    %dma_wait3A_246 = tpu.memref_slice %arg13[%add3A_241, %dma_wait3A_245] : memref<10112x128xf32, #tpu.memory_space<vmem_shared>> -> memref<128x128xf32, #tpu.memory_space<vmem_shared>>
    %dma_wait3A_247 = arith.constant 0 : i32
    %dma_wait3A_248 = tpu.memref_slice %arg13[%add3A_241, %dma_wait3A_247] : memref<10112x128xf32, #tpu.memory_space<vmem_shared>> -> memref<128x128xf32, #tpu.memory_space<vmem_shared>>
    %dma_wait3A_249 = arith.constant 0 : i32
    %dma_wait3A_250 = arith.constant 0 : i32
    %dma_wait3A_251 = tpu.memref_slice %arg10[%dma_wait3A_249, %dma_wait3A_250] : memref<128x128xf32, #tpu.memory_space<vmem>> -> memref<128x128xf32, #tpu.memory_space<vmem>>
    tpu.wait_dma2 semaphore(%arg16 : memref<!tpu.dma_semaphore, #tpu.memory_space<semaphore_mem>>) src(%dma_wait3A_251 : memref<128x128xf32, #tpu.memory_space<vmem>>) dst(%dma_wait3A_248 : memref<128x128xf32, #tpu.memory_space<vmem_shared>>)
    %mul3A_252 = arith.constant 632 : i32
    %mul3A_253 = arith.muli %arg1, %mul3A_252 : i32
    %add3A_254 = arith.constant 384 : i32
    %add3A_255 = arith.addi %mul3A_253, %add3A_254 : i32
    %dma_wait3A_256 = arith.constant 0 : i32
    %dma_wait3A_257 = arith.constant 0 : i32
    %dma_wait3A_258 = tpu.memref_slice %arg10[%dma_wait3A_256, %dma_wait3A_257] : memref<128x128xf32, #tpu.memory_space<vmem>> -> memref<128x128xf32, #tpu.memory_space<vmem>>
    %dma_wait3A_259 = arith.constant 0 : i32
    %dma_wait3A_260 = tpu.memref_slice %arg13[%add3A_255, %dma_wait3A_259] : memref<10112x128xf32, #tpu.memory_space<vmem_shared>> -> memref<128x128xf32, #tpu.memory_space<vmem_shared>>
    %dma_wait3A_261 = arith.constant 0 : i32
    %dma_wait3A_262 = tpu.memref_slice %arg13[%add3A_255, %dma_wait3A_261] : memref<10112x128xf32, #tpu.memory_space<vmem_shared>> -> memref<128x128xf32, #tpu.memory_space<vmem_shared>>
    %dma_wait3A_263 = arith.constant 0 : i32
    %dma_wait3A_264 = arith.constant 0 : i32
    %dma_wait3A_265 = tpu.memref_slice %arg10[%dma_wait3A_263, %dma_wait3A_264] : memref<128x128xf32, #tpu.memory_space<vmem>> -> memref<128x128xf32, #tpu.memory_space<vmem>>
    tpu.wait_dma2 semaphore(%arg16 : memref<!tpu.dma_semaphore, #tpu.memory_space<semaphore_mem>>) src(%dma_wait3A_265 : memref<128x128xf32, #tpu.memory_space<vmem>>) dst(%dma_wait3A_262 : memref<128x128xf32, #tpu.memory_space<vmem_shared>>)
    %mul3A_266 = arith.constant 632 : i32
    %mul3A_267 = arith.muli %arg1, %mul3A_266 : i32
    %add3A_268 = arith.constant 512 : i32
    %add3A_269 = arith.addi %mul3A_267, %add3A_268 : i32
    %dma_wait3A_270 = arith.constant 0 : i32
    %dma_wait3A_271 = arith.constant 0 : i32
    %dma_wait3A_272 = tpu.memref_slice %arg10[%dma_wait3A_270, %dma_wait3A_271] : memref<128x128xf32, #tpu.memory_space<vmem>> -> memref<120x128xf32, #tpu.memory_space<vmem>>
    %dma_wait3A_273 = arith.constant 0 : i32
    %dma_wait3A_274 = tpu.memref_slice %arg13[%add3A_269, %dma_wait3A_273] : memref<10112x128xf32, #tpu.memory_space<vmem_shared>> -> memref<120x128xf32, #tpu.memory_space<vmem_shared>>
    %dma_wait3A_275 = arith.constant 0 : i32
    %dma_wait3A_276 = tpu.memref_slice %arg13[%add3A_269, %dma_wait3A_275] : memref<10112x128xf32, #tpu.memory_space<vmem_shared>> -> memref<120x128xf32, #tpu.memory_space<vmem_shared>>
    %dma_wait3A_277 = arith.constant 0 : i32
    %dma_wait3A_278 = arith.constant 0 : i32
    %dma_wait3A_279 = tpu.memref_slice %arg10[%dma_wait3A_277, %dma_wait3A_278] : memref<128x128xf32, #tpu.memory_space<vmem>> -> memref<120x128xf32, #tpu.memory_space<vmem>>
    tpu.wait_dma2 semaphore(%arg17 : memref<!tpu.dma_semaphore, #tpu.memory_space<semaphore_mem>>) src(%dma_wait3A_279 : memref<120x128xf32, #tpu.memory_space<vmem>>) dst(%dma_wait3A_276 : memref<120x128xf32, #tpu.memory_space<vmem_shared>>)
    %barrier3A = arith.constant 0 : index
    tpu.barrier barrier_id(%barrier3A)
    %dma_start3A_280 = arith.constant 0 : i32
    %dma_start3A_281 = arith.constant 0 : i32
    %dma_start3A_282 = tpu.memref_slice %arg8[%dma_start3A_280, %dma_start3A_281] : memref<24x128xi32, #tpu.memory_space<vmem>> -> memref<24x128xi32, #tpu.memory_space<vmem>>
    %dma_start3A_283 = arith.constant 0 : i32
    %dma_start3A_284 = tpu.memref_slice %arg7[%dma_start3A_283] : memref<80xi32, #tpu.memory_space<vmem>> -> memref<24xi32, #tpu.memory_space<vmem>>
    %dma_start3A_285 = arith.constant 0 : i32
    %dma_start3A_286 = arith.constant 0 : i32
    %dma_start3A_287 = tpu.memref_slice %arg3[%dma_start3A_285, %dma_start3A_286] : memref<2500x128xi32, #tpu.memory_space<hbm>> -> memref<2500x128xi32, #tpu.memory_space<hbm>>
    tpu.enqueue_indirect_dma source(%dma_start3A_287 : memref<2500x128xi32, #tpu.memory_space<hbm>>) target(%dma_start3A_282 : memref<24x128xi32, #tpu.memory_space<vmem>>) offsets(%dma_start3A_284 : memref<24xi32, #tpu.memory_space<vmem>>) semaphore(%arg14 : memref<!tpu.dma_semaphore, #tpu.memory_space<semaphore_mem>>)
    %dma_start3A_288 = arith.constant 0 : i32
    %dma_start3A_289 = arith.constant 0 : i32
    %dma_start3A_290 = tpu.memref_slice %arg9[%dma_start3A_288, %dma_start3A_289] : memref<24x128xi32, #tpu.memory_space<vmem>> -> memref<24x128xi32, #tpu.memory_space<vmem>>
    %dma_start3A_291 = arith.constant 0 : i32
    %dma_start3A_292 = tpu.memref_slice %arg7[%dma_start3A_291] : memref<80xi32, #tpu.memory_space<vmem>> -> memref<24xi32, #tpu.memory_space<vmem>>
    %dma_start3A_293 = arith.constant 0 : i32
    %dma_start3A_294 = arith.constant 0 : i32
    %dma_start3A_295 = tpu.memref_slice %arg4[%dma_start3A_293, %dma_start3A_294] : memref<2500x128xi32, #tpu.memory_space<hbm>> -> memref<2500x128xi32, #tpu.memory_space<hbm>>
    tpu.enqueue_indirect_dma source(%dma_start3A_295 : memref<2500x128xi32, #tpu.memory_space<hbm>>) target(%dma_start3A_290 : memref<24x128xi32, #tpu.memory_space<vmem>>) offsets(%dma_start3A_292 : memref<24xi32, #tpu.memory_space<vmem>>) semaphore(%arg14 : memref<!tpu.dma_semaphore, #tpu.memory_space<semaphore_mem>>)
    %dma_wait3A_296 = arith.constant 0 : i32
    %dma_wait3A_297 = arith.constant 0 : i32
    %dma_wait3A_298 = tpu.memref_slice %arg8[%dma_wait3A_296, %dma_wait3A_297] : memref<24x128xi32, #tpu.memory_space<vmem>> -> memref<24x128xi32, #tpu.memory_space<vmem>>
    %dma_wait3A_299 = arith.constant 0 : i32
    %dma_wait3A_300 = tpu.memref_slice %arg7[%dma_wait3A_299] : memref<80xi32, #tpu.memory_space<vmem>> -> memref<24xi32, #tpu.memory_space<vmem>>
    %dma_wait3A_301 = arith.constant 0 : i32
    %dma_wait3A_302 = arith.constant 0 : i32
    %dma_wait3A_303 = tpu.memref_slice %arg3[%dma_wait3A_301, %dma_wait3A_302] : memref<2500x128xi32, #tpu.memory_space<hbm>> -> memref<2500x128xi32, #tpu.memory_space<hbm>>
    tpu.wait_indirect_dma semaphore(%arg14 : memref<!tpu.dma_semaphore, #tpu.memory_space<semaphore_mem>>) src(%dma_wait3A_303 : memref<2500x128xi32, #tpu.memory_space<hbm>>) dst(%dma_wait3A_298 : memref<24x128xi32, #tpu.memory_space<vmem>>)
    %dma_wait3A_304 = arith.constant 0 : i32
    %dma_wait3A_305 = arith.constant 0 : i32
    %dma_wait3A_306 = tpu.memref_slice %arg9[%dma_wait3A_304, %dma_wait3A_305] : memref<24x128xi32, #tpu.memory_space<vmem>> -> memref<24x128xi32, #tpu.memory_space<vmem>>
    %dma_wait3A_307 = arith.constant 0 : i32
    %dma_wait3A_308 = tpu.memref_slice %arg7[%dma_wait3A_307] : memref<80xi32, #tpu.memory_space<vmem>> -> memref<24xi32, #tpu.memory_space<vmem>>
    %dma_wait3A_309 = arith.constant 0 : i32
    %dma_wait3A_310 = arith.constant 0 : i32
    %dma_wait3A_311 = tpu.memref_slice %arg4[%dma_wait3A_309, %dma_wait3A_310] : memref<2500x128xi32, #tpu.memory_space<hbm>> -> memref<2500x128xi32, #tpu.memory_space<hbm>>
    tpu.wait_indirect_dma semaphore(%arg14 : memref<!tpu.dma_semaphore, #tpu.memory_space<semaphore_mem>>) src(%dma_wait3A_311 : memref<2500x128xi32, #tpu.memory_space<hbm>>) dst(%dma_wait3A_306 : memref<24x128xi32, #tpu.memory_space<vmem>>)
    %dma_start3A_312 = arith.constant 0 : i32
    %dma_start3A_313 = arith.constant 0 : i32
    %dma_start3A_314 = tpu.memref_slice %arg8[%dma_start3A_312, %dma_start3A_313] : memref<24x128xi32, #tpu.memory_space<vmem>> -> memref<1x128xi32, #tpu.memory_space<vmem>>
    %dma_start3A_315 = tpu.memref_squeeze %dma_start3A_314 : memref<1x128xi32, #tpu.memory_space<vmem>> -> memref<128xi32, #tpu.memory_space<vmem>>
    %dma_start3A_316 = arith.constant 0 : i32
    %dma_start3A_317 = arith.constant 0 : i32
    %dma_start3A_318 = tpu.memref_slice %arg2[%dma_start3A_316, %dma_start3A_317] : memref<10000x128xf32, #tpu.memory_space<hbm>> -> memref<10000x128xf32, #tpu.memory_space<hbm>>
    tpu.enqueue_indirect_dma source(%dma_start3A_318 : memref<10000x128xf32, #tpu.memory_space<hbm>>) target(%arg10 : memref<128x128xf32, #tpu.memory_space<vmem>>) offsets(%dma_start3A_315 : memref<128xi32, #tpu.memory_space<vmem>>) semaphore(%arg14 : memref<!tpu.dma_semaphore, #tpu.memory_space<semaphore_mem>>)
    %scan3A_319 = arith.constant 0 : i32
    %scan3A_320 = arith.constant 0 : i32
    %scan3A_321 = arith.constant 12 : i32
    %scan3A_322 = arith.addi %scan3A_320, %scan3A_321 : i32
    %scan3A_323 = arith.constant 1 : i32
    scf.for %scan3A_491 = %scan3A_320 to %scan3A_322 step %scan3A_323  : i32 {
      %mul3A_492 = arith.constant 2 : i32
      %mul3A_493 = arith.muli %mul3A_492, %scan3A_491 : i32
      %add3A_494 = arith.constant 1 : i32
      %add3A_495 = arith.addi %mul3A_493, %add3A_494 : i32
      %lt3A_496 = arith.constant 24 : i32
      %lt3A_497 = arith.cmpi slt, %add3A_495, %lt3A_496 : i32
      %convert_element_type3A = arith.extui %lt3A_497 : i1 to i32
      %cond3A = arith.constant 0 : i32
      %cond3A_498 = arith.cmpi ne, %convert_element_type3A, %cond3A : i32
      scf.if %cond3A_498 {
        %dma_start3A_640 = arith.constant 0 : i32
        %dma_start3A_641 = tpu.memref_slice %arg8[%add3A_495, %dma_start3A_640] : memref<24x128xi32, #tpu.memory_space<vmem>> -> memref<1x128xi32, #tpu.memory_space<vmem>>
        %dma_start3A_642 = tpu.memref_squeeze %dma_start3A_641 : memref<1x128xi32, #tpu.memory_space<vmem>> -> memref<128xi32, #tpu.memory_space<vmem>>
        %dma_start3A_643 = arith.constant 0 : i32
        %dma_start3A_644 = arith.constant 0 : i32
        %dma_start3A_645 = tpu.memref_slice %arg2[%dma_start3A_643, %dma_start3A_644] : memref<10000x128xf32, #tpu.memory_space<hbm>> -> memref<10000x128xf32, #tpu.memory_space<hbm>>
        tpu.enqueue_indirect_dma source(%dma_start3A_645 : memref<10000x128xf32, #tpu.memory_space<hbm>>) target(%arg11 : memref<128x128xf32, #tpu.memory_space<vmem>>) offsets(%dma_start3A_642 : memref<128xi32, #tpu.memory_space<vmem>>) semaphore(%arg15 : memref<!tpu.dma_semaphore, #tpu.memory_space<semaphore_mem>>)
      } else {
      }
      %dma_wait3A_499 = arith.constant 0 : i32
      %dma_wait3A_500 = arith.constant 0 : i32
      %dma_wait3A_501 = tpu.memref_slice %arg8[%dma_wait3A_499, %dma_wait3A_500] : memref<24x128xi32, #tpu.memory_space<vmem>> -> memref<1x128xi32, #tpu.memory_space<vmem>>
      %dma_wait3A_502 = tpu.memref_squeeze %dma_wait3A_501 : memref<1x128xi32, #tpu.memory_space<vmem>> -> memref<128xi32, #tpu.memory_space<vmem>>
      %dma_wait3A_503 = arith.constant 0 : i32
      %dma_wait3A_504 = arith.constant 0 : i32
      %dma_wait3A_505 = tpu.memref_slice %arg2[%dma_wait3A_503, %dma_wait3A_504] : memref<10000x128xf32, #tpu.memory_space<hbm>> -> memref<10000x128xf32, #tpu.memory_space<hbm>>
      tpu.wait_indirect_dma semaphore(%arg14 : memref<!tpu.dma_semaphore, #tpu.memory_space<semaphore_mem>>) src(%dma_wait3A_505 : memref<10000x128xf32, #tpu.memory_space<hbm>>) dst(%arg10 : memref<128x128xf32, #tpu.memory_space<vmem>>)
      %dma_start3A_506 = arith.constant 0 : i32
      %dma_start3A_507 = tpu.memref_slice %arg9[%mul3A_493, %dma_start3A_506] : memref<24x128xi32, #tpu.memory_space<vmem>> -> memref<1x128xi32, #tpu.memory_space<vmem>>
      %dma_start3A_508 = tpu.memref_squeeze %dma_start3A_507 : memref<1x128xi32, #tpu.memory_space<vmem>> -> memref<128xi32, #tpu.memory_space<vmem>>
      %dma_start3A_509 = arith.constant 0 : i32
      %dma_start3A_510 = arith.constant 0 : i32
      %dma_start3A_511 = tpu.memref_slice %arg13[%dma_start3A_509, %dma_start3A_510] : memref<10112x128xf32, #tpu.memory_space<vmem_shared>> -> memref<10112x128xf32, #tpu.memory_space<vmem_shared>>
      tpu.enqueue_indirect_dma source(%arg10 : memref<128x128xf32, #tpu.memory_space<vmem>>) target(%dma_start3A_511 : memref<10112x128xf32, #tpu.memory_space<vmem_shared>>) offsets(%dma_start3A_508 : memref<128xi32, #tpu.memory_space<vmem>>) semaphore(%arg16 : memref<!tpu.dma_semaphore, #tpu.memory_space<semaphore_mem>>) {add = true}
      %get3A = arith.index_cast %mul3A_493 : i32 to index
      %get3A_512 = arith.constant 0 : index
      %get3A_513 = tpu.vector_load %arg9[%get3A, %get3A_512] {strides = array<i32>} : memref<24x128xi32, #tpu.memory_space<vmem>>, vector<16xi32>,
      %broadcast_in_dim3A_514 = arith.constant true
      %broadcast_in_dim3A_515 = vector.broadcast %broadcast_in_dim3A_514 : i1 to vector<16xi1>
      %unique3A, %unique3A_516 = tpu.scan_count mask(%broadcast_in_dim3A_515 : vector<16xi1>) value(%get3A_513 : vector<16xi32>) : vector<16xi1>, vector<16xi32>
      %shift_right_arithmetic3A = arith.constant 7 : i32
      %shift_right_arithmetic3A_517 = vector.broadcast %shift_right_arithmetic3A : i32 to vector<16xi32>
      %shift_right_arithmetic3A_518 = arith.shrsi %get3A_513, %shift_right_arithmetic3A_517 : vector<16xi32>
      %and3A_519 = arith.constant 127 : i32
      %and3A_520 = vector.broadcast %and3A_519 : i32 to vector<16xi32>
      %and3A_521 = arith.andi %get3A_513, %and3A_520 : vector<16xi32>
      %convert_element_type3A_522 = arith.sitofp %unique3A_516 : vector<16xi32> to vector<16xf32>
      tpu.vector_store_idx %arg12[%shift_right_arithmetic3A_518, %and3A_521], %convert_element_type3A_522 masked %unique3A {add = true} : memref<79x128xf32, #tpu.memory_space<vmem>>[vector<16xi32>, vector<16xi32>], vector<16xf32>, vector<16xi1>
      %get3A_523 = arith.index_cast %mul3A_493 : i32 to index
      %get3A_524 = arith.constant 16 : index
      %get3A_525 = tpu.vector_load %arg9[%get3A_523, %get3A_524] {strides = array<i32>} : memref<24x128xi32, #tpu.memory_space<vmem>>, vector<16xi32>,
      %broadcast_in_dim3A_526 = arith.constant true
      %broadcast_in_dim3A_527 = vector.broadcast %broadcast_in_dim3A_526 : i1 to vector<16xi1>
      %unique3A_528, %unique3A_529 = tpu.scan_count mask(%broadcast_in_dim3A_527 : vector<16xi1>) value(%get3A_525 : vector<16xi32>) : vector<16xi1>, vector<16xi32>
      %shift_right_arithmetic3A_530 = arith.constant 7 : i32
      %shift_right_arithmetic3A_531 = vector.broadcast %shift_right_arithmetic3A_530 : i32 to vector<16xi32>
      %shift_right_arithmetic3A_532 = arith.shrsi %get3A_525, %shift_right_arithmetic3A_531 : vector<16xi32>
      %and3A_533 = arith.constant 127 : i32
      %and3A_534 = vector.broadcast %and3A_533 : i32 to vector<16xi32>
      %and3A_535 = arith.andi %get3A_525, %and3A_534 : vector<16xi32>
      %convert_element_type3A_536 = arith.sitofp %unique3A_529 : vector<16xi32> to vector<16xf32>
      tpu.vector_store_idx %arg12[%shift_right_arithmetic3A_532, %and3A_535], %convert_element_type3A_536 masked %unique3A_528 {add = true} : memref<79x128xf32, #tpu.memory_space<vmem>>[vector<16xi32>, vector<16xi32>], vector<16xf32>, vector<16xi1>
      %get3A_537 = arith.index_cast %mul3A_493 : i32 to index
      %get3A_538 = arith.constant 32 : index
      %get3A_539 = tpu.vector_load %arg9[%get3A_537, %get3A_538] {strides = array<i32>} : memref<24x128xi32, #tpu.memory_space<vmem>>, vector<16xi32>,
      %broadcast_in_dim3A_540 = arith.constant true
      %broadcast_in_dim3A_541 = vector.broadcast %broadcast_in_dim3A_540 : i1 to vector<16xi1>
      %unique3A_542, %unique3A_543 = tpu.scan_count mask(%broadcast_in_dim3A_541 : vector<16xi1>) value(%get3A_539 : vector<16xi32>) : vector<16xi1>, vector<16xi32>
      %shift_right_arithmetic3A_544 = arith.constant 7 : i32
      %shift_right_arithmetic3A_545 = vector.broadcast %shift_right_arithmetic3A_544 : i32 to vector<16xi32>
      %shift_right_arithmetic3A_546 = arith.shrsi %get3A_539, %shift_right_arithmetic3A_545 : vector<16xi32>
      %and3A_547 = arith.constant 127 : i32
      %and3A_548 = vector.broadcast %and3A_547 : i32 to vector<16xi32>
      %and3A_549 = arith.andi %get3A_539, %and3A_548 : vector<16xi32>
      %convert_element_type3A_550 = arith.sitofp %unique3A_543 : vector<16xi32> to vector<16xf32>
      tpu.vector_store_idx %arg12[%shift_right_arithmetic3A_546, %and3A_549], %convert_element_type3A_550 masked %unique3A_542 {add = true} : memref<79x128xf32, #tpu.memory_space<vmem>>[vector<16xi32>, vector<16xi32>], vector<16xf32>, vector<16xi1>
      %get3A_551 = arith.index_cast %mul3A_493 : i32 to index
      %get3A_552 = arith.constant 48 : index
      %get3A_553 = tpu.vector_load %arg9[%get3A_551, %get3A_552] {strides = array<i32>} : memref<24x128xi32, #tpu.memory_space<vmem>>, vector<16xi32>,
      %broadcast_in_dim3A_554 = arith.constant true
      %broadcast_in_dim3A_555 = vector.broadcast %broadcast_in_dim3A_554 : i1 to vector<16xi1>
      %unique3A_556, %unique3A_557 = tpu.scan_count mask(%broadcast_in_dim3A_555 : vector<16xi1>) value(%get3A_553 : vector<16xi32>) : vector<16xi1>, vector<16xi32>
      %shift_right_arithmetic3A_558 = arith.constant 7 : i32
      %shift_right_arithmetic3A_559 = vector.broadcast %shift_right_arithmetic3A_558 : i32 to vector<16xi32>
      %shift_right_arithmetic3A_560 = arith.shrsi %get3A_553, %shift_right_arithmetic3A_559 : vector<16xi32>
      %and3A_561 = arith.constant 127 : i32
      %and3A_562 = vector.broadcast %and3A_561 : i32 to vector<16xi32>
      %and3A_563 = arith.andi %get3A_553, %and3A_562 : vector<16xi32>
      %convert_element_type3A_564 = arith.sitofp %unique3A_557 : vector<16xi32> to vector<16xf32>
      tpu.vector_store_idx %arg12[%shift_right_arithmetic3A_560, %and3A_563], %convert_element_type3A_564 masked %unique3A_556 {add = true} : memref<79x128xf32, #tpu.memory_space<vmem>>[vector<16xi32>, vector<16xi32>], vector<16xf32>, vector<16xi1>
      %get3A_565 = arith.index_cast %mul3A_493 : i32 to index
      %get3A_566 = arith.constant 64 : index
      %get3A_567 = tpu.vector_load %arg9[%get3A_565, %get3A_566] {strides = array<i32>} : memref<24x128xi32, #tpu.memory_space<vmem>>, vector<16xi32>,
      %broadcast_in_dim3A_568 = arith.constant true
      %broadcast_in_dim3A_569 = vector.broadcast %broadcast_in_dim3A_568 : i1 to vector<16xi1>
      %unique3A_570, %unique3A_571 = tpu.scan_count mask(%broadcast_in_dim3A_569 : vector<16xi1>) value(%get3A_567 : vector<16xi32>) : vector<16xi1>, vector<16xi32>
      %shift_right_arithmetic3A_572 = arith.constant 7 : i32
      %shift_right_arithmetic3A_573 = vector.broadcast %shift_right_arithmetic3A_572 : i32 to vector<16xi32>
      %shift_right_arithmetic3A_574 = arith.shrsi %get3A_567, %shift_right_arithmetic3A_573 : vector<16xi32>
      %and3A_575 = arith.constant 127 : i32
      %and3A_576 = vector.broadcast %and3A_575 : i32 to vector<16xi32>
      %and3A_577 = arith.andi %get3A_567, %and3A_576 : vector<16xi32>
      %convert_element_type3A_578 = arith.sitofp %unique3A_571 : vector<16xi32> to vector<16xf32>
      tpu.vector_store_idx %arg12[%shift_right_arithmetic3A_574, %and3A_577], %convert_element_type3A_578 masked %unique3A_570 {add = true} : memref<79x128xf32, #tpu.memory_space<vmem>>[vector<16xi32>, vector<16xi32>], vector<16xf32>, vector<16xi1>
      %get3A_579 = arith.index_cast %mul3A_493 : i32 to index
      %get3A_580 = arith.constant 80 : index
      %get3A_581 = tpu.vector_load %arg9[%get3A_579, %get3A_580] {strides = array<i32>} : memref<24x128xi32, #tpu.memory_space<vmem>>, vector<16xi32>,
      %broadcast_in_dim3A_582 = arith.constant true
      %broadcast_in_dim3A_583 = vector.broadcast %broadcast_in_dim3A_582 : i1 to vector<16xi1>
      %unique3A_584, %unique3A_585 = tpu.scan_count mask(%broadcast_in_dim3A_583 : vector<16xi1>) value(%get3A_581 : vector<16xi32>) : vector<16xi1>, vector<16xi32>
      %shift_right_arithmetic3A_586 = arith.constant 7 : i32
      %shift_right_arithmetic3A_587 = vector.broadcast %shift_right_arithmetic3A_586 : i32 to vector<16xi32>
      %shift_right_arithmetic3A_588 = arith.shrsi %get3A_581, %shift_right_arithmetic3A_587 : vector<16xi32>
      %and3A_589 = arith.constant 127 : i32
      %and3A_590 = vector.broadcast %and3A_589 : i32 to vector<16xi32>
      %and3A_591 = arith.andi %get3A_581, %and3A_590 : vector<16xi32>
      %convert_element_type3A_592 = arith.sitofp %unique3A_585 : vector<16xi32> to vector<16xf32>
      tpu.vector_store_idx %arg12[%shift_right_arithmetic3A_588, %and3A_591], %convert_element_type3A_592 masked %unique3A_584 {add = true} : memref<79x128xf32, #tpu.memory_space<vmem>>[vector<16xi32>, vector<16xi32>], vector<16xf32>, vector<16xi1>
      %get3A_593 = arith.index_cast %mul3A_493 : i32 to index
      %get3A_594 = arith.constant 96 : index
      %get3A_595 = tpu.vector_load %arg9[%get3A_593, %get3A_594] {strides = array<i32>} : memref<24x128xi32, #tpu.memory_space<vmem>>, vector<16xi32>,
      %broadcast_in_dim3A_596 = arith.constant true
      %broadcast_in_dim3A_597 = vector.broadcast %broadcast_in_dim3A_596 : i1 to vector<16xi1>
      %unique3A_598, %unique3A_599 = tpu.scan_count mask(%broadcast_in_dim3A_597 : vector<16xi1>) value(%get3A_595 : vector<16xi32>) : vector<16xi1>, vector<16xi32>
      %shift_right_arithmetic3A_600 = arith.constant 7 : i32
      %shift_right_arithmetic3A_601 = vector.broadcast %shift_right_arithmetic3A_600 : i32 to vector<16xi32>
      %shift_right_arithmetic3A_602 = arith.shrsi %get3A_595, %shift_right_arithmetic3A_601 : vector<16xi32>
      %and3A_603 = arith.constant 127 : i32
      %and3A_604 = vector.broadcast %and3A_603 : i32 to vector<16xi32>
      %and3A_605 = arith.andi %get3A_595, %and3A_604 : vector<16xi32>
      %convert_element_type3A_606 = arith.sitofp %unique3A_599 : vector<16xi32> to vector<16xf32>
      tpu.vector_store_idx %arg12[%shift_right_arithmetic3A_602, %and3A_605], %convert_element_type3A_606 masked %unique3A_598 {add = true} : memref<79x128xf32, #tpu.memory_space<vmem>>[vector<16xi32>, vector<16xi32>], vector<16xf32>, vector<16xi1>
      %get3A_607 = arith.index_cast %mul3A_493 : i32 to index
      %get3A_608 = arith.constant 112 : index
      %get3A_609 = tpu.vector_load %arg9[%get3A_607, %get3A_608] {strides = array<i32>} : memref<24x128xi32, #tpu.memory_space<vmem>>, vector<16xi32>,
      %broadcast_in_dim3A_610 = arith.constant true
      %broadcast_in_dim3A_611 = vector.broadcast %broadcast_in_dim3A_610 : i1 to vector<16xi1>
      %unique3A_612, %unique3A_613 = tpu.scan_count mask(%broadcast_in_dim3A_611 : vector<16xi1>) value(%get3A_609 : vector<16xi32>) : vector<16xi1>, vector<16xi32>
      %shift_right_arithmetic3A_614 = arith.constant 7 : i32
      %shift_right_arithmetic3A_615 = vector.broadcast %shift_right_arithmetic3A_614 : i32 to vector<16xi32>
      %shift_right_arithmetic3A_616 = arith.shrsi %get3A_609, %shift_right_arithmetic3A_615 : vector<16xi32>
      %and3A_617 = arith.constant 127 : i32
      %and3A_618 = vector.broadcast %and3A_617 : i32 to vector<16xi32>
      %and3A_619 = arith.andi %get3A_609, %and3A_618 : vector<16xi32>
      %convert_element_type3A_620 = arith.sitofp %unique3A_613 : vector<16xi32> to vector<16xf32>
      tpu.vector_store_idx %arg12[%shift_right_arithmetic3A_616, %and3A_619], %convert_element_type3A_620 masked %unique3A_612 {add = true} : memref<79x128xf32, #tpu.memory_space<vmem>>[vector<16xi32>, vector<16xi32>], vector<16xf32>, vector<16xi1>
      %dma_wait3A_621 = arith.constant 0 : i32
      %dma_wait3A_622 = arith.constant 0 : i32
      %dma_wait3A_623 = tpu.memref_slice %arg9[%dma_wait3A_621, %dma_wait3A_622] : memref<24x128xi32, #tpu.memory_space<vmem>> -> memref<1x128xi32, #tpu.memory_space<vmem>>
      %dma_wait3A_624 = tpu.memref_squeeze %dma_wait3A_623 : memref<1x128xi32, #tpu.memory_space<vmem>> -> memref<128xi32, #tpu.memory_space<vmem>>
      %dma_wait3A_625 = arith.constant 0 : i32
      %dma_wait3A_626 = arith.constant 0 : i32
      %dma_wait3A_627 = tpu.memref_slice %arg13[%dma_wait3A_625, %dma_wait3A_626] : memref<10112x128xf32, #tpu.memory_space<vmem_shared>> -> memref<10112x128xf32, #tpu.memory_space<vmem_shared>>
      tpu.wait_indirect_dma semaphore(%arg16 : memref<!tpu.dma_semaphore, #tpu.memory_space<semaphore_mem>>) src(%arg10 : memref<128x128xf32, #tpu.memory_space<vmem>>) dst(%dma_wait3A_627 : memref<10112x128xf32, #tpu.memory_space<vmem_shared>>)
      %add3A_628 = arith.constant 2 : i32
      %add3A_629 = arith.addi %mul3A_493, %add3A_628 : i32
      %lt3A_630 = arith.constant 24 : i32
      %lt3A_631 = arith.cmpi slt, %add3A_629, %lt3A_630 : i32
      %convert_element_type3A_632 = arith.extui %lt3A_631 : i1 to i32
      %cond3A_633 = arith.constant 0 : i32
      %cond3A_634 = arith.cmpi ne, %convert_element_type3A_632, %cond3A_633 : i32
      scf.if %cond3A_634 {
        %add3A_640 = arith.constant 2 : i32
        %add3A_641 = arith.addi %mul3A_493, %add3A_640 : i32
        %dma_start3A_642 = arith.constant 0 : i32
        %dma_start3A_643 = tpu.memref_slice %arg8[%add3A_641, %dma_start3A_642] : memref<24x128xi32, #tpu.memory_space<vmem>> -> memref<1x128xi32, #tpu.memory_space<vmem>>
        %dma_start3A_644 = tpu.memref_squeeze %dma_start3A_643 : memref<1x128xi32, #tpu.memory_space<vmem>> -> memref<128xi32, #tpu.memory_space<vmem>>
        %dma_start3A_645 = arith.constant 0 : i32
        %dma_start3A_646 = arith.constant 0 : i32
        %dma_start3A_647 = tpu.memref_slice %arg2[%dma_start3A_645, %dma_start3A_646] : memref<10000x128xf32, #tpu.memory_space<hbm>> -> memref<10000x128xf32, #tpu.memory_space<hbm>>
        tpu.enqueue_indirect_dma source(%dma_start3A_647 : memref<10000x128xf32, #tpu.memory_space<hbm>>) target(%arg10 : memref<128x128xf32, #tpu.memory_space<vmem>>) offsets(%dma_start3A_644 : memref<128xi32, #tpu.memory_space<vmem>>) semaphore(%arg14 : memref<!tpu.dma_semaphore, #tpu.memory_space<semaphore_mem>>)
      } else {
      }
      %lt3A_635 = arith.constant 24 : i32
      %lt3A_636 = arith.cmpi slt, %add3A_495, %lt3A_635 : i32
      %convert_element_type3A_637 = arith.extui %lt3A_636 : i1 to i32
      %cond3A_638 = arith.constant 0 : i32
      %cond3A_639 = arith.cmpi ne, %convert_element_type3A_637, %cond3A_638 : i32
      scf.if %cond3A_639 {
        %dma_wait3A_640 = arith.constant 0 : i32
        %dma_wait3A_641 = arith.constant 0 : i32
        %dma_wait3A_642 = tpu.memref_slice %arg8[%dma_wait3A_640, %dma_wait3A_641] : memref<24x128xi32, #tpu.memory_space<vmem>> -> memref<1x128xi32, #tpu.memory_space<vmem>>
        %dma_wait3A_643 = tpu.memref_squeeze %dma_wait3A_642 : memref<1x128xi32, #tpu.memory_space<vmem>> -> memref<128xi32, #tpu.memory_space<vmem>>
        %dma_wait3A_644 = arith.constant 0 : i32
        %dma_wait3A_645 = arith.constant 0 : i32
        %dma_wait3A_646 = tpu.memref_slice %arg2[%dma_wait3A_644, %dma_wait3A_645] : memref<10000x128xf32, #tpu.memory_space<hbm>> -> memref<10000x128xf32, #tpu.memory_space<hbm>>
        tpu.wait_indirect_dma semaphore(%arg15 : memref<!tpu.dma_semaphore, #tpu.memory_space<semaphore_mem>>) src(%dma_wait3A_646 : memref<10000x128xf32, #tpu.memory_space<hbm>>) dst(%arg11 : memref<128x128xf32, #tpu.memory_space<vmem>>)
        %dma_start3A_647 = arith.constant 0 : i32
        %dma_start3A_648 = tpu.memref_slice %arg9[%add3A_495, %dma_start3A_647] : memref<24x128xi32, #tpu.memory_space<vmem>> -> memref<1x128xi32, #tpu.memory_space<vmem>>
        %dma_start3A_649 = tpu.memref_squeeze %dma_start3A_648 : memref<1x128xi32, #tpu.memory_space<vmem>> -> memref<128xi32, #tpu.memory_space<vmem>>
        %dma_start3A_650 = arith.constant 0 : i32
        %dma_start3A_651 = arith.constant 0 : i32
        %dma_start3A_652 = tpu.memref_slice %arg13[%dma_start3A_650, %dma_start3A_651] : memref<10112x128xf32, #tpu.memory_space<vmem_shared>> -> memref<10112x128xf32, #tpu.memory_space<vmem_shared>>
        tpu.enqueue_indirect_dma source(%arg11 : memref<128x128xf32, #tpu.memory_space<vmem>>) target(%dma_start3A_652 : memref<10112x128xf32, #tpu.memory_space<vmem_shared>>) offsets(%dma_start3A_649 : memref<128xi32, #tpu.memory_space<vmem>>) semaphore(%arg17 : memref<!tpu.dma_semaphore, #tpu.memory_space<semaphore_mem>>) {add = true}
        %get3A_653 = arith.index_cast %add3A_495 : i32 to index
        %get3A_654 = arith.constant 0 : index
        %get3A_655 = tpu.vector_load %arg9[%get3A_653, %get3A_654] {strides = array<i32>} : memref<24x128xi32, #tpu.memory_space<vmem>>, vector<16xi32>,
        %broadcast_in_dim3A_656 = arith.constant true
        %broadcast_in_dim3A_657 = vector.broadcast %broadcast_in_dim3A_656 : i1 to vector<16xi1>
        %unique3A_658, %unique3A_659 = tpu.scan_count mask(%broadcast_in_dim3A_657 : vector<16xi1>) value(%get3A_655 : vector<16xi32>) : vector<16xi1>, vector<16xi32>
        %shift_right_arithmetic3A_660 = arith.constant 7 : i32
        %shift_right_arithmetic3A_661 = vector.broadcast %shift_right_arithmetic3A_660 : i32 to vector<16xi32>
        %shift_right_arithmetic3A_662 = arith.shrsi %get3A_655, %shift_right_arithmetic3A_661 : vector<16xi32>
        %and3A_663 = arith.constant 127 : i32
        %and3A_664 = vector.broadcast %and3A_663 : i32 to vector<16xi32>
        %and3A_665 = arith.andi %get3A_655, %and3A_664 : vector<16xi32>
        %convert_element_type3A_666 = arith.sitofp %unique3A_659 : vector<16xi32> to vector<16xf32>
        tpu.vector_store_idx %arg12[%shift_right_arithmetic3A_662, %and3A_665], %convert_element_type3A_666 masked %unique3A_658 {add = true} : memref<79x128xf32, #tpu.memory_space<vmem>>[vector<16xi32>, vector<16xi32>], vector<16xf32>, vector<16xi1>
        %get3A_667 = arith.index_cast %add3A_495 : i32 to index
        %get3A_668 = arith.constant 16 : index
        %get3A_669 = tpu.vector_load %arg9[%get3A_667, %get3A_668] {strides = array<i32>} : memref<24x128xi32, #tpu.memory_space<vmem>>, vector<16xi32>,
        %broadcast_in_dim3A_670 = arith.constant true
        %broadcast_in_dim3A_671 = vector.broadcast %broadcast_in_dim3A_670 : i1 to vector<16xi1>
        %unique3A_672, %unique3A_673 = tpu.scan_count mask(%broadcast_in_dim3A_671 : vector<16xi1>) value(%get3A_669 : vector<16xi32>) : vector<16xi1>, vector<16xi32>
        %shift_right_arithmetic3A_674 = arith.constant 7 : i32
        %shift_right_arithmetic3A_675 = vector.broadcast %shift_right_arithmetic3A_674 : i32 to vector<16xi32>
        %shift_right_arithmetic3A_676 = arith.shrsi %get3A_669, %shift_right_arithmetic3A_675 : vector<16xi32>
        %and3A_677 = arith.constant 127 : i32
        %and3A_678 = vector.broadcast %and3A_677 : i32 to vector<16xi32>
        %and3A_679 = arith.andi %get3A_669, %and3A_678 : vector<16xi32>
        %convert_element_type3A_680 = arith.sitofp %unique3A_673 : vector<16xi32> to vector<16xf32>
        tpu.vector_store_idx %arg12[%shift_right_arithmetic3A_676, %and3A_679], %convert_element_type3A_680 masked %unique3A_672 {add = true} : memref<79x128xf32, #tpu.memory_space<vmem>>[vector<16xi32>, vector<16xi32>], vector<16xf32>, vector<16xi1>
        %get3A_681 = arith.index_cast %add3A_495 : i32 to index
        %get3A_682 = arith.constant 32 : index
        %get3A_683 = tpu.vector_load %arg9[%get3A_681, %get3A_682] {strides = array<i32>} : memref<24x128xi32, #tpu.memory_space<vmem>>, vector<16xi32>,
        %broadcast_in_dim3A_684 = arith.constant true
        %broadcast_in_dim3A_685 = vector.broadcast %broadcast_in_dim3A_684 : i1 to vector<16xi1>
        %unique3A_686, %unique3A_687 = tpu.scan_count mask(%broadcast_in_dim3A_685 : vector<16xi1>) value(%get3A_683 : vector<16xi32>) : vector<16xi1>, vector<16xi32>
        %shift_right_arithmetic3A_688 = arith.constant 7 : i32
        %shift_right_arithmetic3A_689 = vector.broadcast %shift_right_arithmetic3A_688 : i32 to vector<16xi32>
        %shift_right_arithmetic3A_690 = arith.shrsi %get3A_683, %shift_right_arithmetic3A_689 : vector<16xi32>
        %and3A_691 = arith.constant 127 : i32
        %and3A_692 = vector.broadcast %and3A_691 : i32 to vector<16xi32>
        %and3A_693 = arith.andi %get3A_683, %and3A_692 : vector<16xi32>
        %convert_element_type3A_694 = arith.sitofp %unique3A_687 : vector<16xi32> to vector<16xf32>
        tpu.vector_store_idx %arg12[%shift_right_arithmetic3A_690, %and3A_693], %convert_element_type3A_694 masked %unique3A_686 {add = true} : memref<79x128xf32, #tpu.memory_space<vmem>>[vector<16xi32>, vector<16xi32>], vector<16xf32>, vector<16xi1>
        %get3A_695 = arith.index_cast %add3A_495 : i32 to index
        %get3A_696 = arith.constant 48 : index
        %get3A_697 = tpu.vector_load %arg9[%get3A_695, %get3A_696] {strides = array<i32>} : memref<24x128xi32, #tpu.memory_space<vmem>>, vector<16xi32>,
        %broadcast_in_dim3A_698 = arith.constant true
        %broadcast_in_dim3A_699 = vector.broadcast %broadcast_in_dim3A_698 : i1 to vector<16xi1>
        %unique3A_700, %unique3A_701 = tpu.scan_count mask(%broadcast_in_dim3A_699 : vector<16xi1>) value(%get3A_697 : vector<16xi32>) : vector<16xi1>, vector<16xi32>
        %shift_right_arithmetic3A_702 = arith.constant 7 : i32
        %shift_right_arithmetic3A_703 = vector.broadcast %shift_right_arithmetic3A_702 : i32 to vector<16xi32>
        %shift_right_arithmetic3A_704 = arith.shrsi %get3A_697, %shift_right_arithmetic3A_703 : vector<16xi32>
        %and3A_705 = arith.constant 127 : i32
        %and3A_706 = vector.broadcast %and3A_705 : i32 to vector<16xi32>
        %and3A_707 = arith.andi %get3A_697, %and3A_706 : vector<16xi32>
        %convert_element_type3A_708 = arith.sitofp %unique3A_701 : vector<16xi32> to vector<16xf32>
        tpu.vector_store_idx %arg12[%shift_right_arithmetic3A_704, %and3A_707], %convert_element_type3A_708 masked %unique3A_700 {add = true} : memref<79x128xf32, #tpu.memory_space<vmem>>[vector<16xi32>, vector<16xi32>], vector<16xf32>, vector<16xi1>
        %get3A_709 = arith.index_cast %add3A_495 : i32 to index
        %get3A_710 = arith.constant 64 : index
        %get3A_711 = tpu.vector_load %arg9[%get3A_709, %get3A_710] {strides = array<i32>} : memref<24x128xi32, #tpu.memory_space<vmem>>, vector<16xi32>,
        %broadcast_in_dim3A_712 = arith.constant true
        %broadcast_in_dim3A_713 = vector.broadcast %broadcast_in_dim3A_712 : i1 to vector<16xi1>
        %unique3A_714, %unique3A_715 = tpu.scan_count mask(%broadcast_in_dim3A_713 : vector<16xi1>) value(%get3A_711 : vector<16xi32>) : vector<16xi1>, vector<16xi32>
        %shift_right_arithmetic3A_716 = arith.constant 7 : i32
        %shift_right_arithmetic3A_717 = vector.broadcast %shift_right_arithmetic3A_716 : i32 to vector<16xi32>
        %shift_right_arithmetic3A_718 = arith.shrsi %get3A_711, %shift_right_arithmetic3A_717 : vector<16xi32>
        %and3A_719 = arith.constant 127 : i32
        %and3A_720 = vector.broadcast %and3A_719 : i32 to vector<16xi32>
        %and3A_721 = arith.andi %get3A_711, %and3A_720 : vector<16xi32>
        %convert_element_type3A_722 = arith.sitofp %unique3A_715 : vector<16xi32> to vector<16xf32>
        tpu.vector_store_idx %arg12[%shift_right_arithmetic3A_718, %and3A_721], %convert_element_type3A_722 masked %unique3A_714 {add = true} : memref<79x128xf32, #tpu.memory_space<vmem>>[vector<16xi32>, vector<16xi32>], vector<16xf32>, vector<16xi1>
        %get3A_723 = arith.index_cast %add3A_495 : i32 to index
        %get3A_724 = arith.constant 80 : index
        %get3A_725 = tpu.vector_load %arg9[%get3A_723, %get3A_724] {strides = array<i32>} : memref<24x128xi32, #tpu.memory_space<vmem>>, vector<16xi32>,
        %broadcast_in_dim3A_726 = arith.constant true
        %broadcast_in_dim3A_727 = vector.broadcast %broadcast_in_dim3A_726 : i1 to vector<16xi1>
        %unique3A_728, %unique3A_729 = tpu.scan_count mask(%broadcast_in_dim3A_727 : vector<16xi1>) value(%get3A_725 : vector<16xi32>) : vector<16xi1>, vector<16xi32>
        %shift_right_arithmetic3A_730 = arith.constant 7 : i32
        %shift_right_arithmetic3A_731 = vector.broadcast %shift_right_arithmetic3A_730 : i32 to vector<16xi32>
        %shift_right_arithmetic3A_732 = arith.shrsi %get3A_725, %shift_right_arithmetic3A_731 : vector<16xi32>
        %and3A_733 = arith.constant 127 : i32
        %and3A_734 = vector.broadcast %and3A_733 : i32 to vector<16xi32>
        %and3A_735 = arith.andi %get3A_725, %and3A_734 : vector<16xi32>
        %convert_element_type3A_736 = arith.sitofp %unique3A_729 : vector<16xi32> to vector<16xf32>
        tpu.vector_store_idx %arg12[%shift_right_arithmetic3A_732, %and3A_735], %convert_element_type3A_736 masked %unique3A_728 {add = true} : memref<79x128xf32, #tpu.memory_space<vmem>>[vector<16xi32>, vector<16xi32>], vector<16xf32>, vector<16xi1>
        %get3A_737 = arith.index_cast %add3A_495 : i32 to index
        %get3A_738 = arith.constant 96 : index
        %get3A_739 = tpu.vector_load %arg9[%get3A_737, %get3A_738] {strides = array<i32>} : memref<24x128xi32, #tpu.memory_space<vmem>>, vector<16xi32>,
        %broadcast_in_dim3A_740 = arith.constant true
        %broadcast_in_dim3A_741 = vector.broadcast %broadcast_in_dim3A_740 : i1 to vector<16xi1>
        %unique3A_742, %unique3A_743 = tpu.scan_count mask(%broadcast_in_dim3A_741 : vector<16xi1>) value(%get3A_739 : vector<16xi32>) : vector<16xi1>, vector<16xi32>
        %shift_right_arithmetic3A_744 = arith.constant 7 : i32
        %shift_right_arithmetic3A_745 = vector.broadcast %shift_right_arithmetic3A_744 : i32 to vector<16xi32>
        %shift_right_arithmetic3A_746 = arith.shrsi %get3A_739, %shift_right_arithmetic3A_745 : vector<16xi32>
        %and3A_747 = arith.constant 127 : i32
        %and3A_748 = vector.broadcast %and3A_747 : i32 to vector<16xi32>
        %and3A_749 = arith.andi %get3A_739, %and3A_748 : vector<16xi32>
        %convert_element_type3A_750 = arith.sitofp %unique3A_743 : vector<16xi32> to vector<16xf32>
        tpu.vector_store_idx %arg12[%shift_right_arithmetic3A_746, %and3A_749], %convert_element_type3A_750 masked %unique3A_742 {add = true} : memref<79x128xf32, #tpu.memory_space<vmem>>[vector<16xi32>, vector<16xi32>], vector<16xf32>, vector<16xi1>
        %get3A_751 = arith.index_cast %add3A_495 : i32 to index
        %get3A_752 = arith.constant 112 : index
        %get3A_753 = tpu.vector_load %arg9[%get3A_751, %get3A_752] {strides = array<i32>} : memref<24x128xi32, #tpu.memory_space<vmem>>, vector<16xi32>,
        %broadcast_in_dim3A_754 = arith.constant true
        %broadcast_in_dim3A_755 = vector.broadcast %broadcast_in_dim3A_754 : i1 to vector<16xi1>
        %unique3A_756, %unique3A_757 = tpu.scan_count mask(%broadcast_in_dim3A_755 : vector<16xi1>) value(%get3A_753 : vector<16xi32>) : vector<16xi1>, vector<16xi32>
        %shift_right_arithmetic3A_758 = arith.constant 7 : i32
        %shift_right_arithmetic3A_759 = vector.broadcast %shift_right_arithmetic3A_758 : i32 to vector<16xi32>
        %shift_right_arithmetic3A_760 = arith.shrsi %get3A_753, %shift_right_arithmetic3A_759 : vector<16xi32>
        %and3A_761 = arith.constant 127 : i32
        %and3A_762 = vector.broadcast %and3A_761 : i32 to vector<16xi32>
        %and3A_763 = arith.andi %get3A_753, %and3A_762 : vector<16xi32>
        %convert_element_type3A_764 = arith.sitofp %unique3A_757 : vector<16xi32> to vector<16xf32>
        tpu.vector_store_idx %arg12[%shift_right_arithmetic3A_760, %and3A_763], %convert_element_type3A_764 masked %unique3A_756 {add = true} : memref<79x128xf32, #tpu.memory_space<vmem>>[vector<16xi32>, vector<16xi32>], vector<16xf32>, vector<16xi1>
        %dma_wait3A_765 = arith.constant 0 : i32
        %dma_wait3A_766 = arith.constant 0 : i32
        %dma_wait3A_767 = tpu.memref_slice %arg9[%dma_wait3A_765, %dma_wait3A_766] : memref<24x128xi32, #tpu.memory_space<vmem>> -> memref<1x128xi32, #tpu.memory_space<vmem>>
        %dma_wait3A_768 = tpu.memref_squeeze %dma_wait3A_767 : memref<1x128xi32, #tpu.memory_space<vmem>> -> memref<128xi32, #tpu.memory_space<vmem>>
        %dma_wait3A_769 = arith.constant 0 : i32
        %dma_wait3A_770 = arith.constant 0 : i32
        %dma_wait3A_771 = tpu.memref_slice %arg13[%dma_wait3A_769, %dma_wait3A_770] : memref<10112x128xf32, #tpu.memory_space<vmem_shared>> -> memref<10112x128xf32, #tpu.memory_space<vmem_shared>>
        tpu.wait_indirect_dma semaphore(%arg17 : memref<!tpu.dma_semaphore, #tpu.memory_space<semaphore_mem>>) src(%arg11 : memref<128x128xf32, #tpu.memory_space<vmem>>) dst(%dma_wait3A_771 : memref<10112x128xf32, #tpu.memory_space<vmem_shared>>)
      } else {
      }
    }
    %scan3A_324 = arith.constant 12 : i32
    %dma_start3A_325 = arith.constant 0 : i32
    %dma_start3A_326 = arith.constant 0 : i32
    %dma_start3A_327 = tpu.memref_slice %arg8[%dma_start3A_325, %dma_start3A_326] : memref<24x128xi32, #tpu.memory_space<vmem>> -> memref<24x128xi32, #tpu.memory_space<vmem>>
    %dma_start3A_328 = arith.constant 24 : i32
    %dma_start3A_329 = tpu.memref_slice %arg7[%dma_start3A_328] : memref<80xi32, #tpu.memory_space<vmem>> -> memref<24xi32, #tpu.memory_space<vmem>>
    %dma_start3A_330 = arith.constant 0 : i32
    %dma_start3A_331 = arith.constant 0 : i32
    %dma_start3A_332 = tpu.memref_slice %arg3[%dma_start3A_330, %dma_start3A_331] : memref<2500x128xi32, #tpu.memory_space<hbm>> -> memref<2500x128xi32, #tpu.memory_space<hbm>>
    tpu.enqueue_indirect_dma source(%dma_start3A_332 : memref<2500x128xi32, #tpu.memory_space<hbm>>) target(%dma_start3A_327 : memref<24x128xi32, #tpu.memory_space<vmem>>) offsets(%dma_start3A_329 : memref<24xi32, #tpu.memory_space<vmem>>) semaphore(%arg14 : memref<!tpu.dma_semaphore, #tpu.memory_space<semaphore_mem>>)
    %dma_start3A_333 = arith.constant 0 : i32
    %dma_start3A_334 = arith.constant 0 : i32
    %dma_start3A_335 = tpu.memref_slice %arg9[%dma_start3A_333, %dma_start3A_334] : memref<24x128xi32, #tpu.memory_space<vmem>> -> memref<24x128xi32, #tpu.memory_space<vmem>>
    %dma_start3A_336 = arith.constant 24 : i32
    %dma_start3A_337 = tpu.memref_slice %arg7[%dma_start3A_336] : memref<80xi32, #tpu.memory_space<vmem>> -> memref<24xi32, #tpu.memory_space<vmem>>
    %dma_start3A_338 = arith.constant 0 : i32
    %dma_start3A_339 = arith.constant 0 : i32
    %dma_start3A_340 = tpu.memref_slice %arg4[%dma_start3A_338, %dma_start3A_339] : memref<2500x128xi32, #tpu.memory_space<hbm>> -> memref<2500x128xi32, #tpu.memory_space<hbm>>
    tpu.enqueue_indirect_dma source(%dma_start3A_340 : memref<2500x128xi32, #tpu.memory_space<hbm>>) target(%dma_start3A_335 : memref<24x128xi32, #tpu.memory_space<vmem>>) offsets(%dma_start3A_337 : memref<24xi32, #tpu.memory_space<vmem>>) semaphore(%arg14 : memref<!tpu.dma_semaphore, #tpu.memory_space<semaphore_mem>>)
    %dma_wait3A_341 = arith.constant 0 : i32
    %dma_wait3A_342 = arith.constant 0 : i32
    %dma_wait3A_343 = tpu.memref_slice %arg8[%dma_wait3A_341, %dma_wait3A_342] : memref<24x128xi32, #tpu.memory_space<vmem>> -> memref<24x128xi32, #tpu.memory_space<vmem>>
    %dma_wait3A_344 = arith.constant 24 : i32
    %dma_wait3A_345 = tpu.memref_slice %arg7[%dma_wait3A_344] : memref<80xi32, #tpu.memory_space<vmem>> -> memref<24xi32, #tpu.memory_space<vmem>>
    %dma_wait3A_346 = arith.constant 0 : i32
    %dma_wait3A_347 = arith.constant 0 : i32
    %dma_wait3A_348 = tpu.memref_slice %arg3[%dma_wait3A_346, %dma_wait3A_347] : memref<2500x128xi32, #tpu.memory_space<hbm>> -> memref<2500x128xi32, #tpu.memory_space<hbm>>
    tpu.wait_indirect_dma semaphore(%arg14 : memref<!tpu.dma_semaphore, #tpu.memory_space<semaphore_mem>>) src(%dma_wait3A_348 : memref<2500x128xi32, #tpu.memory_space<hbm>>) dst(%dma_wait3A_343 : memref<24x128xi32, #tpu.memory_space<vmem>>)
    %dma_wait3A_349 = arith.constant 0 : i32
    %dma_wait3A_350 = arith.constant 0 : i32
    %dma_wait3A_351 = tpu.memref_slice %arg9[%dma_wait3A_349, %dma_wait3A_350] : memref<24x128xi32, #tpu.memory_space<vmem>> -> memref<24x128xi32, #tpu.memory_space<vmem>>
    %dma_wait3A_352 = arith.constant 24 : i32
    %dma_wait3A_353 = tpu.memref_slice %arg7[%dma_wait3A_352] : memref<80xi32, #tpu.memory_space<vmem>> -> memref<24xi32, #tpu.memory_space<vmem>>
    %dma_wait3A_354 = arith.constant 0 : i32
    %dma_wait3A_355 = arith.constant 0 : i32
    %dma_wait3A_356 = tpu.memref_slice %arg4[%dma_wait3A_354, %dma_wait3A_355] : memref<2500x128xi32, #tpu.memory_space<hbm>> -> memref<2500x128xi32, #tpu.memory_space<hbm>>
    tpu.wait_indirect_dma semaphore(%arg14 : memref<!tpu.dma_semaphore, #tpu.memory_space<semaphore_mem>>) src(%dma_wait3A_356 : memref<2500x128xi32, #tpu.memory_space<hbm>>) dst(%dma_wait3A_351 : memref<24x128xi32, #tpu.memory_space<vmem>>)
    %dma_start3A_357 = arith.constant 0 : i32
    %dma_start3A_358 = arith.constant 0 : i32
    %dma_start3A_359 = tpu.memref_slice %arg8[%dma_start3A_357, %dma_start3A_358] : memref<24x128xi32, #tpu.memory_space<vmem>> -> memref<1x128xi32, #tpu.memory_space<vmem>>
    %dma_start3A_360 = tpu.memref_squeeze %dma_start3A_359 : memref<1x128xi32, #tpu.memory_space<vmem>> -> memref<128xi32, #tpu.memory_space<vmem>>
    %dma_start3A_361 = arith.constant 0 : i32
    %dma_start3A_362 = arith.constant 0 : i32
    %dma_start3A_363 = tpu.memref_slice %arg2[%dma_start3A_361, %dma_start3A_362] : memref<10000x128xf32, #tpu.memory_space<hbm>> -> memref<10000x128xf32, #tpu.memory_space<hbm>>
    tpu.enqueue_indirect_dma source(%dma_start3A_363 : memref<10000x128xf32, #tpu.memory_space<hbm>>) target(%arg10 : memref<128x128xf32, #tpu.memory_space<vmem>>) offsets(%dma_start3A_360 : memref<128xi32, #tpu.memory_space<vmem>>) semaphore(%arg14 : memref<!tpu.dma_semaphore, #tpu.memory_space<semaphore_mem>>)
    %scan3A_364 = arith.constant 0 : i32
    %scan3A_365 = arith.constant 0 : i32
    %scan3A_366 = arith.constant 12 : i32
    %scan3A_367 = arith.addi %scan3A_365, %scan3A_366 : i32
    %scan3A_368 = arith.constant 1 : i32
    scf.for %scan3A_491 = %scan3A_365 to %scan3A_367 step %scan3A_368  : i32 {
      %mul3A_492 = arith.constant 2 : i32
      %mul3A_493 = arith.muli %mul3A_492, %scan3A_491 : i32
      %add3A_494 = arith.constant 1 : i32
      %add3A_495 = arith.addi %mul3A_493, %add3A_494 : i32
      %lt3A_496 = arith.constant 24 : i32
      %lt3A_497 = arith.cmpi slt, %add3A_495, %lt3A_496 : i32
      %convert_element_type3A = arith.extui %lt3A_497 : i1 to i32
      %cond3A = arith.constant 0 : i32
      %cond3A_498 = arith.cmpi ne, %convert_element_type3A, %cond3A : i32
      scf.if %cond3A_498 {
        %dma_start3A_640 = arith.constant 0 : i32
        %dma_start3A_641 = tpu.memref_slice %arg8[%add3A_495, %dma_start3A_640] : memref<24x128xi32, #tpu.memory_space<vmem>> -> memref<1x128xi32, #tpu.memory_space<vmem>>
        %dma_start3A_642 = tpu.memref_squeeze %dma_start3A_641 : memref<1x128xi32, #tpu.memory_space<vmem>> -> memref<128xi32, #tpu.memory_space<vmem>>
        %dma_start3A_643 = arith.constant 0 : i32
        %dma_start3A_644 = arith.constant 0 : i32
        %dma_start3A_645 = tpu.memref_slice %arg2[%dma_start3A_643, %dma_start3A_644] : memref<10000x128xf32, #tpu.memory_space<hbm>> -> memref<10000x128xf32, #tpu.memory_space<hbm>>
        tpu.enqueue_indirect_dma source(%dma_start3A_645 : memref<10000x128xf32, #tpu.memory_space<hbm>>) target(%arg11 : memref<128x128xf32, #tpu.memory_space<vmem>>) offsets(%dma_start3A_642 : memref<128xi32, #tpu.memory_space<vmem>>) semaphore(%arg15 : memref<!tpu.dma_semaphore, #tpu.memory_space<semaphore_mem>>)
      } else {
      }
      %dma_wait3A_499 = arith.constant 0 : i32
      %dma_wait3A_500 = arith.constant 0 : i32
      %dma_wait3A_501 = tpu.memref_slice %arg8[%dma_wait3A_499, %dma_wait3A_500] : memref<24x128xi32, #tpu.memory_space<vmem>> -> memref<1x128xi32, #tpu.memory_space<vmem>>
      %dma_wait3A_502 = tpu.memref_squeeze %dma_wait3A_501 : memref<1x128xi32, #tpu.memory_space<vmem>> -> memref<128xi32, #tpu.memory_space<vmem>>
      %dma_wait3A_503 = arith.constant 0 : i32
      %dma_wait3A_504 = arith.constant 0 : i32
      %dma_wait3A_505 = tpu.memref_slice %arg2[%dma_wait3A_503, %dma_wait3A_504] : memref<10000x128xf32, #tpu.memory_space<hbm>> -> memref<10000x128xf32, #tpu.memory_space<hbm>>
      tpu.wait_indirect_dma semaphore(%arg14 : memref<!tpu.dma_semaphore, #tpu.memory_space<semaphore_mem>>) src(%dma_wait3A_505 : memref<10000x128xf32, #tpu.memory_space<hbm>>) dst(%arg10 : memref<128x128xf32, #tpu.memory_space<vmem>>)
      %dma_start3A_506 = arith.constant 0 : i32
      %dma_start3A_507 = tpu.memref_slice %arg9[%mul3A_493, %dma_start3A_506] : memref<24x128xi32, #tpu.memory_space<vmem>> -> memref<1x128xi32, #tpu.memory_space<vmem>>
      %dma_start3A_508 = tpu.memref_squeeze %dma_start3A_507 : memref<1x128xi32, #tpu.memory_space<vmem>> -> memref<128xi32, #tpu.memory_space<vmem>>
      %dma_start3A_509 = arith.constant 0 : i32
      %dma_start3A_510 = arith.constant 0 : i32
      %dma_start3A_511 = tpu.memref_slice %arg13[%dma_start3A_509, %dma_start3A_510] : memref<10112x128xf32, #tpu.memory_space<vmem_shared>> -> memref<10112x128xf32, #tpu.memory_space<vmem_shared>>
      tpu.enqueue_indirect_dma source(%arg10 : memref<128x128xf32, #tpu.memory_space<vmem>>) target(%dma_start3A_511 : memref<10112x128xf32, #tpu.memory_space<vmem_shared>>) offsets(%dma_start3A_508 : memref<128xi32, #tpu.memory_space<vmem>>) semaphore(%arg16 : memref<!tpu.dma_semaphore, #tpu.memory_space<semaphore_mem>>) {add = true}
      %get3A = arith.index_cast %mul3A_493 : i32 to index
      %get3A_512 = arith.constant 0 : index
      %get3A_513 = tpu.vector_load %arg9[%get3A, %get3A_512] {strides = array<i32>} : memref<24x128xi32, #tpu.memory_space<vmem>>, vector<16xi32>,
      %broadcast_in_dim3A_514 = arith.constant true
      %broadcast_in_dim3A_515 = vector.broadcast %broadcast_in_dim3A_514 : i1 to vector<16xi1>
      %unique3A, %unique3A_516 = tpu.scan_count mask(%broadcast_in_dim3A_515 : vector<16xi1>) value(%get3A_513 : vector<16xi32>) : vector<16xi1>, vector<16xi32>
      %shift_right_arithmetic3A = arith.constant 7 : i32
      %shift_right_arithmetic3A_517 = vector.broadcast %shift_right_arithmetic3A : i32 to vector<16xi32>
      %shift_right_arithmetic3A_518 = arith.shrsi %get3A_513, %shift_right_arithmetic3A_517 : vector<16xi32>
      %and3A_519 = arith.constant 127 : i32
      %and3A_520 = vector.broadcast %and3A_519 : i32 to vector<16xi32>
      %and3A_521 = arith.andi %get3A_513, %and3A_520 : vector<16xi32>
      %convert_element_type3A_522 = arith.sitofp %unique3A_516 : vector<16xi32> to vector<16xf32>
      tpu.vector_store_idx %arg12[%shift_right_arithmetic3A_518, %and3A_521], %convert_element_type3A_522 masked %unique3A {add = true} : memref<79x128xf32, #tpu.memory_space<vmem>>[vector<16xi32>, vector<16xi32>], vector<16xf32>, vector<16xi1>
      %get3A_523 = arith.index_cast %mul3A_493 : i32 to index
      %get3A_524 = arith.constant 16 : index
      %get3A_525 = tpu.vector_load %arg9[%get3A_523, %get3A_524] {strides = array<i32>} : memref<24x128xi32, #tpu.memory_space<vmem>>, vector<16xi32>,
      %broadcast_in_dim3A_526 = arith.constant true
      %broadcast_in_dim3A_527 = vector.broadcast %broadcast_in_dim3A_526 : i1 to vector<16xi1>
      %unique3A_528, %unique3A_529 = tpu.scan_count mask(%broadcast_in_dim3A_527 : vector<16xi1>) value(%get3A_525 : vector<16xi32>) : vector<16xi1>, vector<16xi32>
      %shift_right_arithmetic3A_530 = arith.constant 7 : i32
      %shift_right_arithmetic3A_531 = vector.broadcast %shift_right_arithmetic3A_530 : i32 to vector<16xi32>
      %shift_right_arithmetic3A_532 = arith.shrsi %get3A_525, %shift_right_arithmetic3A_531 : vector<16xi32>
      %and3A_533 = arith.constant 127 : i32
      %and3A_534 = vector.broadcast %and3A_533 : i32 to vector<16xi32>
      %and3A_535 = arith.andi %get3A_525, %and3A_534 : vector<16xi32>
      %convert_element_type3A_536 = arith.sitofp %unique3A_529 : vector<16xi32> to vector<16xf32>
      tpu.vector_store_idx %arg12[%shift_right_arithmetic3A_532, %and3A_535], %convert_element_type3A_536 masked %unique3A_528 {add = true} : memref<79x128xf32, #tpu.memory_space<vmem>>[vector<16xi32>, vector<16xi32>], vector<16xf32>, vector<16xi1>
      %get3A_537 = arith.index_cast %mul3A_493 : i32 to index
      %get3A_538 = arith.constant 32 : index
      %get3A_539 = tpu.vector_load %arg9[%get3A_537, %get3A_538] {strides = array<i32>} : memref<24x128xi32, #tpu.memory_space<vmem>>, vector<16xi32>,
      %broadcast_in_dim3A_540 = arith.constant true
      %broadcast_in_dim3A_541 = vector.broadcast %broadcast_in_dim3A_540 : i1 to vector<16xi1>
      %unique3A_542, %unique3A_543 = tpu.scan_count mask(%broadcast_in_dim3A_541 : vector<16xi1>) value(%get3A_539 : vector<16xi32>) : vector<16xi1>, vector<16xi32>
      %shift_right_arithmetic3A_544 = arith.constant 7 : i32
      %shift_right_arithmetic3A_545 = vector.broadcast %shift_right_arithmetic3A_544 : i32 to vector<16xi32>
      %shift_right_arithmetic3A_546 = arith.shrsi %get3A_539, %shift_right_arithmetic3A_545 : vector<16xi32>
      %and3A_547 = arith.constant 127 : i32
      %and3A_548 = vector.broadcast %and3A_547 : i32 to vector<16xi32>
      %and3A_549 = arith.andi %get3A_539, %and3A_548 : vector<16xi32>
      %convert_element_type3A_550 = arith.sitofp %unique3A_543 : vector<16xi32> to vector<16xf32>
      tpu.vector_store_idx %arg12[%shift_right_arithmetic3A_546, %and3A_549], %convert_element_type3A_550 masked %unique3A_542 {add = true} : memref<79x128xf32, #tpu.memory_space<vmem>>[vector<16xi32>, vector<16xi32>], vector<16xf32>, vector<16xi1>
      %get3A_551 = arith.index_cast %mul3A_493 : i32 to index
      %get3A_552 = arith.constant 48 : index
      %get3A_553 = tpu.vector_load %arg9[%get3A_551, %get3A_552] {strides = array<i32>} : memref<24x128xi32, #tpu.memory_space<vmem>>, vector<16xi32>,
      %broadcast_in_dim3A_554 = arith.constant true
      %broadcast_in_dim3A_555 = vector.broadcast %broadcast_in_dim3A_554 : i1 to vector<16xi1>
      %unique3A_556, %unique3A_557 = tpu.scan_count mask(%broadcast_in_dim3A_555 : vector<16xi1>) value(%get3A_553 : vector<16xi32>) : vector<16xi1>, vector<16xi32>
      %shift_right_arithmetic3A_558 = arith.constant 7 : i32
      %shift_right_arithmetic3A_559 = vector.broadcast %shift_right_arithmetic3A_558 : i32 to vector<16xi32>
      %shift_right_arithmetic3A_560 = arith.shrsi %get3A_553, %shift_right_arithmetic3A_559 : vector<16xi32>
      %and3A_561 = arith.constant 127 : i32
      %and3A_562 = vector.broadcast %and3A_561 : i32 to vector<16xi32>
      %and3A_563 = arith.andi %get3A_553, %and3A_562 : vector<16xi32>
      %convert_element_type3A_564 = arith.sitofp %unique3A_557 : vector<16xi32> to vector<16xf32>
      tpu.vector_store_idx %arg12[%shift_right_arithmetic3A_560, %and3A_563], %convert_element_type3A_564 masked %unique3A_556 {add = true} : memref<79x128xf32, #tpu.memory_space<vmem>>[vector<16xi32>, vector<16xi32>], vector<16xf32>, vector<16xi1>
      %get3A_565 = arith.index_cast %mul3A_493 : i32 to index
      %get3A_566 = arith.constant 64 : index
      %get3A_567 = tpu.vector_load %arg9[%get3A_565, %get3A_566] {strides = array<i32>} : memref<24x128xi32, #tpu.memory_space<vmem>>, vector<16xi32>,
      %broadcast_in_dim3A_568 = arith.constant true
      %broadcast_in_dim3A_569 = vector.broadcast %broadcast_in_dim3A_568 : i1 to vector<16xi1>
      %unique3A_570, %unique3A_571 = tpu.scan_count mask(%broadcast_in_dim3A_569 : vector<16xi1>) value(%get3A_567 : vector<16xi32>) : vector<16xi1>, vector<16xi32>
      %shift_right_arithmetic3A_572 = arith.constant 7 : i32
      %shift_right_arithmetic3A_573 = vector.broadcast %shift_right_arithmetic3A_572 : i32 to vector<16xi32>
      %shift_right_arithmetic3A_574 = arith.shrsi %get3A_567, %shift_right_arithmetic3A_573 : vector<16xi32>
      %and3A_575 = arith.constant 127 : i32
      %and3A_576 = vector.broadcast %and3A_575 : i32 to vector<16xi32>
      %and3A_577 = arith.andi %get3A_567, %and3A_576 : vector<16xi32>
      %convert_element_type3A_578 = arith.sitofp %unique3A_571 : vector<16xi32> to vector<16xf32>
      tpu.vector_store_idx %arg12[%shift_right_arithmetic3A_574, %and3A_577], %convert_element_type3A_578 masked %unique3A_570 {add = true} : memref<79x128xf32, #tpu.memory_space<vmem>>[vector<16xi32>, vector<16xi32>], vector<16xf32>, vector<16xi1>
      %get3A_579 = arith.index_cast %mul3A_493 : i32 to index
      %get3A_580 = arith.constant 80 : index
      %get3A_581 = tpu.vector_load %arg9[%get3A_579, %get3A_580] {strides = array<i32>} : memref<24x128xi32, #tpu.memory_space<vmem>>, vector<16xi32>,
      %broadcast_in_dim3A_582 = arith.constant true
      %broadcast_in_dim3A_583 = vector.broadcast %broadcast_in_dim3A_582 : i1 to vector<16xi1>
      %unique3A_584, %unique3A_585 = tpu.scan_count mask(%broadcast_in_dim3A_583 : vector<16xi1>) value(%get3A_581 : vector<16xi32>) : vector<16xi1>, vector<16xi32>
      %shift_right_arithmetic3A_586 = arith.constant 7 : i32
      %shift_right_arithmetic3A_587 = vector.broadcast %shift_right_arithmetic3A_586 : i32 to vector<16xi32>
      %shift_right_arithmetic3A_588 = arith.shrsi %get3A_581, %shift_right_arithmetic3A_587 : vector<16xi32>
      %and3A_589 = arith.constant 127 : i32
      %and3A_590 = vector.broadcast %and3A_589 : i32 to vector<16xi32>
      %and3A_591 = arith.andi %get3A_581, %and3A_590 : vector<16xi32>
      %convert_element_type3A_592 = arith.sitofp %unique3A_585 : vector<16xi32> to vector<16xf32>
      tpu.vector_store_idx %arg12[%shift_right_arithmetic3A_588, %and3A_591], %convert_element_type3A_592 masked %unique3A_584 {add = true} : memref<79x128xf32, #tpu.memory_space<vmem>>[vector<16xi32>, vector<16xi32>], vector<16xf32>, vector<16xi1>
      %get3A_593 = arith.index_cast %mul3A_493 : i32 to index
      %get3A_594 = arith.constant 96 : index
      %get3A_595 = tpu.vector_load %arg9[%get3A_593, %get3A_594] {strides = array<i32>} : memref<24x128xi32, #tpu.memory_space<vmem>>, vector<16xi32>,
      %broadcast_in_dim3A_596 = arith.constant true
      %broadcast_in_dim3A_597 = vector.broadcast %broadcast_in_dim3A_596 : i1 to vector<16xi1>
      %unique3A_598, %unique3A_599 = tpu.scan_count mask(%broadcast_in_dim3A_597 : vector<16xi1>) value(%get3A_595 : vector<16xi32>) : vector<16xi1>, vector<16xi32>
      %shift_right_arithmetic3A_600 = arith.constant 7 : i32
      %shift_right_arithmetic3A_601 = vector.broadcast %shift_right_arithmetic3A_600 : i32 to vector<16xi32>
      %shift_right_arithmetic3A_602 = arith.shrsi %get3A_595, %shift_right_arithmetic3A_601 : vector<16xi32>
      %and3A_603 = arith.constant 127 : i32
      %and3A_604 = vector.broadcast %and3A_603 : i32 to vector<16xi32>
      %and3A_605 = arith.andi %get3A_595, %and3A_604 : vector<16xi32>
      %convert_element_type3A_606 = arith.sitofp %unique3A_599 : vector<16xi32> to vector<16xf32>
      tpu.vector_store_idx %arg12[%shift_right_arithmetic3A_602, %and3A_605], %convert_element_type3A_606 masked %unique3A_598 {add = true} : memref<79x128xf32, #tpu.memory_space<vmem>>[vector<16xi32>, vector<16xi32>], vector<16xf32>, vector<16xi1>
      %get3A_607 = arith.index_cast %mul3A_493 : i32 to index
      %get3A_608 = arith.constant 112 : index
      %get3A_609 = tpu.vector_load %arg9[%get3A_607, %get3A_608] {strides = array<i32>} : memref<24x128xi32, #tpu.memory_space<vmem>>, vector<16xi32>,
      %broadcast_in_dim3A_610 = arith.constant true
      %broadcast_in_dim3A_611 = vector.broadcast %broadcast_in_dim3A_610 : i1 to vector<16xi1>
      %unique3A_612, %unique3A_613 = tpu.scan_count mask(%broadcast_in_dim3A_611 : vector<16xi1>) value(%get3A_609 : vector<16xi32>) : vector<16xi1>, vector<16xi32>
      %shift_right_arithmetic3A_614 = arith.constant 7 : i32
      %shift_right_arithmetic3A_615 = vector.broadcast %shift_right_arithmetic3A_614 : i32 to vector<16xi32>
      %shift_right_arithmetic3A_616 = arith.shrsi %get3A_609, %shift_right_arithmetic3A_615 : vector<16xi32>
      %and3A_617 = arith.constant 127 : i32
      %and3A_618 = vector.broadcast %and3A_617 : i32 to vector<16xi32>
      %and3A_619 = arith.andi %get3A_609, %and3A_618 : vector<16xi32>
      %convert_element_type3A_620 = arith.sitofp %unique3A_613 : vector<16xi32> to vector<16xf32>
      tpu.vector_store_idx %arg12[%shift_right_arithmetic3A_616, %and3A_619], %convert_element_type3A_620 masked %unique3A_612 {add = true} : memref<79x128xf32, #tpu.memory_space<vmem>>[vector<16xi32>, vector<16xi32>], vector<16xf32>, vector<16xi1>
      %dma_wait3A_621 = arith.constant 0 : i32
      %dma_wait3A_622 = arith.constant 0 : i32
      %dma_wait3A_623 = tpu.memref_slice %arg9[%dma_wait3A_621, %dma_wait3A_622] : memref<24x128xi32, #tpu.memory_space<vmem>> -> memref<1x128xi32, #tpu.memory_space<vmem>>
      %dma_wait3A_624 = tpu.memref_squeeze %dma_wait3A_623 : memref<1x128xi32, #tpu.memory_space<vmem>> -> memref<128xi32, #tpu.memory_space<vmem>>
      %dma_wait3A_625 = arith.constant 0 : i32
      %dma_wait3A_626 = arith.constant 0 : i32
      %dma_wait3A_627 = tpu.memref_slice %arg13[%dma_wait3A_625, %dma_wait3A_626] : memref<10112x128xf32, #tpu.memory_space<vmem_shared>> -> memref<10112x128xf32, #tpu.memory_space<vmem_shared>>
      tpu.wait_indirect_dma semaphore(%arg16 : memref<!tpu.dma_semaphore, #tpu.memory_space<semaphore_mem>>) src(%arg10 : memref<128x128xf32, #tpu.memory_space<vmem>>) dst(%dma_wait3A_627 : memref<10112x128xf32, #tpu.memory_space<vmem_shared>>)
      %add3A_628 = arith.constant 2 : i32
      %add3A_629 = arith.addi %mul3A_493, %add3A_628 : i32
      %lt3A_630 = arith.constant 24 : i32
      %lt3A_631 = arith.cmpi slt, %add3A_629, %lt3A_630 : i32
      %convert_element_type3A_632 = arith.extui %lt3A_631 : i1 to i32
      %cond3A_633 = arith.constant 0 : i32
      %cond3A_634 = arith.cmpi ne, %convert_element_type3A_632, %cond3A_633 : i32
      scf.if %cond3A_634 {
        %add3A_640 = arith.constant 2 : i32
        %add3A_641 = arith.addi %mul3A_493, %add3A_640 : i32
        %dma_start3A_642 = arith.constant 0 : i32
        %dma_start3A_643 = tpu.memref_slice %arg8[%add3A_641, %dma_start3A_642] : memref<24x128xi32, #tpu.memory_space<vmem>> -> memref<1x128xi32, #tpu.memory_space<vmem>>
        %dma_start3A_644 = tpu.memref_squeeze %dma_start3A_643 : memref<1x128xi32, #tpu.memory_space<vmem>> -> memref<128xi32, #tpu.memory_space<vmem>>
        %dma_start3A_645 = arith.constant 0 : i32
        %dma_start3A_646 = arith.constant 0 : i32
        %dma_start3A_647 = tpu.memref_slice %arg2[%dma_start3A_645, %dma_start3A_646] : memref<10000x128xf32, #tpu.memory_space<hbm>> -> memref<10000x128xf32, #tpu.memory_space<hbm>>
        tpu.enqueue_indirect_dma source(%dma_start3A_647 : memref<10000x128xf32, #tpu.memory_space<hbm>>) target(%arg10 : memref<128x128xf32, #tpu.memory_space<vmem>>) offsets(%dma_start3A_644 : memref<128xi32, #tpu.memory_space<vmem>>) semaphore(%arg14 : memref<!tpu.dma_semaphore, #tpu.memory_space<semaphore_mem>>)
      } else {
      }
      %lt3A_635 = arith.constant 24 : i32
      %lt3A_636 = arith.cmpi slt, %add3A_495, %lt3A_635 : i32
      %convert_element_type3A_637 = arith.extui %lt3A_636 : i1 to i32
      %cond3A_638 = arith.constant 0 : i32
      %cond3A_639 = arith.cmpi ne, %convert_element_type3A_637, %cond3A_638 : i32
      scf.if %cond3A_639 {
        %dma_wait3A_640 = arith.constant 0 : i32
        %dma_wait3A_641 = arith.constant 0 : i32
        %dma_wait3A_642 = tpu.memref_slice %arg8[%dma_wait3A_640, %dma_wait3A_641] : memref<24x128xi32, #tpu.memory_space<vmem>> -> memref<1x128xi32, #tpu.memory_space<vmem>>
        %dma_wait3A_643 = tpu.memref_squeeze %dma_wait3A_642 : memref<1x128xi32, #tpu.memory_space<vmem>> -> memref<128xi32, #tpu.memory_space<vmem>>
        %dma_wait3A_644 = arith.constant 0 : i32
        %dma_wait3A_645 = arith.constant 0 : i32
        %dma_wait3A_646 = tpu.memref_slice %arg2[%dma_wait3A_644, %dma_wait3A_645] : memref<10000x128xf32, #tpu.memory_space<hbm>> -> memref<10000x128xf32, #tpu.memory_space<hbm>>
        tpu.wait_indirect_dma semaphore(%arg15 : memref<!tpu.dma_semaphore, #tpu.memory_space<semaphore_mem>>) src(%dma_wait3A_646 : memref<10000x128xf32, #tpu.memory_space<hbm>>) dst(%arg11 : memref<128x128xf32, #tpu.memory_space<vmem>>)
        %dma_start3A_647 = arith.constant 0 : i32
        %dma_start3A_648 = tpu.memref_slice %arg9[%add3A_495, %dma_start3A_647] : memref<24x128xi32, #tpu.memory_space<vmem>> -> memref<1x128xi32, #tpu.memory_space<vmem>>
        %dma_start3A_649 = tpu.memref_squeeze %dma_start3A_648 : memref<1x128xi32, #tpu.memory_space<vmem>> -> memref<128xi32, #tpu.memory_space<vmem>>
        %dma_start3A_650 = arith.constant 0 : i32
        %dma_start3A_651 = arith.constant 0 : i32
        %dma_start3A_652 = tpu.memref_slice %arg13[%dma_start3A_650, %dma_start3A_651] : memref<10112x128xf32, #tpu.memory_space<vmem_shared>> -> memref<10112x128xf32, #tpu.memory_space<vmem_shared>>
        tpu.enqueue_indirect_dma source(%arg11 : memref<128x128xf32, #tpu.memory_space<vmem>>) target(%dma_start3A_652 : memref<10112x128xf32, #tpu.memory_space<vmem_shared>>) offsets(%dma_start3A_649 : memref<128xi32, #tpu.memory_space<vmem>>) semaphore(%arg17 : memref<!tpu.dma_semaphore, #tpu.memory_space<semaphore_mem>>) {add = true}
        %get3A_653 = arith.index_cast %add3A_495 : i32 to index
        %get3A_654 = arith.constant 0 : index
        %get3A_655 = tpu.vector_load %arg9[%get3A_653, %get3A_654] {strides = array<i32>} : memref<24x128xi32, #tpu.memory_space<vmem>>, vector<16xi32>,
        %broadcast_in_dim3A_656 = arith.constant true
        %broadcast_in_dim3A_657 = vector.broadcast %broadcast_in_dim3A_656 : i1 to vector<16xi1>
        %unique3A_658, %unique3A_659 = tpu.scan_count mask(%broadcast_in_dim3A_657 : vector<16xi1>) value(%get3A_655 : vector<16xi32>) : vector<16xi1>, vector<16xi32>
        %shift_right_arithmetic3A_660 = arith.constant 7 : i32
        %shift_right_arithmetic3A_661 = vector.broadcast %shift_right_arithmetic3A_660 : i32 to vector<16xi32>
        %shift_right_arithmetic3A_662 = arith.shrsi %get3A_655, %shift_right_arithmetic3A_661 : vector<16xi32>
        %and3A_663 = arith.constant 127 : i32
        %and3A_664 = vector.broadcast %and3A_663 : i32 to vector<16xi32>
        %and3A_665 = arith.andi %get3A_655, %and3A_664 : vector<16xi32>
        %convert_element_type3A_666 = arith.sitofp %unique3A_659 : vector<16xi32> to vector<16xf32>
        tpu.vector_store_idx %arg12[%shift_right_arithmetic3A_662, %and3A_665], %convert_element_type3A_666 masked %unique3A_658 {add = true} : memref<79x128xf32, #tpu.memory_space<vmem>>[vector<16xi32>, vector<16xi32>], vector<16xf32>, vector<16xi1>
        %get3A_667 = arith.index_cast %add3A_495 : i32 to index
        %get3A_668 = arith.constant 16 : index
        %get3A_669 = tpu.vector_load %arg9[%get3A_667, %get3A_668] {strides = array<i32>} : memref<24x128xi32, #tpu.memory_space<vmem>>, vector<16xi32>,
        %broadcast_in_dim3A_670 = arith.constant true
        %broadcast_in_dim3A_671 = vector.broadcast %broadcast_in_dim3A_670 : i1 to vector<16xi1>
        %unique3A_672, %unique3A_673 = tpu.scan_count mask(%broadcast_in_dim3A_671 : vector<16xi1>) value(%get3A_669 : vector<16xi32>) : vector<16xi1>, vector<16xi32>
        %shift_right_arithmetic3A_674 = arith.constant 7 : i32
        %shift_right_arithmetic3A_675 = vector.broadcast %shift_right_arithmetic3A_674 : i32 to vector<16xi32>
        %shift_right_arithmetic3A_676 = arith.shrsi %get3A_669, %shift_right_arithmetic3A_675 : vector<16xi32>
        %and3A_677 = arith.constant 127 : i32
        %and3A_678 = vector.broadcast %and3A_677 : i32 to vector<16xi32>
        %and3A_679 = arith.andi %get3A_669, %and3A_678 : vector<16xi32>
        %convert_element_type3A_680 = arith.sitofp %unique3A_673 : vector<16xi32> to vector<16xf32>
        tpu.vector_store_idx %arg12[%shift_right_arithmetic3A_676, %and3A_679], %convert_element_type3A_680 masked %unique3A_672 {add = true} : memref<79x128xf32, #tpu.memory_space<vmem>>[vector<16xi32>, vector<16xi32>], vector<16xf32>, vector<16xi1>
        %get3A_681 = arith.index_cast %add3A_495 : i32 to index
        %get3A_682 = arith.constant 32 : index
        %get3A_683 = tpu.vector_load %arg9[%get3A_681, %get3A_682] {strides = array<i32>} : memref<24x128xi32, #tpu.memory_space<vmem>>, vector<16xi32>,
        %broadcast_in_dim3A_684 = arith.constant true
        %broadcast_in_dim3A_685 = vector.broadcast %broadcast_in_dim3A_684 : i1 to vector<16xi1>
        %unique3A_686, %unique3A_687 = tpu.scan_count mask(%broadcast_in_dim3A_685 : vector<16xi1>) value(%get3A_683 : vector<16xi32>) : vector<16xi1>, vector<16xi32>
        %shift_right_arithmetic3A_688 = arith.constant 7 : i32
        %shift_right_arithmetic3A_689 = vector.broadcast %shift_right_arithmetic3A_688 : i32 to vector<16xi32>
        %shift_right_arithmetic3A_690 = arith.shrsi %get3A_683, %shift_right_arithmetic3A_689 : vector<16xi32>
        %and3A_691 = arith.constant 127 : i32
        %and3A_692 = vector.broadcast %and3A_691 : i32 to vector<16xi32>
        %and3A_693 = arith.andi %get3A_683, %and3A_692 : vector<16xi32>
        %convert_element_type3A_694 = arith.sitofp %unique3A_687 : vector<16xi32> to vector<16xf32>
        tpu.vector_store_idx %arg12[%shift_right_arithmetic3A_690, %and3A_693], %convert_element_type3A_694 masked %unique3A_686 {add = true} : memref<79x128xf32, #tpu.memory_space<vmem>>[vector<16xi32>, vector<16xi32>], vector<16xf32>, vector<16xi1>
        %get3A_695 = arith.index_cast %add3A_495 : i32 to index
        %get3A_696 = arith.constant 48 : index
        %get3A_697 = tpu.vector_load %arg9[%get3A_695, %get3A_696] {strides = array<i32>} : memref<24x128xi32, #tpu.memory_space<vmem>>, vector<16xi32>,
        %broadcast_in_dim3A_698 = arith.constant true
        %broadcast_in_dim3A_699 = vector.broadcast %broadcast_in_dim3A_698 : i1 to vector<16xi1>
        %unique3A_700, %unique3A_701 = tpu.scan_count mask(%broadcast_in_dim3A_699 : vector<16xi1>) value(%get3A_697 : vector<16xi32>) : vector<16xi1>, vector<16xi32>
        %shift_right_arithmetic3A_702 = arith.constant 7 : i32
        %shift_right_arithmetic3A_703 = vector.broadcast %shift_right_arithmetic3A_702 : i32 to vector<16xi32>
        %shift_right_arithmetic3A_704 = arith.shrsi %get3A_697, %shift_right_arithmetic3A_703 : vector<16xi32>
        %and3A_705 = arith.constant 127 : i32
        %and3A_706 = vector.broadcast %and3A_705 : i32 to vector<16xi32>
        %and3A_707 = arith.andi %get3A_697, %and3A_706 : vector<16xi32>
        %convert_element_type3A_708 = arith.sitofp %unique3A_701 : vector<16xi32> to vector<16xf32>
        tpu.vector_store_idx %arg12[%shift_right_arithmetic3A_704, %and3A_707], %convert_element_type3A_708 masked %unique3A_700 {add = true} : memref<79x128xf32, #tpu.memory_space<vmem>>[vector<16xi32>, vector<16xi32>], vector<16xf32>, vector<16xi1>
        %get3A_709 = arith.index_cast %add3A_495 : i32 to index
        %get3A_710 = arith.constant 64 : index
        %get3A_711 = tpu.vector_load %arg9[%get3A_709, %get3A_710] {strides = array<i32>} : memref<24x128xi32, #tpu.memory_space<vmem>>, vector<16xi32>,
        %broadcast_in_dim3A_712 = arith.constant true
        %broadcast_in_dim3A_713 = vector.broadcast %broadcast_in_dim3A_712 : i1 to vector<16xi1>
        %unique3A_714, %unique3A_715 = tpu.scan_count mask(%broadcast_in_dim3A_713 : vector<16xi1>) value(%get3A_711 : vector<16xi32>) : vector<16xi1>, vector<16xi32>
        %shift_right_arithmetic3A_716 = arith.constant 7 : i32
        %shift_right_arithmetic3A_717 = vector.broadcast %shift_right_arithmetic3A_716 : i32 to vector<16xi32>
        %shift_right_arithmetic3A_718 = arith.shrsi %get3A_711, %shift_right_arithmetic3A_717 : vector<16xi32>
        %and3A_719 = arith.constant 127 : i32
        %and3A_720 = vector.broadcast %and3A_719 : i32 to vector<16xi32>
        %and3A_721 = arith.andi %get3A_711, %and3A_720 : vector<16xi32>
        %convert_element_type3A_722 = arith.sitofp %unique3A_715 : vector<16xi32> to vector<16xf32>
        tpu.vector_store_idx %arg12[%shift_right_arithmetic3A_718, %and3A_721], %convert_element_type3A_722 masked %unique3A_714 {add = true} : memref<79x128xf32, #tpu.memory_space<vmem>>[vector<16xi32>, vector<16xi32>], vector<16xf32>, vector<16xi1>
        %get3A_723 = arith.index_cast %add3A_495 : i32 to index
        %get3A_724 = arith.constant 80 : index
        %get3A_725 = tpu.vector_load %arg9[%get3A_723, %get3A_724] {strides = array<i32>} : memref<24x128xi32, #tpu.memory_space<vmem>>, vector<16xi32>,
        %broadcast_in_dim3A_726 = arith.constant true
        %broadcast_in_dim3A_727 = vector.broadcast %broadcast_in_dim3A_726 : i1 to vector<16xi1>
        %unique3A_728, %unique3A_729 = tpu.scan_count mask(%broadcast_in_dim3A_727 : vector<16xi1>) value(%get3A_725 : vector<16xi32>) : vector<16xi1>, vector<16xi32>
        %shift_right_arithmetic3A_730 = arith.constant 7 : i32
        %shift_right_arithmetic3A_731 = vector.broadcast %shift_right_arithmetic3A_730 : i32 to vector<16xi32>
        %shift_right_arithmetic3A_732 = arith.shrsi %get3A_725, %shift_right_arithmetic3A_731 : vector<16xi32>
        %and3A_733 = arith.constant 127 : i32
        %and3A_734 = vector.broadcast %and3A_733 : i32 to vector<16xi32>
        %and3A_735 = arith.andi %get3A_725, %and3A_734 : vector<16xi32>
        %convert_element_type3A_736 = arith.sitofp %unique3A_729 : vector<16xi32> to vector<16xf32>
        tpu.vector_store_idx %arg12[%shift_right_arithmetic3A_732, %and3A_735], %convert_element_type3A_736 masked %unique3A_728 {add = true} : memref<79x128xf32, #tpu.memory_space<vmem>>[vector<16xi32>, vector<16xi32>], vector<16xf32>, vector<16xi1>
        %get3A_737 = arith.index_cast %add3A_495 : i32 to index
        %get3A_738 = arith.constant 96 : index
        %get3A_739 = tpu.vector_load %arg9[%get3A_737, %get3A_738] {strides = array<i32>} : memref<24x128xi32, #tpu.memory_space<vmem>>, vector<16xi32>,
        %broadcast_in_dim3A_740 = arith.constant true
        %broadcast_in_dim3A_741 = vector.broadcast %broadcast_in_dim3A_740 : i1 to vector<16xi1>
        %unique3A_742, %unique3A_743 = tpu.scan_count mask(%broadcast_in_dim3A_741 : vector<16xi1>) value(%get3A_739 : vector<16xi32>) : vector<16xi1>, vector<16xi32>
        %shift_right_arithmetic3A_744 = arith.constant 7 : i32
        %shift_right_arithmetic3A_745 = vector.broadcast %shift_right_arithmetic3A_744 : i32 to vector<16xi32>
        %shift_right_arithmetic3A_746 = arith.shrsi %get3A_739, %shift_right_arithmetic3A_745 : vector<16xi32>
        %and3A_747 = arith.constant 127 : i32
        %and3A_748 = vector.broadcast %and3A_747 : i32 to vector<16xi32>
        %and3A_749 = arith.andi %get3A_739, %and3A_748 : vector<16xi32>
        %convert_element_type3A_750 = arith.sitofp %unique3A_743 : vector<16xi32> to vector<16xf32>
        tpu.vector_store_idx %arg12[%shift_right_arithmetic3A_746, %and3A_749], %convert_element_type3A_750 masked %unique3A_742 {add = true} : memref<79x128xf32, #tpu.memory_space<vmem>>[vector<16xi32>, vector<16xi32>], vector<16xf32>, vector<16xi1>
        %get3A_751 = arith.index_cast %add3A_495 : i32 to index
        %get3A_752 = arith.constant 112 : index
        %get3A_753 = tpu.vector_load %arg9[%get3A_751, %get3A_752] {strides = array<i32>} : memref<24x128xi32, #tpu.memory_space<vmem>>, vector<16xi32>,
        %broadcast_in_dim3A_754 = arith.constant true
        %broadcast_in_dim3A_755 = vector.broadcast %broadcast_in_dim3A_754 : i1 to vector<16xi1>
        %unique3A_756, %unique3A_757 = tpu.scan_count mask(%broadcast_in_dim3A_755 : vector<16xi1>) value(%get3A_753 : vector<16xi32>) : vector<16xi1>, vector<16xi32>
        %shift_right_arithmetic3A_758 = arith.constant 7 : i32
        %shift_right_arithmetic3A_759 = vector.broadcast %shift_right_arithmetic3A_758 : i32 to vector<16xi32>
        %shift_right_arithmetic3A_760 = arith.shrsi %get3A_753, %shift_right_arithmetic3A_759 : vector<16xi32>
        %and3A_761 = arith.constant 127 : i32
        %and3A_762 = vector.broadcast %and3A_761 : i32 to vector<16xi32>
        %and3A_763 = arith.andi %get3A_753, %and3A_762 : vector<16xi32>
        %convert_element_type3A_764 = arith.sitofp %unique3A_757 : vector<16xi32> to vector<16xf32>
        tpu.vector_store_idx %arg12[%shift_right_arithmetic3A_760, %and3A_763], %convert_element_type3A_764 masked %unique3A_756 {add = true} : memref<79x128xf32, #tpu.memory_space<vmem>>[vector<16xi32>, vector<16xi32>], vector<16xf32>, vector<16xi1>
        %dma_wait3A_765 = arith.constant 0 : i32
        %dma_wait3A_766 = arith.constant 0 : i32
        %dma_wait3A_767 = tpu.memref_slice %arg9[%dma_wait3A_765, %dma_wait3A_766] : memref<24x128xi32, #tpu.memory_space<vmem>> -> memref<1x128xi32, #tpu.memory_space<vmem>>
        %dma_wait3A_768 = tpu.memref_squeeze %dma_wait3A_767 : memref<1x128xi32, #tpu.memory_space<vmem>> -> memref<128xi32, #tpu.memory_space<vmem>>
        %dma_wait3A_769 = arith.constant 0 : i32
        %dma_wait3A_770 = arith.constant 0 : i32
        %dma_wait3A_771 = tpu.memref_slice %arg13[%dma_wait3A_769, %dma_wait3A_770] : memref<10112x128xf32, #tpu.memory_space<vmem_shared>> -> memref<10112x128xf32, #tpu.memory_space<vmem_shared>>
        tpu.wait_indirect_dma semaphore(%arg17 : memref<!tpu.dma_semaphore, #tpu.memory_space<semaphore_mem>>) src(%arg11 : memref<128x128xf32, #tpu.memory_space<vmem>>) dst(%dma_wait3A_771 : memref<10112x128xf32, #tpu.memory_space<vmem_shared>>)
      } else {
      }
    }
    %scan3A_369 = arith.constant 12 : i32
    %dma_start3A_370 = arith.constant 0 : i32
    %dma_start3A_371 = arith.constant 0 : i32
    %dma_start3A_372 = tpu.memref_slice %arg8[%dma_start3A_370, %dma_start3A_371] : memref<24x128xi32, #tpu.memory_space<vmem>> -> memref<24x128xi32, #tpu.memory_space<vmem>>
    %dma_start3A_373 = arith.constant 48 : i32
    %dma_start3A_374 = tpu.memref_slice %arg7[%dma_start3A_373] : memref<80xi32, #tpu.memory_space<vmem>> -> memref<24xi32, #tpu.memory_space<vmem>>
    %dma_start3A_375 = arith.constant 0 : i32
    %dma_start3A_376 = arith.constant 0 : i32
    %dma_start3A_377 = tpu.memref_slice %arg3[%dma_start3A_375, %dma_start3A_376] : memref<2500x128xi32, #tpu.memory_space<hbm>> -> memref<2500x128xi32, #tpu.memory_space<hbm>>
    tpu.enqueue_indirect_dma source(%dma_start3A_377 : memref<2500x128xi32, #tpu.memory_space<hbm>>) target(%dma_start3A_372 : memref<24x128xi32, #tpu.memory_space<vmem>>) offsets(%dma_start3A_374 : memref<24xi32, #tpu.memory_space<vmem>>) semaphore(%arg14 : memref<!tpu.dma_semaphore, #tpu.memory_space<semaphore_mem>>)
    %dma_start3A_378 = arith.constant 0 : i32
    %dma_start3A_379 = arith.constant 0 : i32
    %dma_start3A_380 = tpu.memref_slice %arg9[%dma_start3A_378, %dma_start3A_379] : memref<24x128xi32, #tpu.memory_space<vmem>> -> memref<24x128xi32, #tpu.memory_space<vmem>>
    %dma_start3A_381 = arith.constant 48 : i32
    %dma_start3A_382 = tpu.memref_slice %arg7[%dma_start3A_381] : memref<80xi32, #tpu.memory_space<vmem>> -> memref<24xi32, #tpu.memory_space<vmem>>
    %dma_start3A_383 = arith.constant 0 : i32
    %dma_start3A_384 = arith.constant 0 : i32
    %dma_start3A_385 = tpu.memref_slice %arg4[%dma_start3A_383, %dma_start3A_384] : memref<2500x128xi32, #tpu.memory_space<hbm>> -> memref<2500x128xi32, #tpu.memory_space<hbm>>
    tpu.enqueue_indirect_dma source(%dma_start3A_385 : memref<2500x128xi32, #tpu.memory_space<hbm>>) target(%dma_start3A_380 : memref<24x128xi32, #tpu.memory_space<vmem>>) offsets(%dma_start3A_382 : memref<24xi32, #tpu.memory_space<vmem>>) semaphore(%arg14 : memref<!tpu.dma_semaphore, #tpu.memory_space<semaphore_mem>>)
    %dma_wait3A_386 = arith.constant 0 : i32
    %dma_wait3A_387 = arith.constant 0 : i32
    %dma_wait3A_388 = tpu.memref_slice %arg8[%dma_wait3A_386, %dma_wait3A_387] : memref<24x128xi32, #tpu.memory_space<vmem>> -> memref<24x128xi32, #tpu.memory_space<vmem>>
    %dma_wait3A_389 = arith.constant 48 : i32
    %dma_wait3A_390 = tpu.memref_slice %arg7[%dma_wait3A_389] : memref<80xi32, #tpu.memory_space<vmem>> -> memref<24xi32, #tpu.memory_space<vmem>>
    %dma_wait3A_391 = arith.constant 0 : i32
    %dma_wait3A_392 = arith.constant 0 : i32
    %dma_wait3A_393 = tpu.memref_slice %arg3[%dma_wait3A_391, %dma_wait3A_392] : memref<2500x128xi32, #tpu.memory_space<hbm>> -> memref<2500x128xi32, #tpu.memory_space<hbm>>
    tpu.wait_indirect_dma semaphore(%arg14 : memref<!tpu.dma_semaphore, #tpu.memory_space<semaphore_mem>>) src(%dma_wait3A_393 : memref<2500x128xi32, #tpu.memory_space<hbm>>) dst(%dma_wait3A_388 : memref<24x128xi32, #tpu.memory_space<vmem>>)
    %dma_wait3A_394 = arith.constant 0 : i32
    %dma_wait3A_395 = arith.constant 0 : i32
    %dma_wait3A_396 = tpu.memref_slice %arg9[%dma_wait3A_394, %dma_wait3A_395] : memref<24x128xi32, #tpu.memory_space<vmem>> -> memref<24x128xi32, #tpu.memory_space<vmem>>
    %dma_wait3A_397 = arith.constant 48 : i32
    %dma_wait3A_398 = tpu.memref_slice %arg7[%dma_wait3A_397] : memref<80xi32, #tpu.memory_space<vmem>> -> memref<24xi32, #tpu.memory_space<vmem>>
    %dma_wait3A_399 = arith.constant 0 : i32
    %dma_wait3A_400 = arith.constant 0 : i32
    %dma_wait3A_401 = tpu.memref_slice %arg4[%dma_wait3A_399, %dma_wait3A_400] : memref<2500x128xi32, #tpu.memory_space<hbm>> -> memref<2500x128xi32, #tpu.memory_space<hbm>>
    tpu.wait_indirect_dma semaphore(%arg14 : memref<!tpu.dma_semaphore, #tpu.memory_space<semaphore_mem>>) src(%dma_wait3A_401 : memref<2500x128xi32, #tpu.memory_space<hbm>>) dst(%dma_wait3A_396 : memref<24x128xi32, #tpu.memory_space<vmem>>)
    %dma_start3A_402 = arith.constant 0 : i32
    %dma_start3A_403 = arith.constant 0 : i32
    %dma_start3A_404 = tpu.memref_slice %arg8[%dma_start3A_402, %dma_start3A_403] : memref<24x128xi32, #tpu.memory_space<vmem>> -> memref<1x128xi32, #tpu.memory_space<vmem>>
    %dma_start3A_405 = tpu.memref_squeeze %dma_start3A_404 : memref<1x128xi32, #tpu.memory_space<vmem>> -> memref<128xi32, #tpu.memory_space<vmem>>
    %dma_start3A_406 = arith.constant 0 : i32
    %dma_start3A_407 = arith.constant 0 : i32
    %dma_start3A_408 = tpu.memref_slice %arg2[%dma_start3A_406, %dma_start3A_407] : memref<10000x128xf32, #tpu.memory_space<hbm>> -> memref<10000x128xf32, #tpu.memory_space<hbm>>
    tpu.enqueue_indirect_dma source(%dma_start3A_408 : memref<10000x128xf32, #tpu.memory_space<hbm>>) target(%arg10 : memref<128x128xf32, #tpu.memory_space<vmem>>) offsets(%dma_start3A_405 : memref<128xi32, #tpu.memory_space<vmem>>) semaphore(%arg14 : memref<!tpu.dma_semaphore, #tpu.memory_space<semaphore_mem>>)
    %scan3A_409 = arith.constant 0 : i32
    %scan3A_410 = arith.constant 0 : i32
    %scan3A_411 = arith.constant 12 : i32
    %scan3A_412 = arith.addi %scan3A_410, %scan3A_411 : i32
    %scan3A_413 = arith.constant 1 : i32
    scf.for %scan3A_491 = %scan3A_410 to %scan3A_412 step %scan3A_413  : i32 {
      %mul3A_492 = arith.constant 2 : i32
      %mul3A_493 = arith.muli %mul3A_492, %scan3A_491 : i32
      %add3A_494 = arith.constant 1 : i32
      %add3A_495 = arith.addi %mul3A_493, %add3A_494 : i32
      %lt3A_496 = arith.constant 24 : i32
      %lt3A_497 = arith.cmpi slt, %add3A_495, %lt3A_496 : i32
      %convert_element_type3A = arith.extui %lt3A_497 : i1 to i32
      %cond3A = arith.constant 0 : i32
      %cond3A_498 = arith.cmpi ne, %convert_element_type3A, %cond3A : i32
      scf.if %cond3A_498 {
        %dma_start3A_640 = arith.constant 0 : i32
        %dma_start3A_641 = tpu.memref_slice %arg8[%add3A_495, %dma_start3A_640] : memref<24x128xi32, #tpu.memory_space<vmem>> -> memref<1x128xi32, #tpu.memory_space<vmem>>
        %dma_start3A_642 = tpu.memref_squeeze %dma_start3A_641 : memref<1x128xi32, #tpu.memory_space<vmem>> -> memref<128xi32, #tpu.memory_space<vmem>>
        %dma_start3A_643 = arith.constant 0 : i32
        %dma_start3A_644 = arith.constant 0 : i32
        %dma_start3A_645 = tpu.memref_slice %arg2[%dma_start3A_643, %dma_start3A_644] : memref<10000x128xf32, #tpu.memory_space<hbm>> -> memref<10000x128xf32, #tpu.memory_space<hbm>>
        tpu.enqueue_indirect_dma source(%dma_start3A_645 : memref<10000x128xf32, #tpu.memory_space<hbm>>) target(%arg11 : memref<128x128xf32, #tpu.memory_space<vmem>>) offsets(%dma_start3A_642 : memref<128xi32, #tpu.memory_space<vmem>>) semaphore(%arg15 : memref<!tpu.dma_semaphore, #tpu.memory_space<semaphore_mem>>)
      } else {
      }
      %dma_wait3A_499 = arith.constant 0 : i32
      %dma_wait3A_500 = arith.constant 0 : i32
      %dma_wait3A_501 = tpu.memref_slice %arg8[%dma_wait3A_499, %dma_wait3A_500] : memref<24x128xi32, #tpu.memory_space<vmem>> -> memref<1x128xi32, #tpu.memory_space<vmem>>
      %dma_wait3A_502 = tpu.memref_squeeze %dma_wait3A_501 : memref<1x128xi32, #tpu.memory_space<vmem>> -> memref<128xi32, #tpu.memory_space<vmem>>
      %dma_wait3A_503 = arith.constant 0 : i32
      %dma_wait3A_504 = arith.constant 0 : i32
      %dma_wait3A_505 = tpu.memref_slice %arg2[%dma_wait3A_503, %dma_wait3A_504] : memref<10000x128xf32, #tpu.memory_space<hbm>> -> memref<10000x128xf32, #tpu.memory_space<hbm>>
      tpu.wait_indirect_dma semaphore(%arg14 : memref<!tpu.dma_semaphore, #tpu.memory_space<semaphore_mem>>) src(%dma_wait3A_505 : memref<10000x128xf32, #tpu.memory_space<hbm>>) dst(%arg10 : memref<128x128xf32, #tpu.memory_space<vmem>>)
      %dma_start3A_506 = arith.constant 0 : i32
      %dma_start3A_507 = tpu.memref_slice %arg9[%mul3A_493, %dma_start3A_506] : memref<24x128xi32, #tpu.memory_space<vmem>> -> memref<1x128xi32, #tpu.memory_space<vmem>>
      %dma_start3A_508 = tpu.memref_squeeze %dma_start3A_507 : memref<1x128xi32, #tpu.memory_space<vmem>> -> memref<128xi32, #tpu.memory_space<vmem>>
      %dma_start3A_509 = arith.constant 0 : i32
      %dma_start3A_510 = arith.constant 0 : i32
      %dma_start3A_511 = tpu.memref_slice %arg13[%dma_start3A_509, %dma_start3A_510] : memref<10112x128xf32, #tpu.memory_space<vmem_shared>> -> memref<10112x128xf32, #tpu.memory_space<vmem_shared>>
      tpu.enqueue_indirect_dma source(%arg10 : memref<128x128xf32, #tpu.memory_space<vmem>>) target(%dma_start3A_511 : memref<10112x128xf32, #tpu.memory_space<vmem_shared>>) offsets(%dma_start3A_508 : memref<128xi32, #tpu.memory_space<vmem>>) semaphore(%arg16 : memref<!tpu.dma_semaphore, #tpu.memory_space<semaphore_mem>>) {add = true}
      %get3A = arith.index_cast %mul3A_493 : i32 to index
      %get3A_512 = arith.constant 0 : index
      %get3A_513 = tpu.vector_load %arg9[%get3A, %get3A_512] {strides = array<i32>} : memref<24x128xi32, #tpu.memory_space<vmem>>, vector<16xi32>,
      %broadcast_in_dim3A_514 = arith.constant true
      %broadcast_in_dim3A_515 = vector.broadcast %broadcast_in_dim3A_514 : i1 to vector<16xi1>
      %unique3A, %unique3A_516 = tpu.scan_count mask(%broadcast_in_dim3A_515 : vector<16xi1>) value(%get3A_513 : vector<16xi32>) : vector<16xi1>, vector<16xi32>
      %shift_right_arithmetic3A = arith.constant 7 : i32
      %shift_right_arithmetic3A_517 = vector.broadcast %shift_right_arithmetic3A : i32 to vector<16xi32>
      %shift_right_arithmetic3A_518 = arith.shrsi %get3A_513, %shift_right_arithmetic3A_517 : vector<16xi32>
      %and3A_519 = arith.constant 127 : i32
      %and3A_520 = vector.broadcast %and3A_519 : i32 to vector<16xi32>
      %and3A_521 = arith.andi %get3A_513, %and3A_520 : vector<16xi32>
      %convert_element_type3A_522 = arith.sitofp %unique3A_516 : vector<16xi32> to vector<16xf32>
      tpu.vector_store_idx %arg12[%shift_right_arithmetic3A_518, %and3A_521], %convert_element_type3A_522 masked %unique3A {add = true} : memref<79x128xf32, #tpu.memory_space<vmem>>[vector<16xi32>, vector<16xi32>], vector<16xf32>, vector<16xi1>
      %get3A_523 = arith.index_cast %mul3A_493 : i32 to index
      %get3A_524 = arith.constant 16 : index
      %get3A_525 = tpu.vector_load %arg9[%get3A_523, %get3A_524] {strides = array<i32>} : memref<24x128xi32, #tpu.memory_space<vmem>>, vector<16xi32>,
      %broadcast_in_dim3A_526 = arith.constant true
      %broadcast_in_dim3A_527 = vector.broadcast %broadcast_in_dim3A_526 : i1 to vector<16xi1>
      %unique3A_528, %unique3A_529 = tpu.scan_count mask(%broadcast_in_dim3A_527 : vector<16xi1>) value(%get3A_525 : vector<16xi32>) : vector<16xi1>, vector<16xi32>
      %shift_right_arithmetic3A_530 = arith.constant 7 : i32
      %shift_right_arithmetic3A_531 = vector.broadcast %shift_right_arithmetic3A_530 : i32 to vector<16xi32>
      %shift_right_arithmetic3A_532 = arith.shrsi %get3A_525, %shift_right_arithmetic3A_531 : vector<16xi32>
      %and3A_533 = arith.constant 127 : i32
      %and3A_534 = vector.broadcast %and3A_533 : i32 to vector<16xi32>
      %and3A_535 = arith.andi %get3A_525, %and3A_534 : vector<16xi32>
      %convert_element_type3A_536 = arith.sitofp %unique3A_529 : vector<16xi32> to vector<16xf32>
      tpu.vector_store_idx %arg12[%shift_right_arithmetic3A_532, %and3A_535], %convert_element_type3A_536 masked %unique3A_528 {add = true} : memref<79x128xf32, #tpu.memory_space<vmem>>[vector<16xi32>, vector<16xi32>], vector<16xf32>, vector<16xi1>
      %get3A_537 = arith.index_cast %mul3A_493 : i32 to index
      %get3A_538 = arith.constant 32 : index
      %get3A_539 = tpu.vector_load %arg9[%get3A_537, %get3A_538] {strides = array<i32>} : memref<24x128xi32, #tpu.memory_space<vmem>>, vector<16xi32>,
      %broadcast_in_dim3A_540 = arith.constant true
      %broadcast_in_dim3A_541 = vector.broadcast %broadcast_in_dim3A_540 : i1 to vector<16xi1>
      %unique3A_542, %unique3A_543 = tpu.scan_count mask(%broadcast_in_dim3A_541 : vector<16xi1>) value(%get3A_539 : vector<16xi32>) : vector<16xi1>, vector<16xi32>
      %shift_right_arithmetic3A_544 = arith.constant 7 : i32
      %shift_right_arithmetic3A_545 = vector.broadcast %shift_right_arithmetic3A_544 : i32 to vector<16xi32>
      %shift_right_arithmetic3A_546 = arith.shrsi %get3A_539, %shift_right_arithmetic3A_545 : vector<16xi32>
      %and3A_547 = arith.constant 127 : i32
      %and3A_548 = vector.broadcast %and3A_547 : i32 to vector<16xi32>
      %and3A_549 = arith.andi %get3A_539, %and3A_548 : vector<16xi32>
      %convert_element_type3A_550 = arith.sitofp %unique3A_543 : vector<16xi32> to vector<16xf32>
      tpu.vector_store_idx %arg12[%shift_right_arithmetic3A_546, %and3A_549], %convert_element_type3A_550 masked %unique3A_542 {add = true} : memref<79x128xf32, #tpu.memory_space<vmem>>[vector<16xi32>, vector<16xi32>], vector<16xf32>, vector<16xi1>
      %get3A_551 = arith.index_cast %mul3A_493 : i32 to index
      %get3A_552 = arith.constant 48 : index
      %get3A_553 = tpu.vector_load %arg9[%get3A_551, %get3A_552] {strides = array<i32>} : memref<24x128xi32, #tpu.memory_space<vmem>>, vector<16xi32>,
      %broadcast_in_dim3A_554 = arith.constant true
      %broadcast_in_dim3A_555 = vector.broadcast %broadcast_in_dim3A_554 : i1 to vector<16xi1>
      %unique3A_556, %unique3A_557 = tpu.scan_count mask(%broadcast_in_dim3A_555 : vector<16xi1>) value(%get3A_553 : vector<16xi32>) : vector<16xi1>, vector<16xi32>
      %shift_right_arithmetic3A_558 = arith.constant 7 : i32
      %shift_right_arithmetic3A_559 = vector.broadcast %shift_right_arithmetic3A_558 : i32 to vector<16xi32>
      %shift_right_arithmetic3A_560 = arith.shrsi %get3A_553, %shift_right_arithmetic3A_559 : vector<16xi32>
      %and3A_561 = arith.constant 127 : i32
      %and3A_562 = vector.broadcast %and3A_561 : i32 to vector<16xi32>
      %and3A_563 = arith.andi %get3A_553, %and3A_562 : vector<16xi32>
      %convert_element_type3A_564 = arith.sitofp %unique3A_557 : vector<16xi32> to vector<16xf32>
      tpu.vector_store_idx %arg12[%shift_right_arithmetic3A_560, %and3A_563], %convert_element_type3A_564 masked %unique3A_556 {add = true} : memref<79x128xf32, #tpu.memory_space<vmem>>[vector<16xi32>, vector<16xi32>], vector<16xf32>, vector<16xi1>
      %get3A_565 = arith.index_cast %mul3A_493 : i32 to index
      %get3A_566 = arith.constant 64 : index
      %get3A_567 = tpu.vector_load %arg9[%get3A_565, %get3A_566] {strides = array<i32>} : memref<24x128xi32, #tpu.memory_space<vmem>>, vector<16xi32>,
      %broadcast_in_dim3A_568 = arith.constant true
      %broadcast_in_dim3A_569 = vector.broadcast %broadcast_in_dim3A_568 : i1 to vector<16xi1>
      %unique3A_570, %unique3A_571 = tpu.scan_count mask(%broadcast_in_dim3A_569 : vector<16xi1>) value(%get3A_567 : vector<16xi32>) : vector<16xi1>, vector<16xi32>
      %shift_right_arithmetic3A_572 = arith.constant 7 : i32
      %shift_right_arithmetic3A_573 = vector.broadcast %shift_right_arithmetic3A_572 : i32 to vector<16xi32>
      %shift_right_arithmetic3A_574 = arith.shrsi %get3A_567, %shift_right_arithmetic3A_573 : vector<16xi32>
      %and3A_575 = arith.constant 127 : i32
      %and3A_576 = vector.broadcast %and3A_575 : i32 to vector<16xi32>
      %and3A_577 = arith.andi %get3A_567, %and3A_576 : vector<16xi32>
      %convert_element_type3A_578 = arith.sitofp %unique3A_571 : vector<16xi32> to vector<16xf32>
      tpu.vector_store_idx %arg12[%shift_right_arithmetic3A_574, %and3A_577], %convert_element_type3A_578 masked %unique3A_570 {add = true} : memref<79x128xf32, #tpu.memory_space<vmem>>[vector<16xi32>, vector<16xi32>], vector<16xf32>, vector<16xi1>
      %get3A_579 = arith.index_cast %mul3A_493 : i32 to index
      %get3A_580 = arith.constant 80 : index
      %get3A_581 = tpu.vector_load %arg9[%get3A_579, %get3A_580] {strides = array<i32>} : memref<24x128xi32, #tpu.memory_space<vmem>>, vector<16xi32>,
      %broadcast_in_dim3A_582 = arith.constant true
      %broadcast_in_dim3A_583 = vector.broadcast %broadcast_in_dim3A_582 : i1 to vector<16xi1>
      %unique3A_584, %unique3A_585 = tpu.scan_count mask(%broadcast_in_dim3A_583 : vector<16xi1>) value(%get3A_581 : vector<16xi32>) : vector<16xi1>, vector<16xi32>
      %shift_right_arithmetic3A_586 = arith.constant 7 : i32
      %shift_right_arithmetic3A_587 = vector.broadcast %shift_right_arithmetic3A_586 : i32 to vector<16xi32>
      %shift_right_arithmetic3A_588 = arith.shrsi %get3A_581, %shift_right_arithmetic3A_587 : vector<16xi32>
      %and3A_589 = arith.constant 127 : i32
      %and3A_590 = vector.broadcast %and3A_589 : i32 to vector<16xi32>
      %and3A_591 = arith.andi %get3A_581, %and3A_590 : vector<16xi32>
      %convert_element_type3A_592 = arith.sitofp %unique3A_585 : vector<16xi32> to vector<16xf32>
      tpu.vector_store_idx %arg12[%shift_right_arithmetic3A_588, %and3A_591], %convert_element_type3A_592 masked %unique3A_584 {add = true} : memref<79x128xf32, #tpu.memory_space<vmem>>[vector<16xi32>, vector<16xi32>], vector<16xf32>, vector<16xi1>
      %get3A_593 = arith.index_cast %mul3A_493 : i32 to index
      %get3A_594 = arith.constant 96 : index
      %get3A_595 = tpu.vector_load %arg9[%get3A_593, %get3A_594] {strides = array<i32>} : memref<24x128xi32, #tpu.memory_space<vmem>>, vector<16xi32>,
      %broadcast_in_dim3A_596 = arith.constant true
      %broadcast_in_dim3A_597 = vector.broadcast %broadcast_in_dim3A_596 : i1 to vector<16xi1>
      %unique3A_598, %unique3A_599 = tpu.scan_count mask(%broadcast_in_dim3A_597 : vector<16xi1>) value(%get3A_595 : vector<16xi32>) : vector<16xi1>, vector<16xi32>
      %shift_right_arithmetic3A_600 = arith.constant 7 : i32
      %shift_right_arithmetic3A_601 = vector.broadcast %shift_right_arithmetic3A_600 : i32 to vector<16xi32>
      %shift_right_arithmetic3A_602 = arith.shrsi %get3A_595, %shift_right_arithmetic3A_601 : vector<16xi32>
      %and3A_603 = arith.constant 127 : i32
      %and3A_604 = vector.broadcast %and3A_603 : i32 to vector<16xi32>
      %and3A_605 = arith.andi %get3A_595, %and3A_604 : vector<16xi32>
      %convert_element_type3A_606 = arith.sitofp %unique3A_599 : vector<16xi32> to vector<16xf32>
      tpu.vector_store_idx %arg12[%shift_right_arithmetic3A_602, %and3A_605], %convert_element_type3A_606 masked %unique3A_598 {add = true} : memref<79x128xf32, #tpu.memory_space<vmem>>[vector<16xi32>, vector<16xi32>], vector<16xf32>, vector<16xi1>
      %get3A_607 = arith.index_cast %mul3A_493 : i32 to index
      %get3A_608 = arith.constant 112 : index
      %get3A_609 = tpu.vector_load %arg9[%get3A_607, %get3A_608] {strides = array<i32>} : memref<24x128xi32, #tpu.memory_space<vmem>>, vector<16xi32>,
      %broadcast_in_dim3A_610 = arith.constant true
      %broadcast_in_dim3A_611 = vector.broadcast %broadcast_in_dim3A_610 : i1 to vector<16xi1>
      %unique3A_612, %unique3A_613 = tpu.scan_count mask(%broadcast_in_dim3A_611 : vector<16xi1>) value(%get3A_609 : vector<16xi32>) : vector<16xi1>, vector<16xi32>
      %shift_right_arithmetic3A_614 = arith.constant 7 : i32
      %shift_right_arithmetic3A_615 = vector.broadcast %shift_right_arithmetic3A_614 : i32 to vector<16xi32>
      %shift_right_arithmetic3A_616 = arith.shrsi %get3A_609, %shift_right_arithmetic3A_615 : vector<16xi32>
      %and3A_617 = arith.constant 127 : i32
      %and3A_618 = vector.broadcast %and3A_617 : i32 to vector<16xi32>
      %and3A_619 = arith.andi %get3A_609, %and3A_618 : vector<16xi32>
      %convert_element_type3A_620 = arith.sitofp %unique3A_613 : vector<16xi32> to vector<16xf32>
      tpu.vector_store_idx %arg12[%shift_right_arithmetic3A_616, %and3A_619], %convert_element_type3A_620 masked %unique3A_612 {add = true} : memref<79x128xf32, #tpu.memory_space<vmem>>[vector<16xi32>, vector<16xi32>], vector<16xf32>, vector<16xi1>
      %dma_wait3A_621 = arith.constant 0 : i32
      %dma_wait3A_622 = arith.constant 0 : i32
      %dma_wait3A_623 = tpu.memref_slice %arg9[%dma_wait3A_621, %dma_wait3A_622] : memref<24x128xi32, #tpu.memory_space<vmem>> -> memref<1x128xi32, #tpu.memory_space<vmem>>
      %dma_wait3A_624 = tpu.memref_squeeze %dma_wait3A_623 : memref<1x128xi32, #tpu.memory_space<vmem>> -> memref<128xi32, #tpu.memory_space<vmem>>
      %dma_wait3A_625 = arith.constant 0 : i32
      %dma_wait3A_626 = arith.constant 0 : i32
      %dma_wait3A_627 = tpu.memref_slice %arg13[%dma_wait3A_625, %dma_wait3A_626] : memref<10112x128xf32, #tpu.memory_space<vmem_shared>> -> memref<10112x128xf32, #tpu.memory_space<vmem_shared>>
      tpu.wait_indirect_dma semaphore(%arg16 : memref<!tpu.dma_semaphore, #tpu.memory_space<semaphore_mem>>) src(%arg10 : memref<128x128xf32, #tpu.memory_space<vmem>>) dst(%dma_wait3A_627 : memref<10112x128xf32, #tpu.memory_space<vmem_shared>>)
      %add3A_628 = arith.constant 2 : i32
      %add3A_629 = arith.addi %mul3A_493, %add3A_628 : i32
      %lt3A_630 = arith.constant 24 : i32
      %lt3A_631 = arith.cmpi slt, %add3A_629, %lt3A_630 : i32
      %convert_element_type3A_632 = arith.extui %lt3A_631 : i1 to i32
      %cond3A_633 = arith.constant 0 : i32
      %cond3A_634 = arith.cmpi ne, %convert_element_type3A_632, %cond3A_633 : i32
      scf.if %cond3A_634 {
        %add3A_640 = arith.constant 2 : i32
        %add3A_641 = arith.addi %mul3A_493, %add3A_640 : i32
        %dma_start3A_642 = arith.constant 0 : i32
        %dma_start3A_643 = tpu.memref_slice %arg8[%add3A_641, %dma_start3A_642] : memref<24x128xi32, #tpu.memory_space<vmem>> -> memref<1x128xi32, #tpu.memory_space<vmem>>
        %dma_start3A_644 = tpu.memref_squeeze %dma_start3A_643 : memref<1x128xi32, #tpu.memory_space<vmem>> -> memref<128xi32, #tpu.memory_space<vmem>>
        %dma_start3A_645 = arith.constant 0 : i32
        %dma_start3A_646 = arith.constant 0 : i32
        %dma_start3A_647 = tpu.memref_slice %arg2[%dma_start3A_645, %dma_start3A_646] : memref<10000x128xf32, #tpu.memory_space<hbm>> -> memref<10000x128xf32, #tpu.memory_space<hbm>>
        tpu.enqueue_indirect_dma source(%dma_start3A_647 : memref<10000x128xf32, #tpu.memory_space<hbm>>) target(%arg10 : memref<128x128xf32, #tpu.memory_space<vmem>>) offsets(%dma_start3A_644 : memref<128xi32, #tpu.memory_space<vmem>>) semaphore(%arg14 : memref<!tpu.dma_semaphore, #tpu.memory_space<semaphore_mem>>)
      } else {
      }
      %lt3A_635 = arith.constant 24 : i32
      %lt3A_636 = arith.cmpi slt, %add3A_495, %lt3A_635 : i32
      %convert_element_type3A_637 = arith.extui %lt3A_636 : i1 to i32
      %cond3A_638 = arith.constant 0 : i32
      %cond3A_639 = arith.cmpi ne, %convert_element_type3A_637, %cond3A_638 : i32
      scf.if %cond3A_639 {
        %dma_wait3A_640 = arith.constant 0 : i32
        %dma_wait3A_641 = arith.constant 0 : i32
        %dma_wait3A_642 = tpu.memref_slice %arg8[%dma_wait3A_640, %dma_wait3A_641] : memref<24x128xi32, #tpu.memory_space<vmem>> -> memref<1x128xi32, #tpu.memory_space<vmem>>
        %dma_wait3A_643 = tpu.memref_squeeze %dma_wait3A_642 : memref<1x128xi32, #tpu.memory_space<vmem>> -> memref<128xi32, #tpu.memory_space<vmem>>
        %dma_wait3A_644 = arith.constant 0 : i32
        %dma_wait3A_645 = arith.constant 0 : i32
        %dma_wait3A_646 = tpu.memref_slice %arg2[%dma_wait3A_644, %dma_wait3A_645] : memref<10000x128xf32, #tpu.memory_space<hbm>> -> memref<10000x128xf32, #tpu.memory_space<hbm>>
        tpu.wait_indirect_dma semaphore(%arg15 : memref<!tpu.dma_semaphore, #tpu.memory_space<semaphore_mem>>) src(%dma_wait3A_646 : memref<10000x128xf32, #tpu.memory_space<hbm>>) dst(%arg11 : memref<128x128xf32, #tpu.memory_space<vmem>>)
        %dma_start3A_647 = arith.constant 0 : i32
        %dma_start3A_648 = tpu.memref_slice %arg9[%add3A_495, %dma_start3A_647] : memref<24x128xi32, #tpu.memory_space<vmem>> -> memref<1x128xi32, #tpu.memory_space<vmem>>
        %dma_start3A_649 = tpu.memref_squeeze %dma_start3A_648 : memref<1x128xi32, #tpu.memory_space<vmem>> -> memref<128xi32, #tpu.memory_space<vmem>>
        %dma_start3A_650 = arith.constant 0 : i32
        %dma_start3A_651 = arith.constant 0 : i32
        %dma_start3A_652 = tpu.memref_slice %arg13[%dma_start3A_650, %dma_start3A_651] : memref<10112x128xf32, #tpu.memory_space<vmem_shared>> -> memref<10112x128xf32, #tpu.memory_space<vmem_shared>>
        tpu.enqueue_indirect_dma source(%arg11 : memref<128x128xf32, #tpu.memory_space<vmem>>) target(%dma_start3A_652 : memref<10112x128xf32, #tpu.memory_space<vmem_shared>>) offsets(%dma_start3A_649 : memref<128xi32, #tpu.memory_space<vmem>>) semaphore(%arg17 : memref<!tpu.dma_semaphore, #tpu.memory_space<semaphore_mem>>) {add = true}
        %get3A_653 = arith.index_cast %add3A_495 : i32 to index
        %get3A_654 = arith.constant 0 : index
        %get3A_655 = tpu.vector_load %arg9[%get3A_653, %get3A_654] {strides = array<i32>} : memref<24x128xi32, #tpu.memory_space<vmem>>, vector<16xi32>,
        %broadcast_in_dim3A_656 = arith.constant true
        %broadcast_in_dim3A_657 = vector.broadcast %broadcast_in_dim3A_656 : i1 to vector<16xi1>
        %unique3A_658, %unique3A_659 = tpu.scan_count mask(%broadcast_in_dim3A_657 : vector<16xi1>) value(%get3A_655 : vector<16xi32>) : vector<16xi1>, vector<16xi32>
        %shift_right_arithmetic3A_660 = arith.constant 7 : i32
        %shift_right_arithmetic3A_661 = vector.broadcast %shift_right_arithmetic3A_660 : i32 to vector<16xi32>
        %shift_right_arithmetic3A_662 = arith.shrsi %get3A_655, %shift_right_arithmetic3A_661 : vector<16xi32>
        %and3A_663 = arith.constant 127 : i32
        %and3A_664 = vector.broadcast %and3A_663 : i32 to vector<16xi32>
        %and3A_665 = arith.andi %get3A_655, %and3A_664 : vector<16xi32>
        %convert_element_type3A_666 = arith.sitofp %unique3A_659 : vector<16xi32> to vector<16xf32>
        tpu.vector_store_idx %arg12[%shift_right_arithmetic3A_662, %and3A_665], %convert_element_type3A_666 masked %unique3A_658 {add = true} : memref<79x128xf32, #tpu.memory_space<vmem>>[vector<16xi32>, vector<16xi32>], vector<16xf32>, vector<16xi1>
        %get3A_667 = arith.index_cast %add3A_495 : i32 to index
        %get3A_668 = arith.constant 16 : index
        %get3A_669 = tpu.vector_load %arg9[%get3A_667, %get3A_668] {strides = array<i32>} : memref<24x128xi32, #tpu.memory_space<vmem>>, vector<16xi32>,
        %broadcast_in_dim3A_670 = arith.constant true
        %broadcast_in_dim3A_671 = vector.broadcast %broadcast_in_dim3A_670 : i1 to vector<16xi1>
        %unique3A_672, %unique3A_673 = tpu.scan_count mask(%broadcast_in_dim3A_671 : vector<16xi1>) value(%get3A_669 : vector<16xi32>) : vector<16xi1>, vector<16xi32>
        %shift_right_arithmetic3A_674 = arith.constant 7 : i32
        %shift_right_arithmetic3A_675 = vector.broadcast %shift_right_arithmetic3A_674 : i32 to vector<16xi32>
        %shift_right_arithmetic3A_676 = arith.shrsi %get3A_669, %shift_right_arithmetic3A_675 : vector<16xi32>
        %and3A_677 = arith.constant 127 : i32
        %and3A_678 = vector.broadcast %and3A_677 : i32 to vector<16xi32>
        %and3A_679 = arith.andi %get3A_669, %and3A_678 : vector<16xi32>
        %convert_element_type3A_680 = arith.sitofp %unique3A_673 : vector<16xi32> to vector<16xf32>
        tpu.vector_store_idx %arg12[%shift_right_arithmetic3A_676, %and3A_679], %convert_element_type3A_680 masked %unique3A_672 {add = true} : memref<79x128xf32, #tpu.memory_space<vmem>>[vector<16xi32>, vector<16xi32>], vector<16xf32>, vector<16xi1>
        %get3A_681 = arith.index_cast %add3A_495 : i32 to index
        %get3A_682 = arith.constant 32 : index
        %get3A_683 = tpu.vector_load %arg9[%get3A_681, %get3A_682] {strides = array<i32>} : memref<24x128xi32, #tpu.memory_space<vmem>>, vector<16xi32>,
        %broadcast_in_dim3A_684 = arith.constant true
        %broadcast_in_dim3A_685 = vector.broadcast %broadcast_in_dim3A_684 : i1 to vector<16xi1>
        %unique3A_686, %unique3A_687 = tpu.scan_count mask(%broadcast_in_dim3A_685 : vector<16xi1>) value(%get3A_683 : vector<16xi32>) : vector<16xi1>, vector<16xi32>
        %shift_right_arithmetic3A_688 = arith.constant 7 : i32
        %shift_right_arithmetic3A_689 = vector.broadcast %shift_right_arithmetic3A_688 : i32 to vector<16xi32>
        %shift_right_arithmetic3A_690 = arith.shrsi %get3A_683, %shift_right_arithmetic3A_689 : vector<16xi32>
        %and3A_691 = arith.constant 127 : i32
        %and3A_692 = vector.broadcast %and3A_691 : i32 to vector<16xi32>
        %and3A_693 = arith.andi %get3A_683, %and3A_692 : vector<16xi32>
        %convert_element_type3A_694 = arith.sitofp %unique3A_687 : vector<16xi32> to vector<16xf32>
        tpu.vector_store_idx %arg12[%shift_right_arithmetic3A_690, %and3A_693], %convert_element_type3A_694 masked %unique3A_686 {add = true} : memref<79x128xf32, #tpu.memory_space<vmem>>[vector<16xi32>, vector<16xi32>], vector<16xf32>, vector<16xi1>
        %get3A_695 = arith.index_cast %add3A_495 : i32 to index
        %get3A_696 = arith.constant 48 : index
        %get3A_697 = tpu.vector_load %arg9[%get3A_695, %get3A_696] {strides = array<i32>} : memref<24x128xi32, #tpu.memory_space<vmem>>, vector<16xi32>,
        %broadcast_in_dim3A_698 = arith.constant true
        %broadcast_in_dim3A_699 = vector.broadcast %broadcast_in_dim3A_698 : i1 to vector<16xi1>
        %unique3A_700, %unique3A_701 = tpu.scan_count mask(%broadcast_in_dim3A_699 : vector<16xi1>) value(%get3A_697 : vector<16xi32>) : vector<16xi1>, vector<16xi32>
        %shift_right_arithmetic3A_702 = arith.constant 7 : i32
        %shift_right_arithmetic3A_703 = vector.broadcast %shift_right_arithmetic3A_702 : i32 to vector<16xi32>
        %shift_right_arithmetic3A_704 = arith.shrsi %get3A_697, %shift_right_arithmetic3A_703 : vector<16xi32>
        %and3A_705 = arith.constant 127 : i32
        %and3A_706 = vector.broadcast %and3A_705 : i32 to vector<16xi32>
        %and3A_707 = arith.andi %get3A_697, %and3A_706 : vector<16xi32>
        %convert_element_type3A_708 = arith.sitofp %unique3A_701 : vector<16xi32> to vector<16xf32>
        tpu.vector_store_idx %arg12[%shift_right_arithmetic3A_704, %and3A_707], %convert_element_type3A_708 masked %unique3A_700 {add = true} : memref<79x128xf32, #tpu.memory_space<vmem>>[vector<16xi32>, vector<16xi32>], vector<16xf32>, vector<16xi1>
        %get3A_709 = arith.index_cast %add3A_495 : i32 to index
        %get3A_710 = arith.constant 64 : index
        %get3A_711 = tpu.vector_load %arg9[%get3A_709, %get3A_710] {strides = array<i32>} : memref<24x128xi32, #tpu.memory_space<vmem>>, vector<16xi32>,
        %broadcast_in_dim3A_712 = arith.constant true
        %broadcast_in_dim3A_713 = vector.broadcast %broadcast_in_dim3A_712 : i1 to vector<16xi1>
        %unique3A_714, %unique3A_715 = tpu.scan_count mask(%broadcast_in_dim3A_713 : vector<16xi1>) value(%get3A_711 : vector<16xi32>) : vector<16xi1>, vector<16xi32>
        %shift_right_arithmetic3A_716 = arith.constant 7 : i32
        %shift_right_arithmetic3A_717 = vector.broadcast %shift_right_arithmetic3A_716 : i32 to vector<16xi32>
        %shift_right_arithmetic3A_718 = arith.shrsi %get3A_711, %shift_right_arithmetic3A_717 : vector<16xi32>
        %and3A_719 = arith.constant 127 : i32
        %and3A_720 = vector.broadcast %and3A_719 : i32 to vector<16xi32>
        %and3A_721 = arith.andi %get3A_711, %and3A_720 : vector<16xi32>
        %convert_element_type3A_722 = arith.sitofp %unique3A_715 : vector<16xi32> to vector<16xf32>
        tpu.vector_store_idx %arg12[%shift_right_arithmetic3A_718, %and3A_721], %convert_element_type3A_722 masked %unique3A_714 {add = true} : memref<79x128xf32, #tpu.memory_space<vmem>>[vector<16xi32>, vector<16xi32>], vector<16xf32>, vector<16xi1>
        %get3A_723 = arith.index_cast %add3A_495 : i32 to index
        %get3A_724 = arith.constant 80 : index
        %get3A_725 = tpu.vector_load %arg9[%get3A_723, %get3A_724] {strides = array<i32>} : memref<24x128xi32, #tpu.memory_space<vmem>>, vector<16xi32>,
        %broadcast_in_dim3A_726 = arith.constant true
        %broadcast_in_dim3A_727 = vector.broadcast %broadcast_in_dim3A_726 : i1 to vector<16xi1>
        %unique3A_728, %unique3A_729 = tpu.scan_count mask(%broadcast_in_dim3A_727 : vector<16xi1>) value(%get3A_725 : vector<16xi32>) : vector<16xi1>, vector<16xi32>
        %shift_right_arithmetic3A_730 = arith.constant 7 : i32
        %shift_right_arithmetic3A_731 = vector.broadcast %shift_right_arithmetic3A_730 : i32 to vector<16xi32>
        %shift_right_arithmetic3A_732 = arith.shrsi %get3A_725, %shift_right_arithmetic3A_731 : vector<16xi32>
        %and3A_733 = arith.constant 127 : i32
        %and3A_734 = vector.broadcast %and3A_733 : i32 to vector<16xi32>
        %and3A_735 = arith.andi %get3A_725, %and3A_734 : vector<16xi32>
        %convert_element_type3A_736 = arith.sitofp %unique3A_729 : vector<16xi32> to vector<16xf32>
        tpu.vector_store_idx %arg12[%shift_right_arithmetic3A_732, %and3A_735], %convert_element_type3A_736 masked %unique3A_728 {add = true} : memref<79x128xf32, #tpu.memory_space<vmem>>[vector<16xi32>, vector<16xi32>], vector<16xf32>, vector<16xi1>
        %get3A_737 = arith.index_cast %add3A_495 : i32 to index
        %get3A_738 = arith.constant 96 : index
        %get3A_739 = tpu.vector_load %arg9[%get3A_737, %get3A_738] {strides = array<i32>} : memref<24x128xi32, #tpu.memory_space<vmem>>, vector<16xi32>,
        %broadcast_in_dim3A_740 = arith.constant true
        %broadcast_in_dim3A_741 = vector.broadcast %broadcast_in_dim3A_740 : i1 to vector<16xi1>
        %unique3A_742, %unique3A_743 = tpu.scan_count mask(%broadcast_in_dim3A_741 : vector<16xi1>) value(%get3A_739 : vector<16xi32>) : vector<16xi1>, vector<16xi32>
        %shift_right_arithmetic3A_744 = arith.constant 7 : i32
        %shift_right_arithmetic3A_745 = vector.broadcast %shift_right_arithmetic3A_744 : i32 to vector<16xi32>
        %shift_right_arithmetic3A_746 = arith.shrsi %get3A_739, %shift_right_arithmetic3A_745 : vector<16xi32>
        %and3A_747 = arith.constant 127 : i32
        %and3A_748 = vector.broadcast %and3A_747 : i32 to vector<16xi32>
        %and3A_749 = arith.andi %get3A_739, %and3A_748 : vector<16xi32>
        %convert_element_type3A_750 = arith.sitofp %unique3A_743 : vector<16xi32> to vector<16xf32>
        tpu.vector_store_idx %arg12[%shift_right_arithmetic3A_746, %and3A_749], %convert_element_type3A_750 masked %unique3A_742 {add = true} : memref<79x128xf32, #tpu.memory_space<vmem>>[vector<16xi32>, vector<16xi32>], vector<16xf32>, vector<16xi1>
        %get3A_751 = arith.index_cast %add3A_495 : i32 to index
        %get3A_752 = arith.constant 112 : index
        %get3A_753 = tpu.vector_load %arg9[%get3A_751, %get3A_752] {strides = array<i32>} : memref<24x128xi32, #tpu.memory_space<vmem>>, vector<16xi32>,
        %broadcast_in_dim3A_754 = arith.constant true
        %broadcast_in_dim3A_755 = vector.broadcast %broadcast_in_dim3A_754 : i1 to vector<16xi1>
        %unique3A_756, %unique3A_757 = tpu.scan_count mask(%broadcast_in_dim3A_755 : vector<16xi1>) value(%get3A_753 : vector<16xi32>) : vector<16xi1>, vector<16xi32>
        %shift_right_arithmetic3A_758 = arith.constant 7 : i32
        %shift_right_arithmetic3A_759 = vector.broadcast %shift_right_arithmetic3A_758 : i32 to vector<16xi32>
        %shift_right_arithmetic3A_760 = arith.shrsi %get3A_753, %shift_right_arithmetic3A_759 : vector<16xi32>
        %and3A_761 = arith.constant 127 : i32
        %and3A_762 = vector.broadcast %and3A_761 : i32 to vector<16xi32>
        %and3A_763 = arith.andi %get3A_753, %and3A_762 : vector<16xi32>
        %convert_element_type3A_764 = arith.sitofp %unique3A_757 : vector<16xi32> to vector<16xf32>
        tpu.vector_store_idx %arg12[%shift_right_arithmetic3A_760, %and3A_763], %convert_element_type3A_764 masked %unique3A_756 {add = true} : memref<79x128xf32, #tpu.memory_space<vmem>>[vector<16xi32>, vector<16xi32>], vector<16xf32>, vector<16xi1>
        %dma_wait3A_765 = arith.constant 0 : i32
        %dma_wait3A_766 = arith.constant 0 : i32
        %dma_wait3A_767 = tpu.memref_slice %arg9[%dma_wait3A_765, %dma_wait3A_766] : memref<24x128xi32, #tpu.memory_space<vmem>> -> memref<1x128xi32, #tpu.memory_space<vmem>>
        %dma_wait3A_768 = tpu.memref_squeeze %dma_wait3A_767 : memref<1x128xi32, #tpu.memory_space<vmem>> -> memref<128xi32, #tpu.memory_space<vmem>>
        %dma_wait3A_769 = arith.constant 0 : i32
        %dma_wait3A_770 = arith.constant 0 : i32
        %dma_wait3A_771 = tpu.memref_slice %arg13[%dma_wait3A_769, %dma_wait3A_770] : memref<10112x128xf32, #tpu.memory_space<vmem_shared>> -> memref<10112x128xf32, #tpu.memory_space<vmem_shared>>
        tpu.wait_indirect_dma semaphore(%arg17 : memref<!tpu.dma_semaphore, #tpu.memory_space<semaphore_mem>>) src(%arg11 : memref<128x128xf32, #tpu.memory_space<vmem>>) dst(%dma_wait3A_771 : memref<10112x128xf32, #tpu.memory_space<vmem_shared>>)
      } else {
      }
    }
    %scan3A_414 = arith.constant 12 : i32
    %sub3A = arith.constant 72 : i32
    %sub3A_415 = arith.subi %add3A_4, %sub3A : i32
    %dma_start3A_416 = arith.constant 0 : i32
    %dma_start3A_417 = arith.constant 0 : i32
    %dma_start3A_418 = tpu.memref_slice %arg8[%dma_start3A_416, %dma_start3A_417] : memref<24x128xi32, #tpu.memory_space<vmem>> -> memref<8x128xi32, #tpu.memory_space<vmem>>
    %dma_start3A_419 = arith.constant 72 : i32
    %dma_start3A_420 = tpu.memref_slice %arg7[%dma_start3A_419] : memref<80xi32, #tpu.memory_space<vmem>> -> memref<8xi32, #tpu.memory_space<vmem>>
    %dma_start3A_421 = arith.constant 0 : i32
    %dma_start3A_422 = arith.constant 0 : i32
    %dma_start3A_423 = tpu.memref_slice %arg3[%dma_start3A_421, %dma_start3A_422] : memref<2500x128xi32, #tpu.memory_space<hbm>> -> memref<2500x128xi32, #tpu.memory_space<hbm>>
    tpu.enqueue_indirect_dma source(%dma_start3A_423 : memref<2500x128xi32, #tpu.memory_space<hbm>>) target(%dma_start3A_418 : memref<8x128xi32, #tpu.memory_space<vmem>>) offsets(%dma_start3A_420 : memref<8xi32, #tpu.memory_space<vmem>>) semaphore(%arg14 : memref<!tpu.dma_semaphore, #tpu.memory_space<semaphore_mem>>)
    %dma_start3A_424 = arith.constant 0 : i32
    %dma_start3A_425 = arith.constant 0 : i32
    %dma_start3A_426 = tpu.memref_slice %arg9[%dma_start3A_424, %dma_start3A_425] : memref<24x128xi32, #tpu.memory_space<vmem>> -> memref<8x128xi32, #tpu.memory_space<vmem>>
    %dma_start3A_427 = arith.constant 72 : i32
    %dma_start3A_428 = tpu.memref_slice %arg7[%dma_start3A_427] : memref<80xi32, #tpu.memory_space<vmem>> -> memref<8xi32, #tpu.memory_space<vmem>>
    %dma_start3A_429 = arith.constant 0 : i32
    %dma_start3A_430 = arith.constant 0 : i32
    %dma_start3A_431 = tpu.memref_slice %arg4[%dma_start3A_429, %dma_start3A_430] : memref<2500x128xi32, #tpu.memory_space<hbm>> -> memref<2500x128xi32, #tpu.memory_space<hbm>>
    tpu.enqueue_indirect_dma source(%dma_start3A_431 : memref<2500x128xi32, #tpu.memory_space<hbm>>) target(%dma_start3A_426 : memref<8x128xi32, #tpu.memory_space<vmem>>) offsets(%dma_start3A_428 : memref<8xi32, #tpu.memory_space<vmem>>) semaphore(%arg14 : memref<!tpu.dma_semaphore, #tpu.memory_space<semaphore_mem>>)
    %dma_wait3A_432 = arith.constant 0 : i32
    %dma_wait3A_433 = arith.constant 0 : i32
    %dma_wait3A_434 = tpu.memref_slice %arg8[%dma_wait3A_432, %dma_wait3A_433] : memref<24x128xi32, #tpu.memory_space<vmem>> -> memref<8x128xi32, #tpu.memory_space<vmem>>
    %dma_wait3A_435 = arith.constant 72 : i32
    %dma_wait3A_436 = tpu.memref_slice %arg7[%dma_wait3A_435] : memref<80xi32, #tpu.memory_space<vmem>> -> memref<8xi32, #tpu.memory_space<vmem>>
    %dma_wait3A_437 = arith.constant 0 : i32
    %dma_wait3A_438 = arith.constant 0 : i32
    %dma_wait3A_439 = tpu.memref_slice %arg3[%dma_wait3A_437, %dma_wait3A_438] : memref<2500x128xi32, #tpu.memory_space<hbm>> -> memref<2500x128xi32, #tpu.memory_space<hbm>>
    tpu.wait_indirect_dma semaphore(%arg14 : memref<!tpu.dma_semaphore, #tpu.memory_space<semaphore_mem>>) src(%dma_wait3A_439 : memref<2500x128xi32, #tpu.memory_space<hbm>>) dst(%dma_wait3A_434 : memref<8x128xi32, #tpu.memory_space<vmem>>)
    %dma_wait3A_440 = arith.constant 0 : i32
    %dma_wait3A_441 = arith.constant 0 : i32
    %dma_wait3A_442 = tpu.memref_slice %arg9[%dma_wait3A_440, %dma_wait3A_441] : memref<24x128xi32, #tpu.memory_space<vmem>> -> memref<8x128xi32, #tpu.memory_space<vmem>>
    %dma_wait3A_443 = arith.constant 72 : i32
    %dma_wait3A_444 = tpu.memref_slice %arg7[%dma_wait3A_443] : memref<80xi32, #tpu.memory_space<vmem>> -> memref<8xi32, #tpu.memory_space<vmem>>
    %dma_wait3A_445 = arith.constant 0 : i32
    %dma_wait3A_446 = arith.constant 0 : i32
    %dma_wait3A_447 = tpu.memref_slice %arg4[%dma_wait3A_445, %dma_wait3A_446] : memref<2500x128xi32, #tpu.memory_space<hbm>> -> memref<2500x128xi32, #tpu.memory_space<hbm>>
    tpu.wait_indirect_dma semaphore(%arg14 : memref<!tpu.dma_semaphore, #tpu.memory_space<semaphore_mem>>) src(%dma_wait3A_447 : memref<2500x128xi32, #tpu.memory_space<hbm>>) dst(%dma_wait3A_442 : memref<8x128xi32, #tpu.memory_space<vmem>>)
    %dma_start3A_448 = arith.constant 0 : i32
    %dma_start3A_449 = arith.constant 0 : i32
    %dma_start3A_450 = tpu.memref_slice %arg8[%dma_start3A_448, %dma_start3A_449] : memref<24x128xi32, #tpu.memory_space<vmem>> -> memref<1x128xi32, #tpu.memory_space<vmem>>
    %dma_start3A_451 = tpu.memref_squeeze %dma_start3A_450 : memref<1x128xi32, #tpu.memory_space<vmem>> -> memref<128xi32, #tpu.memory_space<vmem>>
    %dma_start3A_452 = arith.constant 0 : i32
    %dma_start3A_453 = arith.constant 0 : i32
    %dma_start3A_454 = tpu.memref_slice %arg2[%dma_start3A_452, %dma_start3A_453] : memref<10000x128xf32, #tpu.memory_space<hbm>> -> memref<10000x128xf32, #tpu.memory_space<hbm>>
    tpu.enqueue_indirect_dma source(%dma_start3A_454 : memref<10000x128xf32, #tpu.memory_space<hbm>>) target(%arg10 : memref<128x128xf32, #tpu.memory_space<vmem>>) offsets(%dma_start3A_451 : memref<128xi32, #tpu.memory_space<vmem>>) semaphore(%arg14 : memref<!tpu.dma_semaphore, #tpu.memory_space<semaphore_mem>>)
    %add3A_455 = arith.constant 1 : i32
    %add3A_456 = arith.addi %sub3A_415, %add3A_455 : i32
    %jit3A_457 = arith.constant 2 : i32
    %div3A = arith.divsi %add3A_456, %jit3A_457 : i32
    %sign3A = arith.constant 0 : i32
    %sign3A_458 = arith.cmpi sgt, %add3A_456, %sign3A : i32
    %sign3A_459 = arith.extui %sign3A_458 : i1 to i32
    %sign3A_460 = arith.constant 0 : i32
    %sign3A_461 = arith.cmpi slt, %add3A_456, %sign3A_460 : i32
    %sign3A_462 = arith.extui %sign3A_461 : i1 to i32
    %sign3A_463 = arith.subi %sign3A_459, %sign3A_462 : i32
    %sign3A_464 = arith.constant 0 : i32
    %sign3A_465 = arith.cmpi sgt, %jit3A_457, %sign3A_464 : i32
    %sign3A_466 = arith.extui %sign3A_465 : i1 to i32
    %sign3A_467 = arith.constant 0 : i32
    %sign3A_468 = arith.cmpi slt, %jit3A_457, %sign3A_467 : i32
    %sign3A_469 = arith.extui %sign3A_468 : i1 to i32
    %sign3A_470 = arith.subi %sign3A_466, %sign3A_469 : i32
    %ne3A = arith.cmpi ne, %sign3A_463, %sign3A_470 : i32
    %rem3A = arith.remsi %add3A_456, %jit3A_457 : i32
    %ne3A_471 = arith.constant 0 : i32
    %ne3A_472 = arith.cmpi ne, %rem3A, %ne3A_471 : i32
    %and3A_473 = arith.andi %ne3A, %ne3A_472 : i1
    %sub3A_474 = arith.constant 1 : i32
    %sub3A_475 = arith.subi %div3A, %sub3A_474 : i32
    %select_n3A_476 = arith.select %and3A_473, %sub3A_475, %div3A : i32
    %while3A = arith.constant 0 : i32
    %while3A_477 = arith.constant 0 : i32
    %while3A_478 = arith.subi %select_n3A_476, %while3A_477 : i32
    %while3A_479 = arith.addi %while3A_477, %while3A_478 : i32
    %while3A_480 = arith.constant 1 : i32
    %while3A_481 = arith.divsi %while3A_478, %while3A_480 : i32
    %while3A_482 = arith.muli %while3A_481, %while3A_480 : i32
    %while3A_483 = arith.addi %while3A_477, %while3A_482 : i32
    %while3A_484 = arith.constant 1 : i32
    scf.for %while3A_491 = %while3A_477 to %while3A_483 step %while3A_484  : i32 {
      %mul3A_492 = arith.constant 2 : i32
      %mul3A_493 = arith.muli %mul3A_492, %while3A_491 : i32
      %add3A_494 = arith.constant 1 : i32
      %add3A_495 = arith.addi %mul3A_493, %add3A_494 : i32
      %lt3A_496 = arith.cmpi slt, %add3A_495, %sub3A_415 : i32
      %convert_element_type3A = arith.extui %lt3A_496 : i1 to i32
      %cond3A = arith.constant 0 : i32
      %cond3A_497 = arith.cmpi ne, %convert_element_type3A, %cond3A : i32
      scf.if %cond3A_497 {
        %dma_start3A_637 = arith.constant 0 : i32
        %dma_start3A_638 = tpu.memref_slice %arg8[%add3A_495, %dma_start3A_637] : memref<24x128xi32, #tpu.memory_space<vmem>> -> memref<1x128xi32, #tpu.memory_space<vmem>>
        %dma_start3A_639 = tpu.memref_squeeze %dma_start3A_638 : memref<1x128xi32, #tpu.memory_space<vmem>> -> memref<128xi32, #tpu.memory_space<vmem>>
        %dma_start3A_640 = arith.constant 0 : i32
        %dma_start3A_641 = arith.constant 0 : i32
        %dma_start3A_642 = tpu.memref_slice %arg2[%dma_start3A_640, %dma_start3A_641] : memref<10000x128xf32, #tpu.memory_space<hbm>> -> memref<10000x128xf32, #tpu.memory_space<hbm>>
        tpu.enqueue_indirect_dma source(%dma_start3A_642 : memref<10000x128xf32, #tpu.memory_space<hbm>>) target(%arg11 : memref<128x128xf32, #tpu.memory_space<vmem>>) offsets(%dma_start3A_639 : memref<128xi32, #tpu.memory_space<vmem>>) semaphore(%arg15 : memref<!tpu.dma_semaphore, #tpu.memory_space<semaphore_mem>>)
      } else {
      }
      %dma_wait3A_498 = arith.constant 0 : i32
      %dma_wait3A_499 = arith.constant 0 : i32
      %dma_wait3A_500 = tpu.memref_slice %arg8[%dma_wait3A_498, %dma_wait3A_499] : memref<24x128xi32, #tpu.memory_space<vmem>> -> memref<1x128xi32, #tpu.memory_space<vmem>>
      %dma_wait3A_501 = tpu.memref_squeeze %dma_wait3A_500 : memref<1x128xi32, #tpu.memory_space<vmem>> -> memref<128xi32, #tpu.memory_space<vmem>>
      %dma_wait3A_502 = arith.constant 0 : i32
      %dma_wait3A_503 = arith.constant 0 : i32
      %dma_wait3A_504 = tpu.memref_slice %arg2[%dma_wait3A_502, %dma_wait3A_503] : memref<10000x128xf32, #tpu.memory_space<hbm>> -> memref<10000x128xf32, #tpu.memory_space<hbm>>
      tpu.wait_indirect_dma semaphore(%arg14 : memref<!tpu.dma_semaphore, #tpu.memory_space<semaphore_mem>>) src(%dma_wait3A_504 : memref<10000x128xf32, #tpu.memory_space<hbm>>) dst(%arg10 : memref<128x128xf32, #tpu.memory_space<vmem>>)
      %dma_start3A_505 = arith.constant 0 : i32
      %dma_start3A_506 = tpu.memref_slice %arg9[%mul3A_493, %dma_start3A_505] : memref<24x128xi32, #tpu.memory_space<vmem>> -> memref<1x128xi32, #tpu.memory_space<vmem>>
      %dma_start3A_507 = tpu.memref_squeeze %dma_start3A_506 : memref<1x128xi32, #tpu.memory_space<vmem>> -> memref<128xi32, #tpu.memory_space<vmem>>
      %dma_start3A_508 = arith.constant 0 : i32
      %dma_start3A_509 = arith.constant 0 : i32
      %dma_start3A_510 = tpu.memref_slice %arg13[%dma_start3A_508, %dma_start3A_509] : memref<10112x128xf32, #tpu.memory_space<vmem_shared>> -> memref<10112x128xf32, #tpu.memory_space<vmem_shared>>
      tpu.enqueue_indirect_dma source(%arg10 : memref<128x128xf32, #tpu.memory_space<vmem>>) target(%dma_start3A_510 : memref<10112x128xf32, #tpu.memory_space<vmem_shared>>) offsets(%dma_start3A_507 : memref<128xi32, #tpu.memory_space<vmem>>) semaphore(%arg16 : memref<!tpu.dma_semaphore, #tpu.memory_space<semaphore_mem>>) {add = true}
      %get3A = arith.index_cast %mul3A_493 : i32 to index
      %get3A_511 = arith.constant 0 : index
      %get3A_512 = tpu.vector_load %arg9[%get3A, %get3A_511] {strides = array<i32>} : memref<24x128xi32, #tpu.memory_space<vmem>>, vector<16xi32>,
      %broadcast_in_dim3A_513 = arith.constant true
      %broadcast_in_dim3A_514 = vector.broadcast %broadcast_in_dim3A_513 : i1 to vector<16xi1>
      %unique3A, %unique3A_515 = tpu.scan_count mask(%broadcast_in_dim3A_514 : vector<16xi1>) value(%get3A_512 : vector<16xi32>) : vector<16xi1>, vector<16xi32>
      %shift_right_arithmetic3A = arith.constant 7 : i32
      %shift_right_arithmetic3A_516 = vector.broadcast %shift_right_arithmetic3A : i32 to vector<16xi32>
      %shift_right_arithmetic3A_517 = arith.shrsi %get3A_512, %shift_right_arithmetic3A_516 : vector<16xi32>
      %and3A_518 = arith.constant 127 : i32
      %and3A_519 = vector.broadcast %and3A_518 : i32 to vector<16xi32>
      %and3A_520 = arith.andi %get3A_512, %and3A_519 : vector<16xi32>
      %convert_element_type3A_521 = arith.sitofp %unique3A_515 : vector<16xi32> to vector<16xf32>
      tpu.vector_store_idx %arg12[%shift_right_arithmetic3A_517, %and3A_520], %convert_element_type3A_521 masked %unique3A {add = true} : memref<79x128xf32, #tpu.memory_space<vmem>>[vector<16xi32>, vector<16xi32>], vector<16xf32>, vector<16xi1>
      %get3A_522 = arith.index_cast %mul3A_493 : i32 to index
      %get3A_523 = arith.constant 16 : index
      %get3A_524 = tpu.vector_load %arg9[%get3A_522, %get3A_523] {strides = array<i32>} : memref<24x128xi32, #tpu.memory_space<vmem>>, vector<16xi32>,
      %broadcast_in_dim3A_525 = arith.constant true
      %broadcast_in_dim3A_526 = vector.broadcast %broadcast_in_dim3A_525 : i1 to vector<16xi1>
      %unique3A_527, %unique3A_528 = tpu.scan_count mask(%broadcast_in_dim3A_526 : vector<16xi1>) value(%get3A_524 : vector<16xi32>) : vector<16xi1>, vector<16xi32>
      %shift_right_arithmetic3A_529 = arith.constant 7 : i32
      %shift_right_arithmetic3A_530 = vector.broadcast %shift_right_arithmetic3A_529 : i32 to vector<16xi32>
      %shift_right_arithmetic3A_531 = arith.shrsi %get3A_524, %shift_right_arithmetic3A_530 : vector<16xi32>
      %and3A_532 = arith.constant 127 : i32
      %and3A_533 = vector.broadcast %and3A_532 : i32 to vector<16xi32>
      %and3A_534 = arith.andi %get3A_524, %and3A_533 : vector<16xi32>
      %convert_element_type3A_535 = arith.sitofp %unique3A_528 : vector<16xi32> to vector<16xf32>
      tpu.vector_store_idx %arg12[%shift_right_arithmetic3A_531, %and3A_534], %convert_element_type3A_535 masked %unique3A_527 {add = true} : memref<79x128xf32, #tpu.memory_space<vmem>>[vector<16xi32>, vector<16xi32>], vector<16xf32>, vector<16xi1>
      %get3A_536 = arith.index_cast %mul3A_493 : i32 to index
      %get3A_537 = arith.constant 32 : index
      %get3A_538 = tpu.vector_load %arg9[%get3A_536, %get3A_537] {strides = array<i32>} : memref<24x128xi32, #tpu.memory_space<vmem>>, vector<16xi32>,
      %broadcast_in_dim3A_539 = arith.constant true
      %broadcast_in_dim3A_540 = vector.broadcast %broadcast_in_dim3A_539 : i1 to vector<16xi1>
      %unique3A_541, %unique3A_542 = tpu.scan_count mask(%broadcast_in_dim3A_540 : vector<16xi1>) value(%get3A_538 : vector<16xi32>) : vector<16xi1>, vector<16xi32>
      %shift_right_arithmetic3A_543 = arith.constant 7 : i32
      %shift_right_arithmetic3A_544 = vector.broadcast %shift_right_arithmetic3A_543 : i32 to vector<16xi32>
      %shift_right_arithmetic3A_545 = arith.shrsi %get3A_538, %shift_right_arithmetic3A_544 : vector<16xi32>
      %and3A_546 = arith.constant 127 : i32
      %and3A_547 = vector.broadcast %and3A_546 : i32 to vector<16xi32>
      %and3A_548 = arith.andi %get3A_538, %and3A_547 : vector<16xi32>
      %convert_element_type3A_549 = arith.sitofp %unique3A_542 : vector<16xi32> to vector<16xf32>
      tpu.vector_store_idx %arg12[%shift_right_arithmetic3A_545, %and3A_548], %convert_element_type3A_549 masked %unique3A_541 {add = true} : memref<79x128xf32, #tpu.memory_space<vmem>>[vector<16xi32>, vector<16xi32>], vector<16xf32>, vector<16xi1>
      %get3A_550 = arith.index_cast %mul3A_493 : i32 to index
      %get3A_551 = arith.constant 48 : index
      %get3A_552 = tpu.vector_load %arg9[%get3A_550, %get3A_551] {strides = array<i32>} : memref<24x128xi32, #tpu.memory_space<vmem>>, vector<16xi32>,
      %broadcast_in_dim3A_553 = arith.constant true
      %broadcast_in_dim3A_554 = vector.broadcast %broadcast_in_dim3A_553 : i1 to vector<16xi1>
      %unique3A_555, %unique3A_556 = tpu.scan_count mask(%broadcast_in_dim3A_554 : vector<16xi1>) value(%get3A_552 : vector<16xi32>) : vector<16xi1>, vector<16xi32>
      %shift_right_arithmetic3A_557 = arith.constant 7 : i32
      %shift_right_arithmetic3A_558 = vector.broadcast %shift_right_arithmetic3A_557 : i32 to vector<16xi32>
      %shift_right_arithmetic3A_559 = arith.shrsi %get3A_552, %shift_right_arithmetic3A_558 : vector<16xi32>
      %and3A_560 = arith.constant 127 : i32
      %and3A_561 = vector.broadcast %and3A_560 : i32 to vector<16xi32>
      %and3A_562 = arith.andi %get3A_552, %and3A_561 : vector<16xi32>
      %convert_element_type3A_563 = arith.sitofp %unique3A_556 : vector<16xi32> to vector<16xf32>
      tpu.vector_store_idx %arg12[%shift_right_arithmetic3A_559, %and3A_562], %convert_element_type3A_563 masked %unique3A_555 {add = true} : memref<79x128xf32, #tpu.memory_space<vmem>>[vector<16xi32>, vector<16xi32>], vector<16xf32>, vector<16xi1>
      %get3A_564 = arith.index_cast %mul3A_493 : i32 to index
      %get3A_565 = arith.constant 64 : index
      %get3A_566 = tpu.vector_load %arg9[%get3A_564, %get3A_565] {strides = array<i32>} : memref<24x128xi32, #tpu.memory_space<vmem>>, vector<16xi32>,
      %broadcast_in_dim3A_567 = arith.constant true
      %broadcast_in_dim3A_568 = vector.broadcast %broadcast_in_dim3A_567 : i1 to vector<16xi1>
      %unique3A_569, %unique3A_570 = tpu.scan_count mask(%broadcast_in_dim3A_568 : vector<16xi1>) value(%get3A_566 : vector<16xi32>) : vector<16xi1>, vector<16xi32>
      %shift_right_arithmetic3A_571 = arith.constant 7 : i32
      %shift_right_arithmetic3A_572 = vector.broadcast %shift_right_arithmetic3A_571 : i32 to vector<16xi32>
      %shift_right_arithmetic3A_573 = arith.shrsi %get3A_566, %shift_right_arithmetic3A_572 : vector<16xi32>
      %and3A_574 = arith.constant 127 : i32
      %and3A_575 = vector.broadcast %and3A_574 : i32 to vector<16xi32>
      %and3A_576 = arith.andi %get3A_566, %and3A_575 : vector<16xi32>
      %convert_element_type3A_577 = arith.sitofp %unique3A_570 : vector<16xi32> to vector<16xf32>
      tpu.vector_store_idx %arg12[%shift_right_arithmetic3A_573, %and3A_576], %convert_element_type3A_577 masked %unique3A_569 {add = true} : memref<79x128xf32, #tpu.memory_space<vmem>>[vector<16xi32>, vector<16xi32>], vector<16xf32>, vector<16xi1>
      %get3A_578 = arith.index_cast %mul3A_493 : i32 to index
      %get3A_579 = arith.constant 80 : index
      %get3A_580 = tpu.vector_load %arg9[%get3A_578, %get3A_579] {strides = array<i32>} : memref<24x128xi32, #tpu.memory_space<vmem>>, vector<16xi32>,
      %broadcast_in_dim3A_581 = arith.constant true
      %broadcast_in_dim3A_582 = vector.broadcast %broadcast_in_dim3A_581 : i1 to vector<16xi1>
      %unique3A_583, %unique3A_584 = tpu.scan_count mask(%broadcast_in_dim3A_582 : vector<16xi1>) value(%get3A_580 : vector<16xi32>) : vector<16xi1>, vector<16xi32>
      %shift_right_arithmetic3A_585 = arith.constant 7 : i32
      %shift_right_arithmetic3A_586 = vector.broadcast %shift_right_arithmetic3A_585 : i32 to vector<16xi32>
      %shift_right_arithmetic3A_587 = arith.shrsi %get3A_580, %shift_right_arithmetic3A_586 : vector<16xi32>
      %and3A_588 = arith.constant 127 : i32
      %and3A_589 = vector.broadcast %and3A_588 : i32 to vector<16xi32>
      %and3A_590 = arith.andi %get3A_580, %and3A_589 : vector<16xi32>
      %convert_element_type3A_591 = arith.sitofp %unique3A_584 : vector<16xi32> to vector<16xf32>
      tpu.vector_store_idx %arg12[%shift_right_arithmetic3A_587, %and3A_590], %convert_element_type3A_591 masked %unique3A_583 {add = true} : memref<79x128xf32, #tpu.memory_space<vmem>>[vector<16xi32>, vector<16xi32>], vector<16xf32>, vector<16xi1>
      %get3A_592 = arith.index_cast %mul3A_493 : i32 to index
      %get3A_593 = arith.constant 96 : index
      %get3A_594 = tpu.vector_load %arg9[%get3A_592, %get3A_593] {strides = array<i32>} : memref<24x128xi32, #tpu.memory_space<vmem>>, vector<16xi32>,
      %broadcast_in_dim3A_595 = arith.constant true
      %broadcast_in_dim3A_596 = vector.broadcast %broadcast_in_dim3A_595 : i1 to vector<16xi1>
      %unique3A_597, %unique3A_598 = tpu.scan_count mask(%broadcast_in_dim3A_596 : vector<16xi1>) value(%get3A_594 : vector<16xi32>) : vector<16xi1>, vector<16xi32>
      %shift_right_arithmetic3A_599 = arith.constant 7 : i32
      %shift_right_arithmetic3A_600 = vector.broadcast %shift_right_arithmetic3A_599 : i32 to vector<16xi32>
      %shift_right_arithmetic3A_601 = arith.shrsi %get3A_594, %shift_right_arithmetic3A_600 : vector<16xi32>
      %and3A_602 = arith.constant 127 : i32
      %and3A_603 = vector.broadcast %and3A_602 : i32 to vector<16xi32>
      %and3A_604 = arith.andi %get3A_594, %and3A_603 : vector<16xi32>
      %convert_element_type3A_605 = arith.sitofp %unique3A_598 : vector<16xi32> to vector<16xf32>
      tpu.vector_store_idx %arg12[%shift_right_arithmetic3A_601, %and3A_604], %convert_element_type3A_605 masked %unique3A_597 {add = true} : memref<79x128xf32, #tpu.memory_space<vmem>>[vector<16xi32>, vector<16xi32>], vector<16xf32>, vector<16xi1>
      %get3A_606 = arith.index_cast %mul3A_493 : i32 to index
      %get3A_607 = arith.constant 112 : index
      %get3A_608 = tpu.vector_load %arg9[%get3A_606, %get3A_607] {strides = array<i32>} : memref<24x128xi32, #tpu.memory_space<vmem>>, vector<16xi32>,
      %broadcast_in_dim3A_609 = arith.constant true
      %broadcast_in_dim3A_610 = vector.broadcast %broadcast_in_dim3A_609 : i1 to vector<16xi1>
      %unique3A_611, %unique3A_612 = tpu.scan_count mask(%broadcast_in_dim3A_610 : vector<16xi1>) value(%get3A_608 : vector<16xi32>) : vector<16xi1>, vector<16xi32>
      %shift_right_arithmetic3A_613 = arith.constant 7 : i32
      %shift_right_arithmetic3A_614 = vector.broadcast %shift_right_arithmetic3A_613 : i32 to vector<16xi32>
      %shift_right_arithmetic3A_615 = arith.shrsi %get3A_608, %shift_right_arithmetic3A_614 : vector<16xi32>
      %and3A_616 = arith.constant 127 : i32
      %and3A_617 = vector.broadcast %and3A_616 : i32 to vector<16xi32>
      %and3A_618 = arith.andi %get3A_608, %and3A_617 : vector<16xi32>
      %convert_element_type3A_619 = arith.sitofp %unique3A_612 : vector<16xi32> to vector<16xf32>
      tpu.vector_store_idx %arg12[%shift_right_arithmetic3A_615, %and3A_618], %convert_element_type3A_619 masked %unique3A_611 {add = true} : memref<79x128xf32, #tpu.memory_space<vmem>>[vector<16xi32>, vector<16xi32>], vector<16xf32>, vector<16xi1>
      %dma_wait3A_620 = arith.constant 0 : i32
      %dma_wait3A_621 = arith.constant 0 : i32
      %dma_wait3A_622 = tpu.memref_slice %arg9[%dma_wait3A_620, %dma_wait3A_621] : memref<24x128xi32, #tpu.memory_space<vmem>> -> memref<1x128xi32, #tpu.memory_space<vmem>>
      %dma_wait3A_623 = tpu.memref_squeeze %dma_wait3A_622 : memref<1x128xi32, #tpu.memory_space<vmem>> -> memref<128xi32, #tpu.memory_space<vmem>>
      %dma_wait3A_624 = arith.constant 0 : i32
      %dma_wait3A_625 = arith.constant 0 : i32
      %dma_wait3A_626 = tpu.memref_slice %arg13[%dma_wait3A_624, %dma_wait3A_625] : memref<10112x128xf32, #tpu.memory_space<vmem_shared>> -> memref<10112x128xf32, #tpu.memory_space<vmem_shared>>
      tpu.wait_indirect_dma semaphore(%arg16 : memref<!tpu.dma_semaphore, #tpu.memory_space<semaphore_mem>>) src(%arg10 : memref<128x128xf32, #tpu.memory_space<vmem>>) dst(%dma_wait3A_626 : memref<10112x128xf32, #tpu.memory_space<vmem_shared>>)
      %add3A_627 = arith.constant 2 : i32
      %add3A_628 = arith.addi %mul3A_493, %add3A_627 : i32
      %lt3A_629 = arith.cmpi slt, %add3A_628, %sub3A_415 : i32
      %convert_element_type3A_630 = arith.extui %lt3A_629 : i1 to i32
      %cond3A_631 = arith.constant 0 : i32
      %cond3A_632 = arith.cmpi ne, %convert_element_type3A_630, %cond3A_631 : i32
      scf.if %cond3A_632 {
        %add3A_637 = arith.constant 2 : i32
        %add3A_638 = arith.addi %mul3A_493, %add3A_637 : i32
        %dma_start3A_639 = arith.constant 0 : i32
        %dma_start3A_640 = tpu.memref_slice %arg8[%add3A_638, %dma_start3A_639] : memref<24x128xi32, #tpu.memory_space<vmem>> -> memref<1x128xi32, #tpu.memory_space<vmem>>
        %dma_start3A_641 = tpu.memref_squeeze %dma_start3A_640 : memref<1x128xi32, #tpu.memory_space<vmem>> -> memref<128xi32, #tpu.memory_space<vmem>>
        %dma_start3A_642 = arith.constant 0 : i32
        %dma_start3A_643 = arith.constant 0 : i32
        %dma_start3A_644 = tpu.memref_slice %arg2[%dma_start3A_642, %dma_start3A_643] : memref<10000x128xf32, #tpu.memory_space<hbm>> -> memref<10000x128xf32, #tpu.memory_space<hbm>>
        tpu.enqueue_indirect_dma source(%dma_start3A_644 : memref<10000x128xf32, #tpu.memory_space<hbm>>) target(%arg10 : memref<128x128xf32, #tpu.memory_space<vmem>>) offsets(%dma_start3A_641 : memref<128xi32, #tpu.memory_space<vmem>>) semaphore(%arg14 : memref<!tpu.dma_semaphore, #tpu.memory_space<semaphore_mem>>)
      } else {
      }
      %lt3A_633 = arith.cmpi slt, %add3A_495, %sub3A_415 : i32
      %convert_element_type3A_634 = arith.extui %lt3A_633 : i1 to i32
      %cond3A_635 = arith.constant 0 : i32
      %cond3A_636 = arith.cmpi ne, %convert_element_type3A_634, %cond3A_635 : i32
      scf.if %cond3A_636 {
        %dma_wait3A_637 = arith.constant 0 : i32
        %dma_wait3A_638 = arith.constant 0 : i32
        %dma_wait3A_639 = tpu.memref_slice %arg8[%dma_wait3A_637, %dma_wait3A_638] : memref<24x128xi32, #tpu.memory_space<vmem>> -> memref<1x128xi32, #tpu.memory_space<vmem>>
        %dma_wait3A_640 = tpu.memref_squeeze %dma_wait3A_639 : memref<1x128xi32, #tpu.memory_space<vmem>> -> memref<128xi32, #tpu.memory_space<vmem>>
        %dma_wait3A_641 = arith.constant 0 : i32
        %dma_wait3A_642 = arith.constant 0 : i32
        %dma_wait3A_643 = tpu.memref_slice %arg2[%dma_wait3A_641, %dma_wait3A_642] : memref<10000x128xf32, #tpu.memory_space<hbm>> -> memref<10000x128xf32, #tpu.memory_space<hbm>>
        tpu.wait_indirect_dma semaphore(%arg15 : memref<!tpu.dma_semaphore, #tpu.memory_space<semaphore_mem>>) src(%dma_wait3A_643 : memref<10000x128xf32, #tpu.memory_space<hbm>>) dst(%arg11 : memref<128x128xf32, #tpu.memory_space<vmem>>)
        %dma_start3A_644 = arith.constant 0 : i32
        %dma_start3A_645 = tpu.memref_slice %arg9[%add3A_495, %dma_start3A_644] : memref<24x128xi32, #tpu.memory_space<vmem>> -> memref<1x128xi32, #tpu.memory_space<vmem>>
        %dma_start3A_646 = tpu.memref_squeeze %dma_start3A_645 : memref<1x128xi32, #tpu.memory_space<vmem>> -> memref<128xi32, #tpu.memory_space<vmem>>
        %dma_start3A_647 = arith.constant 0 : i32
        %dma_start3A_648 = arith.constant 0 : i32
        %dma_start3A_649 = tpu.memref_slice %arg13[%dma_start3A_647, %dma_start3A_648] : memref<10112x128xf32, #tpu.memory_space<vmem_shared>> -> memref<10112x128xf32, #tpu.memory_space<vmem_shared>>
        tpu.enqueue_indirect_dma source(%arg11 : memref<128x128xf32, #tpu.memory_space<vmem>>) target(%dma_start3A_649 : memref<10112x128xf32, #tpu.memory_space<vmem_shared>>) offsets(%dma_start3A_646 : memref<128xi32, #tpu.memory_space<vmem>>) semaphore(%arg17 : memref<!tpu.dma_semaphore, #tpu.memory_space<semaphore_mem>>) {add = true}
        %get3A_650 = arith.index_cast %add3A_495 : i32 to index
        %get3A_651 = arith.constant 0 : index
        %get3A_652 = tpu.vector_load %arg9[%get3A_650, %get3A_651] {strides = array<i32>} : memref<24x128xi32, #tpu.memory_space<vmem>>, vector<16xi32>,
        %broadcast_in_dim3A_653 = arith.constant true
        %broadcast_in_dim3A_654 = vector.broadcast %broadcast_in_dim3A_653 : i1 to vector<16xi1>
        %unique3A_655, %unique3A_656 = tpu.scan_count mask(%broadcast_in_dim3A_654 : vector<16xi1>) value(%get3A_652 : vector<16xi32>) : vector<16xi1>, vector<16xi32>
        %shift_right_arithmetic3A_657 = arith.constant 7 : i32
        %shift_right_arithmetic3A_658 = vector.broadcast %shift_right_arithmetic3A_657 : i32 to vector<16xi32>
        %shift_right_arithmetic3A_659 = arith.shrsi %get3A_652, %shift_right_arithmetic3A_658 : vector<16xi32>
        %and3A_660 = arith.constant 127 : i32
        %and3A_661 = vector.broadcast %and3A_660 : i32 to vector<16xi32>
        %and3A_662 = arith.andi %get3A_652, %and3A_661 : vector<16xi32>
        %convert_element_type3A_663 = arith.sitofp %unique3A_656 : vector<16xi32> to vector<16xf32>
        tpu.vector_store_idx %arg12[%shift_right_arithmetic3A_659, %and3A_662], %convert_element_type3A_663 masked %unique3A_655 {add = true} : memref<79x128xf32, #tpu.memory_space<vmem>>[vector<16xi32>, vector<16xi32>], vector<16xf32>, vector<16xi1>
        %get3A_664 = arith.index_cast %add3A_495 : i32 to index
        %get3A_665 = arith.constant 16 : index
        %get3A_666 = tpu.vector_load %arg9[%get3A_664, %get3A_665] {strides = array<i32>} : memref<24x128xi32, #tpu.memory_space<vmem>>, vector<16xi32>,
        %broadcast_in_dim3A_667 = arith.constant true
        %broadcast_in_dim3A_668 = vector.broadcast %broadcast_in_dim3A_667 : i1 to vector<16xi1>
        %unique3A_669, %unique3A_670 = tpu.scan_count mask(%broadcast_in_dim3A_668 : vector<16xi1>) value(%get3A_666 : vector<16xi32>) : vector<16xi1>, vector<16xi32>
        %shift_right_arithmetic3A_671 = arith.constant 7 : i32
        %shift_right_arithmetic3A_672 = vector.broadcast %shift_right_arithmetic3A_671 : i32 to vector<16xi32>
        %shift_right_arithmetic3A_673 = arith.shrsi %get3A_666, %shift_right_arithmetic3A_672 : vector<16xi32>
        %and3A_674 = arith.constant 127 : i32
        %and3A_675 = vector.broadcast %and3A_674 : i32 to vector<16xi32>
        %and3A_676 = arith.andi %get3A_666, %and3A_675 : vector<16xi32>
        %convert_element_type3A_677 = arith.sitofp %unique3A_670 : vector<16xi32> to vector<16xf32>
        tpu.vector_store_idx %arg12[%shift_right_arithmetic3A_673, %and3A_676], %convert_element_type3A_677 masked %unique3A_669 {add = true} : memref<79x128xf32, #tpu.memory_space<vmem>>[vector<16xi32>, vector<16xi32>], vector<16xf32>, vector<16xi1>
        %get3A_678 = arith.index_cast %add3A_495 : i32 to index
        %get3A_679 = arith.constant 32 : index
        %get3A_680 = tpu.vector_load %arg9[%get3A_678, %get3A_679] {strides = array<i32>} : memref<24x128xi32, #tpu.memory_space<vmem>>, vector<16xi32>,
        %broadcast_in_dim3A_681 = arith.constant true
        %broadcast_in_dim3A_682 = vector.broadcast %broadcast_in_dim3A_681 : i1 to vector<16xi1>
        %unique3A_683, %unique3A_684 = tpu.scan_count mask(%broadcast_in_dim3A_682 : vector<16xi1>) value(%get3A_680 : vector<16xi32>) : vector<16xi1>, vector<16xi32>
        %shift_right_arithmetic3A_685 = arith.constant 7 : i32
        %shift_right_arithmetic3A_686 = vector.broadcast %shift_right_arithmetic3A_685 : i32 to vector<16xi32>
        %shift_right_arithmetic3A_687 = arith.shrsi %get3A_680, %shift_right_arithmetic3A_686 : vector<16xi32>
        %and3A_688 = arith.constant 127 : i32
        %and3A_689 = vector.broadcast %and3A_688 : i32 to vector<16xi32>
        %and3A_690 = arith.andi %get3A_680, %and3A_689 : vector<16xi32>
        %convert_element_type3A_691 = arith.sitofp %unique3A_684 : vector<16xi32> to vector<16xf32>
        tpu.vector_store_idx %arg12[%shift_right_arithmetic3A_687, %and3A_690], %convert_element_type3A_691 masked %unique3A_683 {add = true} : memref<79x128xf32, #tpu.memory_space<vmem>>[vector<16xi32>, vector<16xi32>], vector<16xf32>, vector<16xi1>
        %get3A_692 = arith.index_cast %add3A_495 : i32 to index
        %get3A_693 = arith.constant 48 : index
        %get3A_694 = tpu.vector_load %arg9[%get3A_692, %get3A_693] {strides = array<i32>} : memref<24x128xi32, #tpu.memory_space<vmem>>, vector<16xi32>,
        %broadcast_in_dim3A_695 = arith.constant true
        %broadcast_in_dim3A_696 = vector.broadcast %broadcast_in_dim3A_695 : i1 to vector<16xi1>
        %unique3A_697, %unique3A_698 = tpu.scan_count mask(%broadcast_in_dim3A_696 : vector<16xi1>) value(%get3A_694 : vector<16xi32>) : vector<16xi1>, vector<16xi32>
        %shift_right_arithmetic3A_699 = arith.constant 7 : i32
        %shift_right_arithmetic3A_700 = vector.broadcast %shift_right_arithmetic3A_699 : i32 to vector<16xi32>
        %shift_right_arithmetic3A_701 = arith.shrsi %get3A_694, %shift_right_arithmetic3A_700 : vector<16xi32>
        %and3A_702 = arith.constant 127 : i32
        %and3A_703 = vector.broadcast %and3A_702 : i32 to vector<16xi32>
        %and3A_704 = arith.andi %get3A_694, %and3A_703 : vector<16xi32>
        %convert_element_type3A_705 = arith.sitofp %unique3A_698 : vector<16xi32> to vector<16xf32>
        tpu.vector_store_idx %arg12[%shift_right_arithmetic3A_701, %and3A_704], %convert_element_type3A_705 masked %unique3A_697 {add = true} : memref<79x128xf32, #tpu.memory_space<vmem>>[vector<16xi32>, vector<16xi32>], vector<16xf32>, vector<16xi1>
        %get3A_706 = arith.index_cast %add3A_495 : i32 to index
        %get3A_707 = arith.constant 64 : index
        %get3A_708 = tpu.vector_load %arg9[%get3A_706, %get3A_707] {strides = array<i32>} : memref<24x128xi32, #tpu.memory_space<vmem>>, vector<16xi32>,
        %broadcast_in_dim3A_709 = arith.constant true
        %broadcast_in_dim3A_710 = vector.broadcast %broadcast_in_dim3A_709 : i1 to vector<16xi1>
        %unique3A_711, %unique3A_712 = tpu.scan_count mask(%broadcast_in_dim3A_710 : vector<16xi1>) value(%get3A_708 : vector<16xi32>) : vector<16xi1>, vector<16xi32>
        %shift_right_arithmetic3A_713 = arith.constant 7 : i32
        %shift_right_arithmetic3A_714 = vector.broadcast %shift_right_arithmetic3A_713 : i32 to vector<16xi32>
        %shift_right_arithmetic3A_715 = arith.shrsi %get3A_708, %shift_right_arithmetic3A_714 : vector<16xi32>
        %and3A_716 = arith.constant 127 : i32
        %and3A_717 = vector.broadcast %and3A_716 : i32 to vector<16xi32>
        %and3A_718 = arith.andi %get3A_708, %and3A_717 : vector<16xi32>
        %convert_element_type3A_719 = arith.sitofp %unique3A_712 : vector<16xi32> to vector<16xf32>
        tpu.vector_store_idx %arg12[%shift_right_arithmetic3A_715, %and3A_718], %convert_element_type3A_719 masked %unique3A_711 {add = true} : memref<79x128xf32, #tpu.memory_space<vmem>>[vector<16xi32>, vector<16xi32>], vector<16xf32>, vector<16xi1>
        %get3A_720 = arith.index_cast %add3A_495 : i32 to index
        %get3A_721 = arith.constant 80 : index
        %get3A_722 = tpu.vector_load %arg9[%get3A_720, %get3A_721] {strides = array<i32>} : memref<24x128xi32, #tpu.memory_space<vmem>>, vector<16xi32>,
        %broadcast_in_dim3A_723 = arith.constant true
        %broadcast_in_dim3A_724 = vector.broadcast %broadcast_in_dim3A_723 : i1 to vector<16xi1>
        %unique3A_725, %unique3A_726 = tpu.scan_count mask(%broadcast_in_dim3A_724 : vector<16xi1>) value(%get3A_722 : vector<16xi32>) : vector<16xi1>, vector<16xi32>
        %shift_right_arithmetic3A_727 = arith.constant 7 : i32
        %shift_right_arithmetic3A_728 = vector.broadcast %shift_right_arithmetic3A_727 : i32 to vector<16xi32>
        %shift_right_arithmetic3A_729 = arith.shrsi %get3A_722, %shift_right_arithmetic3A_728 : vector<16xi32>
        %and3A_730 = arith.constant 127 : i32
        %and3A_731 = vector.broadcast %and3A_730 : i32 to vector<16xi32>
        %and3A_732 = arith.andi %get3A_722, %and3A_731 : vector<16xi32>
        %convert_element_type3A_733 = arith.sitofp %unique3A_726 : vector<16xi32> to vector<16xf32>
        tpu.vector_store_idx %arg12[%shift_right_arithmetic3A_729, %and3A_732], %convert_element_type3A_733 masked %unique3A_725 {add = true} : memref<79x128xf32, #tpu.memory_space<vmem>>[vector<16xi32>, vector<16xi32>], vector<16xf32>, vector<16xi1>
        %get3A_734 = arith.index_cast %add3A_495 : i32 to index
        %get3A_735 = arith.constant 96 : index
        %get3A_736 = tpu.vector_load %arg9[%get3A_734, %get3A_735] {strides = array<i32>} : memref<24x128xi32, #tpu.memory_space<vmem>>, vector<16xi32>,
        %broadcast_in_dim3A_737 = arith.constant true
        %broadcast_in_dim3A_738 = vector.broadcast %broadcast_in_dim3A_737 : i1 to vector<16xi1>
        %unique3A_739, %unique3A_740 = tpu.scan_count mask(%broadcast_in_dim3A_738 : vector<16xi1>) value(%get3A_736 : vector<16xi32>) : vector<16xi1>, vector<16xi32>
        %shift_right_arithmetic3A_741 = arith.constant 7 : i32
        %shift_right_arithmetic3A_742 = vector.broadcast %shift_right_arithmetic3A_741 : i32 to vector<16xi32>
        %shift_right_arithmetic3A_743 = arith.shrsi %get3A_736, %shift_right_arithmetic3A_742 : vector<16xi32>
        %and3A_744 = arith.constant 127 : i32
        %and3A_745 = vector.broadcast %and3A_744 : i32 to vector<16xi32>
        %and3A_746 = arith.andi %get3A_736, %and3A_745 : vector<16xi32>
        %convert_element_type3A_747 = arith.sitofp %unique3A_740 : vector<16xi32> to vector<16xf32>
        tpu.vector_store_idx %arg12[%shift_right_arithmetic3A_743, %and3A_746], %convert_element_type3A_747 masked %unique3A_739 {add = true} : memref<79x128xf32, #tpu.memory_space<vmem>>[vector<16xi32>, vector<16xi32>], vector<16xf32>, vector<16xi1>
        %get3A_748 = arith.index_cast %add3A_495 : i32 to index
        %get3A_749 = arith.constant 112 : index
        %get3A_750 = tpu.vector_load %arg9[%get3A_748, %get3A_749] {strides = array<i32>} : memref<24x128xi32, #tpu.memory_space<vmem>>, vector<16xi32>,
        %broadcast_in_dim3A_751 = arith.constant true
        %broadcast_in_dim3A_752 = vector.broadcast %broadcast_in_dim3A_751 : i1 to vector<16xi1>
        %unique3A_753, %unique3A_754 = tpu.scan_count mask(%broadcast_in_dim3A_752 : vector<16xi1>) value(%get3A_750 : vector<16xi32>) : vector<16xi1>, vector<16xi32>
        %shift_right_arithmetic3A_755 = arith.constant 7 : i32
        %shift_right_arithmetic3A_756 = vector.broadcast %shift_right_arithmetic3A_755 : i32 to vector<16xi32>
        %shift_right_arithmetic3A_757 = arith.shrsi %get3A_750, %shift_right_arithmetic3A_756 : vector<16xi32>
        %and3A_758 = arith.constant 127 : i32
        %and3A_759 = vector.broadcast %and3A_758 : i32 to vector<16xi32>
        %and3A_760 = arith.andi %get3A_750, %and3A_759 : vector<16xi32>
        %convert_element_type3A_761 = arith.sitofp %unique3A_754 : vector<16xi32> to vector<16xf32>
        tpu.vector_store_idx %arg12[%shift_right_arithmetic3A_757, %and3A_760], %convert_element_type3A_761 masked %unique3A_753 {add = true} : memref<79x128xf32, #tpu.memory_space<vmem>>[vector<16xi32>, vector<16xi32>], vector<16xf32>, vector<16xi1>
        %dma_wait3A_762 = arith.constant 0 : i32
        %dma_wait3A_763 = arith.constant 0 : i32
        %dma_wait3A_764 = tpu.memref_slice %arg9[%dma_wait3A_762, %dma_wait3A_763] : memref<24x128xi32, #tpu.memory_space<vmem>> -> memref<1x128xi32, #tpu.memory_space<vmem>>
        %dma_wait3A_765 = tpu.memref_squeeze %dma_wait3A_764 : memref<1x128xi32, #tpu.memory_space<vmem>> -> memref<128xi32, #tpu.memory_space<vmem>>
        %dma_wait3A_766 = arith.constant 0 : i32
        %dma_wait3A_767 = arith.constant 0 : i32
        %dma_wait3A_768 = tpu.memref_slice %arg13[%dma_wait3A_766, %dma_wait3A_767] : memref<10112x128xf32, #tpu.memory_space<vmem_shared>> -> memref<10112x128xf32, #tpu.memory_space<vmem_shared>>
        tpu.wait_indirect_dma semaphore(%arg17 : memref<!tpu.dma_semaphore, #tpu.memory_space<semaphore_mem>>) src(%arg11 : memref<128x128xf32, #tpu.memory_space<vmem>>) dst(%dma_wait3A_768 : memref<10112x128xf32, #tpu.memory_space<vmem_shared>>)
      } else {
      }
    }
    %while3A_485 = arith.constant 1 : i32
    scf.for %while3A_491 = %while3A_483 to %while3A_479 step %while3A_485  : i32 {
      %mul3A_492 = arith.constant 2 : i32
      %mul3A_493 = arith.muli %mul3A_492, %while3A_491 : i32
      %add3A_494 = arith.constant 1 : i32
      %add3A_495 = arith.addi %mul3A_493, %add3A_494 : i32
      %lt3A_496 = arith.cmpi slt, %add3A_495, %sub3A_415 : i32
      %convert_element_type3A = arith.extui %lt3A_496 : i1 to i32
      %cond3A = arith.constant 0 : i32
      %cond3A_497 = arith.cmpi ne, %convert_element_type3A, %cond3A : i32
      scf.if %cond3A_497 {
        %dma_start3A_637 = arith.constant 0 : i32
        %dma_start3A_638 = tpu.memref_slice %arg8[%add3A_495, %dma_start3A_637] : memref<24x128xi32, #tpu.memory_space<vmem>> -> memref<1x128xi32, #tpu.memory_space<vmem>>
        %dma_start3A_639 = tpu.memref_squeeze %dma_start3A_638 : memref<1x128xi32, #tpu.memory_space<vmem>> -> memref<128xi32, #tpu.memory_space<vmem>>
        %dma_start3A_640 = arith.constant 0 : i32
        %dma_start3A_641 = arith.constant 0 : i32
        %dma_start3A_642 = tpu.memref_slice %arg2[%dma_start3A_640, %dma_start3A_641] : memref<10000x128xf32, #tpu.memory_space<hbm>> -> memref<10000x128xf32, #tpu.memory_space<hbm>>
        tpu.enqueue_indirect_dma source(%dma_start3A_642 : memref<10000x128xf32, #tpu.memory_space<hbm>>) target(%arg11 : memref<128x128xf32, #tpu.memory_space<vmem>>) offsets(%dma_start3A_639 : memref<128xi32, #tpu.memory_space<vmem>>) semaphore(%arg15 : memref<!tpu.dma_semaphore, #tpu.memory_space<semaphore_mem>>)
      } else {
      }
      %dma_wait3A_498 = arith.constant 0 : i32
      %dma_wait3A_499 = arith.constant 0 : i32
      %dma_wait3A_500 = tpu.memref_slice %arg8[%dma_wait3A_498, %dma_wait3A_499] : memref<24x128xi32, #tpu.memory_space<vmem>> -> memref<1x128xi32, #tpu.memory_space<vmem>>
      %dma_wait3A_501 = tpu.memref_squeeze %dma_wait3A_500 : memref<1x128xi32, #tpu.memory_space<vmem>> -> memref<128xi32, #tpu.memory_space<vmem>>
      %dma_wait3A_502 = arith.constant 0 : i32
      %dma_wait3A_503 = arith.constant 0 : i32
      %dma_wait3A_504 = tpu.memref_slice %arg2[%dma_wait3A_502, %dma_wait3A_503] : memref<10000x128xf32, #tpu.memory_space<hbm>> -> memref<10000x128xf32, #tpu.memory_space<hbm>>
      tpu.wait_indirect_dma semaphore(%arg14 : memref<!tpu.dma_semaphore, #tpu.memory_space<semaphore_mem>>) src(%dma_wait3A_504 : memref<10000x128xf32, #tpu.memory_space<hbm>>) dst(%arg10 : memref<128x128xf32, #tpu.memory_space<vmem>>)
      %dma_start3A_505 = arith.constant 0 : i32
      %dma_start3A_506 = tpu.memref_slice %arg9[%mul3A_493, %dma_start3A_505] : memref<24x128xi32, #tpu.memory_space<vmem>> -> memref<1x128xi32, #tpu.memory_space<vmem>>
      %dma_start3A_507 = tpu.memref_squeeze %dma_start3A_506 : memref<1x128xi32, #tpu.memory_space<vmem>> -> memref<128xi32, #tpu.memory_space<vmem>>
      %dma_start3A_508 = arith.constant 0 : i32
      %dma_start3A_509 = arith.constant 0 : i32
      %dma_start3A_510 = tpu.memref_slice %arg13[%dma_start3A_508, %dma_start3A_509] : memref<10112x128xf32, #tpu.memory_space<vmem_shared>> -> memref<10112x128xf32, #tpu.memory_space<vmem_shared>>
      tpu.enqueue_indirect_dma source(%arg10 : memref<128x128xf32, #tpu.memory_space<vmem>>) target(%dma_start3A_510 : memref<10112x128xf32, #tpu.memory_space<vmem_shared>>) offsets(%dma_start3A_507 : memref<128xi32, #tpu.memory_space<vmem>>) semaphore(%arg16 : memref<!tpu.dma_semaphore, #tpu.memory_space<semaphore_mem>>) {add = true}
      %get3A = arith.index_cast %mul3A_493 : i32 to index
      %get3A_511 = arith.constant 0 : index
      %get3A_512 = tpu.vector_load %arg9[%get3A, %get3A_511] {strides = array<i32>} : memref<24x128xi32, #tpu.memory_space<vmem>>, vector<16xi32>,
      %broadcast_in_dim3A_513 = arith.constant true
      %broadcast_in_dim3A_514 = vector.broadcast %broadcast_in_dim3A_513 : i1 to vector<16xi1>
      %unique3A, %unique3A_515 = tpu.scan_count mask(%broadcast_in_dim3A_514 : vector<16xi1>) value(%get3A_512 : vector<16xi32>) : vector<16xi1>, vector<16xi32>
      %shift_right_arithmetic3A = arith.constant 7 : i32
      %shift_right_arithmetic3A_516 = vector.broadcast %shift_right_arithmetic3A : i32 to vector<16xi32>
      %shift_right_arithmetic3A_517 = arith.shrsi %get3A_512, %shift_right_arithmetic3A_516 : vector<16xi32>
      %and3A_518 = arith.constant 127 : i32
      %and3A_519 = vector.broadcast %and3A_518 : i32 to vector<16xi32>
      %and3A_520 = arith.andi %get3A_512, %and3A_519 : vector<16xi32>
      %convert_element_type3A_521 = arith.sitofp %unique3A_515 : vector<16xi32> to vector<16xf32>
      tpu.vector_store_idx %arg12[%shift_right_arithmetic3A_517, %and3A_520], %convert_element_type3A_521 masked %unique3A {add = true} : memref<79x128xf32, #tpu.memory_space<vmem>>[vector<16xi32>, vector<16xi32>], vector<16xf32>, vector<16xi1>
      %get3A_522 = arith.index_cast %mul3A_493 : i32 to index
      %get3A_523 = arith.constant 16 : index
      %get3A_524 = tpu.vector_load %arg9[%get3A_522, %get3A_523] {strides = array<i32>} : memref<24x128xi32, #tpu.memory_space<vmem>>, vector<16xi32>,
      %broadcast_in_dim3A_525 = arith.constant true
      %broadcast_in_dim3A_526 = vector.broadcast %broadcast_in_dim3A_525 : i1 to vector<16xi1>
      %unique3A_527, %unique3A_528 = tpu.scan_count mask(%broadcast_in_dim3A_526 : vector<16xi1>) value(%get3A_524 : vector<16xi32>) : vector<16xi1>, vector<16xi32>
      %shift_right_arithmetic3A_529 = arith.constant 7 : i32
      %shift_right_arithmetic3A_530 = vector.broadcast %shift_right_arithmetic3A_529 : i32 to vector<16xi32>
      %shift_right_arithmetic3A_531 = arith.shrsi %get3A_524, %shift_right_arithmetic3A_530 : vector<16xi32>
      %and3A_532 = arith.constant 127 : i32
      %and3A_533 = vector.broadcast %and3A_532 : i32 to vector<16xi32>
      %and3A_534 = arith.andi %get3A_524, %and3A_533 : vector<16xi32>
      %convert_element_type3A_535 = arith.sitofp %unique3A_528 : vector<16xi32> to vector<16xf32>
      tpu.vector_store_idx %arg12[%shift_right_arithmetic3A_531, %and3A_534], %convert_element_type3A_535 masked %unique3A_527 {add = true} : memref<79x128xf32, #tpu.memory_space<vmem>>[vector<16xi32>, vector<16xi32>], vector<16xf32>, vector<16xi1>
      %get3A_536 = arith.index_cast %mul3A_493 : i32 to index
      %get3A_537 = arith.constant 32 : index
      %get3A_538 = tpu.vector_load %arg9[%get3A_536, %get3A_537] {strides = array<i32>} : memref<24x128xi32, #tpu.memory_space<vmem>>, vector<16xi32>,
      %broadcast_in_dim3A_539 = arith.constant true
      %broadcast_in_dim3A_540 = vector.broadcast %broadcast_in_dim3A_539 : i1 to vector<16xi1>
      %unique3A_541, %unique3A_542 = tpu.scan_count mask(%broadcast_in_dim3A_540 : vector<16xi1>) value(%get3A_538 : vector<16xi32>) : vector<16xi1>, vector<16xi32>
      %shift_right_arithmetic3A_543 = arith.constant 7 : i32
      %shift_right_arithmetic3A_544 = vector.broadcast %shift_right_arithmetic3A_543 : i32 to vector<16xi32>
      %shift_right_arithmetic3A_545 = arith.shrsi %get3A_538, %shift_right_arithmetic3A_544 : vector<16xi32>
      %and3A_546 = arith.constant 127 : i32
      %and3A_547 = vector.broadcast %and3A_546 : i32 to vector<16xi32>
      %and3A_548 = arith.andi %get3A_538, %and3A_547 : vector<16xi32>
      %convert_element_type3A_549 = arith.sitofp %unique3A_542 : vector<16xi32> to vector<16xf32>
      tpu.vector_store_idx %arg12[%shift_right_arithmetic3A_545, %and3A_548], %convert_element_type3A_549 masked %unique3A_541 {add = true} : memref<79x128xf32, #tpu.memory_space<vmem>>[vector<16xi32>, vector<16xi32>], vector<16xf32>, vector<16xi1>
      %get3A_550 = arith.index_cast %mul3A_493 : i32 to index
      %get3A_551 = arith.constant 48 : index
      %get3A_552 = tpu.vector_load %arg9[%get3A_550, %get3A_551] {strides = array<i32>} : memref<24x128xi32, #tpu.memory_space<vmem>>, vector<16xi32>,
      %broadcast_in_dim3A_553 = arith.constant true
      %broadcast_in_dim3A_554 = vector.broadcast %broadcast_in_dim3A_553 : i1 to vector<16xi1>
      %unique3A_555, %unique3A_556 = tpu.scan_count mask(%broadcast_in_dim3A_554 : vector<16xi1>) value(%get3A_552 : vector<16xi32>) : vector<16xi1>, vector<16xi32>
      %shift_right_arithmetic3A_557 = arith.constant 7 : i32
      %shift_right_arithmetic3A_558 = vector.broadcast %shift_right_arithmetic3A_557 : i32 to vector<16xi32>
      %shift_right_arithmetic3A_559 = arith.shrsi %get3A_552, %shift_right_arithmetic3A_558 : vector<16xi32>
      %and3A_560 = arith.constant 127 : i32
      %and3A_561 = vector.broadcast %and3A_560 : i32 to vector<16xi32>
      %and3A_562 = arith.andi %get3A_552, %and3A_561 : vector<16xi32>
      %convert_element_type3A_563 = arith.sitofp %unique3A_556 : vector<16xi32> to vector<16xf32>
      tpu.vector_store_idx %arg12[%shift_right_arithmetic3A_559, %and3A_562], %convert_element_type3A_563 masked %unique3A_555 {add = true} : memref<79x128xf32, #tpu.memory_space<vmem>>[vector<16xi32>, vector<16xi32>], vector<16xf32>, vector<16xi1>
      %get3A_564 = arith.index_cast %mul3A_493 : i32 to index
      %get3A_565 = arith.constant 64 : index
      %get3A_566 = tpu.vector_load %arg9[%get3A_564, %get3A_565] {strides = array<i32>} : memref<24x128xi32, #tpu.memory_space<vmem>>, vector<16xi32>,
      %broadcast_in_dim3A_567 = arith.constant true
      %broadcast_in_dim3A_568 = vector.broadcast %broadcast_in_dim3A_567 : i1 to vector<16xi1>
      %unique3A_569, %unique3A_570 = tpu.scan_count mask(%broadcast_in_dim3A_568 : vector<16xi1>) value(%get3A_566 : vector<16xi32>) : vector<16xi1>, vector<16xi32>
      %shift_right_arithmetic3A_571 = arith.constant 7 : i32
      %shift_right_arithmetic3A_572 = vector.broadcast %shift_right_arithmetic3A_571 : i32 to vector<16xi32>
      %shift_right_arithmetic3A_573 = arith.shrsi %get3A_566, %shift_right_arithmetic3A_572 : vector<16xi32>
      %and3A_574 = arith.constant 127 : i32
      %and3A_575 = vector.broadcast %and3A_574 : i32 to vector<16xi32>
      %and3A_576 = arith.andi %get3A_566, %and3A_575 : vector<16xi32>
      %convert_element_type3A_577 = arith.sitofp %unique3A_570 : vector<16xi32> to vector<16xf32>
      tpu.vector_store_idx %arg12[%shift_right_arithmetic3A_573, %and3A_576], %convert_element_type3A_577 masked %unique3A_569 {add = true} : memref<79x128xf32, #tpu.memory_space<vmem>>[vector<16xi32>, vector<16xi32>], vector<16xf32>, vector<16xi1>
      %get3A_578 = arith.index_cast %mul3A_493 : i32 to index
      %get3A_579 = arith.constant 80 : index
      %get3A_580 = tpu.vector_load %arg9[%get3A_578, %get3A_579] {strides = array<i32>} : memref<24x128xi32, #tpu.memory_space<vmem>>, vector<16xi32>,
      %broadcast_in_dim3A_581 = arith.constant true
      %broadcast_in_dim3A_582 = vector.broadcast %broadcast_in_dim3A_581 : i1 to vector<16xi1>
      %unique3A_583, %unique3A_584 = tpu.scan_count mask(%broadcast_in_dim3A_582 : vector<16xi1>) value(%get3A_580 : vector<16xi32>) : vector<16xi1>, vector<16xi32>
      %shift_right_arithmetic3A_585 = arith.constant 7 : i32
      %shift_right_arithmetic3A_586 = vector.broadcast %shift_right_arithmetic3A_585 : i32 to vector<16xi32>
      %shift_right_arithmetic3A_587 = arith.shrsi %get3A_580, %shift_right_arithmetic3A_586 : vector<16xi32>
      %and3A_588 = arith.constant 127 : i32
      %and3A_589 = vector.broadcast %and3A_588 : i32 to vector<16xi32>
      %and3A_590 = arith.andi %get3A_580, %and3A_589 : vector<16xi32>
      %convert_element_type3A_591 = arith.sitofp %unique3A_584 : vector<16xi32> to vector<16xf32>
      tpu.vector_store_idx %arg12[%shift_right_arithmetic3A_587, %and3A_590], %convert_element_type3A_591 masked %unique3A_583 {add = true} : memref<79x128xf32, #tpu.memory_space<vmem>>[vector<16xi32>, vector<16xi32>], vector<16xf32>, vector<16xi1>
      %get3A_592 = arith.index_cast %mul3A_493 : i32 to index
      %get3A_593 = arith.constant 96 : index
      %get3A_594 = tpu.vector_load %arg9[%get3A_592, %get3A_593] {strides = array<i32>} : memref<24x128xi32, #tpu.memory_space<vmem>>, vector<16xi32>,
      %broadcast_in_dim3A_595 = arith.constant true
      %broadcast_in_dim3A_596 = vector.broadcast %broadcast_in_dim3A_595 : i1 to vector<16xi1>
      %unique3A_597, %unique3A_598 = tpu.scan_count mask(%broadcast_in_dim3A_596 : vector<16xi1>) value(%get3A_594 : vector<16xi32>) : vector<16xi1>, vector<16xi32>
      %shift_right_arithmetic3A_599 = arith.constant 7 : i32
      %shift_right_arithmetic3A_600 = vector.broadcast %shift_right_arithmetic3A_599 : i32 to vector<16xi32>
      %shift_right_arithmetic3A_601 = arith.shrsi %get3A_594, %shift_right_arithmetic3A_600 : vector<16xi32>
      %and3A_602 = arith.constant 127 : i32
      %and3A_603 = vector.broadcast %and3A_602 : i32 to vector<16xi32>
      %and3A_604 = arith.andi %get3A_594, %and3A_603 : vector<16xi32>
      %convert_element_type3A_605 = arith.sitofp %unique3A_598 : vector<16xi32> to vector<16xf32>
      tpu.vector_store_idx %arg12[%shift_right_arithmetic3A_601, %and3A_604], %convert_element_type3A_605 masked %unique3A_597 {add = true} : memref<79x128xf32, #tpu.memory_space<vmem>>[vector<16xi32>, vector<16xi32>], vector<16xf32>, vector<16xi1>
      %get3A_606 = arith.index_cast %mul3A_493 : i32 to index
      %get3A_607 = arith.constant 112 : index
      %get3A_608 = tpu.vector_load %arg9[%get3A_606, %get3A_607] {strides = array<i32>} : memref<24x128xi32, #tpu.memory_space<vmem>>, vector<16xi32>,
      %broadcast_in_dim3A_609 = arith.constant true
      %broadcast_in_dim3A_610 = vector.broadcast %broadcast_in_dim3A_609 : i1 to vector<16xi1>
      %unique3A_611, %unique3A_612 = tpu.scan_count mask(%broadcast_in_dim3A_610 : vector<16xi1>) value(%get3A_608 : vector<16xi32>) : vector<16xi1>, vector<16xi32>
      %shift_right_arithmetic3A_613 = arith.constant 7 : i32
      %shift_right_arithmetic3A_614 = vector.broadcast %shift_right_arithmetic3A_613 : i32 to vector<16xi32>
      %shift_right_arithmetic3A_615 = arith.shrsi %get3A_608, %shift_right_arithmetic3A_614 : vector<16xi32>
      %and3A_616 = arith.constant 127 : i32
      %and3A_617 = vector.broadcast %and3A_616 : i32 to vector<16xi32>
      %and3A_618 = arith.andi %get3A_608, %and3A_617 : vector<16xi32>
      %convert_element_type3A_619 = arith.sitofp %unique3A_612 : vector<16xi32> to vector<16xf32>
      tpu.vector_store_idx %arg12[%shift_right_arithmetic3A_615, %and3A_618], %convert_element_type3A_619 masked %unique3A_611 {add = true} : memref<79x128xf32, #tpu.memory_space<vmem>>[vector<16xi32>, vector<16xi32>], vector<16xf32>, vector<16xi1>
      %dma_wait3A_620 = arith.constant 0 : i32
      %dma_wait3A_621 = arith.constant 0 : i32
      %dma_wait3A_622 = tpu.memref_slice %arg9[%dma_wait3A_620, %dma_wait3A_621] : memref<24x128xi32, #tpu.memory_space<vmem>> -> memref<1x128xi32, #tpu.memory_space<vmem>>
      %dma_wait3A_623 = tpu.memref_squeeze %dma_wait3A_622 : memref<1x128xi32, #tpu.memory_space<vmem>> -> memref<128xi32, #tpu.memory_space<vmem>>
      %dma_wait3A_624 = arith.constant 0 : i32
      %dma_wait3A_625 = arith.constant 0 : i32
      %dma_wait3A_626 = tpu.memref_slice %arg13[%dma_wait3A_624, %dma_wait3A_625] : memref<10112x128xf32, #tpu.memory_space<vmem_shared>> -> memref<10112x128xf32, #tpu.memory_space<vmem_shared>>
      tpu.wait_indirect_dma semaphore(%arg16 : memref<!tpu.dma_semaphore, #tpu.memory_space<semaphore_mem>>) src(%arg10 : memref<128x128xf32, #tpu.memory_space<vmem>>) dst(%dma_wait3A_626 : memref<10112x128xf32, #tpu.memory_space<vmem_shared>>)
      %add3A_627 = arith.constant 2 : i32
      %add3A_628 = arith.addi %mul3A_493, %add3A_627 : i32
      %lt3A_629 = arith.cmpi slt, %add3A_628, %sub3A_415 : i32
      %convert_element_type3A_630 = arith.extui %lt3A_629 : i1 to i32
      %cond3A_631 = arith.constant 0 : i32
      %cond3A_632 = arith.cmpi ne, %convert_element_type3A_630, %cond3A_631 : i32
      scf.if %cond3A_632 {
        %add3A_637 = arith.constant 2 : i32
        %add3A_638 = arith.addi %mul3A_493, %add3A_637 : i32
        %dma_start3A_639 = arith.constant 0 : i32
        %dma_start3A_640 = tpu.memref_slice %arg8[%add3A_638, %dma_start3A_639] : memref<24x128xi32, #tpu.memory_space<vmem>> -> memref<1x128xi32, #tpu.memory_space<vmem>>
        %dma_start3A_641 = tpu.memref_squeeze %dma_start3A_640 : memref<1x128xi32, #tpu.memory_space<vmem>> -> memref<128xi32, #tpu.memory_space<vmem>>
        %dma_start3A_642 = arith.constant 0 : i32
        %dma_start3A_643 = arith.constant 0 : i32
        %dma_start3A_644 = tpu.memref_slice %arg2[%dma_start3A_642, %dma_start3A_643] : memref<10000x128xf32, #tpu.memory_space<hbm>> -> memref<10000x128xf32, #tpu.memory_space<hbm>>
        tpu.enqueue_indirect_dma source(%dma_start3A_644 : memref<10000x128xf32, #tpu.memory_space<hbm>>) target(%arg10 : memref<128x128xf32, #tpu.memory_space<vmem>>) offsets(%dma_start3A_641 : memref<128xi32, #tpu.memory_space<vmem>>) semaphore(%arg14 : memref<!tpu.dma_semaphore, #tpu.memory_space<semaphore_mem>>)
      } else {
      }
      %lt3A_633 = arith.cmpi slt, %add3A_495, %sub3A_415 : i32
      %convert_element_type3A_634 = arith.extui %lt3A_633 : i1 to i32
      %cond3A_635 = arith.constant 0 : i32
      %cond3A_636 = arith.cmpi ne, %convert_element_type3A_634, %cond3A_635 : i32
      scf.if %cond3A_636 {
        %dma_wait3A_637 = arith.constant 0 : i32
        %dma_wait3A_638 = arith.constant 0 : i32
        %dma_wait3A_639 = tpu.memref_slice %arg8[%dma_wait3A_637, %dma_wait3A_638] : memref<24x128xi32, #tpu.memory_space<vmem>> -> memref<1x128xi32, #tpu.memory_space<vmem>>
        %dma_wait3A_640 = tpu.memref_squeeze %dma_wait3A_639 : memref<1x128xi32, #tpu.memory_space<vmem>> -> memref<128xi32, #tpu.memory_space<vmem>>
        %dma_wait3A_641 = arith.constant 0 : i32
        %dma_wait3A_642 = arith.constant 0 : i32
        %dma_wait3A_643 = tpu.memref_slice %arg2[%dma_wait3A_641, %dma_wait3A_642] : memref<10000x128xf32, #tpu.memory_space<hbm>> -> memref<10000x128xf32, #tpu.memory_space<hbm>>
        tpu.wait_indirect_dma semaphore(%arg15 : memref<!tpu.dma_semaphore, #tpu.memory_space<semaphore_mem>>) src(%dma_wait3A_643 : memref<10000x128xf32, #tpu.memory_space<hbm>>) dst(%arg11 : memref<128x128xf32, #tpu.memory_space<vmem>>)
        %dma_start3A_644 = arith.constant 0 : i32
        %dma_start3A_645 = tpu.memref_slice %arg9[%add3A_495, %dma_start3A_644] : memref<24x128xi32, #tpu.memory_space<vmem>> -> memref<1x128xi32, #tpu.memory_space<vmem>>
        %dma_start3A_646 = tpu.memref_squeeze %dma_start3A_645 : memref<1x128xi32, #tpu.memory_space<vmem>> -> memref<128xi32, #tpu.memory_space<vmem>>
        %dma_start3A_647 = arith.constant 0 : i32
        %dma_start3A_648 = arith.constant 0 : i32
        %dma_start3A_649 = tpu.memref_slice %arg13[%dma_start3A_647, %dma_start3A_648] : memref<10112x128xf32, #tpu.memory_space<vmem_shared>> -> memref<10112x128xf32, #tpu.memory_space<vmem_shared>>
        tpu.enqueue_indirect_dma source(%arg11 : memref<128x128xf32, #tpu.memory_space<vmem>>) target(%dma_start3A_649 : memref<10112x128xf32, #tpu.memory_space<vmem_shared>>) offsets(%dma_start3A_646 : memref<128xi32, #tpu.memory_space<vmem>>) semaphore(%arg17 : memref<!tpu.dma_semaphore, #tpu.memory_space<semaphore_mem>>) {add = true}
        %get3A_650 = arith.index_cast %add3A_495 : i32 to index
        %get3A_651 = arith.constant 0 : index
        %get3A_652 = tpu.vector_load %arg9[%get3A_650, %get3A_651] {strides = array<i32>} : memref<24x128xi32, #tpu.memory_space<vmem>>, vector<16xi32>,
        %broadcast_in_dim3A_653 = arith.constant true
        %broadcast_in_dim3A_654 = vector.broadcast %broadcast_in_dim3A_653 : i1 to vector<16xi1>
        %unique3A_655, %unique3A_656 = tpu.scan_count mask(%broadcast_in_dim3A_654 : vector<16xi1>) value(%get3A_652 : vector<16xi32>) : vector<16xi1>, vector<16xi32>
        %shift_right_arithmetic3A_657 = arith.constant 7 : i32
        %shift_right_arithmetic3A_658 = vector.broadcast %shift_right_arithmetic3A_657 : i32 to vector<16xi32>
        %shift_right_arithmetic3A_659 = arith.shrsi %get3A_652, %shift_right_arithmetic3A_658 : vector<16xi32>
        %and3A_660 = arith.constant 127 : i32
        %and3A_661 = vector.broadcast %and3A_660 : i32 to vector<16xi32>
        %and3A_662 = arith.andi %get3A_652, %and3A_661 : vector<16xi32>
        %convert_element_type3A_663 = arith.sitofp %unique3A_656 : vector<16xi32> to vector<16xf32>
        tpu.vector_store_idx %arg12[%shift_right_arithmetic3A_659, %and3A_662], %convert_element_type3A_663 masked %unique3A_655 {add = true} : memref<79x128xf32, #tpu.memory_space<vmem>>[vector<16xi32>, vector<16xi32>], vector<16xf32>, vector<16xi1>
        %get3A_664 = arith.index_cast %add3A_495 : i32 to index
        %get3A_665 = arith.constant 16 : index
        %get3A_666 = tpu.vector_load %arg9[%get3A_664, %get3A_665] {strides = array<i32>} : memref<24x128xi32, #tpu.memory_space<vmem>>, vector<16xi32>,
        %broadcast_in_dim3A_667 = arith.constant true
        %broadcast_in_dim3A_668 = vector.broadcast %broadcast_in_dim3A_667 : i1 to vector<16xi1>
        %unique3A_669, %unique3A_670 = tpu.scan_count mask(%broadcast_in_dim3A_668 : vector<16xi1>) value(%get3A_666 : vector<16xi32>) : vector<16xi1>, vector<16xi32>
        %shift_right_arithmetic3A_671 = arith.constant 7 : i32
        %shift_right_arithmetic3A_672 = vector.broadcast %shift_right_arithmetic3A_671 : i32 to vector<16xi32>
        %shift_right_arithmetic3A_673 = arith.shrsi %get3A_666, %shift_right_arithmetic3A_672 : vector<16xi32>
        %and3A_674 = arith.constant 127 : i32
        %and3A_675 = vector.broadcast %and3A_674 : i32 to vector<16xi32>
        %and3A_676 = arith.andi %get3A_666, %and3A_675 : vector<16xi32>
        %convert_element_type3A_677 = arith.sitofp %unique3A_670 : vector<16xi32> to vector<16xf32>
        tpu.vector_store_idx %arg12[%shift_right_arithmetic3A_673, %and3A_676], %convert_element_type3A_677 masked %unique3A_669 {add = true} : memref<79x128xf32, #tpu.memory_space<vmem>>[vector<16xi32>, vector<16xi32>], vector<16xf32>, vector<16xi1>
        %get3A_678 = arith.index_cast %add3A_495 : i32 to index
        %get3A_679 = arith.constant 32 : index
        %get3A_680 = tpu.vector_load %arg9[%get3A_678, %get3A_679] {strides = array<i32>} : memref<24x128xi32, #tpu.memory_space<vmem>>, vector<16xi32>,
        %broadcast_in_dim3A_681 = arith.constant true
        %broadcast_in_dim3A_682 = vector.broadcast %broadcast_in_dim3A_681 : i1 to vector<16xi1>
        %unique3A_683, %unique3A_684 = tpu.scan_count mask(%broadcast_in_dim3A_682 : vector<16xi1>) value(%get3A_680 : vector<16xi32>) : vector<16xi1>, vector<16xi32>
        %shift_right_arithmetic3A_685 = arith.constant 7 : i32
        %shift_right_arithmetic3A_686 = vector.broadcast %shift_right_arithmetic3A_685 : i32 to vector<16xi32>
        %shift_right_arithmetic3A_687 = arith.shrsi %get3A_680, %shift_right_arithmetic3A_686 : vector<16xi32>
        %and3A_688 = arith.constant 127 : i32
        %and3A_689 = vector.broadcast %and3A_688 : i32 to vector<16xi32>
        %and3A_690 = arith.andi %get3A_680, %and3A_689 : vector<16xi32>
        %convert_element_type3A_691 = arith.sitofp %unique3A_684 : vector<16xi32> to vector<16xf32>
        tpu.vector_store_idx %arg12[%shift_right_arithmetic3A_687, %and3A_690], %convert_element_type3A_691 masked %unique3A_683 {add = true} : memref<79x128xf32, #tpu.memory_space<vmem>>[vector<16xi32>, vector<16xi32>], vector<16xf32>, vector<16xi1>
        %get3A_692 = arith.index_cast %add3A_495 : i32 to index
        %get3A_693 = arith.constant 48 : index
        %get3A_694 = tpu.vector_load %arg9[%get3A_692, %get3A_693] {strides = array<i32>} : memref<24x128xi32, #tpu.memory_space<vmem>>, vector<16xi32>,
        %broadcast_in_dim3A_695 = arith.constant true
        %broadcast_in_dim3A_696 = vector.broadcast %broadcast_in_dim3A_695 : i1 to vector<16xi1>
        %unique3A_697, %unique3A_698 = tpu.scan_count mask(%broadcast_in_dim3A_696 : vector<16xi1>) value(%get3A_694 : vector<16xi32>) : vector<16xi1>, vector<16xi32>
        %shift_right_arithmetic3A_699 = arith.constant 7 : i32
        %shift_right_arithmetic3A_700 = vector.broadcast %shift_right_arithmetic3A_699 : i32 to vector<16xi32>
        %shift_right_arithmetic3A_701 = arith.shrsi %get3A_694, %shift_right_arithmetic3A_700 : vector<16xi32>
        %and3A_702 = arith.constant 127 : i32
        %and3A_703 = vector.broadcast %and3A_702 : i32 to vector<16xi32>
        %and3A_704 = arith.andi %get3A_694, %and3A_703 : vector<16xi32>
        %convert_element_type3A_705 = arith.sitofp %unique3A_698 : vector<16xi32> to vector<16xf32>
        tpu.vector_store_idx %arg12[%shift_right_arithmetic3A_701, %and3A_704], %convert_element_type3A_705 masked %unique3A_697 {add = true} : memref<79x128xf32, #tpu.memory_space<vmem>>[vector<16xi32>, vector<16xi32>], vector<16xf32>, vector<16xi1>
        %get3A_706 = arith.index_cast %add3A_495 : i32 to index
        %get3A_707 = arith.constant 64 : index
        %get3A_708 = tpu.vector_load %arg9[%get3A_706, %get3A_707] {strides = array<i32>} : memref<24x128xi32, #tpu.memory_space<vmem>>, vector<16xi32>,
        %broadcast_in_dim3A_709 = arith.constant true
        %broadcast_in_dim3A_710 = vector.broadcast %broadcast_in_dim3A_709 : i1 to vector<16xi1>
        %unique3A_711, %unique3A_712 = tpu.scan_count mask(%broadcast_in_dim3A_710 : vector<16xi1>) value(%get3A_708 : vector<16xi32>) : vector<16xi1>, vector<16xi32>
        %shift_right_arithmetic3A_713 = arith.constant 7 : i32
        %shift_right_arithmetic3A_714 = vector.broadcast %shift_right_arithmetic3A_713 : i32 to vector<16xi32>
        %shift_right_arithmetic3A_715 = arith.shrsi %get3A_708, %shift_right_arithmetic3A_714 : vector<16xi32>
        %and3A_716 = arith.constant 127 : i32
        %and3A_717 = vector.broadcast %and3A_716 : i32 to vector<16xi32>
        %and3A_718 = arith.andi %get3A_708, %and3A_717 : vector<16xi32>
        %convert_element_type3A_719 = arith.sitofp %unique3A_712 : vector<16xi32> to vector<16xf32>
        tpu.vector_store_idx %arg12[%shift_right_arithmetic3A_715, %and3A_718], %convert_element_type3A_719 masked %unique3A_711 {add = true} : memref<79x128xf32, #tpu.memory_space<vmem>>[vector<16xi32>, vector<16xi32>], vector<16xf32>, vector<16xi1>
        %get3A_720 = arith.index_cast %add3A_495 : i32 to index
        %get3A_721 = arith.constant 80 : index
        %get3A_722 = tpu.vector_load %arg9[%get3A_720, %get3A_721] {strides = array<i32>} : memref<24x128xi32, #tpu.memory_space<vmem>>, vector<16xi32>,
        %broadcast_in_dim3A_723 = arith.constant true
        %broadcast_in_dim3A_724 = vector.broadcast %broadcast_in_dim3A_723 : i1 to vector<16xi1>
        %unique3A_725, %unique3A_726 = tpu.scan_count mask(%broadcast_in_dim3A_724 : vector<16xi1>) value(%get3A_722 : vector<16xi32>) : vector<16xi1>, vector<16xi32>
        %shift_right_arithmetic3A_727 = arith.constant 7 : i32
        %shift_right_arithmetic3A_728 = vector.broadcast %shift_right_arithmetic3A_727 : i32 to vector<16xi32>
        %shift_right_arithmetic3A_729 = arith.shrsi %get3A_722, %shift_right_arithmetic3A_728 : vector<16xi32>
        %and3A_730 = arith.constant 127 : i32
        %and3A_731 = vector.broadcast %and3A_730 : i32 to vector<16xi32>
        %and3A_732 = arith.andi %get3A_722, %and3A_731 : vector<16xi32>
        %convert_element_type3A_733 = arith.sitofp %unique3A_726 : vector<16xi32> to vector<16xf32>
        tpu.vector_store_idx %arg12[%shift_right_arithmetic3A_729, %and3A_732], %convert_element_type3A_733 masked %unique3A_725 {add = true} : memref<79x128xf32, #tpu.memory_space<vmem>>[vector<16xi32>, vector<16xi32>], vector<16xf32>, vector<16xi1>
        %get3A_734 = arith.index_cast %add3A_495 : i32 to index
        %get3A_735 = arith.constant 96 : index
        %get3A_736 = tpu.vector_load %arg9[%get3A_734, %get3A_735] {strides = array<i32>} : memref<24x128xi32, #tpu.memory_space<vmem>>, vector<16xi32>,
        %broadcast_in_dim3A_737 = arith.constant true
        %broadcast_in_dim3A_738 = vector.broadcast %broadcast_in_dim3A_737 : i1 to vector<16xi1>
        %unique3A_739, %unique3A_740 = tpu.scan_count mask(%broadcast_in_dim3A_738 : vector<16xi1>) value(%get3A_736 : vector<16xi32>) : vector<16xi1>, vector<16xi32>
        %shift_right_arithmetic3A_741 = arith.constant 7 : i32
        %shift_right_arithmetic3A_742 = vector.broadcast %shift_right_arithmetic3A_741 : i32 to vector<16xi32>
        %shift_right_arithmetic3A_743 = arith.shrsi %get3A_736, %shift_right_arithmetic3A_742 : vector<16xi32>
        %and3A_744 = arith.constant 127 : i32
        %and3A_745 = vector.broadcast %and3A_744 : i32 to vector<16xi32>
        %and3A_746 = arith.andi %get3A_736, %and3A_745 : vector<16xi32>
        %convert_element_type3A_747 = arith.sitofp %unique3A_740 : vector<16xi32> to vector<16xf32>
        tpu.vector_store_idx %arg12[%shift_right_arithmetic3A_743, %and3A_746], %convert_element_type3A_747 masked %unique3A_739 {add = true} : memref<79x128xf32, #tpu.memory_space<vmem>>[vector<16xi32>, vector<16xi32>], vector<16xf32>, vector<16xi1>
        %get3A_748 = arith.index_cast %add3A_495 : i32 to index
        %get3A_749 = arith.constant 112 : index
        %get3A_750 = tpu.vector_load %arg9[%get3A_748, %get3A_749] {strides = array<i32>} : memref<24x128xi32, #tpu.memory_space<vmem>>, vector<16xi32>,
        %broadcast_in_dim3A_751 = arith.constant true
        %broadcast_in_dim3A_752 = vector.broadcast %broadcast_in_dim3A_751 : i1 to vector<16xi1>
        %unique3A_753, %unique3A_754 = tpu.scan_count mask(%broadcast_in_dim3A_752 : vector<16xi1>) value(%get3A_750 : vector<16xi32>) : vector<16xi1>, vector<16xi32>
        %shift_right_arithmetic3A_755 = arith.constant 7 : i32
        %shift_right_arithmetic3A_756 = vector.broadcast %shift_right_arithmetic3A_755 : i32 to vector<16xi32>
        %shift_right_arithmetic3A_757 = arith.shrsi %get3A_750, %shift_right_arithmetic3A_756 : vector<16xi32>
        %and3A_758 = arith.constant 127 : i32
        %and3A_759 = vector.broadcast %and3A_758 : i32 to vector<16xi32>
        %and3A_760 = arith.andi %get3A_750, %and3A_759 : vector<16xi32>
        %convert_element_type3A_761 = arith.sitofp %unique3A_754 : vector<16xi32> to vector<16xf32>
        tpu.vector_store_idx %arg12[%shift_right_arithmetic3A_757, %and3A_760], %convert_element_type3A_761 masked %unique3A_753 {add = true} : memref<79x128xf32, #tpu.memory_space<vmem>>[vector<16xi32>, vector<16xi32>], vector<16xf32>, vector<16xi1>
        %dma_wait3A_762 = arith.constant 0 : i32
        %dma_wait3A_763 = arith.constant 0 : i32
        %dma_wait3A_764 = tpu.memref_slice %arg9[%dma_wait3A_762, %dma_wait3A_763] : memref<24x128xi32, #tpu.memory_space<vmem>> -> memref<1x128xi32, #tpu.memory_space<vmem>>
        %dma_wait3A_765 = tpu.memref_squeeze %dma_wait3A_764 : memref<1x128xi32, #tpu.memory_space<vmem>> -> memref<128xi32, #tpu.memory_space<vmem>>
        %dma_wait3A_766 = arith.constant 0 : i32
        %dma_wait3A_767 = arith.constant 0 : i32
        %dma_wait3A_768 = tpu.memref_slice %arg13[%dma_wait3A_766, %dma_wait3A_767] : memref<10112x128xf32, #tpu.memory_space<vmem_shared>> -> memref<10112x128xf32, #tpu.memory_space<vmem_shared>>
        tpu.wait_indirect_dma semaphore(%arg17 : memref<!tpu.dma_semaphore, #tpu.memory_space<semaphore_mem>>) src(%arg11 : memref<128x128xf32, #tpu.memory_space<vmem>>) dst(%dma_wait3A_768 : memref<10112x128xf32, #tpu.memory_space<vmem_shared>>)
      } else {
      }
    }
    %barrier3A_486 = arith.constant 0 : index
    tpu.barrier barrier_id(%barrier3A_486)
    %mul3A_487 = arith.constant 632 : i32
    %mul3A_488 = arith.muli %arg1, %mul3A_487 : i32
    %mul3A_489 = arith.constant 632 : i32
    %mul3A_490 = arith.muli %arg1, %mul3A_489 : i32
    "tpu.region"() ({
      %run_scoped3A = tpu.sem_alloc : memref<!tpu.dma_semaphore, #tpu.memory_space<semaphore_mem>>
      %dma_start3A_491 = arith.constant 0 : i32
      %dma_start3A_492 = tpu.memref_slice %arg5[%arg0, %mul3A_490, %dma_start3A_491] : memref<2x10112x128xf32, #tpu.memory_space<hbm>> -> memref<1x632x128xf32, #tpu.memory_space<hbm>>
      %dma_start3A_493 = tpu.memref_squeeze %dma_start3A_492 : memref<1x632x128xf32, #tpu.memory_space<hbm>> -> memref<632x128xf32, #tpu.memory_space<hbm>>
      %dma_start3A_494 = arith.constant 0 : i32
      %dma_start3A_495 = tpu.memref_slice %arg13[%mul3A_488, %dma_start3A_494] : memref<10112x128xf32, #tpu.memory_space<vmem_shared>> -> memref<632x128xf32, #tpu.memory_space<vmem_shared>>
      tpu.enqueue_dma source(%dma_start3A_495 : memref<632x128xf32, #tpu.memory_space<vmem_shared>>) target(%dma_start3A_493 : memref<632x128xf32, #tpu.memory_space<hbm>>) target_semaphore(%run_scoped3A : memref<!tpu.dma_semaphore, #tpu.memory_space<semaphore_mem>>)
      %dma_wait3A_496 = arith.constant 0 : i32
      %dma_wait3A_497 = tpu.memref_slice %arg5[%arg0, %mul3A_490, %dma_wait3A_496] : memref<2x10112x128xf32, #tpu.memory_space<hbm>> -> memref<1x632x128xf32, #tpu.memory_space<hbm>>
      %dma_wait3A_498 = tpu.memref_squeeze %dma_wait3A_497 : memref<1x632x128xf32, #tpu.memory_space<hbm>> -> memref<632x128xf32, #tpu.memory_space<hbm>>
      %dma_wait3A_499 = arith.constant 0 : i32
      %dma_wait3A_500 = tpu.memref_slice %arg13[%mul3A_488, %dma_wait3A_499] : memref<10112x128xf32, #tpu.memory_space<vmem_shared>> -> memref<632x128xf32, #tpu.memory_space<vmem_shared>>
      tpu.wait_dma2 semaphore(%run_scoped3A : memref<!tpu.dma_semaphore, #tpu.memory_space<semaphore_mem>>) src(%dma_wait3A_500 : memref<632x128xf32, #tpu.memory_space<vmem_shared>>) dst(%dma_wait3A_498 : memref<632x128xf32, #tpu.memory_space<hbm>>)
      tpu.yield
    }) : () -> ()
    "tpu.region"() ({
      %run_scoped3A = tpu.sem_alloc : memref<!tpu.dma_semaphore, #tpu.memory_space<semaphore_mem>>
      %dma_start3A_491 = arith.constant 0 : i32
      %dma_start3A_492 = arith.constant 0 : i32
      %dma_start3A_493 = tpu.memref_slice %arg6[%add3A, %dma_start3A_491, %dma_start3A_492] : memref<32x79x128xf32, #tpu.memory_space<hbm>> -> memref<1x79x128xf32, #tpu.memory_space<hbm>>
      %dma_start3A_494 = tpu.memref_squeeze %dma_start3A_493 : memref<1x79x128xf32, #tpu.memory_space<hbm>> -> memref<79x128xf32, #tpu.memory_space<hbm>>
      %dma_start3A_495 = arith.constant 0 : i32
      %dma_start3A_496 = arith.constant 0 : i32
      %dma_start3A_497 = tpu.memref_slice %arg6[%add3A, %dma_start3A_495, %dma_start3A_496] : memref<32x79x128xf32, #tpu.memory_space<hbm>> -> memref<1x79x128xf32, #tpu.memory_space<hbm>>
      %dma_start3A_498 = tpu.memref_squeeze %dma_start3A_497 : memref<1x79x128xf32, #tpu.memory_space<hbm>> -> memref<79x128xf32, #tpu.memory_space<hbm>>
      tpu.enqueue_dma source(%arg12 : memref<79x128xf32, #tpu.memory_space<vmem>>) target(%dma_start3A_498 : memref<79x128xf32, #tpu.memory_space<hbm>>) target_semaphore(%run_scoped3A : memref<!tpu.dma_semaphore, #tpu.memory_space<semaphore_mem>>)
      %dma_wait3A_499 = arith.constant 0 : i32
      %dma_wait3A_500 = arith.constant 0 : i32
      %dma_wait3A_501 = tpu.memref_slice %arg6[%add3A, %dma_wait3A_499, %dma_wait3A_500] : memref<32x79x128xf32, #tpu.memory_space<hbm>> -> memref<1x79x128xf32, #tpu.memory_space<hbm>>
      %dma_wait3A_502 = tpu.memref_squeeze %dma_wait3A_501 : memref<1x79x128xf32, #tpu.memory_space<hbm>> -> memref<79x128xf32, #tpu.memory_space<hbm>>
      %dma_wait3A_503 = arith.constant 0 : i32
      %dma_wait3A_504 = arith.constant 0 : i32
      %dma_wait3A_505 = tpu.memref_slice %arg6[%add3A, %dma_wait3A_503, %dma_wait3A_504] : memref<32x79x128xf32, #tpu.memory_space<hbm>> -> memref<1x79x128xf32, #tpu.memory_space<hbm>>
      %dma_wait3A_506 = tpu.memref_squeeze %dma_wait3A_505 : memref<1x79x128xf32, #tpu.memory_space<hbm>> -> memref<79x128xf32, #tpu.memory_space<hbm>>
      tpu.wait_dma2 semaphore(%run_scoped3A : memref<!tpu.dma_semaphore, #tpu.memory_space<semaphore_mem>>) src(%arg12 : memref<79x128xf32, #tpu.memory_space<vmem>>) dst(%dma_wait3A_506 : memref<79x128xf32, #tpu.memory_space<hbm>>)
      tpu.yield
    }) : () -> ()
    return
  }
}

module attributes {stable_mosaic.version = 14 : i64} {
  func.func @_combine_mm_body(%arg0: memref<2x10112x128xf32, #tpu.memory_space<vmem>>, %arg1: memref<32x79x128xf32, #tpu.memory_space<vmem>>, %arg2: memref<128x128xf32, #tpu.memory_space<vmem>>, %arg3: memref<1x128xf32, #tpu.memory_space<vmem>>, %arg4: memref<10112x128xf32, #tpu.memory_space<vmem>>) attributes {dimension_semantics = [], scalar_prefetch = 0 : i64, scratch_operands = 0 : i64, tpu.core_type = #tpu.core_type<tc>} {
    %get3A = arith.constant 0 : index
    %get3A_0 = arith.constant 0 : index
    %get3A_1 = arith.constant 0 : index
    %get3A_2 = vector.load %arg0[%get3A, %get3A_0, %get3A_1] : memref<2x10112x128xf32, #tpu.memory_space<vmem>>, vector<1x10112x128xf32>
    %get3A_3 = vector.shape_cast %get3A_2 : vector<1x10112x128xf32> to vector<10112x128xf32>
    %get3A_4 = arith.constant 1 : index
    %get3A_5 = arith.constant 0 : index
    %get3A_6 = arith.constant 0 : index
    %get3A_7 = vector.load %arg0[%get3A_4, %get3A_5, %get3A_6] : memref<2x10112x128xf32, #tpu.memory_space<vmem>>, vector<1x10112x128xf32>
    %get3A_8 = vector.shape_cast %get3A_7 : vector<1x10112x128xf32> to vector<10112x128xf32>
    %add3A = arith.addf %get3A_3, %get3A_8 : vector<10112x128xf32>
    %get3A_9 = arith.constant 0 : index
    %get3A_10 = arith.constant 0 : index
    %get3A_11 = arith.constant 0 : index
    %get3A_12 = vector.load %arg1[%get3A_9, %get3A_10, %get3A_11] : memref<32x79x128xf32, #tpu.memory_space<vmem>>, vector<32x79x128xf32>
    %reduce_sum3A = arith.constant dense<0.000000e+00> : vector<79x128xf32>
    %reduce_sum3A_13 = vector.multi_reduction <add>, %get3A_12, %reduce_sum3A [0] : vector<32x79x128xf32> to vector<79x128xf32>
    %max3A = arith.constant 1.000000e+00 : f32
    %max3A_14 = vector.broadcast %max3A : f32 to vector<79x128xf32>
    %max3A_15 = arith.maximumf %reduce_sum3A_13, %max3A_14 : vector<79x128xf32>
    %div3A = arith.constant 1.000000e+00 : f32
    %div3A_16 = vector.broadcast %div3A : f32 to vector<79x128xf32>
    %div3A_17 = arith.divf %div3A_16, %max3A_15 : vector<79x128xf32>
    %reshape3A = vector.shape_cast %div3A_17 : vector<79x128xf32> to vector<79x1x128xf32>
    %broadcast_in_dim3A = arith.constant 1.000000e+00 : f32
    %broadcast_in_dim3A_18 = vector.broadcast %broadcast_in_dim3A : f32 to vector<79x1x1xf32>
    %dot_general3A = arith.constant dense<0.000000e+00> : vector<79x128x1xf32>
    %dot_general3A_19 = tpu.matmul %reshape3A, %broadcast_in_dim3A_18, %dot_general3A {dimension_numbers = #tpu.dot_dimension_numbers<[1], [1], [2], [2], [0, 0, 0, 2, 1, 2], [0], [0]>, transpose_lhs_hint = false} : vector<79x1x128xf32>, vector<79x1x1xf32>, vector<79x128x1xf32> -> vector<79x128x1xf32>
    %reshape3A_20 = vector.shape_cast %dot_general3A_19 : vector<79x128x1xf32> to vector<10112x1xf32>
    %mul3A = vector.broadcast %reshape3A_20 : vector<10112x1xf32> to vector<10112x128xf32>
    %mul3A_21 = arith.mulf %add3A, %mul3A : vector<10112x128xf32>
    %ge3A = arith.constant 0.000000e+00 : f32
    %ge3A_22 = vector.broadcast %ge3A : f32 to vector<10112x128xf32>
    %ge3A_23 = arith.cmpf oge, %mul3A_21, %ge3A_22 : vector<10112x128xf32>
    %mul3A_24 = arith.constant 0.00999999977 : f32
    %mul3A_25 = vector.broadcast %mul3A_24 : f32 to vector<10112x128xf32>
    %mul3A_26 = arith.mulf %mul3A_25, %mul3A_21 : vector<10112x128xf32>
    %select_n3A = arith.select %ge3A_23, %mul3A_21, %mul3A_26 : vector<10112x128xi1>, vector<10112x128xf32>
    %get3A_27 = arith.constant 0 : index
    %get3A_28 = arith.constant 0 : index
    %get3A_29 = vector.load %arg2[%get3A_27, %get3A_28] : memref<128x128xf32, #tpu.memory_space<vmem>>, vector<128x128xf32>
    %dot_general3A_30 = arith.constant dense<0.000000e+00> : vector<10112x128xf32>
    %dot_general3A_31 = tpu.matmul %select_n3A, %get3A_29, %dot_general3A_30 {dimension_numbers = #tpu.dot_dimension_numbers<[1], [0], [0], [1], [0, 0, 1, 1], [], []>, transpose_lhs_hint = false} : vector<10112x128xf32>, vector<128x128xf32>, vector<10112x128xf32> -> vector<10112x128xf32>
    %get3A_32 = arith.constant 0 : index
    %get3A_33 = arith.constant 0 : index
    %get3A_34 = vector.load %arg3[%get3A_32, %get3A_33] : memref<1x128xf32, #tpu.memory_space<vmem>>, vector<1x128xf32>
    %add3A_35 = vector.broadcast %get3A_34 : vector<1x128xf32> to vector<10112x128xf32>
    %add3A_36 = arith.addf %dot_general3A_31, %add3A_35 : vector<10112x128xf32>
    %swap3A = arith.constant 0 : index
    %swap3A_37 = arith.constant 0 : index
    %swap3A_38 = vector.load %arg4[%swap3A, %swap3A_37] : memref<10112x128xf32, #tpu.memory_space<vmem>>, vector<10112x128xf32>
    tpu.vector_store %arg4[%swap3A, %swap3A_37], %add3A_36 {strides = array<i32>} : memref<10112x128xf32, #tpu.memory_space<vmem>>, vector<10112x128xf32>,
    return
  }
}

module attributes {stable_mosaic.version = 14 : i64} {
  func.func @_mm_body(%arg0: i32, %arg1: memref<1000x128xf32, #tpu.memory_space<vmem>>, %arg2: memref<128x128xf32, #tpu.memory_space<vmem>>, %arg3: memref<1x128xf32, #tpu.memory_space<vmem>>, %arg4: memref<1000x128xf32, #tpu.memory_space<vmem>>) attributes {dimension_semantics = [#tpu.dimension_semantics<arbitrary>], iteration_bounds = array<i64: 10>, scalar_prefetch = 0 : i64, scratch_operands = 0 : i64, tpu.core_type = #tpu.core_type<tc>, window_params = [{transform_indices = @transform_0, window_bounds = array<i64: 1000, 128>}, {pipeline_mode = #tpu.pipeline_mode<synchronous>, transform_indices = @transform_1, window_bounds = array<i64: 128, 128>}, {pipeline_mode = #tpu.pipeline_mode<synchronous>, transform_indices = @transform_2, window_bounds = array<i64: 1, 128>}, {transform_indices = @transform_3, window_bounds = array<i64: 1000, 128>}]} {
    %get3A = arith.constant 0 : index
    %get3A_0 = arith.constant 0 : index
    %get3A_1 = vector.load %arg1[%get3A, %get3A_0] : memref<1000x128xf32, #tpu.memory_space<vmem>>, vector<1000x128xf32>
    %get3A_2 = arith.constant 0 : index
    %get3A_3 = arith.constant 0 : index
    %get3A_4 = vector.load %arg2[%get3A_2, %get3A_3] : memref<128x128xf32, #tpu.memory_space<vmem>>, vector<128x128xf32>
    %dot_general3A = arith.constant dense<0.000000e+00> : vector<1000x128xf32>
    %dot_general3A_5 = tpu.matmul %get3A_1, %get3A_4, %dot_general3A {dimension_numbers = #tpu.dot_dimension_numbers<[1], [0], [0], [1], [0, 0, 1, 1], [], []>, transpose_lhs_hint = false} : vector<1000x128xf32>, vector<128x128xf32>, vector<1000x128xf32> -> vector<1000x128xf32>
    %get3A_6 = arith.constant 0 : index
    %get3A_7 = arith.constant 0 : index
    %get3A_8 = vector.load %arg3[%get3A_6, %get3A_7] : memref<1x128xf32, #tpu.memory_space<vmem>>, vector<1x128xf32>
    %add3A = vector.broadcast %get3A_8 : vector<1x128xf32> to vector<1000x128xf32>
    %add3A_9 = arith.addf %dot_general3A_5, %add3A : vector<1000x128xf32>
    %swap3A = arith.constant 0 : index
    %swap3A_10 = arith.constant 0 : index
    %swap3A_11 = vector.load %arg4[%swap3A, %swap3A_10] : memref<1000x128xf32, #tpu.memory_space<vmem>>, vector<1000x128xf32>
    tpu.vector_store %arg4[%swap3A, %swap3A_10], %add3A_9 {strides = array<i32>} : memref<1000x128xf32, #tpu.memory_space<vmem>>, vector<1000x128xf32>,
    return
  }
  func.func @transform_0(%arg0: i32) -> (i32, i32) {
    %c0_i32 = arith.constant 0 : i32
    %c0_i32_0 = arith.constant 0 : i32
    return %arg0, %c0_i32 : i32, i32
  }
  func.func @transform_1(%arg0: i32) -> (i32, i32) {
    %c0_i32 = arith.constant 0 : i32
    %c0_i32_0 = arith.constant 0 : i32
    %c0_i32_1 = arith.constant 0 : i32
    return %c0_i32, %c0_i32_0 : i32, i32
  }
  func.func @transform_2(%arg0: i32) -> (i32, i32) {
    %c0_i32 = arith.constant 0 : i32
    %c0_i32_0 = arith.constant 0 : i32
    %c0_i32_1 = arith.constant 0 : i32
    return %c0_i32, %c0_i32_0 : i32, i32
  }
  func.func @transform_3(%arg0: i32) -> (i32, i32) {
    %c0_i32 = arith.constant 0 : i32
    %c0_i32_0 = arith.constant 0 : i32
    return %arg0, %c0_i32 : i32, i32
  }
}

module attributes {stable_mosaic.version = 14 : i64} {
  func.func @_finalize_body(%arg0: memref<2x10112x128xf32, #tpu.memory_space<vmem>>, %arg1: memref<32x79x128xf32, #tpu.memory_space<vmem>>, %arg2: memref<10112x128xf32, #tpu.memory_space<vmem>>) attributes {dimension_semantics = [], scalar_prefetch = 0 : i64, scratch_operands = 0 : i64, tpu.core_type = #tpu.core_type<tc>} {
    %get3A = arith.constant 0 : index
    %get3A_0 = arith.constant 0 : index
    %get3A_1 = arith.constant 0 : index
    %get3A_2 = vector.load %arg0[%get3A, %get3A_0, %get3A_1] : memref<2x10112x128xf32, #tpu.memory_space<vmem>>, vector<1x10112x128xf32>
    %get3A_3 = vector.shape_cast %get3A_2 : vector<1x10112x128xf32> to vector<10112x128xf32>
    %get3A_4 = arith.constant 1 : index
    %get3A_5 = arith.constant 0 : index
    %get3A_6 = arith.constant 0 : index
    %get3A_7 = vector.load %arg0[%get3A_4, %get3A_5, %get3A_6] : memref<2x10112x128xf32, #tpu.memory_space<vmem>>, vector<1x10112x128xf32>
    %get3A_8 = vector.shape_cast %get3A_7 : vector<1x10112x128xf32> to vector<10112x128xf32>
    %add3A = arith.addf %get3A_3, %get3A_8 : vector<10112x128xf32>
    %get3A_9 = arith.constant 0 : index
    %get3A_10 = arith.constant 0 : index
    %get3A_11 = arith.constant 0 : index
    %get3A_12 = vector.load %arg1[%get3A_9, %get3A_10, %get3A_11] : memref<32x79x128xf32, #tpu.memory_space<vmem>>, vector<32x79x128xf32>
    %reduce_sum3A = arith.constant dense<0.000000e+00> : vector<79x128xf32>
    %reduce_sum3A_13 = vector.multi_reduction <add>, %get3A_12, %reduce_sum3A [0] : vector<32x79x128xf32> to vector<79x128xf32>
    %max3A = arith.constant 1.000000e+00 : f32
    %max3A_14 = vector.broadcast %max3A : f32 to vector<79x128xf32>
    %max3A_15 = arith.maximumf %reduce_sum3A_13, %max3A_14 : vector<79x128xf32>
    %div3A = arith.constant 1.000000e+00 : f32
    %div3A_16 = vector.broadcast %div3A : f32 to vector<79x128xf32>
    %div3A_17 = arith.divf %div3A_16, %max3A_15 : vector<79x128xf32>
    %reshape3A = vector.shape_cast %div3A_17 : vector<79x128xf32> to vector<79x1x128xf32>
    %broadcast_in_dim3A = arith.constant 1.000000e+00 : f32
    %broadcast_in_dim3A_18 = vector.broadcast %broadcast_in_dim3A : f32 to vector<79x1x1xf32>
    %dot_general3A = arith.constant dense<0.000000e+00> : vector<79x128x1xf32>
    %dot_general3A_19 = tpu.matmul %reshape3A, %broadcast_in_dim3A_18, %dot_general3A {dimension_numbers = #tpu.dot_dimension_numbers<[1], [1], [2], [2], [0, 0, 0, 2, 1, 2], [0], [0]>, transpose_lhs_hint = false} : vector<79x1x128xf32>, vector<79x1x1xf32>, vector<79x128x1xf32> -> vector<79x128x1xf32>
    %reshape3A_20 = vector.shape_cast %dot_general3A_19 : vector<79x128x1xf32> to vector<10112x1xf32>
    %mul3A = vector.broadcast %reshape3A_20 : vector<10112x1xf32> to vector<10112x128xf32>
    %mul3A_21 = arith.mulf %add3A, %mul3A : vector<10112x128xf32>
    %swap3A = arith.constant 0 : index
    %swap3A_22 = arith.constant 0 : index
    %swap3A_23 = vector.load %arg2[%swap3A, %swap3A_22] : memref<10112x128xf32, #tpu.memory_space<vmem>>, vector<10112x128xf32>
    tpu.vector_store %arg2[%swap3A, %swap3A_22], %mul3A_21 {strides = array<i32>} : memref<10112x128xf32, #tpu.memory_space<vmem>>, vector<10112x128xf32>,
    return
  }
}

</mosaic_0001>

<sc_bundles>
// kernel: kernel.10.cloned.1.call-start
scs
__scs_entry_jumppad:
0x0: {  	(pc) =	sbr.rel $0x88, $3  }
0x1: {  	(tag) =	ssettag $0x0;
	lr =	simm.s32 $0x1  }
0x2: {  	[smem:$0x3F9A] =	sst lr;
	_ =	strace $0xD0000000  }
0x3: {  	_ = 	snop  }
0x4: {  	_ = 	snop  }
0x5: {  	_ = 	snop  }
0x6: {  	_ = 	snop  }
0x7: {  	_ = 	snop  }
__scs_overlays_trampoline_lowered:
0x8: {  	[smem:$0x3FA9] =	sst s0  }
0x9: {  	[smem:$0x3FAA] =	sst s1  }
0xa: {  	[smem:$0x3FAB] =	sst s2  }
0xb: {  	[smem:$0x3FAC] =	sst s3  }
0xc: {  	[smem:$0x3FAD] =	sst s4  }
0xd: {  	[smem:$0x3FAE] =	sst s5  }
0xe: {  	[smem:$0x3FAF] =	sst s6  }
0xf: {  	[smem:$0x3FB0] =	sst s7  }
0x10: {  	[smem:$0x3FB1] =	sst s8  }
0x11: {  	[smem:$0x3FB2] =	sst s9;
	s0 =	simm.s32 @!p0 $0x0  }
0x12: {  	s1 =	sld [smem:$0x3F98];
	s0 =	simm.s32 @p0 $0x1  }
0x13: {  	[smem:$0x3FB3] =	sst s0;
	s0 =	simm.s32 @!p1 $0x0  }
0x14: {  	s2 =	sld [smem:$0x3F97];
	s0 =	simm.s32 @p1 $0x1  }
0x15: {  	[smem:$0x3FB4] =	sst s0;
	s0 =	simm.s32 @!p2 $0x0  }
0x16: {  	s3 =	sld [smem:$0x3FDB];
	s0 =	simm.s32 @p2 $0x1  }
0x17: {  	s4 =	simm.s32 $0x1BF5;
	[smem:$0x3FB6] =	sst s0  }
0x18: {  	s0 =	sld [smem:$0x3F99];
	_ =	swait.ge [sflag:s4], $0x0  }
0x19: {  	s7 =	sld [smem:$0x3F9A]  }
0x1a: {  	s8 =	sadd.s32 $0xFFFFE003, lr  }
0x1b: {  	s9 =	sadd.s32 $0xFFFFFEF7, lr;
	s5 =	simm.s32 $0xFFFFFFFF;
	p2 =	slt.u32 s8, $0xFFFFF086  }
0x1c: {  	p1 =	slt.u32 s9, $0xF7A;
	s5 =	simm.s32 @!p2 $0x0  }
0x1d: {  	s5 =	simm.s32 @p1 $0x1;
	p0 =	seq.s32 s7, s2  }
0x1e: {  	s7 =	smul.u32 @!p0 $0xF7A, s2;
	p2 =	seq.s32 @!p0 s5, $0x0  }
0x1f: {  	s9 =	smul.u32 $0xF7A, s1;
	s8 =	simm.s32 @!p0 $0x1BF5;
	p2 =	por !p2, p0  }
0x20: {  	[sflag:s8] =	ssyncset.s32 @!p0 $0xFFFFF086;
	s6 =	sadd.s32 @!p0 s3, s7;
	s7 =	simm.s32 @!p0 $0x108  }
0x21: {  	s3 =	sadd.s32 s3, s9;
	s6 =	sadd.s32 @!p0 $0x88, s6;
	s7 =	simm.s32 @p2 $0x1082  }
0x22: {  	[simem:s7], [sflag:s8] =	dma.local @!p0 [hbm:s6], $0xF7A  }
0x23: {  	s9 =	sor.u32 $0xD0000000, s2;
	s6 =	simm.s32 $0x108;
	_ =	swait.ge @!p0 [sflag:s8], $0x0  }
0x24: {  	s3 =	sadd.s32 $0x88, s3;
	s6 =	simm.s32 @!p1 $0x1082;
	[sflag:s4] =	ssyncset.s32 $0xFFFFF086  }
0x25: {  	[simem:s6], [sflag:s4] =	dma.local [hbm:s3], $0xF7A  }
0x26: {  	[smem:$0x3F9A] =	sst s1;
	(tag) =	ssettag s2;
	_ =	strace s9  }
0x27: {  	s1 =	sld [smem:$0x3FAA]  }
0x28: {  	s2 =	sld [smem:$0x3FAB]  }
0x29: {  	s4 =	sld [smem:$0x3FAD]  }
0x2a: {  	p0 =	seq.s32 s5, $0x0;
	s5 =	sld [smem:$0x3FAE]  }
0x2b: {  	s6 =	sld [smem:$0x3FAF]  }
0x2c: {  	s7 =	sld [smem:$0x3FB0]  }
0x2d: {  	s3 =	simm.s32 $0x108;
	s8 =	sld [smem:$0x3FB1]  }
0x2e: {  	s3 =	simm.s32 @!p0 $0x1082;
	s9 =	sld [smem:$0x3FB2]  }
0x2f: {  	lr =	sadd.s32 s0, s3;
	s0 =	sld [smem:$0x3FA9]  }
0x30: {  	s3 =	sld [smem:$0x3FAC]  }
0x31: {  	[smem:$0x3FB5] =	sst s10  }
0x32: {  	s10 =	sld [smem:$0x3FB3];
	_ =	sdelay $0x3  }
0x33: {  	p0 =	seq.s32 s10, $0x1;
	s10 =	sld [smem:$0x3FB5];
	_ =	sdelay $0x3  }
0x34: {  	[smem:$0x3FB5] =	sst s10  }
0x35: {  	s10 =	sld [smem:$0x3FB4];
	_ =	sdelay $0x3  }
0x36: {  	p1 =	seq.s32 s10, $0x1;
	s10 =	sld [smem:$0x3FB5];
	_ =	sdelay $0x3  }
0x37: {  	[smem:$0x3FB5] =	sst s10  }
0x38: {  	s10 =	sld [smem:$0x3FB6]  }
0x39: {  	_ = 	snop;
	(pc) =	sbr.ind lr, $3  }
0x3a: {  	_ = 	snop  }
0x3b: {  	_ = 	snop  }
0x3c: {  	p2 =	seq.s32 s10, $0x1;
	s10 =	sld [smem:$0x3FB5]  }
0x3d: {  	_ =	shalt  }
0x3e: {  	_ =	shalt  }
0x3f: {  	_ =	shalt  }
0x40: {  	_ =	shalt  }
0x41: {  	_ =	shalt  }
0x42: {  	_ =	shalt  }
0x43: {  	_ =	shalt  }
0x44: {  	_ =	shalt  }
0x45: {  	_ =	shalt  }
0x46: {  	_ =	shalt  }
0x47: {  	_ =	shalt  }
0x48: {  	_ =	shalt  }
0x49: {  	_ =	shalt  }
0x4a: {  	_ =	shalt  }
0x4b: {  	_ =	shalt  }
0x4c: {  	_ =	shalt  }
0x4d: {  	_ =	shalt  }
0x4e: {  	_ =	shalt  }
0x4f: {  	_ =	shalt  }
0x50: {  	_ =	shalt  }
0x51: {  	_ =	shalt  }
0x52: {  	_ =	shalt  }
0x53: {  	_ =	shalt  }
0x54: {  	_ =	shalt  }
0x55: {  	_ =	shalt  }
0x56: {  	_ =	shalt  }
0x57: {  	_ =	shalt  }
0x58: {  	_ =	shalt  }
0x59: {  	_ =	shalt  }
0x5a: {  	_ =	shalt  }
0x5b: {  	_ =	shalt  }
0x5c: {  	_ =	shalt  }
0x5d: {  	_ =	shalt  }
0x5e: {  	_ =	shalt  }
0x5f: {  	_ =	shalt  }
0x60: {  	_ =	shalt  }
0x61: {  	_ =	shalt  }
0x62: {  	_ =	shalt  }
0x63: {  	_ =	shalt  }
0x64: {  	_ =	shalt  }
0x65: {  	_ =	shalt  }
0x66: {  	_ =	shalt  }
0x67: {  	_ =	shalt  }
0x68: {  	_ =	shalt  }
0x69: {  	_ =	shalt  }
0x6a: {  	_ =	shalt  }
0x6b: {  	_ =	shalt  }
0x6c: {  	_ =	shalt  }
0x6d: {  	_ =	shalt  }
0x6e: {  	_ =	shalt  }
0x6f: {  	_ =	shalt  }
0x70: {  	_ =	shalt  }
0x71: {  	_ =	shalt  }
0x72: {  	_ =	shalt  }
0x73: {  	_ =	shalt  }
0x74: {  	_ =	shalt  }
0x75: {  	_ =	shalt  }
0x76: {  	_ =	shalt  }
0x77: {  	_ =	shalt  }
0x78: {  	_ =	shalt  }
0x79: {  	_ =	shalt  }
0x7a: {  	_ =	shalt  }
0x7b: {  	_ =	shalt  }
0x7c: {  	_ =	shalt  }
0x7d: {  	_ =	shalt  }
0x7e: {  	_ =	shalt  }
0x7f: {  	_ =	shalt  }
0x80: {  	_ =	shalt  }
0x81: {  	_ =	shalt  }
0x82: {  	_ =	shalt  }
0x83: {  	_ =	shalt  }
0x84: {  	_ =	shalt  }
0x85: {  	_ =	shalt  }
0x86: {  	_ =	shalt  }
0x87: {  	_ =	shalt  }
.Lfunc_end0:
.L_simem_size_0:
called_computation.1_lowered:
.L_overlay_start_0:
0x88: {  	s2 =	sld [smem:$0x3FD9]  }
0x89: {  	s3 =	sld [smem:$0x3FFE];
	_ =	sdelay $0x1  }
0x8a: {  	s1 =	srdreg.scid  }
0x8b: {  	s0 =	sand.u32 $0x1, s1  }
0x8c: {  	s17 =	sshll.u32 s0, $0xA;
	s2 =	sadd.s32 s3, s2  }
0x8d: {  	s2 =	sadd.s32 s2, s17  }
0x8e: {  	[smem:$0x3FC1] =	sst s2  }
0x8f: {  	_ = 	snop  }
0x90: {  	s2 =	sld [smem:$0x3FD0];
	(tm) =	ssettm $0x1  }
0x91: {  	s18 =	sld [smem:$0x3FFB];
	_ =	sdelay $0x3  }
0x92: {  	_ =	strace s18  }
0x93: {  	s3 =	sld [smem:$0x3FFC];
	_ =	sdelay $0x3  }
0x94: {  	_ =	strace s3  }
0x95: {  	s3 =	sld [smem:$0x3FFD];
	_ =	sdelay $0x3  }
0x96: {  	_ =	strace s3  }
0x97: {  	_ =	strace $0x8FFFFFFF  }
0x98: {  	s19 =	sld [smem:$0x3FDB];
	_ =	sdelay $0x1  }
0x99: {  	s4 =	simm.s32 $_scs_section_size  }
0x9a: {  	s5 =	simm.s32 $_size__tile_overlayer_lowered;
	s6 =	simm.s32 $_tile_overlayer_lowered  }
0x9b: {  	s22 =	simm.s32 $0x1BFF;
	s21 =	sshll.u32 s6, $0x1;
	s3 =	sadd.s32 s4, s19  }
0x9c: {  	s7 =	simm.s32 $0x0;
	s20 =	sshll.u32 s5, $0x1;
	s5 =	sadd.s32 s21, s3  }
0x9d: {  	[timem:s7], [sflag:s22] =	dma.local [hbm:s5], s20  }
0x9e: {  	_ =	swait.ge [sflag:s22], s20  }
0x9f: {  	s4 =	ssub.s32 $0x0, s20;
	[sflag:s22] =	ssyncset.done $0x0  }
0xa0: {  	[sflag:s22] =	ssyncadd.s32 s4;
	_ =	sdelay $0x1  }
0xa1: {  	s23 =	simm.s32 $0x1B8B  }
0xa2: {  	_ =	swait.ge [sflag:s23], $0x1  }
0xa3: {  	[sflag:s23] =	ssyncset.done $0x0  }
0xa4: {  	s25 =	simm.s32 $0x1B8E;
	s24 =	sld [smem:$0x3FFE];
	[sflag:s23] =	ssyncadd.s32 $0xFFFFFFFF  }
0xa5: {  	s26 =	simm.s32 $execute0_lowered;
	[smem:$0x3FD2] =	sst s25  }
0xa6: {  	s5 =	sshll.u32 s26, $0x1;
	_ =	strace $0x80000049;
	[dreg:$0x1] =	wrdreg $0xFFFFFFFF  }
0xa7: {  	s28 =	simm.s32 $_size_execute0_lowered;
	s3 =	sadd.s32 s3, s5;
	[dreg:$0x0] =	wrdreg $0x0  }
0xa8: {  	s5 =	sshll.u32 s28, $0x1;
	[dreg:$0x2] =	wrdreg s3  }
0xa9: {  	[dreg:$0x3] =	wrdreg s5  }
0xaa: {  	[dreg:$0x4] =	wrdreg $0xC0  }
0xab: {  	_ =	task [dreg:s7], $0x5FFFF  }
0xac: {  	[dreg:$0x1] =	wrdreg $0xFFFFFFFF  }
0xad: {  	[dreg:$0x0] =	wrdreg $0x60  }
0xae: {  	[dreg:$0x2] =	wrdreg s24  }
0xaf: {  	[dreg:$0x3] =	wrdreg s2  }
0xb0: {  	[dreg:$0x4] =	wrdreg $0xC0800  }
0xb1: {  	[dreg:$0x5] =	wrdreg $0x9  }
0xb2: {  	_ =	task.clear_ibuf [dreg:s7], $0x6FFFF;
	_ =	strace $0x90000049  }
0xb3: {  	s29 =	simm.s32 $0x9;
	_ =	strace $0x8000004B  }
0xb4: {  	_ =	swait.ge [sflag:s29], $0x1  }
0xb5: {  	[sflag:s29] =	ssyncadd.s32 $0xFFFFFFFF  }
0xb6: {  	_ =	strace $0x9000004B  }
0xb7: {  	_ =	sfence  }
0xb8: {  	s30 =	sld [smem:$0x0];
	_ =	sdelay $0x2  }
0xb9: {  	s31 =	sshll.u32 s1, $0xD;
	s1 =	sshrl.u32 s1, $0x2  }
0xba: {  	s3 =	sand.u32 $0x4000, s31;
	s1 =	sadd.s32 s1, s30  }
0xbb: {  	s0 =	sor.u32 s3, s0;
	s1 =	sshll.u32 s1, $0x11  }
0xbc: {  	s0 =	sor.u32 s1, s0  }
0xbd: {  	s0 =	sadd.s32 $0x8F2B, s0  }
0xbe: {  	[sflag:s0] =	ssyncadd.remote.s32 $0x1  }
0xbf: {  	_ =	sfence.sel $0xFFFF  }
0xc0: {  	[dreg:$0x0] =	wrdreg $0xFFFFFFFF;
	(pc) =	sbr.abs _section_cstart, $3  }
0xc1: {  	[dreg:$0x1] =	wrdreg $0xFFFFFFFF  }
0xc2: {  	_ =	task.clear_ibuf [dreg:s7], $0x2FFFF;
	_ =	strace $0x9FFFFFFF  }
0xc3: {  	(tm) =	ssettm $0x7FFFFFFF  }
tec
execute0_lowered:
.L_overlay_start_1:
0x0: {  	(tag) =	ssettag $0x1  }
0x1: {  	s0 =	rddreg [dreg:$0x0]  }
0x2: {  	s2 =	rddreg [dreg:$0x1]  }
0x3: {  	s1 =	rddreg [dreg:$0x2];
	s3 =	srdreg.scid  }
0x4: {  	s4 =	simm.s32 $0x0;
	s11 =	stileid.u32;
	s12 =	simm.s32 $0x7  }
0x5: {  	s13 =	simm.s32 $0x4;
	s18 =	simm.s32 $0x1880;
	s28 =	simm.s32 $0x30  }
0x6: {  	s29 =	simm.s32 $0x8;
	s30 =	simm.s32 $0x48;
	s31 =	simm.s32 $0x5  }
0x7: {  	s3 =	sand.u32 $0x1, s3;
	[smem:$0x7FF] =	sst s4;
	s8 =	smul.u32 $0x13C00, s11  }
0x8: {  	s4 =	sadd.s32 $0x1600, s0;
	s5 =	sadd.s32 $0x78000, s0;
	s6 =	sadd.s32 $0x6E200, s0  }
0x9: {  	s10 =	smul.u32 $0x4F000, s11;
	s20 =	sshll.u32 s11, $0x1;
	p0 =	slt.u32 s11, $0x2  }
0xa: {  	s7 =	smul.u32 $0x13C000, s3;
	_ =	strace $0x8000004A;
	s19 =	ssub.s32 $0x2, s3  }
0xb: {  	s3 =	sor.u32 s3, s20;
	s12 =	simm.s32 @!p0 $0x6;
	s20 =	simm.s32 $0x18  }
0xc: {  	s9 =	sshrl.u32 s19, $0x1;
	s21 =	sshrl.u32 s10, $0x2;
	s14 =	smul.u32 $0x4E, s3  }
0xd: {  	s17 =	sor.u32 $0x9C0, s3;
	s3 =	smul.u32 $0x500, s3;
	s7 =	sadd.s32 s8, s7  }
0xe: {  	s8 =	ssub.s32 s19, s9;
	s9 =	simm.s32 $0x4;
	s7 =	sshrl.u32 s7, $0x3  }
0xf: {  	s26 =	sadd.s32 s2, s3;
	s0 =	sadd.s32 s7, s0;
	s7 =	sadd.s32 s21, s1  }
0x10: {  	v3 =	vlaneseq.u32;
	s19 =	simm.s32 $0x3;
	[dreg:$0x9] =	wrdreg s26;
	s22 =	sadd.s32 $0x4000, s7  }
0x11: {  	vm0 =	vmxor vm0, vm0;
	vm1 =	vcmask $0x3B38;
	vm15 =	vmmov $0x3fff;
	s9 =	simm.s32 @!p0 $0x3;
	s23 =	sadd.s32 $0x8000, s7;
	[dreg:$0x4] =	wrdreg s22  }
0x12: {  	v1 =	vor.u32 $0x10, v3;
	vm0 =	vmneg @p0 vm0;
	v4 =	vmov s17;
	s17 =	smax.u32 s8, $0x1;
	s24 =	sadd.s32 $0xC000, s7;
	[dreg:$0x5] =	wrdreg s23  }
0x13: {  	v2 =	vor.u32 $0x20, v3;
	v5 =	vor.u32 $0x30, v3;
	vm0 =	vmand vm0, vm1;
	s21 =	simm.s32 $0x80;
	s25 =	sadd.s32 $0x10000, s7;
	[dreg:$0x6] =	wrdreg s24  }
0x14: {  	v0 =	vadd.s32 s14, v3;
	v1 =	vadd.s32 s14, v1;
	v3 =	vor.u32 $0x40, v3;
	s26 =	simm.s32 $0x2;
	s0 =	sadd.s32 $0x81E00, s0;
	[dreg:$0x7] =	wrdreg s25  }
0x15: {  	v2 =	vadd.s32 s14, v2;
	v4 =	vnsel vm0, $0x0, v4;
	v6 =	vadd.s32 s14, v3;
	[dreg:$0x8] =	wrdreg s0;
	s22 =	simm.s32 $0xC80;
	s23 =	simm.s32 $0x1  }
0x16: {  	v3 =	vadd.s32 s14, v5;
	v5 =	vimm.f32 $0.0e+00;
	v4 =	vsel vm15, v6, v4;
	s24 =	simm.s32 $0x5880;
	s25 =	simm.s32 $0x9880;
	s0 =	simm.s32 $0x0  }
.LBB2_1:
0x17: {  	[tilespmem:$0x0] =	vst v0  }
0x18: {  	[tilespmem:$0x10] =	vst v1  }
0x19: {  	[tilespmem:$0x20] =	vst v2  }
0x1a: {  	[tilespmem:$0x30] =	vst v3  }
0x1b: {  	[tilespmem:$0x40] =	vst v4;
	s2 =	simm.s32 $0x0;
	s3 =	simm.s32 $0x0  }
.LBB2_2:
0x1c: {  	p0 =	sne.s32 s3, $0xFFC0  }
.Ltmp0:
0x1d: {  	_ = 	snop;
	(pc) =	sbr.rel @p0 .LBB2_2-.Ltmp0, $4  }
0x1e: {  	s8 =	sand.u32 $0xFE00, s3  }
0x1f: {  	s14 =	sand.u32 $0x70, s2;
	s8 =	sshrl.u32 s8, $0x2  }
0x20: {  	s8 =	sor.u32 s14, s8  }
0x21: {  	s2 =	sadd.s32 $0x10, s2;
	s3 =	sadd.s32 $0x40, s3;
	[tilespmem:s8+$0x1880] =	vst v5  }
0x22: {  	s2 =	simm.s32 $0x0  }
0x23: {  	s3 =	sand.u32 $0xFE00, s2  }
0x24: {  	s8 =	sand.u32 $0x70, s2;
	s14 =	sshrl.u32 s3, $0x2  }
0x25: {  	s3 =	simm.s32 $0x40;
	s8 =	sor.u32 s8, s14  }
.LBB2_4:
0x26: {  	p0 =	sne.s32 s3, $0x9DC0  }
0x27: {  	[tilespmem:s8+$0x9880] =	vst v5;
	s2 =	sadd.s32 $0x10, s2;
	s8 =	smov.u32 s3;
	s3 =	sadd.s32 $0x40, s3  }
.Ltmp1:
0x28: {  	(pc) =	sbr.rel @p0 .LBB2_4-.Ltmp1, $4  }
0x29: {  	_ = 	snop  }
0x2a: {  	s8 =	sand.u32 $0xFE00, s8  }
0x2b: {  	s14 =	sand.u32 $0x70, s2;
	s8 =	sshrl.u32 s8, $0x2  }
0x2c: {  	s8 =	sor.u32 s14, s8  }
0x2d: {  	[tilespmem:s8+$0x9880] =	vst v5  }
0x2e: {  	[spmem:s7] =	stream.linear.scatter [tilespmem:s18], [sflag:$0x3], $0x4000, $0x38;
	[tilespmem:$0x1FC80] =	vst v63  }
0x2f: {  	s2 =	rddreg [dreg:$0x4]  }
0x30: {  	[spmem:s2] =	stream.linear.scatter [tilespmem:s18], [sflag:$0x3], $0x4000, $0x38;
	[tilespmem:$0x1FC80] =	vst v63  }
0x31: {  	s14 =	rddreg [dreg:$0x5]  }
0x32: {  	[spmem:s14] =	stream.linear.scatter [tilespmem:s18], [sflag:$0x3], $0x4000, $0x38;
	[tilespmem:$0x1FC80] =	vst v63  }
0x33: {  	s15 =	rddreg [dreg:$0x6]  }
0x34: {  	[spmem:s15] =	stream.linear.scatter [tilespmem:s18], [sflag:$0x3], $0x4000, $0x38;
	[tilespmem:$0x1FC80] =	vst v63  }
0x35: {  	s16 =	rddreg [dreg:$0x7]  }
0x36: {  	[spmem:s16] =	stream.linear.scatter [tilespmem:s18], [sflag:$0x4], $0x3C00, $0x38;
	[tilespmem:$0x1FC80] =	vst v63  }
0x37: {  	_ =	swait.ge [sflag:s19], $0x4000  }
0x38: {  	[sflag:s19] =	ssyncset.done $0x0  }
0x39: {  	[sflag:s19] =	ssyncadd.s32 $0xFFFFC000  }
0x3a: {  	_ =	swait.ge [sflag:s19], $0x4000  }
0x3b: {  	[sflag:s19] =	ssyncset.done $0x0  }
0x3c: {  	[sflag:s19] =	ssyncadd.s32 $0xFFFFC000  }
0x3d: {  	_ =	swait.ge [sflag:s19], $0x4000  }
0x3e: {  	[sflag:s19] =	ssyncset.done $0x0  }
0x3f: {  	[sflag:s19] =	ssyncadd.s32 $0xFFFFC000  }
0x40: {  	_ =	swait.ge [sflag:s19], $0x4000  }
0x41: {  	[sflag:s19] =	ssyncset.done $0x0  }
0x42: {  	[sflag:s19] =	ssyncadd.s32 $0xFFFFC000  }
0x43: {  	_ =	swait.ge [sflag:s13], $0x3C00  }
0x44: {  	[sflag:s13] =	ssyncset.done $0x0  }
0x45: {  	[sflag:s13] =	ssyncadd.s32 $0xFFFFC400  }
0x46: {  	s3 =	simm.s32 $0x0;
	[bflag:$0x0] =	sbarrier.arrive $0xFFFF  }
0x47: {  	[tilespmem:s21], [sflag:$0x1] =	stream.indirect.gather [hbm4b:s5+s20], $0x80, s3, s20, $0xb8;
	[tilespmem:$0x1FC80] =	vst v63  }
0x48: {  	_ = 	snop  }
0x49: {  	[tilespmem:s22], [sflag:$0x1] =	stream.indirect.gather [hbm4b:s6+s20], $0x80, s3, s20, $0xb8;
	[tilespmem:$0x1FC80] =	vst v63  }
0x4a: {  	_ =	swait.ge [sflag:s23], $0xC00  }
0x4b: {  	[sflag:s23] =	ssyncset.done $0x0  }
0x4c: {  	[sflag:s23] =	ssyncadd.s32 $0xFFFFF400  }
0x4d: {  	_ =	swait.ge [sflag:s23], $0xC00  }
0x4e: {  	[sflag:s23] =	ssyncset.done $0x0  }
0x4f: {  	[sflag:s23] =	ssyncadd.s32 $0xFFFFF400  }
0x50: {  	[tilespmem:s18], [sflag:$0x1] =	stream.indirect.gather [hbm4b:s4+s21], $0x80, s21, s21, $0xb8;
	[tilespmem:$0x1FC80] =	vst v63  }
.LBB2_6:
0x51: {  	s2 =	sshra.s32 s3, $0x2  }
0x52: {  	s8 =	sadd.s32 $0x100, s2  }
0x53: {  	[tilespmem:s24], [sflag:$0x2] =	stream.indirect.gather [hbm4b:s4+s21], $0x80, s8, s21, $0xb8;
	[tilespmem:$0x1FC80] =	vst v63  }
0x54: {  	_ =	swait.ge [sflag:s23], $0x4000  }
0x55: {  	[sflag:s23] =	ssyncset.done $0x0  }
0x56: {  	s15 =	sadd.s32 $0xC80, s2;
	[sflag:s23] =	ssyncadd.s32 $0xFFFFC000  }
0x57: {  	[spmem:s1] =	stream.indirect.scatter.add.f32 [tilespmem:s18], [sflag:$0x3], $0x80, s15, s21, $0xb8;
	[tilespmem:$0x1FC80] =	vst v63  }
0x58: {  	v6 =	vld [tilespmem:s2+$0xC80];
	_ =	sdelay $0x4  }
0x59: {  	(xrf1) =	vunique.msk.u32 $0xffff, v6;
	_ =	sdelay $0xd  }
0x5a: {  	_, v7, vm0 =	vpop (xrf1);
	_ =	sdelay $0x3  }
0x5b: {  	v7 =	vcvt.s32.f32 v7;
	_ =	sdelay $0x1  }
0x5c: {  	[tilespmem:v6+s25+$0x0] =	vst.idx.add.f32.msk vm0, v7  }
0x5d: {  	v6 =	vld [tilespmem:s2+$0xC90];
	_ =	sdelay $0x4  }
0x5e: {  	(xrf1) =	vunique.msk.u32 $0xffff, v6;
	_ =	sdelay $0xd  }
0x5f: {  	_, v7, vm0 =	vpop (xrf1);
	_ =	sdelay $0x3  }
0x60: {  	v7 =	vcvt.s32.f32 v7;
	_ =	sdelay $0x1  }
0x61: {  	[tilespmem:v6+s25+$0x0] =	vst.idx.add.f32.msk vm0, v7  }
0x62: {  	v6 =	vld [tilespmem:s2+$0xCA0];
	_ =	sdelay $0x4  }
0x63: {  	(xrf1) =	vunique.msk.u32 $0xffff, v6;
	_ =	sdelay $0xd  }
0x64: {  	_, v7, vm0 =	vpop (xrf1);
	_ =	sdelay $0x3  }
0x65: {  	v7 =	vcvt.s32.f32 v7;
	_ =	sdelay $0x1  }
0x66: {  	[tilespmem:v6+s25+$0x0] =	vst.idx.add.f32.msk vm0, v7  }
0x67: {  	v6 =	vld [tilespmem:s2+$0xCB0];
	_ =	sdelay $0x4  }
0x68: {  	(xrf1) =	vunique.msk.u32 $0xffff, v6;
	_ =	sdelay $0xd  }
0x69: {  	_, v7, vm0 =	vpop (xrf1);
	_ =	sdelay $0x3  }
0x6a: {  	v7 =	vcvt.s32.f32 v7;
	_ =	sdelay $0x1  }
0x6b: {  	[tilespmem:v6+s25+$0x0] =	vst.idx.add.f32.msk vm0, v7  }
0x6c: {  	v6 =	vld [tilespmem:s2+$0xCC0];
	_ =	sdelay $0x4  }
0x6d: {  	(xrf1) =	vunique.msk.u32 $0xffff, v6;
	_ =	sdelay $0xd  }
0x6e: {  	_, v7, vm0 =	vpop (xrf1);
	_ =	sdelay $0x3  }
0x6f: {  	v7 =	vcvt.s32.f32 v7;
	_ =	sdelay $0x1  }
0x70: {  	[tilespmem:v6+s25+$0x0] =	vst.idx.add.f32.msk vm0, v7  }
0x71: {  	v6 =	vld [tilespmem:s2+$0xCD0];
	_ =	sdelay $0x4  }
0x72: {  	(xrf1) =	vunique.msk.u32 $0xffff, v6;
	_ =	sdelay $0xd  }
0x73: {  	_, v7, vm0 =	vpop (xrf1);
	_ =	sdelay $0x3  }
0x74: {  	v7 =	vcvt.s32.f32 v7;
	_ =	sdelay $0x1  }
0x75: {  	[tilespmem:v6+s25+$0x0] =	vst.idx.add.f32.msk vm0, v7  }
0x76: {  	v6 =	vld [tilespmem:s2+$0xCE0];
	_ =	sdelay $0x4  }
0x77: {  	(xrf1) =	vunique.msk.u32 $0xffff, v6;
	_ =	sdelay $0xd  }
0x78: {  	_, v7, vm0 =	vpop (xrf1);
	_ =	sdelay $0x3  }
0x79: {  	v7 =	vcvt.s32.f32 v7;
	_ =	sdelay $0x1  }
0x7a: {  	[tilespmem:v6+s25+$0x0] =	vst.idx.add.f32.msk vm0, v7  }
0x7b: {  	v6 =	vld [tilespmem:s2+$0xCF0];
	_ =	sdelay $0x4  }
0x7c: {  	(xrf1) =	vunique.msk.u32 $0xffff, v6;
	_ =	sdelay $0xd  }
0x7d: {  	_, v7, vm0 =	vpop (xrf1);
	_ =	sdelay $0x3  }
0x7e: {  	v7 =	vcvt.s32.f32 v7;
	_ =	sdelay $0x1  }
0x7f: {  	[tilespmem:v6+s25+$0x0] =	vst.idx.add.f32.msk vm0, v7  }
0x80: {  	p0 =	seq.s32 s3, $0x2C00;
	_ =	swait.ge [sflag:s19], $0x4000  }
0x81: {  	s14 =	simm.s32 @!p0 $0x80;
	s8 =	sshra.s32 @!p0 s3, $0x2;
	[sflag:s19] =	ssyncset.done $0x0  }
0x82: {  	s10 =	simm.s32 @!p0 $0x1880;
	s8 =	sadd.s32 @!p0 $0x180, s8;
	[sflag:s19] =	ssyncadd.s32 $0xFFFFC000  }
0x83: {  	[tilespmem:s10], [sflag:$0x1] =	stream.indirect.gather @!p0 [hbm4b:s4+s14], $0x80, s8, s14, $0xb8;
	[tilespmem:$0x1FC80] =	vst v63  }
0x84: {  	_ =	swait.ge [sflag:s26], $0x4000  }
0x85: {  	[sflag:s26] =	ssyncset.done $0x0  }
0x86: {  	s16 =	sadd.s32 $0xD00, s2;
	[sflag:s26] =	ssyncadd.s32 $0xFFFFC000  }
0x87: {  	[spmem:s1] =	stream.indirect.scatter.add.f32 [tilespmem:s24], [sflag:$0x4], $0x80, s16, s21, $0xb8;
	[tilespmem:$0x1FC80] =	vst v63  }
0x88: {  	v6 =	vld [tilespmem:s2+$0xD00];
	_ =	sdelay $0x4  }
0x89: {  	(xrf1) =	vunique.msk.u32 $0xffff, v6;
	_ =	sdelay $0xd  }
0x8a: {  	_, v7, vm0 =	vpop (xrf1);
	_ =	sdelay $0x3  }
0x8b: {  	v7 =	vcvt.s32.f32 v7;
	_ =	sdelay $0x1  }
0x8c: {  	[tilespmem:v6+s25+$0x0] =	vst.idx.add.f32.msk vm0, v7  }
0x8d: {  	v6 =	vld [tilespmem:s2+$0xD10];
	_ =	sdelay $0x4  }
0x8e: {  	(xrf1) =	vunique.msk.u32 $0xffff, v6;
	_ =	sdelay $0xd  }
0x8f: {  	_, v7, vm0 =	vpop (xrf1);
	_ =	sdelay $0x3  }
0x90: {  	v7 =	vcvt.s32.f32 v7;
	_ =	sdelay $0x1  }
0x91: {  	[tilespmem:v6+s25+$0x0] =	vst.idx.add.f32.msk vm0, v7  }
0x92: {  	v6 =	vld [tilespmem:s2+$0xD20];
	_ =	sdelay $0x4  }
0x93: {  	(xrf1) =	vunique.msk.u32 $0xffff, v6;
	_ =	sdelay $0xd  }
0x94: {  	_, v7, vm0 =	vpop (xrf1);
	_ =	sdelay $0x3  }
0x95: {  	v7 =	vcvt.s32.f32 v7;
	_ =	sdelay $0x1  }
0x96: {  	[tilespmem:v6+s25+$0x0] =	vst.idx.add.f32.msk vm0, v7  }
0x97: {  	v6 =	vld [tilespmem:s2+$0xD30];
	_ =	sdelay $0x4  }
0x98: {  	(xrf1) =	vunique.msk.u32 $0xffff, v6;
	_ =	sdelay $0xd  }
0x99: {  	_, v7, vm0 =	vpop (xrf1);
	_ =	sdelay $0x3  }
0x9a: {  	v7 =	vcvt.s32.f32 v7;
	_ =	sdelay $0x1  }
0x9b: {  	[tilespmem:v6+s25+$0x0] =	vst.idx.add.f32.msk vm0, v7  }
0x9c: {  	v6 =	vld [tilespmem:s2+$0xD40];
	_ =	sdelay $0x4  }
0x9d: {  	(xrf1) =	vunique.msk.u32 $0xffff, v6;
	_ =	sdelay $0xd  }
0x9e: {  	_, v7, vm0 =	vpop (xrf1);
	_ =	sdelay $0x3  }
0x9f: {  	v7 =	vcvt.s32.f32 v7;
	_ =	sdelay $0x1  }
0xa0: {  	[tilespmem:v6+s25+$0x0] =	vst.idx.add.f32.msk vm0, v7  }
0xa1: {  	v6 =	vld [tilespmem:s2+$0xD50];
	_ =	sdelay $0x4  }
0xa2: {  	(xrf1) =	vunique.msk.u32 $0xffff, v6;
	_ =	sdelay $0xd  }
0xa3: {  	_, v7, vm0 =	vpop (xrf1);
	_ =	sdelay $0x3  }
0xa4: {  	v7 =	vcvt.s32.f32 v7;
	_ =	sdelay $0x1  }
0xa5: {  	[tilespmem:v6+s25+$0x0] =	vst.idx.add.f32.msk vm0, v7  }
0xa6: {  	v6 =	vld [tilespmem:s2+$0xD60];
	_ =	sdelay $0x4  }
0xa7: {  	(xrf1) =	vunique.msk.u32 $0xffff, v6;
	_ =	sdelay $0xd  }
0xa8: {  	_, v7, vm0 =	vpop (xrf1);
	_ =	sdelay $0x3  }
0xa9: {  	v7 =	vcvt.s32.f32 v7;
	_ =	sdelay $0x1  }
0xaa: {  	[tilespmem:v6+s25+$0x0] =	vst.idx.add.f32.msk vm0, v7  }
0xab: {  	v6 =	vld [tilespmem:s2+$0xD70];
	_ =	sdelay $0x4  }
0xac: {  	(xrf1) =	vunique.msk.u32 $0xffff, v6;
	_ =	sdelay $0xd  }
0xad: {  	_, v7, vm0 =	vpop (xrf1);
	_ =	sdelay $0x2  }
0xae: {  	s3 =	sadd.s32 $0x400, s3  }
0xaf: {  	p0 =	sne.s32 s3, $0x3000;
	v7 =	vcvt.s32.f32 v7  }
.Ltmp2:
0xb0: {  	_ = 	snop;
	(pc) =	sbr.rel @p0 .LBB2_6-.Ltmp2, $4  }
0xb1: {  	[tilespmem:v6+s25+$0x0] =	vst.idx.add.f32.msk vm0, v7  }
0xb2: {  	_ =	swait.ge [sflag:s13], $0x4000  }
0xb3: {  	[sflag:s13] =	ssyncset.done $0x0  }
0xb4: {  	[sflag:s13] =	ssyncadd.s32 $0xFFFFC000  }
0xb5: {  	[tilespmem:s21], [sflag:$0x1] =	stream.indirect.gather [hbm4b:s5+s20], $0x80, s20, s20, $0xb8;
	[tilespmem:$0x1FC80] =	vst v63  }
0xb6: {  	_ = 	snop  }
0xb7: {  	[tilespmem:s22], [sflag:$0x1] =	stream.indirect.gather [hbm4b:s6+s20], $0x80, s20, s20, $0xb8;
	[tilespmem:$0x1FC80] =	vst v63  }
0xb8: {  	_ =	swait.ge [sflag:s23], $0xC00  }
0xb9: {  	[sflag:s23] =	ssyncset.done $0x0  }
0xba: {  	[sflag:s23] =	ssyncadd.s32 $0xFFFFF400  }
0xbb: {  	_ =	swait.ge [sflag:s23], $0xC00  }
0xbc: {  	[sflag:s23] =	ssyncset.done $0x0  }
0xbd: {  	s2 =	simm.s32 $0x0;
	[sflag:s23] =	ssyncadd.s32 $0xFFFFF400  }
0xbe: {  	[tilespmem:s18], [sflag:$0x1] =	stream.indirect.gather [hbm4b:s4+s21], $0x80, s21, s21, $0xb8;
	[tilespmem:$0x1FC80] =	vst v63  }
.LBB2_8:
0xbf: {  	s3 =	sshra.s32 s2, $0x2  }
0xc0: {  	s8 =	sadd.s32 $0x100, s3  }
0xc1: {  	[tilespmem:s24], [sflag:$0x2] =	stream.indirect.gather [hbm4b:s4+s21], $0x80, s8, s21, $0xb8;
	[tilespmem:$0x1FC80] =	vst v63  }
0xc2: {  	_ =	swait.ge [sflag:s23], $0x4000  }
0xc3: {  	[sflag:s23] =	ssyncset.done $0x0  }
0xc4: {  	s15 =	sadd.s32 $0xC80, s3;
	[sflag:s23] =	ssyncadd.s32 $0xFFFFC000  }
0xc5: {  	[spmem:s1] =	stream.indirect.scatter.add.f32 [tilespmem:s18], [sflag:$0x3], $0x80, s15, s21, $0xb8;
	[tilespmem:$0x1FC80] =	vst v63  }
0xc6: {  	v6 =	vld [tilespmem:s3+$0xC80];
	_ =	sdelay $0x4  }
0xc7: {  	(xrf1) =	vunique.msk.u32 $0xffff, v6;
	_ =	sdelay $0xd  }
0xc8: {  	_, v7, vm0 =	vpop (xrf1);
	_ =	sdelay $0x3  }
0xc9: {  	v7 =	vcvt.s32.f32 v7;
	_ =	sdelay $0x1  }
0xca: {  	[tilespmem:v6+s25+$0x0] =	vst.idx.add.f32.msk vm0, v7  }
0xcb: {  	v6 =	vld [tilespmem:s3+$0xC90];
	_ =	sdelay $0x4  }
0xcc: {  	(xrf1) =	vunique.msk.u32 $0xffff, v6;
	_ =	sdelay $0xd  }
0xcd: {  	_, v7, vm0 =	vpop (xrf1);
	_ =	sdelay $0x3  }
0xce: {  	v7 =	vcvt.s32.f32 v7;
	_ =	sdelay $0x1  }
0xcf: {  	[tilespmem:v6+s25+$0x0] =	vst.idx.add.f32.msk vm0, v7  }
0xd0: {  	v6 =	vld [tilespmem:s3+$0xCA0];
	_ =	sdelay $0x4  }
0xd1: {  	(xrf1) =	vunique.msk.u32 $0xffff, v6;
	_ =	sdelay $0xd  }
0xd2: {  	_, v7, vm0 =	vpop (xrf1);
	_ =	sdelay $0x3  }
0xd3: {  	v7 =	vcvt.s32.f32 v7;
	_ =	sdelay $0x1  }
0xd4: {  	[tilespmem:v6+s25+$0x0] =	vst.idx.add.f32.msk vm0, v7  }
0xd5: {  	v6 =	vld [tilespmem:s3+$0xCB0];
	_ =	sdelay $0x4  }
0xd6: {  	(xrf1) =	vunique.msk.u32 $0xffff, v6;
	_ =	sdelay $0xd  }
0xd7: {  	_, v7, vm0 =	vpop (xrf1);
	_ =	sdelay $0x3  }
0xd8: {  	v7 =	vcvt.s32.f32 v7;
	_ =	sdelay $0x1  }
0xd9: {  	[tilespmem:v6+s25+$0x0] =	vst.idx.add.f32.msk vm0, v7  }
0xda: {  	v6 =	vld [tilespmem:s3+$0xCC0];
	_ =	sdelay $0x4  }
0xdb: {  	(xrf1) =	vunique.msk.u32 $0xffff, v6;
	_ =	sdelay $0xd  }
0xdc: {  	_, v7, vm0 =	vpop (xrf1);
	_ =	sdelay $0x3  }
0xdd: {  	v7 =	vcvt.s32.f32 v7;
	_ =	sdelay $0x1  }
0xde: {  	[tilespmem:v6+s25+$0x0] =	vst.idx.add.f32.msk vm0, v7  }
0xdf: {  	v6 =	vld [tilespmem:s3+$0xCD0];
	_ =	sdelay $0x4  }
0xe0: {  	(xrf1) =	vunique.msk.u32 $0xffff, v6;
	_ =	sdelay $0xd  }
0xe1: {  	_, v7, vm0 =	vpop (xrf1);
	_ =	sdelay $0x3  }
0xe2: {  	v7 =	vcvt.s32.f32 v7;
	_ =	sdelay $0x1  }
0xe3: {  	[tilespmem:v6+s25+$0x0] =	vst.idx.add.f32.msk vm0, v7  }
0xe4: {  	v6 =	vld [tilespmem:s3+$0xCE0];
	_ =	sdelay $0x4  }
0xe5: {  	(xrf1) =	vunique.msk.u32 $0xffff, v6;
	_ =	sdelay $0xd  }
0xe6: {  	_, v7, vm0 =	vpop (xrf1);
	_ =	sdelay $0x3  }
0xe7: {  	v7 =	vcvt.s32.f32 v7;
	_ =	sdelay $0x1  }
0xe8: {  	[tilespmem:v6+s25+$0x0] =	vst.idx.add.f32.msk vm0, v7  }
0xe9: {  	v6 =	vld [tilespmem:s3+$0xCF0];
	_ =	sdelay $0x4  }
0xea: {  	(xrf1) =	vunique.msk.u32 $0xffff, v6;
	_ =	sdelay $0xd  }
0xeb: {  	_, v7, vm0 =	vpop (xrf1);
	_ =	sdelay $0x3  }
0xec: {  	v7 =	vcvt.s32.f32 v7;
	_ =	sdelay $0x1  }
0xed: {  	[tilespmem:v6+s25+$0x0] =	vst.idx.add.f32.msk vm0, v7  }
0xee: {  	p0 =	seq.s32 s2, $0x2C00;
	_ =	swait.ge [sflag:s19], $0x4000  }
0xef: {  	s10 =	simm.s32 @!p0 $0x80;
	s8 =	sshra.s32 @!p0 s2, $0x2;
	[sflag:s19] =	ssyncset.done $0x0  }
0xf0: {  	s14 =	simm.s32 @!p0 $0x1880;
	s8 =	sadd.s32 @!p0 $0x180, s8;
	[sflag:s19] =	ssyncadd.s32 $0xFFFFC000  }
0xf1: {  	[tilespmem:s14], [sflag:$0x1] =	stream.indirect.gather @!p0 [hbm4b:s4+s10], $0x80, s8, s10, $0xb8;
	[tilespmem:$0x1FC80] =	vst v63  }
0xf2: {  	_ =	swait.ge [sflag:s26], $0x4000  }
0xf3: {  	[sflag:s26] =	ssyncset.done $0x0  }
0xf4: {  	s16 =	sadd.s32 $0xD00, s3;
	[sflag:s26] =	ssyncadd.s32 $0xFFFFC000  }
0xf5: {  	[spmem:s1] =	stream.indirect.scatter.add.f32 [tilespmem:s24], [sflag:$0x4], $0x80, s16, s21, $0xb8;
	[tilespmem:$0x1FC80] =	vst v63  }
0xf6: {  	v6 =	vld [tilespmem:s3+$0xD00];
	_ =	sdelay $0x4  }
0xf7: {  	(xrf1) =	vunique.msk.u32 $0xffff, v6;
	_ =	sdelay $0xd  }
0xf8: {  	_, v7, vm0 =	vpop (xrf1);
	_ =	sdelay $0x3  }
0xf9: {  	v7 =	vcvt.s32.f32 v7;
	_ =	sdelay $0x1  }
0xfa: {  	[tilespmem:v6+s25+$0x0] =	vst.idx.add.f32.msk vm0, v7  }
0xfb: {  	v6 =	vld [tilespmem:s3+$0xD10];
	_ =	sdelay $0x4  }
0xfc: {  	(xrf1) =	vunique.msk.u32 $0xffff, v6;
	_ =	sdelay $0xd  }
0xfd: {  	_, v7, vm0 =	vpop (xrf1);
	_ =	sdelay $0x3  }
0xfe: {  	v7 =	vcvt.s32.f32 v7;
	_ =	sdelay $0x1  }
0xff: {  	[tilespmem:v6+s25+$0x0] =	vst.idx.add.f32.msk vm0, v7  }
0x100: {  	v6 =	vld [tilespmem:s3+$0xD20];
	_ =	sdelay $0x4  }
0x101: {  	(xrf1) =	vunique.msk.u32 $0xffff, v6;
	_ =	sdelay $0xd  }
0x102: {  	_, v7, vm0 =	vpop (xrf1);
	_ =	sdelay $0x3  }
0x103: {  	v7 =	vcvt.s32.f32 v7;
	_ =	sdelay $0x1  }
0x104: {  	[tilespmem:v6+s25+$0x0] =	vst.idx.add.f32.msk vm0, v7  }
0x105: {  	v6 =	vld [tilespmem:s3+$0xD30];
	_ =	sdelay $0x4  }
0x106: {  	(xrf1) =	vunique.msk.u32 $0xffff, v6;
	_ =	sdelay $0xd  }
0x107: {  	_, v7, vm0 =	vpop (xrf1);
	_ =	sdelay $0x3  }
0x108: {  	v7 =	vcvt.s32.f32 v7;
	_ =	sdelay $0x1  }
0x109: {  	[tilespmem:v6+s25+$0x0] =	vst.idx.add.f32.msk vm0, v7  }
0x10a: {  	v6 =	vld [tilespmem:s3+$0xD40];
	_ =	sdelay $0x4  }
0x10b: {  	(xrf1) =	vunique.msk.u32 $0xffff, v6;
	_ =	sdelay $0xd  }
0x10c: {  	_, v7, vm0 =	vpop (xrf1);
	_ =	sdelay $0x3  }
0x10d: {  	v7 =	vcvt.s32.f32 v7;
	_ =	sdelay $0x1  }
0x10e: {  	[tilespmem:v6+s25+$0x0] =	vst.idx.add.f32.msk vm0, v7  }
0x10f: {  	v6 =	vld [tilespmem:s3+$0xD50];
	_ =	sdelay $0x4  }
0x110: {  	(xrf1) =	vunique.msk.u32 $0xffff, v6;
	_ =	sdelay $0xd  }
0x111: {  	_, v7, vm0 =	vpop (xrf1);
	_ =	sdelay $0x3  }
0x112: {  	v7 =	vcvt.s32.f32 v7;
	_ =	sdelay $0x1  }
0x113: {  	[tilespmem:v6+s25+$0x0] =	vst.idx.add.f32.msk vm0, v7  }
0x114: {  	v6 =	vld [tilespmem:s3+$0xD60];
	_ =	sdelay $0x4  }
0x115: {  	(xrf1) =	vunique.msk.u32 $0xffff, v6;
	_ =	sdelay $0xd  }
0x116: {  	_, v7, vm0 =	vpop (xrf1);
	_ =	sdelay $0x3  }
0x117: {  	v7 =	vcvt.s32.f32 v7;
	_ =	sdelay $0x1  }
0x118: {  	[tilespmem:v6+s25+$0x0] =	vst.idx.add.f32.msk vm0, v7  }
0x119: {  	v6 =	vld [tilespmem:s3+$0xD70];
	_ =	sdelay $0x4  }
0x11a: {  	(xrf1) =	vunique.msk.u32 $0xffff, v6;
	_ =	sdelay $0xd  }
0x11b: {  	_, v7, vm0 =	vpop (xrf1);
	_ =	sdelay $0x2  }
0x11c: {  	s2 =	sadd.s32 $0x400, s2  }
0x11d: {  	p0 =	sne.s32 s2, $0x3000;
	v7 =	vcvt.s32.f32 v7  }
.Ltmp3:
0x11e: {  	_ = 	snop;
	(pc) =	sbr.rel @p0 .LBB2_8-.Ltmp3, $4  }
0x11f: {  	[tilespmem:v6+s25+$0x0] =	vst.idx.add.f32.msk vm0, v7  }
0x120: {  	_ =	swait.ge [sflag:s13], $0x4000  }
0x121: {  	[sflag:s13] =	ssyncset.done $0x0  }
0x122: {  	[sflag:s13] =	ssyncadd.s32 $0xFFFFC000  }
0x123: {  	[tilespmem:s21], [sflag:$0x1] =	stream.indirect.gather [hbm4b:s5+s20], $0x80, s28, s20, $0xb8;
	[tilespmem:$0x1FC80] =	vst v63  }
0x124: {  	_ = 	snop  }
0x125: {  	[tilespmem:s22], [sflag:$0x1] =	stream.indirect.gather [hbm4b:s6+s20], $0x80, s28, s20, $0xb8;
	[tilespmem:$0x1FC80] =	vst v63  }
0x126: {  	_ =	swait.ge [sflag:s23], $0xC00  }
0x127: {  	[sflag:s23] =	ssyncset.done $0x0  }
0x128: {  	[sflag:s23] =	ssyncadd.s32 $0xFFFFF400  }
0x129: {  	_ =	swait.ge [sflag:s23], $0xC00  }
0x12a: {  	[sflag:s23] =	ssyncset.done $0x0  }
0x12b: {  	s2 =	simm.s32 $0x0;
	[sflag:s23] =	ssyncadd.s32 $0xFFFFF400  }
0x12c: {  	[tilespmem:s18], [sflag:$0x1] =	stream.indirect.gather [hbm4b:s4+s21], $0x80, s21, s21, $0xb8;
	[tilespmem:$0x1FC80] =	vst v63  }
.LBB2_10:
0x12d: {  	s3 =	sshra.s32 s2, $0x2  }
0x12e: {  	s8 =	sadd.s32 $0x100, s3  }
0x12f: {  	[tilespmem:s24], [sflag:$0x2] =	stream.indirect.gather [hbm4b:s4+s21], $0x80, s8, s21, $0xb8;
	[tilespmem:$0x1FC80] =	vst v63  }
0x130: {  	_ =	swait.ge [sflag:s23], $0x4000  }
0x131: {  	[sflag:s23] =	ssyncset.done $0x0  }
0x132: {  	s15 =	sadd.s32 $0xC80, s3;
	[sflag:s23] =	ssyncadd.s32 $0xFFFFC000  }
0x133: {  	[spmem:s1] =	stream.indirect.scatter.add.f32 [tilespmem:s18], [sflag:$0x3], $0x80, s15, s21, $0xb8;
	[tilespmem:$0x1FC80] =	vst v63  }
0x134: {  	v6 =	vld [tilespmem:s3+$0xC80];
	_ =	sdelay $0x4  }
0x135: {  	(xrf1) =	vunique.msk.u32 $0xffff, v6;
	_ =	sdelay $0xd  }
0x136: {  	_, v7, vm0 =	vpop (xrf1);
	_ =	sdelay $0x3  }
0x137: {  	v7 =	vcvt.s32.f32 v7;
	_ =	sdelay $0x1  }
0x138: {  	[tilespmem:v6+s25+$0x0] =	vst.idx.add.f32.msk vm0, v7  }
0x139: {  	v6 =	vld [tilespmem:s3+$0xC90];
	_ =	sdelay $0x4  }
0x13a: {  	(xrf1) =	vunique.msk.u32 $0xffff, v6;
	_ =	sdelay $0xd  }
0x13b: {  	_, v7, vm0 =	vpop (xrf1);
	_ =	sdelay $0x3  }
0x13c: {  	v7 =	vcvt.s32.f32 v7;
	_ =	sdelay $0x1  }
0x13d: {  	[tilespmem:v6+s25+$0x0] =	vst.idx.add.f32.msk vm0, v7  }
0x13e: {  	v6 =	vld [tilespmem:s3+$0xCA0];
	_ =	sdelay $0x4  }
0x13f: {  	(xrf1) =	vunique.msk.u32 $0xffff, v6;
	_ =	sdelay $0xd  }
0x140: {  	_, v7, vm0 =	vpop (xrf1);
	_ =	sdelay $0x3  }
0x141: {  	v7 =	vcvt.s32.f32 v7;
	_ =	sdelay $0x1  }
0x142: {  	[tilespmem:v6+s25+$0x0] =	vst.idx.add.f32.msk vm0, v7  }
0x143: {  	v6 =	vld [tilespmem:s3+$0xCB0];
	_ =	sdelay $0x4  }
0x144: {  	(xrf1) =	vunique.msk.u32 $0xffff, v6;
	_ =	sdelay $0xd  }
0x145: {  	_, v7, vm0 =	vpop (xrf1);
	_ =	sdelay $0x3  }
0x146: {  	v7 =	vcvt.s32.f32 v7;
	_ =	sdelay $0x1  }
0x147: {  	[tilespmem:v6+s25+$0x0] =	vst.idx.add.f32.msk vm0, v7  }
0x148: {  	v6 =	vld [tilespmem:s3+$0xCC0];
	_ =	sdelay $0x4  }
0x149: {  	(xrf1) =	vunique.msk.u32 $0xffff, v6;
	_ =	sdelay $0xd  }
0x14a: {  	_, v7, vm0 =	vpop (xrf1);
	_ =	sdelay $0x3  }
0x14b: {  	v7 =	vcvt.s32.f32 v7;
	_ =	sdelay $0x1  }
0x14c: {  	[tilespmem:v6+s25+$0x0] =	vst.idx.add.f32.msk vm0, v7  }
0x14d: {  	v6 =	vld [tilespmem:s3+$0xCD0];
	_ =	sdelay $0x4  }
0x14e: {  	(xrf1) =	vunique.msk.u32 $0xffff, v6;
	_ =	sdelay $0xd  }
0x14f: {  	_, v7, vm0 =	vpop (xrf1);
	_ =	sdelay $0x3  }
0x150: {  	v7 =	vcvt.s32.f32 v7;
	_ =	sdelay $0x1  }
0x151: {  	[tilespmem:v6+s25+$0x0] =	vst.idx.add.f32.msk vm0, v7  }
0x152: {  	v6 =	vld [tilespmem:s3+$0xCE0];
	_ =	sdelay $0x4  }
0x153: {  	(xrf1) =	vunique.msk.u32 $0xffff, v6;
	_ =	sdelay $0xd  }
0x154: {  	_, v7, vm0 =	vpop (xrf1);
	_ =	sdelay $0x3  }
0x155: {  	v7 =	vcvt.s32.f32 v7;
	_ =	sdelay $0x1  }
0x156: {  	[tilespmem:v6+s25+$0x0] =	vst.idx.add.f32.msk vm0, v7  }
0x157: {  	v6 =	vld [tilespmem:s3+$0xCF0];
	_ =	sdelay $0x4  }
0x158: {  	(xrf1) =	vunique.msk.u32 $0xffff, v6;
	_ =	sdelay $0xd  }
0x159: {  	_, v7, vm0 =	vpop (xrf1);
	_ =	sdelay $0x3  }
0x15a: {  	v7 =	vcvt.s32.f32 v7;
	_ =	sdelay $0x1  }
0x15b: {  	[tilespmem:v6+s25+$0x0] =	vst.idx.add.f32.msk vm0, v7  }
0x15c: {  	p0 =	seq.s32 s2, $0x2C00;
	_ =	swait.ge [sflag:s19], $0x4000  }
0x15d: {  	s10 =	simm.s32 @!p0 $0x80;
	s8 =	sshra.s32 @!p0 s2, $0x2;
	[sflag:s19] =	ssyncset.done $0x0  }
0x15e: {  	s14 =	simm.s32 @!p0 $0x1880;
	s8 =	sadd.s32 @!p0 $0x180, s8;
	[sflag:s19] =	ssyncadd.s32 $0xFFFFC000  }
0x15f: {  	[tilespmem:s14], [sflag:$0x1] =	stream.indirect.gather @!p0 [hbm4b:s4+s10], $0x80, s8, s10, $0xb8;
	[tilespmem:$0x1FC80] =	vst v63  }
0x160: {  	_ =	swait.ge [sflag:s26], $0x4000  }
0x161: {  	[sflag:s26] =	ssyncset.done $0x0  }
0x162: {  	s16 =	sadd.s32 $0xD00, s3;
	[sflag:s26] =	ssyncadd.s32 $0xFFFFC000  }
0x163: {  	[spmem:s1] =	stream.indirect.scatter.add.f32 [tilespmem:s24], [sflag:$0x4], $0x80, s16, s21, $0xb8;
	[tilespmem:$0x1FC80] =	vst v63  }
0x164: {  	v6 =	vld [tilespmem:s3+$0xD00];
	_ =	sdelay $0x4  }
0x165: {  	(xrf1) =	vunique.msk.u32 $0xffff, v6;
	_ =	sdelay $0xd  }
0x166: {  	_, v7, vm0 =	vpop (xrf1);
	_ =	sdelay $0x3  }
0x167: {  	v7 =	vcvt.s32.f32 v7;
	_ =	sdelay $0x1  }
0x168: {  	[tilespmem:v6+s25+$0x0] =	vst.idx.add.f32.msk vm0, v7  }
0x169: {  	v6 =	vld [tilespmem:s3+$0xD10];
	_ =	sdelay $0x4  }
0x16a: {  	(xrf1) =	vunique.msk.u32 $0xffff, v6;
	_ =	sdelay $0xd  }
0x16b: {  	_, v7, vm0 =	vpop (xrf1);
	_ =	sdelay $0x3  }
0x16c: {  	v7 =	vcvt.s32.f32 v7;
	_ =	sdelay $0x1  }
0x16d: {  	[tilespmem:v6+s25+$0x0] =	vst.idx.add.f32.msk vm0, v7  }
0x16e: {  	v6 =	vld [tilespmem:s3+$0xD20];
	_ =	sdelay $0x4  }
0x16f: {  	(xrf1) =	vunique.msk.u32 $0xffff, v6;
	_ =	sdelay $0xd  }
0x170: {  	_, v7, vm0 =	vpop (xrf1);
	_ =	sdelay $0x3  }
0x171: {  	v7 =	vcvt.s32.f32 v7;
	_ =	sdelay $0x1  }
0x172: {  	[tilespmem:v6+s25+$0x0] =	vst.idx.add.f32.msk vm0, v7  }
0x173: {  	v6 =	vld [tilespmem:s3+$0xD30];
	_ =	sdelay $0x4  }
0x174: {  	(xrf1) =	vunique.msk.u32 $0xffff, v6;
	_ =	sdelay $0xd  }
0x175: {  	_, v7, vm0 =	vpop (xrf1);
	_ =	sdelay $0x3  }
0x176: {  	v7 =	vcvt.s32.f32 v7;
	_ =	sdelay $0x1  }
0x177: {  	[tilespmem:v6+s25+$0x0] =	vst.idx.add.f32.msk vm0, v7  }
0x178: {  	v6 =	vld [tilespmem:s3+$0xD40];
	_ =	sdelay $0x4  }
0x179: {  	(xrf1) =	vunique.msk.u32 $0xffff, v6;
	_ =	sdelay $0xd  }
0x17a: {  	_, v7, vm0 =	vpop (xrf1);
	_ =	sdelay $0x3  }
0x17b: {  	v7 =	vcvt.s32.f32 v7;
	_ =	sdelay $0x1  }
0x17c: {  	[tilespmem:v6+s25+$0x0] =	vst.idx.add.f32.msk vm0, v7  }
0x17d: {  	v6 =	vld [tilespmem:s3+$0xD50];
	_ =	sdelay $0x4  }
0x17e: {  	(xrf1) =	vunique.msk.u32 $0xffff, v6;
	_ =	sdelay $0xd  }
0x17f: {  	_, v7, vm0 =	vpop (xrf1);
	_ =	sdelay $0x3  }
0x180: {  	v7 =	vcvt.s32.f32 v7;
	_ =	sdelay $0x1  }
0x181: {  	[tilespmem:v6+s25+$0x0] =	vst.idx.add.f32.msk vm0, v7  }
0x182: {  	v6 =	vld [tilespmem:s3+$0xD60];
	_ =	sdelay $0x4  }
0x183: {  	(xrf1) =	vunique.msk.u32 $0xffff, v6;
	_ =	sdelay $0xd  }
0x184: {  	_, v7, vm0 =	vpop (xrf1);
	_ =	sdelay $0x3  }
0x185: {  	v7 =	vcvt.s32.f32 v7;
	_ =	sdelay $0x1  }
0x186: {  	[tilespmem:v6+s25+$0x0] =	vst.idx.add.f32.msk vm0, v7  }
0x187: {  	v6 =	vld [tilespmem:s3+$0xD70];
	_ =	sdelay $0x4  }
0x188: {  	(xrf1) =	vunique.msk.u32 $0xffff, v6;
	_ =	sdelay $0xd  }
0x189: {  	_, v7, vm0 =	vpop (xrf1);
	_ =	sdelay $0x2  }
0x18a: {  	s2 =	sadd.s32 $0x400, s2  }
0x18b: {  	p0 =	sne.s32 s2, $0x3000;
	v7 =	vcvt.s32.f32 v7  }
.Ltmp4:
0x18c: {  	_ = 	snop;
	(pc) =	sbr.rel @p0 .LBB2_10-.Ltmp4, $4  }
0x18d: {  	[tilespmem:v6+s25+$0x0] =	vst.idx.add.f32.msk vm0, v7  }
0x18e: {  	_ =	swait.ge [sflag:s13], $0x4000  }
0x18f: {  	[sflag:s13] =	ssyncset.done $0x0  }
0x190: {  	[sflag:s13] =	ssyncadd.s32 $0xFFFFC000  }
0x191: {  	[tilespmem:s21], [sflag:$0x1] =	stream.indirect.gather [hbm4b:s5+s29], $0x80, s30, s29, $0xb8;
	[tilespmem:$0x1FC80] =	vst v63  }
0x192: {  	_ = 	snop  }
0x193: {  	[tilespmem:s22], [sflag:$0x1] =	stream.indirect.gather [hbm4b:s6+s29], $0x80, s30, s29, $0xb8;
	[tilespmem:$0x1FC80] =	vst v63  }
0x194: {  	_ =	swait.ge [sflag:s23], $0x400  }
0x195: {  	[sflag:s23] =	ssyncset.done $0x0  }
0x196: {  	[sflag:s23] =	ssyncadd.s32 $0xFFFFFC00  }
0x197: {  	_ =	swait.ge [sflag:s23], $0x400  }
0x198: {  	s3 =	simm.s32 $0xD00;
	s2 =	simm.s32 $0x2;
	[sflag:s23] =	ssyncset.done $0x0  }
0x199: {  	s8 =	simm.s32 $0x180;
	s14 =	smov.u32 s9;
	[sflag:s23] =	ssyncadd.s32 $0xFFFFFC00  }
0x19a: {  	[tilespmem:s18], [sflag:$0x1] =	stream.indirect.gather [hbm4b:s4+s21], $0x80, s21, s21, $0xb8;
	[tilespmem:$0x1FC80] =	vst v63  }
.LBB2_12:
0x19b: {  	s10 =	sadd.s32 $0xFFFFFFFF, s2  }
0x19c: {  	p0 =	sge.u32 s10, s12  }
0x19d: {  	s10 =	sadd.s32 @!p0 $0xFFFFFF80, s8;
	s11 =	simm.s32 @!p0 $0x80;
	s15 =	simm.s32 @!p0 $0x5880  }
0x19e: {  	[tilespmem:s15], [sflag:$0x2] =	stream.indirect.gather @!p0 [hbm4b:s4+s11], $0x80, s10, s11, $0xb8;
	[tilespmem:$0x1FC80] =	vst v63  }
0x19f: {  	_ =	swait.ge [sflag:s23], $0x4000  }
0x1a0: {  	[sflag:s23] =	ssyncset.done $0x0  }
0x1a1: {  	s16 =	sadd.s32 $0xFFFFFF80, s3;
	[sflag:s23] =	ssyncadd.s32 $0xFFFFC000  }
0x1a2: {  	[spmem:s1] =	stream.indirect.scatter.add.f32 [tilespmem:s18], [sflag:$0x3], $0x80, s16, s21, $0xb8;
	[tilespmem:$0x1FC80] =	vst v63  }
0x1a3: {  	v6 =	vld [tilespmem:s3+$0xFFFFFF80];
	_ =	sdelay $0x4  }
0x1a4: {  	(xrf1) =	vunique.msk.u32 $0xffff, v6;
	_ =	sdelay $0xd  }
0x1a5: {  	_, v7, vm0 =	vpop (xrf1);
	_ =	sdelay $0x3  }
0x1a6: {  	v7 =	vcvt.s32.f32 v7;
	_ =	sdelay $0x1  }
0x1a7: {  	[tilespmem:v6+s25+$0x0] =	vst.idx.add.f32.msk vm0, v7  }
0x1a8: {  	v6 =	vld [tilespmem:s3+$0xFFFFFF90];
	_ =	sdelay $0x4  }
0x1a9: {  	(xrf1) =	vunique.msk.u32 $0xffff, v6;
	_ =	sdelay $0xd  }
0x1aa: {  	_, v7, vm0 =	vpop (xrf1);
	_ =	sdelay $0x3  }
0x1ab: {  	v7 =	vcvt.s32.f32 v7;
	_ =	sdelay $0x1  }
0x1ac: {  	[tilespmem:v6+s25+$0x0] =	vst.idx.add.f32.msk vm0, v7  }
0x1ad: {  	v6 =	vld [tilespmem:s3+$0xFFFFFFA0];
	_ =	sdelay $0x4  }
0x1ae: {  	(xrf1) =	vunique.msk.u32 $0xffff, v6;
	_ =	sdelay $0xd  }
0x1af: {  	_, v7, vm0 =	vpop (xrf1);
	_ =	sdelay $0x3  }
0x1b0: {  	v7 =	vcvt.s32.f32 v7;
	_ =	sdelay $0x1  }
0x1b1: {  	[tilespmem:v6+s25+$0x0] =	vst.idx.add.f32.msk vm0, v7  }
0x1b2: {  	v6 =	vld [tilespmem:s3+$0xFFFFFFB0];
	_ =	sdelay $0x4  }
0x1b3: {  	(xrf1) =	vunique.msk.u32 $0xffff, v6;
	_ =	sdelay $0xd  }
0x1b4: {  	_, v7, vm0 =	vpop (xrf1);
	_ =	sdelay $0x3  }
0x1b5: {  	v7 =	vcvt.s32.f32 v7;
	_ =	sdelay $0x1  }
0x1b6: {  	[tilespmem:v6+s25+$0x0] =	vst.idx.add.f32.msk vm0, v7  }
0x1b7: {  	v6 =	vld [tilespmem:s3+$0xFFFFFFC0];
	_ =	sdelay $0x4  }
0x1b8: {  	(xrf1) =	vunique.msk.u32 $0xffff, v6;
	_ =	sdelay $0xd  }
0x1b9: {  	_, v7, vm0 =	vpop (xrf1);
	_ =	sdelay $0x3  }
0x1ba: {  	v7 =	vcvt.s32.f32 v7;
	_ =	sdelay $0x1  }
0x1bb: {  	[tilespmem:v6+s25+$0x0] =	vst.idx.add.f32.msk vm0, v7  }
0x1bc: {  	v6 =	vld [tilespmem:s3+$0xFFFFFFD0];
	_ =	sdelay $0x4  }
0x1bd: {  	(xrf1) =	vunique.msk.u32 $0xffff, v6;
	_ =	sdelay $0xd  }
0x1be: {  	_, v7, vm0 =	vpop (xrf1);
	_ =	sdelay $0x3  }
0x1bf: {  	v7 =	vcvt.s32.f32 v7;
	_ =	sdelay $0x1  }
0x1c0: {  	[tilespmem:v6+s25+$0x0] =	vst.idx.add.f32.msk vm0, v7  }
0x1c1: {  	v6 =	vld [tilespmem:s3+$0xFFFFFFE0];
	_ =	sdelay $0x4  }
0x1c2: {  	(xrf1) =	vunique.msk.u32 $0xffff, v6;
	_ =	sdelay $0xd  }
0x1c3: {  	_, v7, vm0 =	vpop (xrf1);
	_ =	sdelay $0x3  }
0x1c4: {  	v7 =	vcvt.s32.f32 v7;
	_ =	sdelay $0x1  }
0x1c5: {  	[tilespmem:v6+s25+$0x0] =	vst.idx.add.f32.msk vm0, v7  }
0x1c6: {  	v6 =	vld [tilespmem:s3+$0xFFFFFFF0];
	_ =	sdelay $0x4  }
0x1c7: {  	(xrf1) =	vunique.msk.u32 $0xffff, v6;
	_ =	sdelay $0xd  }
0x1c8: {  	_, v7, vm0 =	vpop (xrf1);
	_ =	sdelay $0x3  }
0x1c9: {  	v7 =	vcvt.s32.f32 v7;
	_ =	sdelay $0x1  }
0x1ca: {  	[tilespmem:v6+s25+$0x0] =	vst.idx.add.f32.msk vm0, v7  }
0x1cb: {  	_ =	swait.ge [sflag:s19], $0x4000  }
0x1cc: {  	p1 =	sge.u32 s2, s12;
	[sflag:s19] =	ssyncset.done $0x0  }
0x1cd: {  	s10 =	simm.s32 @!p1 $0x80;
	s16 =	simm.s32 @!p1 $0x1880;
	[sflag:s19] =	ssyncadd.s32 $0xFFFFC000  }
0x1ce: {  	[tilespmem:s16], [sflag:$0x1] =	stream.indirect.gather @!p1 [hbm4b:s4+s10], $0x80, s8, s10, $0xb8;
	[tilespmem:$0x1FC80] =	vst v63  }
0x1cf: {  	s10 =	simm.s32 @!p0 $0x2  }
0x1d0: {  	_ =	swait.ge @!p0 [sflag:s10], $0x4000  }
0x1d1: {  	[sflag:s10] =	ssyncset.done @!p0 $0x0  }
0x1d2: {  	[sflag:s10] =	ssyncadd.s32 @!p0 $0xFFFFC000  }
0x1d3: {  	[spmem:s1] =	stream.indirect.scatter.add.f32 @!p0 [tilespmem:s15], [sflag:$0x4], $0x80, s3, s11, $0xb8;
	[tilespmem:$0x1FC80] =	vst v63  }
0x1d4: {  	v6 =	vld @!p0 [tilespmem:s3+$0x0];
	_ =	sdelay $0x4  }
0x1d5: {  	(xrf1) =	vunique.msk.u32 @!p0 $0xffff, v6;
	_ =	sdelay $0xd  }
0x1d6: {  	_, v7, vm0 =	vpop @!p0 (xrf1);
	_ =	sdelay $0x3  }
0x1d7: {  	v7 =	vcvt.s32.f32 @!p0 v7  }
0x1d8: {  	s10 =	simm.s32 @!p0 $0x9880  }
0x1d9: {  	[tilespmem:v6+s10+$0x0] =	vst.idx.add.f32.msk @!p0 vm0, v7  }
0x1da: {  	v6 =	vld @!p0 [tilespmem:s3+$0x10];
	_ =	sdelay $0x4  }
0x1db: {  	(xrf1) =	vunique.msk.u32 @!p0 $0xffff, v6;
	_ =	sdelay $0xd  }
0x1dc: {  	_, v7, vm0 =	vpop @!p0 (xrf1);
	_ =	sdelay $0x3  }
0x1dd: {  	v7 =	vcvt.s32.f32 @!p0 v7;
	_ =	sdelay $0x1  }
0x1de: {  	[tilespmem:v6+s10+$0x0] =	vst.idx.add.f32.msk @!p0 vm0, v7  }
0x1df: {  	v6 =	vld @!p0 [tilespmem:s3+$0x20];
	_ =	sdelay $0x4  }
0x1e0: {  	(xrf1) =	vunique.msk.u32 @!p0 $0xffff, v6;
	_ =	sdelay $0xd  }
0x1e1: {  	_, v7, vm0 =	vpop @!p0 (xrf1);
	_ =	sdelay $0x3  }
0x1e2: {  	v7 =	vcvt.s32.f32 @!p0 v7;
	_ =	sdelay $0x1  }
0x1e3: {  	[tilespmem:v6+s10+$0x0] =	vst.idx.add.f32.msk @!p0 vm0, v7  }
0x1e4: {  	v6 =	vld @!p0 [tilespmem:s3+$0x30];
	_ =	sdelay $0x4  }
0x1e5: {  	(xrf1) =	vunique.msk.u32 @!p0 $0xffff, v6;
	_ =	sdelay $0xd  }
0x1e6: {  	_, v7, vm0 =	vpop @!p0 (xrf1);
	_ =	sdelay $0x3  }
0x1e7: {  	v7 =	vcvt.s32.f32 @!p0 v7;
	_ =	sdelay $0x1  }
0x1e8: {  	[tilespmem:v6+s10+$0x0] =	vst.idx.add.f32.msk @!p0 vm0, v7  }
0x1e9: {  	v6 =	vld @!p0 [tilespmem:s3+$0x40];
	_ =	sdelay $0x4  }
0x1ea: {  	(xrf1) =	vunique.msk.u32 @!p0 $0xffff, v6;
	_ =	sdelay $0xd  }
0x1eb: {  	_, v7, vm0 =	vpop @!p0 (xrf1);
	_ =	sdelay $0x3  }
0x1ec: {  	v7 =	vcvt.s32.f32 @!p0 v7;
	_ =	sdelay $0x1  }
0x1ed: {  	[tilespmem:v6+s10+$0x0] =	vst.idx.add.f32.msk @!p0 vm0, v7  }
0x1ee: {  	v6 =	vld @!p0 [tilespmem:s3+$0x50];
	_ =	sdelay $0x4  }
0x1ef: {  	(xrf1) =	vunique.msk.u32 @!p0 $0xffff, v6;
	_ =	sdelay $0xd  }
0x1f0: {  	_, v7, vm0 =	vpop @!p0 (xrf1);
	_ =	sdelay $0x3  }
0x1f1: {  	v7 =	vcvt.s32.f32 @!p0 v7;
	_ =	sdelay $0x1  }
0x1f2: {  	[tilespmem:v6+s10+$0x0] =	vst.idx.add.f32.msk @!p0 vm0, v7  }
0x1f3: {  	v6 =	vld @!p0 [tilespmem:s3+$0x60];
	_ =	sdelay $0x4  }
0x1f4: {  	(xrf1) =	vunique.msk.u32 @!p0 $0xffff, v6;
	_ =	sdelay $0xd  }
0x1f5: {  	_, v7, vm0 =	vpop @!p0 (xrf1);
	_ =	sdelay $0x3  }
0x1f6: {  	v7 =	vcvt.s32.f32 @!p0 v7;
	_ =	sdelay $0x1  }
0x1f7: {  	[tilespmem:v6+s10+$0x0] =	vst.idx.add.f32.msk @!p0 vm0, v7  }
0x1f8: {  	v6 =	vld @!p0 [tilespmem:s3+$0x70];
	_ =	sdelay $0x4  }
0x1f9: {  	(xrf1) =	vunique.msk.u32 @!p0 $0xffff, v6;
	_ =	sdelay $0xd  }
0x1fa: {  	_, v7, vm0 =	vpop @!p0 (xrf1);
	_ =	sdelay $0x3  }
0x1fb: {  	v7 =	vcvt.s32.f32 @!p0 v7;
	_ =	sdelay $0x1  }
0x1fc: {  	[tilespmem:v6+s10+$0x0] =	vst.idx.add.f32.msk @!p0 vm0, v7;
	s10 =	simm.s32 @!p0 $0x4  }
0x1fd: {  	_ =	swait.ge @!p0 [sflag:s10], $0x4000  }
0x1fe: {  	s14 =	sadd.s32 $0xFFFFFFFF, s14;
	[sflag:s10] =	ssyncset.done @!p0 $0x0  }
0x1ff: {  	[sflag:s10] =	ssyncadd.s32 @!p0 $0xFFFFC000;
	p0 =	sne.s32 s14, $0x0  }
.Ltmp5:
0x200: {  	_ = 	snop;
	(pc) =	sbr.rel @p0 .LBB2_12-.Ltmp5, $2  }
0x201: {  	_ =	sdelay $0x2  }
0x202: {  	s2 =	sadd.s32 $0x2, s2;
	s8 =	sadd.s32 $0x100, s8;
	s3 =	sadd.s32 $0x100, s3  }
0x203: {  	s2 =	stileid.u32  }
0x204: {  	[bflag:$0x0] =	sbarrier.arrive $0xFFFF;
	s2 =	sshll.u32 s2, $0x6  }
0x205: {  	s3 =	sshrl.u32 s7, $0x3;
	s8 =	rddreg [dreg:$0x8];
	s2 =	sor.u32 $0x1C05, s2  }
0x206: {  	[hbm:s8], [sflag:s2] =	dma.local [spmem:s3], $0x2780  }
0x207: {  	s0 =	sadd.s32 $0x1, s0;
	_ =	swait.ge [sflag:s31], $0x2780  }
0x208: {  	s15 =	simm.s32 $0x0;
	p0 =	sne.s32 s0, s17;
	[sflag:s31] =	ssyncset.done $0x0  }
.Ltmp6:
0x209: {  	s16 =	rddreg [dreg:$0x9];
	[sflag:s31] =	ssyncadd.s32 $0xFFFFD880;
	(pc) =	sbr.rel @p0 .LBB2_1-.Ltmp6, $4  }
0x20a: {  	[hbm4b:s16+s15] =	stream.linear.scatter [tilespmem:s25], [sflag:$0x5], $0x2780, $0x38;
	[tilespmem:$0x1FC80] =	vst v63  }
0x20b: {  	_ =	swait.ge [sflag:s31], $0x2780  }
0x20c: {  	[sflag:s31] =	ssyncset.done $0x0  }
0x20d: {  	[sflag:s31] =	ssyncadd.s32 $0xFFFFD880  }
0x20e: {  	_ =	sfence.sel $0x180000  }
0x20f: {  	[bflag:$0x0] =	sbarrier.arrive $0xFFFF  }
0x210: {  	_ =	strace $0x9000004A  }
0x211: {  	s0 =	stileid.u32;
	[bflag:$0x2] =	sbarrier.arrive $0xFFFF  }
0x212: {  	p0 =	sne.s32 s0, $0x0;
	s0 =	rddreg [dreg:$0x3]  }
0x213: {  	s0 =	sadd.s32 @!p0 $0x100000, s0  }
0x214: {  	[sflag:s0] =	ssyncadd.tile.s32 @!p0 $0x1;
	_ =	shalt  }
.Lfunc_end2:
_tile_overlayer_lowered:
.L_overlay_start_2:
0x215: {  	(tag) =	ssettag $0x2  }
0x216: {  	s0 =	rddreg [dreg:$0x0];
	s2 =	stileid.u32  }
0x217: {  	s1 =	rddreg [dreg:$0x1];
	p0 =	sne.s32 s2, $0x0  }
0x218: {  	s3 =	rddreg [dreg:$0x2];
	[bflag:$0x3] =	sbarrier.arrive $0xFFFF;
	s2 =	simm.s32 @!p0 $0x1C05  }
0x219: {  	[timem:s3], [sflag:s2] =	dma.local @!p0 [hbm:s0], s1  }
0x21a: {  	s0 =	simm.s32 @!p0 $0x5  }
0x21b: {  	_ =	swait.ge @!p0 [sflag:s0], s1  }
0x21c: {  	s1 =	ssub.s32 @!p0 $0x0, s1;
	[sflag:s0] =	ssyncset.done @!p0 $0x0  }
0x21d: {  	[sflag:s0] =	ssyncadd.s32 @!p0 s1  }
0x21e: {  	[bflag:$0x3] =	sbarrier.arrive $0xFFFF  }
0x21f: {  	_ =	shalt  }

// kernel: kernel.7.cloned.1.call-start
scs
__scs_entry_jumppad:
0x0: {  	(pc) =	sbr.rel $0x88, $3  }
0x1: {  	(tag) =	ssettag $0x0;
	lr =	simm.s32 $0x1  }
0x2: {  	[smem:$0x3F9A] =	sst lr;
	_ =	strace $0xD0000000  }
0x3: {  	_ = 	snop  }
0x4: {  	_ = 	snop  }
0x5: {  	_ = 	snop  }
0x6: {  	_ = 	snop  }
0x7: {  	_ = 	snop  }
__scs_overlays_trampoline_lowered:
0x8: {  	[smem:$0x3FA9] =	sst s0  }
0x9: {  	[smem:$0x3FAA] =	sst s1  }
0xa: {  	[smem:$0x3FAB] =	sst s2  }
0xb: {  	[smem:$0x3FAC] =	sst s3  }
0xc: {  	[smem:$0x3FAD] =	sst s4  }
0xd: {  	[smem:$0x3FAE] =	sst s5  }
0xe: {  	[smem:$0x3FAF] =	sst s6  }
0xf: {  	[smem:$0x3FB0] =	sst s7  }
0x10: {  	[smem:$0x3FB1] =	sst s8  }
0x11: {  	[smem:$0x3FB2] =	sst s9;
	s0 =	simm.s32 @!p0 $0x0  }
0x12: {  	s1 =	sld [smem:$0x3F98];
	s0 =	simm.s32 @p0 $0x1  }
0x13: {  	[smem:$0x3FB3] =	sst s0;
	s0 =	simm.s32 @!p1 $0x0  }
0x14: {  	s2 =	sld [smem:$0x3F97];
	s0 =	simm.s32 @p1 $0x1  }
0x15: {  	[smem:$0x3FB4] =	sst s0;
	s0 =	simm.s32 @!p2 $0x0  }
0x16: {  	s3 =	sld [smem:$0x3FDB];
	s0 =	simm.s32 @p2 $0x1  }
0x17: {  	s4 =	simm.s32 $0x1BF5;
	[smem:$0x3FB6] =	sst s0  }
0x18: {  	s0 =	sld [smem:$0x3F99];
	_ =	swait.ge [sflag:s4], $0x0  }
0x19: {  	s7 =	sld [smem:$0x3F9A]  }
0x1a: {  	s8 =	sadd.s32 $0xFFFFE003, lr  }
0x1b: {  	s9 =	sadd.s32 $0xFFFFFEF7, lr;
	s5 =	simm.s32 $0xFFFFFFFF;
	p2 =	slt.u32 s8, $0xFFFFF086  }
0x1c: {  	p1 =	slt.u32 s9, $0xF7A;
	s5 =	simm.s32 @!p2 $0x0  }
0x1d: {  	s5 =	simm.s32 @p1 $0x1;
	p0 =	seq.s32 s7, s2  }
0x1e: {  	s7 =	smul.u32 @!p0 $0xF7A, s2;
	p2 =	seq.s32 @!p0 s5, $0x0  }
0x1f: {  	s9 =	smul.u32 $0xF7A, s1;
	s8 =	simm.s32 @!p0 $0x1BF5;
	p2 =	por !p2, p0  }
0x20: {  	[sflag:s8] =	ssyncset.s32 @!p0 $0xFFFFF086;
	s6 =	sadd.s32 @!p0 s3, s7;
	s7 =	simm.s32 @!p0 $0x108  }
0x21: {  	s3 =	sadd.s32 s3, s9;
	s6 =	sadd.s32 @!p0 $0x88, s6;
	s7 =	simm.s32 @p2 $0x1082  }
0x22: {  	[simem:s7], [sflag:s8] =	dma.local @!p0 [hbm:s6], $0xF7A  }
0x23: {  	s9 =	sor.u32 $0xD0000000, s2;
	s6 =	simm.s32 $0x108;
	_ =	swait.ge @!p0 [sflag:s8], $0x0  }
0x24: {  	s3 =	sadd.s32 $0x88, s3;
	s6 =	simm.s32 @!p1 $0x1082;
	[sflag:s4] =	ssyncset.s32 $0xFFFFF086  }
0x25: {  	[simem:s6], [sflag:s4] =	dma.local [hbm:s3], $0xF7A  }
0x26: {  	[smem:$0x3F9A] =	sst s1;
	(tag) =	ssettag s2;
	_ =	strace s9  }
0x27: {  	s1 =	sld [smem:$0x3FAA]  }
0x28: {  	s2 =	sld [smem:$0x3FAB]  }
0x29: {  	s4 =	sld [smem:$0x3FAD]  }
0x2a: {  	p0 =	seq.s32 s5, $0x0;
	s5 =	sld [smem:$0x3FAE]  }
0x2b: {  	s6 =	sld [smem:$0x3FAF]  }
0x2c: {  	s7 =	sld [smem:$0x3FB0]  }
0x2d: {  	s3 =	simm.s32 $0x108;
	s8 =	sld [smem:$0x3FB1]  }
0x2e: {  	s3 =	simm.s32 @!p0 $0x1082;
	s9 =	sld [smem:$0x3FB2]  }
0x2f: {  	lr =	sadd.s32 s0, s3;
	s0 =	sld [smem:$0x3FA9]  }
0x30: {  	s3 =	sld [smem:$0x3FAC]  }
0x31: {  	[smem:$0x3FB5] =	sst s10  }
0x32: {  	s10 =	sld [smem:$0x3FB3];
	_ =	sdelay $0x3  }
0x33: {  	p0 =	seq.s32 s10, $0x1;
	s10 =	sld [smem:$0x3FB5];
	_ =	sdelay $0x3  }
0x34: {  	[smem:$0x3FB5] =	sst s10  }
0x35: {  	s10 =	sld [smem:$0x3FB4];
	_ =	sdelay $0x3  }
0x36: {  	p1 =	seq.s32 s10, $0x1;
	s10 =	sld [smem:$0x3FB5];
	_ =	sdelay $0x3  }
0x37: {  	[smem:$0x3FB5] =	sst s10  }
0x38: {  	s10 =	sld [smem:$0x3FB6]  }
0x39: {  	_ = 	snop;
	(pc) =	sbr.ind lr, $3  }
0x3a: {  	_ = 	snop  }
0x3b: {  	_ = 	snop  }
0x3c: {  	p2 =	seq.s32 s10, $0x1;
	s10 =	sld [smem:$0x3FB5]  }
0x3d: {  	_ =	shalt  }
0x3e: {  	_ =	shalt  }
0x3f: {  	_ =	shalt  }
0x40: {  	_ =	shalt  }
0x41: {  	_ =	shalt  }
0x42: {  	_ =	shalt  }
0x43: {  	_ =	shalt  }
0x44: {  	_ =	shalt  }
0x45: {  	_ =	shalt  }
0x46: {  	_ =	shalt  }
0x47: {  	_ =	shalt  }
0x48: {  	_ =	shalt  }
0x49: {  	_ =	shalt  }
0x4a: {  	_ =	shalt  }
0x4b: {  	_ =	shalt  }
0x4c: {  	_ =	shalt  }
0x4d: {  	_ =	shalt  }
0x4e: {  	_ =	shalt  }
0x4f: {  	_ =	shalt  }
0x50: {  	_ =	shalt  }
0x51: {  	_ =	shalt  }
0x52: {  	_ =	shalt  }
0x53: {  	_ =	shalt  }
0x54: {  	_ =	shalt  }
0x55: {  	_ =	shalt  }
0x56: {  	_ =	shalt  }
0x57: {  	_ =	shalt  }
0x58: {  	_ =	shalt  }
0x59: {  	_ =	shalt  }
0x5a: {  	_ =	shalt  }
0x5b: {  	_ =	shalt  }
0x5c: {  	_ =	shalt  }
0x5d: {  	_ =	shalt  }
0x5e: {  	_ =	shalt  }
0x5f: {  	_ =	shalt  }
0x60: {  	_ =	shalt  }
0x61: {  	_ =	shalt  }
0x62: {  	_ =	shalt  }
0x63: {  	_ =	shalt  }
0x64: {  	_ =	shalt  }
0x65: {  	_ =	shalt  }
0x66: {  	_ =	shalt  }
0x67: {  	_ =	shalt  }
0x68: {  	_ =	shalt  }
0x69: {  	_ =	shalt  }
0x6a: {  	_ =	shalt  }
0x6b: {  	_ =	shalt  }
0x6c: {  	_ =	shalt  }
0x6d: {  	_ =	shalt  }
0x6e: {  	_ =	shalt  }
0x6f: {  	_ =	shalt  }
0x70: {  	_ =	shalt  }
0x71: {  	_ =	shalt  }
0x72: {  	_ =	shalt  }
0x73: {  	_ =	shalt  }
0x74: {  	_ =	shalt  }
0x75: {  	_ =	shalt  }
0x76: {  	_ =	shalt  }
0x77: {  	_ =	shalt  }
0x78: {  	_ =	shalt  }
0x79: {  	_ =	shalt  }
0x7a: {  	_ =	shalt  }
0x7b: {  	_ =	shalt  }
0x7c: {  	_ =	shalt  }
0x7d: {  	_ =	shalt  }
0x7e: {  	_ =	shalt  }
0x7f: {  	_ =	shalt  }
0x80: {  	_ =	shalt  }
0x81: {  	_ =	shalt  }
0x82: {  	_ =	shalt  }
0x83: {  	_ =	shalt  }
0x84: {  	_ =	shalt  }
0x85: {  	_ =	shalt  }
0x86: {  	_ =	shalt  }
0x87: {  	_ =	shalt  }
.Lfunc_end0:
.L_simem_size_0:
called_computation_lowered:
.L_overlay_start_0:
0x88: {  	s2 =	sld [smem:$0x3FD9]  }
0x89: {  	s3 =	sld [smem:$0x3FFE];
	_ =	sdelay $0x1  }
0x8a: {  	s1 =	srdreg.scid  }
0x8b: {  	s0 =	sand.u32 $0x1, s1  }
0x8c: {  	s17 =	sshll.u32 s0, $0xA;
	s2 =	sadd.s32 s3, s2  }
0x8d: {  	s2 =	sadd.s32 s2, s17  }
0x8e: {  	[smem:$0x3FC1] =	sst s2  }
0x8f: {  	_ = 	snop  }
0x90: {  	s2 =	sld [smem:$0x3FD0];
	(tm) =	ssettm $0x1  }
0x91: {  	s18 =	sld [smem:$0x3FFB];
	_ =	sdelay $0x3  }
0x92: {  	_ =	strace s18  }
0x93: {  	s3 =	sld [smem:$0x3FFC];
	_ =	sdelay $0x3  }
0x94: {  	_ =	strace s3  }
0x95: {  	s3 =	sld [smem:$0x3FFD];
	_ =	sdelay $0x3  }
0x96: {  	_ =	strace s3  }
0x97: {  	_ =	strace $0x8FFFFFFF  }
0x98: {  	s19 =	sld [smem:$0x3FDB];
	_ =	sdelay $0x1  }
0x99: {  	s4 =	simm.s32 $_scs_section_size  }
0x9a: {  	s5 =	simm.s32 $_size__tile_overlayer_lowered;
	s6 =	simm.s32 $_tile_overlayer_lowered  }
0x9b: {  	s22 =	simm.s32 $0x1BFF;
	s21 =	sshll.u32 s6, $0x1;
	s3 =	sadd.s32 s4, s19  }
0x9c: {  	s7 =	simm.s32 $0x0;
	s20 =	sshll.u32 s5, $0x1;
	s5 =	sadd.s32 s21, s3  }
0x9d: {  	[timem:s7], [sflag:s22] =	dma.local [hbm:s5], s20  }
0x9e: {  	_ =	swait.ge [sflag:s22], s20  }
0x9f: {  	s4 =	ssub.s32 $0x0, s20;
	[sflag:s22] =	ssyncset.done $0x0  }
0xa0: {  	[sflag:s22] =	ssyncadd.s32 s4;
	_ =	sdelay $0x1  }
0xa1: {  	s23 =	simm.s32 $0x1B8B  }
0xa2: {  	_ =	swait.ge [sflag:s23], $0x1  }
0xa3: {  	[sflag:s23] =	ssyncset.done $0x0  }
0xa4: {  	s25 =	simm.s32 $0x1B8E;
	s24 =	sld [smem:$0x3FFE];
	[sflag:s23] =	ssyncadd.s32 $0xFFFFFFFF  }
0xa5: {  	s26 =	simm.s32 $execute0_lowered;
	[smem:$0x3FD2] =	sst s25  }
0xa6: {  	s5 =	sshll.u32 s26, $0x1;
	_ =	strace $0x80000046;
	[dreg:$0x1] =	wrdreg $0xFFFFFFFF  }
0xa7: {  	s28 =	simm.s32 $_size_execute0_lowered;
	s3 =	sadd.s32 s3, s5;
	[dreg:$0x0] =	wrdreg $0x0  }
0xa8: {  	s5 =	sshll.u32 s28, $0x1;
	[dreg:$0x2] =	wrdreg s3  }
0xa9: {  	[dreg:$0x3] =	wrdreg s5  }
0xaa: {  	[dreg:$0x4] =	wrdreg $0xC0  }
0xab: {  	_ =	task [dreg:s7], $0x5FFFF  }
0xac: {  	[dreg:$0x1] =	wrdreg $0xFFFFFFFF  }
0xad: {  	[dreg:$0x0] =	wrdreg $0x60  }
0xae: {  	[dreg:$0x2] =	wrdreg s2  }
0xaf: {  	[dreg:$0x3] =	wrdreg s24  }
0xb0: {  	[dreg:$0x4] =	wrdreg $0xC0800  }
0xb1: {  	[dreg:$0x5] =	wrdreg $0x9  }
0xb2: {  	_ =	task.clear_ibuf [dreg:s7], $0x6FFFF;
	_ =	strace $0x90000046  }
0xb3: {  	s29 =	simm.s32 $0x9;
	_ =	strace $0x80000048  }
0xb4: {  	_ =	swait.ge [sflag:s29], $0x1  }
0xb5: {  	[sflag:s29] =	ssyncadd.s32 $0xFFFFFFFF  }
0xb6: {  	_ =	strace $0x90000048  }
0xb7: {  	_ =	sfence  }
0xb8: {  	s30 =	sld [smem:$0x0];
	_ =	sdelay $0x2  }
0xb9: {  	s31 =	sshll.u32 s1, $0xD;
	s1 =	sshrl.u32 s1, $0x2  }
0xba: {  	s3 =	sand.u32 $0x4000, s31;
	s1 =	sadd.s32 s1, s30  }
0xbb: {  	s0 =	sor.u32 s3, s0;
	s1 =	sshll.u32 s1, $0x11  }
0xbc: {  	s0 =	sor.u32 s1, s0  }
0xbd: {  	s0 =	sadd.s32 $0x8F2B, s0  }
0xbe: {  	[sflag:s0] =	ssyncadd.remote.s32 $0x1  }
0xbf: {  	_ =	sfence.sel $0xFFFF  }
0xc0: {  	[dreg:$0x0] =	wrdreg $0xFFFFFFFF;
	(pc) =	sbr.abs _section_cstart, $3  }
0xc1: {  	[dreg:$0x1] =	wrdreg $0xFFFFFFFF  }
0xc2: {  	_ =	task.clear_ibuf [dreg:s7], $0x2FFFF;
	_ =	strace $0x9FFFFFFF  }
0xc3: {  	(tm) =	ssettm $0x7FFFFFFF  }
tec
execute0_lowered:
.L_overlay_start_1:
0x0: {  	(tag) =	ssettag $0x1  }
0x1: {  	s1 =	rddreg [dreg:$0x0]  }
0x2: {  	s0 =	rddreg [dreg:$0x1]  }
0x3: {  	s2 =	rddreg [dreg:$0x2];
	s3 =	srdreg.scid  }
0x4: {  	s5 =	simm.s32 $0x0;
	s11 =	stileid.u32;
	s12 =	simm.s32 $0x7  }
0x5: {  	s13 =	simm.s32 $0x4;
	s18 =	simm.s32 $0x1880;
	s19 =	simm.s32 $0x3  }
0x6: {  	s20 =	simm.s32 $0x18;
	s28 =	simm.s32 $0x30;
	s29 =	simm.s32 $0x8  }
0x7: {  	s30 =	simm.s32 $0x48;
	s31 =	simm.s32 $0x5;
	s3 =	sand.u32 $0x1, s3  }
0x8: {  	[smem:$0x7FF] =	sst s5;
	s6 =	smul.u32 $0x13C00, s11;
	s21 =	sshll.u32 s11, $0x1  }
0x9: {  	s5 =	sadd.s32 $0xB400, s0;
	s9 =	smul.u32 $0x4F000, s11;
	p0 =	slt.u32 s11, $0x2  }
0xa: {  	s4 =	smul.u32 $0x13C000, s3;
	_ =	strace $0x80000047;
	s8 =	sor.u32 s3, s21  }
0xb: {  	s3 =	ssub.s32 $0x2, s3;
	s12 =	simm.s32 @!p0 $0x6;
	s21 =	simm.s32 $0x80  }
0xc: {  	s7 =	smul.u32 $0x500, s8;
	s10 =	sshrl.u32 s3, $0x1;
	s4 =	sadd.s32 s6, s4  }
0xd: {  	s22 =	sshrl.u32 s9, $0x2;
	s6 =	sadd.s32 $0x1600, s0;
	s4 =	sshrl.u32 s4, $0x3  }
0xe: {  	s4 =	sadd.s32 s4, s0;
	s0 =	sadd.s32 s7, s0;
	s7 =	sadd.s32 s22, s2  }
0xf: {  	s14 =	smul.u32 $0x4E, s8;
	s8 =	sor.u32 $0x9C0, s8;
	s23 =	sadd.s32 $0x4000, s7  }
0x10: {  	v3 =	vlaneseq.u32;
	s9 =	simm.s32 $0x4;
	s24 =	sadd.s32 $0x8000, s7;
	[dreg:$0x4] =	wrdreg s23  }
0x11: {  	vm0 =	vmxor vm0, vm0;
	vm1 =	vcmask $0x3B38;
	vm15 =	vmmov $0x3fff;
	s3 =	ssub.s32 s3, s10;
	s25 =	sadd.s32 $0xC000, s7;
	[dreg:$0x5] =	wrdreg s24  }
0x12: {  	v1 =	vor.u32 $0x10, v3;
	v2 =	vor.u32 $0x20, v3;
	vm0 =	vmneg @p0 vm0;
	s9 =	simm.s32 @!p0 $0x3;
	s26 =	sadd.s32 $0x10000, s7;
	[dreg:$0x6] =	wrdreg s25  }
0x13: {  	v5 =	vor.u32 $0x30, v3;
	vm0 =	vmand vm0, vm1;
	v4 =	vmov s8;
	s17 =	smax.u32 s3, $0x1;
	s4 =	sadd.s32 $0x15200, s4;
	[dreg:$0x7] =	wrdreg s26  }
0x14: {  	v0 =	vadd.s32 s14, v3;
	v1 =	vadd.s32 s14, v1;
	v3 =	vor.u32 $0x40, v3;
	s22 =	simm.s32 $0xC80;
	s0 =	sadd.s32 $0x64200, s0;
	[dreg:$0x8] =	wrdreg s4  }
0x15: {  	v2 =	vadd.s32 s14, v2;
	v4 =	vnsel vm0, $0x0, v4;
	v6 =	vadd.s32 s14, v3;
	[dreg:$0x9] =	wrdreg s0;
	s23 =	simm.s32 $0x1;
	s24 =	simm.s32 $0x5880  }
0x16: {  	v3 =	vadd.s32 s14, v5;
	v5 =	vimm.f32 $0.0e+00;
	v4 =	vsel vm15, v6, v4;
	s25 =	simm.s32 $0x9880;
	s26 =	simm.s32 $0x2;
	s0 =	simm.s32 $0x0  }
.LBB2_1:
0x17: {  	[tilespmem:$0x0] =	vst v0  }
0x18: {  	[tilespmem:$0x10] =	vst v1  }
0x19: {  	[tilespmem:$0x20] =	vst v2  }
0x1a: {  	[tilespmem:$0x30] =	vst v3  }
0x1b: {  	[tilespmem:$0x40] =	vst v4;
	s3 =	simm.s32 $0x0;
	s4 =	simm.s32 $0x0  }
.LBB2_2:
0x1c: {  	p0 =	sne.s32 s4, $0xFFC0  }
.Ltmp0:
0x1d: {  	_ = 	snop;
	(pc) =	sbr.rel @p0 .LBB2_2-.Ltmp0, $4  }
0x1e: {  	s8 =	sand.u32 $0xFE00, s4  }
0x1f: {  	s14 =	sand.u32 $0x70, s3;
	s8 =	sshrl.u32 s8, $0x2  }
0x20: {  	s8 =	sor.u32 s14, s8  }
0x21: {  	s3 =	sadd.s32 $0x10, s3;
	s4 =	sadd.s32 $0x40, s4;
	[tilespmem:s8+$0x1880] =	vst v5  }
0x22: {  	s3 =	simm.s32 $0x0  }
0x23: {  	s4 =	sand.u32 $0xFE00, s3  }
0x24: {  	s8 =	sand.u32 $0x70, s3;
	s14 =	sshrl.u32 s4, $0x2  }
0x25: {  	s4 =	simm.s32 $0x40;
	s8 =	sor.u32 s8, s14  }
.LBB2_4:
0x26: {  	p0 =	sne.s32 s4, $0x9DC0  }
0x27: {  	[tilespmem:s8+$0x9880] =	vst v5;
	s3 =	sadd.s32 $0x10, s3;
	s8 =	smov.u32 s4;
	s4 =	sadd.s32 $0x40, s4  }
.Ltmp1:
0x28: {  	(pc) =	sbr.rel @p0 .LBB2_4-.Ltmp1, $4  }
0x29: {  	_ = 	snop  }
0x2a: {  	s8 =	sand.u32 $0xFE00, s8  }
0x2b: {  	s14 =	sand.u32 $0x70, s3;
	s8 =	sshrl.u32 s8, $0x2  }
0x2c: {  	s8 =	sor.u32 s14, s8  }
0x2d: {  	[tilespmem:s8+$0x9880] =	vst v5  }
0x2e: {  	[spmem:s7] =	stream.linear.scatter [tilespmem:s18], [sflag:$0x3], $0x4000, $0x38;
	[tilespmem:$0x1FC80] =	vst v63  }
0x2f: {  	s3 =	rddreg [dreg:$0x4]  }
0x30: {  	[spmem:s3] =	stream.linear.scatter [tilespmem:s18], [sflag:$0x3], $0x4000, $0x38;
	[tilespmem:$0x1FC80] =	vst v63  }
0x31: {  	s14 =	rddreg [dreg:$0x5]  }
0x32: {  	[spmem:s14] =	stream.linear.scatter [tilespmem:s18], [sflag:$0x3], $0x4000, $0x38;
	[tilespmem:$0x1FC80] =	vst v63  }
0x33: {  	s15 =	rddreg [dreg:$0x6]  }
0x34: {  	[spmem:s15] =	stream.linear.scatter [tilespmem:s18], [sflag:$0x3], $0x4000, $0x38;
	[tilespmem:$0x1FC80] =	vst v63  }
0x35: {  	s16 =	rddreg [dreg:$0x7]  }
0x36: {  	[spmem:s16] =	stream.linear.scatter [tilespmem:s18], [sflag:$0x4], $0x3C00, $0x38;
	[tilespmem:$0x1FC80] =	vst v63  }
0x37: {  	_ =	swait.ge [sflag:s19], $0x4000  }
0x38: {  	[sflag:s19] =	ssyncset.done $0x0  }
0x39: {  	[sflag:s19] =	ssyncadd.s32 $0xFFFFC000  }
0x3a: {  	_ =	swait.ge [sflag:s19], $0x4000  }
0x3b: {  	[sflag:s19] =	ssyncset.done $0x0  }
0x3c: {  	[sflag:s19] =	ssyncadd.s32 $0xFFFFC000  }
0x3d: {  	_ =	swait.ge [sflag:s19], $0x4000  }
0x3e: {  	[sflag:s19] =	ssyncset.done $0x0  }
0x3f: {  	[sflag:s19] =	ssyncadd.s32 $0xFFFFC000  }
0x40: {  	_ =	swait.ge [sflag:s19], $0x4000  }
0x41: {  	[sflag:s19] =	ssyncset.done $0x0  }
0x42: {  	[sflag:s19] =	ssyncadd.s32 $0xFFFFC000  }
0x43: {  	_ =	swait.ge [sflag:s13], $0x3C00  }
0x44: {  	[sflag:s13] =	ssyncset.done $0x0  }
0x45: {  	[sflag:s13] =	ssyncadd.s32 $0xFFFFC400  }
0x46: {  	s4 =	simm.s32 $0x0;
	[bflag:$0x0] =	sbarrier.arrive $0xFFFF  }
0x47: {  	[tilespmem:s21], [sflag:$0x1] =	stream.indirect.gather [hbm4b:s5+s20], $0x80, s4, s20, $0xb8;
	[tilespmem:$0x1FC80] =	vst v63  }
0x48: {  	_ = 	snop  }
0x49: {  	[tilespmem:s22], [sflag:$0x1] =	stream.indirect.gather [hbm4b:s6+s20], $0x80, s4, s20, $0xb8;
	[tilespmem:$0x1FC80] =	vst v63  }
0x4a: {  	_ =	swait.ge [sflag:s23], $0xC00  }
0x4b: {  	[sflag:s23] =	ssyncset.done $0x0  }
0x4c: {  	[sflag:s23] =	ssyncadd.s32 $0xFFFFF400  }
0x4d: {  	_ =	swait.ge [sflag:s23], $0xC00  }
0x4e: {  	[sflag:s23] =	ssyncset.done $0x0  }
0x4f: {  	[sflag:s23] =	ssyncadd.s32 $0xFFFFF400  }
0x50: {  	[tilespmem:s18], [sflag:$0x1] =	stream.indirect.gather [hbm4b:s1+s21], $0x80, s21, s21, $0xb8;
	[tilespmem:$0x1FC80] =	vst v63  }
.LBB2_6:
0x51: {  	s3 =	sshra.s32 s4, $0x2  }
0x52: {  	s8 =	sadd.s32 $0x100, s3  }
0x53: {  	[tilespmem:s24], [sflag:$0x2] =	stream.indirect.gather [hbm4b:s1+s21], $0x80, s8, s21, $0xb8;
	[tilespmem:$0x1FC80] =	vst v63  }
0x54: {  	_ =	swait.ge [sflag:s23], $0x4000  }
0x55: {  	[sflag:s23] =	ssyncset.done $0x0  }
0x56: {  	s15 =	sadd.s32 $0xC80, s3;
	[sflag:s23] =	ssyncadd.s32 $0xFFFFC000  }
0x57: {  	[spmem:s2] =	stream.indirect.scatter.add.f32 [tilespmem:s18], [sflag:$0x3], $0x80, s15, s21, $0xb8;
	[tilespmem:$0x1FC80] =	vst v63  }
0x58: {  	v6 =	vld [tilespmem:s3+$0xC80];
	_ =	sdelay $0x4  }
0x59: {  	(xrf1) =	vunique.msk.u32 $0xffff, v6;
	_ =	sdelay $0xd  }
0x5a: {  	_, v7, vm0 =	vpop (xrf1);
	_ =	sdelay $0x3  }
0x5b: {  	v7 =	vcvt.s32.f32 v7;
	_ =	sdelay $0x1  }
0x5c: {  	[tilespmem:v6+s25+$0x0] =	vst.idx.add.f32.msk vm0, v7  }
0x5d: {  	v6 =	vld [tilespmem:s3+$0xC90];
	_ =	sdelay $0x4  }
0x5e: {  	(xrf1) =	vunique.msk.u32 $0xffff, v6;
	_ =	sdelay $0xd  }
0x5f: {  	_, v7, vm0 =	vpop (xrf1);
	_ =	sdelay $0x3  }
0x60: {  	v7 =	vcvt.s32.f32 v7;
	_ =	sdelay $0x1  }
0x61: {  	[tilespmem:v6+s25+$0x0] =	vst.idx.add.f32.msk vm0, v7  }
0x62: {  	v6 =	vld [tilespmem:s3+$0xCA0];
	_ =	sdelay $0x4  }
0x63: {  	(xrf1) =	vunique.msk.u32 $0xffff, v6;
	_ =	sdelay $0xd  }
0x64: {  	_, v7, vm0 =	vpop (xrf1);
	_ =	sdelay $0x3  }
0x65: {  	v7 =	vcvt.s32.f32 v7;
	_ =	sdelay $0x1  }
0x66: {  	[tilespmem:v6+s25+$0x0] =	vst.idx.add.f32.msk vm0, v7  }
0x67: {  	v6 =	vld [tilespmem:s3+$0xCB0];
	_ =	sdelay $0x4  }
0x68: {  	(xrf1) =	vunique.msk.u32 $0xffff, v6;
	_ =	sdelay $0xd  }
0x69: {  	_, v7, vm0 =	vpop (xrf1);
	_ =	sdelay $0x3  }
0x6a: {  	v7 =	vcvt.s32.f32 v7;
	_ =	sdelay $0x1  }
0x6b: {  	[tilespmem:v6+s25+$0x0] =	vst.idx.add.f32.msk vm0, v7  }
0x6c: {  	v6 =	vld [tilespmem:s3+$0xCC0];
	_ =	sdelay $0x4  }
0x6d: {  	(xrf1) =	vunique.msk.u32 $0xffff, v6;
	_ =	sdelay $0xd  }
0x6e: {  	_, v7, vm0 =	vpop (xrf1);
	_ =	sdelay $0x3  }
0x6f: {  	v7 =	vcvt.s32.f32 v7;
	_ =	sdelay $0x1  }
0x70: {  	[tilespmem:v6+s25+$0x0] =	vst.idx.add.f32.msk vm0, v7  }
0x71: {  	v6 =	vld [tilespmem:s3+$0xCD0];
	_ =	sdelay $0x4  }
0x72: {  	(xrf1) =	vunique.msk.u32 $0xffff, v6;
	_ =	sdelay $0xd  }
0x73: {  	_, v7, vm0 =	vpop (xrf1);
	_ =	sdelay $0x3  }
0x74: {  	v7 =	vcvt.s32.f32 v7;
	_ =	sdelay $0x1  }
0x75: {  	[tilespmem:v6+s25+$0x0] =	vst.idx.add.f32.msk vm0, v7  }
0x76: {  	v6 =	vld [tilespmem:s3+$0xCE0];
	_ =	sdelay $0x4  }
0x77: {  	(xrf1) =	vunique.msk.u32 $0xffff, v6;
	_ =	sdelay $0xd  }
0x78: {  	_, v7, vm0 =	vpop (xrf1);
	_ =	sdelay $0x3  }
0x79: {  	v7 =	vcvt.s32.f32 v7;
	_ =	sdelay $0x1  }
0x7a: {  	[tilespmem:v6+s25+$0x0] =	vst.idx.add.f32.msk vm0, v7  }
0x7b: {  	v6 =	vld [tilespmem:s3+$0xCF0];
	_ =	sdelay $0x4  }
0x7c: {  	(xrf1) =	vunique.msk.u32 $0xffff, v6;
	_ =	sdelay $0xd  }
0x7d: {  	_, v7, vm0 =	vpop (xrf1);
	_ =	sdelay $0x3  }
0x7e: {  	v7 =	vcvt.s32.f32 v7;
	_ =	sdelay $0x1  }
0x7f: {  	[tilespmem:v6+s25+$0x0] =	vst.idx.add.f32.msk vm0, v7  }
0x80: {  	p0 =	seq.s32 s4, $0x2C00;
	_ =	swait.ge [sflag:s19], $0x4000  }
0x81: {  	s14 =	simm.s32 @!p0 $0x80;
	s8 =	sshra.s32 @!p0 s4, $0x2;
	[sflag:s19] =	ssyncset.done $0x0  }
0x82: {  	s10 =	simm.s32 @!p0 $0x1880;
	s8 =	sadd.s32 @!p0 $0x180, s8;
	[sflag:s19] =	ssyncadd.s32 $0xFFFFC000  }
0x83: {  	[tilespmem:s10], [sflag:$0x1] =	stream.indirect.gather @!p0 [hbm4b:s1+s14], $0x80, s8, s14, $0xb8;
	[tilespmem:$0x1FC80] =	vst v63  }
0x84: {  	_ =	swait.ge [sflag:s26], $0x4000  }
0x85: {  	[sflag:s26] =	ssyncset.done $0x0  }
0x86: {  	s16 =	sadd.s32 $0xD00, s3;
	[sflag:s26] =	ssyncadd.s32 $0xFFFFC000  }
0x87: {  	[spmem:s2] =	stream.indirect.scatter.add.f32 [tilespmem:s24], [sflag:$0x4], $0x80, s16, s21, $0xb8;
	[tilespmem:$0x1FC80] =	vst v63  }
0x88: {  	v6 =	vld [tilespmem:s3+$0xD00];
	_ =	sdelay $0x4  }
0x89: {  	(xrf1) =	vunique.msk.u32 $0xffff, v6;
	_ =	sdelay $0xd  }
0x8a: {  	_, v7, vm0 =	vpop (xrf1);
	_ =	sdelay $0x3  }
0x8b: {  	v7 =	vcvt.s32.f32 v7;
	_ =	sdelay $0x1  }
0x8c: {  	[tilespmem:v6+s25+$0x0] =	vst.idx.add.f32.msk vm0, v7  }
0x8d: {  	v6 =	vld [tilespmem:s3+$0xD10];
	_ =	sdelay $0x4  }
0x8e: {  	(xrf1) =	vunique.msk.u32 $0xffff, v6;
	_ =	sdelay $0xd  }
0x8f: {  	_, v7, vm0 =	vpop (xrf1);
	_ =	sdelay $0x3  }
0x90: {  	v7 =	vcvt.s32.f32 v7;
	_ =	sdelay $0x1  }
0x91: {  	[tilespmem:v6+s25+$0x0] =	vst.idx.add.f32.msk vm0, v7  }
0x92: {  	v6 =	vld [tilespmem:s3+$0xD20];
	_ =	sdelay $0x4  }
0x93: {  	(xrf1) =	vunique.msk.u32 $0xffff, v6;
	_ =	sdelay $0xd  }
0x94: {  	_, v7, vm0 =	vpop (xrf1);
	_ =	sdelay $0x3  }
0x95: {  	v7 =	vcvt.s32.f32 v7;
	_ =	sdelay $0x1  }
0x96: {  	[tilespmem:v6+s25+$0x0] =	vst.idx.add.f32.msk vm0, v7  }
0x97: {  	v6 =	vld [tilespmem:s3+$0xD30];
	_ =	sdelay $0x4  }
0x98: {  	(xrf1) =	vunique.msk.u32 $0xffff, v6;
	_ =	sdelay $0xd  }
0x99: {  	_, v7, vm0 =	vpop (xrf1);
	_ =	sdelay $0x3  }
0x9a: {  	v7 =	vcvt.s32.f32 v7;
	_ =	sdelay $0x1  }
0x9b: {  	[tilespmem:v6+s25+$0x0] =	vst.idx.add.f32.msk vm0, v7  }
0x9c: {  	v6 =	vld [tilespmem:s3+$0xD40];
	_ =	sdelay $0x4  }
0x9d: {  	(xrf1) =	vunique.msk.u32 $0xffff, v6;
	_ =	sdelay $0xd  }
0x9e: {  	_, v7, vm0 =	vpop (xrf1);
	_ =	sdelay $0x3  }
0x9f: {  	v7 =	vcvt.s32.f32 v7;
	_ =	sdelay $0x1  }
0xa0: {  	[tilespmem:v6+s25+$0x0] =	vst.idx.add.f32.msk vm0, v7  }
0xa1: {  	v6 =	vld [tilespmem:s3+$0xD50];
	_ =	sdelay $0x4  }
0xa2: {  	(xrf1) =	vunique.msk.u32 $0xffff, v6;
	_ =	sdelay $0xd  }
0xa3: {  	_, v7, vm0 =	vpop (xrf1);
	_ =	sdelay $0x3  }
0xa4: {  	v7 =	vcvt.s32.f32 v7;
	_ =	sdelay $0x1  }
0xa5: {  	[tilespmem:v6+s25+$0x0] =	vst.idx.add.f32.msk vm0, v7  }
0xa6: {  	v6 =	vld [tilespmem:s3+$0xD60];
	_ =	sdelay $0x4  }
0xa7: {  	(xrf1) =	vunique.msk.u32 $0xffff, v6;
	_ =	sdelay $0xd  }
0xa8: {  	_, v7, vm0 =	vpop (xrf1);
	_ =	sdelay $0x3  }
0xa9: {  	v7 =	vcvt.s32.f32 v7;
	_ =	sdelay $0x1  }
0xaa: {  	[tilespmem:v6+s25+$0x0] =	vst.idx.add.f32.msk vm0, v7  }
0xab: {  	v6 =	vld [tilespmem:s3+$0xD70];
	_ =	sdelay $0x4  }
0xac: {  	(xrf1) =	vunique.msk.u32 $0xffff, v6;
	_ =	sdelay $0xd  }
0xad: {  	_, v7, vm0 =	vpop (xrf1);
	_ =	sdelay $0x2  }
0xae: {  	s4 =	sadd.s32 $0x400, s4  }
0xaf: {  	p0 =	sne.s32 s4, $0x3000;
	v7 =	vcvt.s32.f32 v7  }
.Ltmp2:
0xb0: {  	_ = 	snop;
	(pc) =	sbr.rel @p0 .LBB2_6-.Ltmp2, $4  }
0xb1: {  	[tilespmem:v6+s25+$0x0] =	vst.idx.add.f32.msk vm0, v7  }
0xb2: {  	_ =	swait.ge [sflag:s13], $0x4000  }
0xb3: {  	[sflag:s13] =	ssyncset.done $0x0  }
0xb4: {  	[sflag:s13] =	ssyncadd.s32 $0xFFFFC000  }
0xb5: {  	[tilespmem:s21], [sflag:$0x1] =	stream.indirect.gather [hbm4b:s5+s20], $0x80, s20, s20, $0xb8;
	[tilespmem:$0x1FC80] =	vst v63  }
0xb6: {  	_ = 	snop  }
0xb7: {  	[tilespmem:s22], [sflag:$0x1] =	stream.indirect.gather [hbm4b:s6+s20], $0x80, s20, s20, $0xb8;
	[tilespmem:$0x1FC80] =	vst v63  }
0xb8: {  	_ =	swait.ge [sflag:s23], $0xC00  }
0xb9: {  	[sflag:s23] =	ssyncset.done $0x0  }
0xba: {  	[sflag:s23] =	ssyncadd.s32 $0xFFFFF400  }
0xbb: {  	_ =	swait.ge [sflag:s23], $0xC00  }
0xbc: {  	[sflag:s23] =	ssyncset.done $0x0  }
0xbd: {  	s3 =	simm.s32 $0x0;
	[sflag:s23] =	ssyncadd.s32 $0xFFFFF400  }
0xbe: {  	[tilespmem:s18], [sflag:$0x1] =	stream.indirect.gather [hbm4b:s1+s21], $0x80, s21, s21, $0xb8;
	[tilespmem:$0x1FC80] =	vst v63  }
.LBB2_8:
0xbf: {  	s4 =	sshra.s32 s3, $0x2  }
0xc0: {  	s8 =	sadd.s32 $0x100, s4  }
0xc1: {  	[tilespmem:s24], [sflag:$0x2] =	stream.indirect.gather [hbm4b:s1+s21], $0x80, s8, s21, $0xb8;
	[tilespmem:$0x1FC80] =	vst v63  }
0xc2: {  	_ =	swait.ge [sflag:s23], $0x4000  }
0xc3: {  	[sflag:s23] =	ssyncset.done $0x0  }
0xc4: {  	s15 =	sadd.s32 $0xC80, s4;
	[sflag:s23] =	ssyncadd.s32 $0xFFFFC000  }
0xc5: {  	[spmem:s2] =	stream.indirect.scatter.add.f32 [tilespmem:s18], [sflag:$0x3], $0x80, s15, s21, $0xb8;
	[tilespmem:$0x1FC80] =	vst v63  }
0xc6: {  	v6 =	vld [tilespmem:s4+$0xC80];
	_ =	sdelay $0x4  }
0xc7: {  	(xrf1) =	vunique.msk.u32 $0xffff, v6;
	_ =	sdelay $0xd  }
0xc8: {  	_, v7, vm0 =	vpop (xrf1);
	_ =	sdelay $0x3  }
0xc9: {  	v7 =	vcvt.s32.f32 v7;
	_ =	sdelay $0x1  }
0xca: {  	[tilespmem:v6+s25+$0x0] =	vst.idx.add.f32.msk vm0, v7  }
0xcb: {  	v6 =	vld [tilespmem:s4+$0xC90];
	_ =	sdelay $0x4  }
0xcc: {  	(xrf1) =	vunique.msk.u32 $0xffff, v6;
	_ =	sdelay $0xd  }
0xcd: {  	_, v7, vm0 =	vpop (xrf1);
	_ =	sdelay $0x3  }
0xce: {  	v7 =	vcvt.s32.f32 v7;
	_ =	sdelay $0x1  }
0xcf: {  	[tilespmem:v6+s25+$0x0] =	vst.idx.add.f32.msk vm0, v7  }
0xd0: {  	v6 =	vld [tilespmem:s4+$0xCA0];
	_ =	sdelay $0x4  }
0xd1: {  	(xrf1) =	vunique.msk.u32 $0xffff, v6;
	_ =	sdelay $0xd  }
0xd2: {  	_, v7, vm0 =	vpop (xrf1);
	_ =	sdelay $0x3  }
0xd3: {  	v7 =	vcvt.s32.f32 v7;
	_ =	sdelay $0x1  }
0xd4: {  	[tilespmem:v6+s25+$0x0] =	vst.idx.add.f32.msk vm0, v7  }
0xd5: {  	v6 =	vld [tilespmem:s4+$0xCB0];
	_ =	sdelay $0x4  }
0xd6: {  	(xrf1) =	vunique.msk.u32 $0xffff, v6;
	_ =	sdelay $0xd  }
0xd7: {  	_, v7, vm0 =	vpop (xrf1);
	_ =	sdelay $0x3  }
0xd8: {  	v7 =	vcvt.s32.f32 v7;
	_ =	sdelay $0x1  }
0xd9: {  	[tilespmem:v6+s25+$0x0] =	vst.idx.add.f32.msk vm0, v7  }
0xda: {  	v6 =	vld [tilespmem:s4+$0xCC0];
	_ =	sdelay $0x4  }
0xdb: {  	(xrf1) =	vunique.msk.u32 $0xffff, v6;
	_ =	sdelay $0xd  }
0xdc: {  	_, v7, vm0 =	vpop (xrf1);
	_ =	sdelay $0x3  }
0xdd: {  	v7 =	vcvt.s32.f32 v7;
	_ =	sdelay $0x1  }
0xde: {  	[tilespmem:v6+s25+$0x0] =	vst.idx.add.f32.msk vm0, v7  }
0xdf: {  	v6 =	vld [tilespmem:s4+$0xCD0];
	_ =	sdelay $0x4  }
0xe0: {  	(xrf1) =	vunique.msk.u32 $0xffff, v6;
	_ =	sdelay $0xd  }
0xe1: {  	_, v7, vm0 =	vpop (xrf1);
	_ =	sdelay $0x3  }
0xe2: {  	v7 =	vcvt.s32.f32 v7;
	_ =	sdelay $0x1  }
0xe3: {  	[tilespmem:v6+s25+$0x0] =	vst.idx.add.f32.msk vm0, v7  }
0xe4: {  	v6 =	vld [tilespmem:s4+$0xCE0];
	_ =	sdelay $0x4  }
0xe5: {  	(xrf1) =	vunique.msk.u32 $0xffff, v6;
	_ =	sdelay $0xd  }
0xe6: {  	_, v7, vm0 =	vpop (xrf1);
	_ =	sdelay $0x3  }
0xe7: {  	v7 =	vcvt.s32.f32 v7;
	_ =	sdelay $0x1  }
0xe8: {  	[tilespmem:v6+s25+$0x0] =	vst.idx.add.f32.msk vm0, v7  }
0xe9: {  	v6 =	vld [tilespmem:s4+$0xCF0];
	_ =	sdelay $0x4  }
0xea: {  	(xrf1) =	vunique.msk.u32 $0xffff, v6;
	_ =	sdelay $0xd  }
0xeb: {  	_, v7, vm0 =	vpop (xrf1);
	_ =	sdelay $0x3  }
0xec: {  	v7 =	vcvt.s32.f32 v7;
	_ =	sdelay $0x1  }
0xed: {  	[tilespmem:v6+s25+$0x0] =	vst.idx.add.f32.msk vm0, v7  }
0xee: {  	p0 =	seq.s32 s3, $0x2C00;
	_ =	swait.ge [sflag:s19], $0x4000  }
0xef: {  	s10 =	simm.s32 @!p0 $0x80;
	s8 =	sshra.s32 @!p0 s3, $0x2;
	[sflag:s19] =	ssyncset.done $0x0  }
0xf0: {  	s14 =	simm.s32 @!p0 $0x1880;
	s8 =	sadd.s32 @!p0 $0x180, s8;
	[sflag:s19] =	ssyncadd.s32 $0xFFFFC000  }
0xf1: {  	[tilespmem:s14], [sflag:$0x1] =	stream.indirect.gather @!p0 [hbm4b:s1+s10], $0x80, s8, s10, $0xb8;
	[tilespmem:$0x1FC80] =	vst v63  }
0xf2: {  	_ =	swait.ge [sflag:s26], $0x4000  }
0xf3: {  	[sflag:s26] =	ssyncset.done $0x0  }
0xf4: {  	s16 =	sadd.s32 $0xD00, s4;
	[sflag:s26] =	ssyncadd.s32 $0xFFFFC000  }
0xf5: {  	[spmem:s2] =	stream.indirect.scatter.add.f32 [tilespmem:s24], [sflag:$0x4], $0x80, s16, s21, $0xb8;
	[tilespmem:$0x1FC80] =	vst v63  }
0xf6: {  	v6 =	vld [tilespmem:s4+$0xD00];
	_ =	sdelay $0x4  }
0xf7: {  	(xrf1) =	vunique.msk.u32 $0xffff, v6;
	_ =	sdelay $0xd  }
0xf8: {  	_, v7, vm0 =	vpop (xrf1);
	_ =	sdelay $0x3  }
0xf9: {  	v7 =	vcvt.s32.f32 v7;
	_ =	sdelay $0x1  }
0xfa: {  	[tilespmem:v6+s25+$0x0] =	vst.idx.add.f32.msk vm0, v7  }
0xfb: {  	v6 =	vld [tilespmem:s4+$0xD10];
	_ =	sdelay $0x4  }
0xfc: {  	(xrf1) =	vunique.msk.u32 $0xffff, v6;
	_ =	sdelay $0xd  }
0xfd: {  	_, v7, vm0 =	vpop (xrf1);
	_ =	sdelay $0x3  }
0xfe: {  	v7 =	vcvt.s32.f32 v7;
	_ =	sdelay $0x1  }
0xff: {  	[tilespmem:v6+s25+$0x0] =	vst.idx.add.f32.msk vm0, v7  }
0x100: {  	v6 =	vld [tilespmem:s4+$0xD20];
	_ =	sdelay $0x4  }
0x101: {  	(xrf1) =	vunique.msk.u32 $0xffff, v6;
	_ =	sdelay $0xd  }
0x102: {  	_, v7, vm0 =	vpop (xrf1);
	_ =	sdelay $0x3  }
0x103: {  	v7 =	vcvt.s32.f32 v7;
	_ =	sdelay $0x1  }
0x104: {  	[tilespmem:v6+s25+$0x0] =	vst.idx.add.f32.msk vm0, v7  }
0x105: {  	v6 =	vld [tilespmem:s4+$0xD30];
	_ =	sdelay $0x4  }
0x106: {  	(xrf1) =	vunique.msk.u32 $0xffff, v6;
	_ =	sdelay $0xd  }
0x107: {  	_, v7, vm0 =	vpop (xrf1);
	_ =	sdelay $0x3  }
0x108: {  	v7 =	vcvt.s32.f32 v7;
	_ =	sdelay $0x1  }
0x109: {  	[tilespmem:v6+s25+$0x0] =	vst.idx.add.f32.msk vm0, v7  }
0x10a: {  	v6 =	vld [tilespmem:s4+$0xD40];
	_ =	sdelay $0x4  }
0x10b: {  	(xrf1) =	vunique.msk.u32 $0xffff, v6;
	_ =	sdelay $0xd  }
0x10c: {  	_, v7, vm0 =	vpop (xrf1);
	_ =	sdelay $0x3  }
0x10d: {  	v7 =	vcvt.s32.f32 v7;
	_ =	sdelay $0x1  }
0x10e: {  	[tilespmem:v6+s25+$0x0] =	vst.idx.add.f32.msk vm0, v7  }
0x10f: {  	v6 =	vld [tilespmem:s4+$0xD50];
	_ =	sdelay $0x4  }
0x110: {  	(xrf1) =	vunique.msk.u32 $0xffff, v6;
	_ =	sdelay $0xd  }
0x111: {  	_, v7, vm0 =	vpop (xrf1);
	_ =	sdelay $0x3  }
0x112: {  	v7 =	vcvt.s32.f32 v7;
	_ =	sdelay $0x1  }
0x113: {  	[tilespmem:v6+s25+$0x0] =	vst.idx.add.f32.msk vm0, v7  }
0x114: {  	v6 =	vld [tilespmem:s4+$0xD60];
	_ =	sdelay $0x4  }
0x115: {  	(xrf1) =	vunique.msk.u32 $0xffff, v6;
	_ =	sdelay $0xd  }
0x116: {  	_, v7, vm0 =	vpop (xrf1);
	_ =	sdelay $0x3  }
0x117: {  	v7 =	vcvt.s32.f32 v7;
	_ =	sdelay $0x1  }
0x118: {  	[tilespmem:v6+s25+$0x0] =	vst.idx.add.f32.msk vm0, v7  }
0x119: {  	v6 =	vld [tilespmem:s4+$0xD70];
	_ =	sdelay $0x4  }
0x11a: {  	(xrf1) =	vunique.msk.u32 $0xffff, v6;
	_ =	sdelay $0xd  }
0x11b: {  	_, v7, vm0 =	vpop (xrf1);
	_ =	sdelay $0x2  }
0x11c: {  	s3 =	sadd.s32 $0x400, s3  }
0x11d: {  	p0 =	sne.s32 s3, $0x3000;
	v7 =	vcvt.s32.f32 v7  }
.Ltmp3:
0x11e: {  	_ = 	snop;
	(pc) =	sbr.rel @p0 .LBB2_8-.Ltmp3, $4  }
0x11f: {  	[tilespmem:v6+s25+$0x0] =	vst.idx.add.f32.msk vm0, v7  }
0x120: {  	_ =	swait.ge [sflag:s13], $0x4000  }
0x121: {  	[sflag:s13] =	ssyncset.done $0x0  }
0x122: {  	[sflag:s13] =	ssyncadd.s32 $0xFFFFC000  }
0x123: {  	[tilespmem:s21], [sflag:$0x1] =	stream.indirect.gather [hbm4b:s5+s20], $0x80, s28, s20, $0xb8;
	[tilespmem:$0x1FC80] =	vst v63  }
0x124: {  	_ = 	snop  }
0x125: {  	[tilespmem:s22], [sflag:$0x1] =	stream.indirect.gather [hbm4b:s6+s20], $0x80, s28, s20, $0xb8;
	[tilespmem:$0x1FC80] =	vst v63  }
0x126: {  	_ =	swait.ge [sflag:s23], $0xC00  }
0x127: {  	[sflag:s23] =	ssyncset.done $0x0  }
0x128: {  	[sflag:s23] =	ssyncadd.s32 $0xFFFFF400  }
0x129: {  	_ =	swait.ge [sflag:s23], $0xC00  }
0x12a: {  	[sflag:s23] =	ssyncset.done $0x0  }
0x12b: {  	s3 =	simm.s32 $0x0;
	[sflag:s23] =	ssyncadd.s32 $0xFFFFF400  }
0x12c: {  	[tilespmem:s18], [sflag:$0x1] =	stream.indirect.gather [hbm4b:s1+s21], $0x80, s21, s21, $0xb8;
	[tilespmem:$0x1FC80] =	vst v63  }
.LBB2_10:
0x12d: {  	s4 =	sshra.s32 s3, $0x2  }
0x12e: {  	s8 =	sadd.s32 $0x100, s4  }
0x12f: {  	[tilespmem:s24], [sflag:$0x2] =	stream.indirect.gather [hbm4b:s1+s21], $0x80, s8, s21, $0xb8;
	[tilespmem:$0x1FC80] =	vst v63  }
0x130: {  	_ =	swait.ge [sflag:s23], $0x4000  }
0x131: {  	[sflag:s23] =	ssyncset.done $0x0  }
0x132: {  	s15 =	sadd.s32 $0xC80, s4;
	[sflag:s23] =	ssyncadd.s32 $0xFFFFC000  }
0x133: {  	[spmem:s2] =	stream.indirect.scatter.add.f32 [tilespmem:s18], [sflag:$0x3], $0x80, s15, s21, $0xb8;
	[tilespmem:$0x1FC80] =	vst v63  }
0x134: {  	v6 =	vld [tilespmem:s4+$0xC80];
	_ =	sdelay $0x4  }
0x135: {  	(xrf1) =	vunique.msk.u32 $0xffff, v6;
	_ =	sdelay $0xd  }
0x136: {  	_, v7, vm0 =	vpop (xrf1);
	_ =	sdelay $0x3  }
0x137: {  	v7 =	vcvt.s32.f32 v7;
	_ =	sdelay $0x1  }
0x138: {  	[tilespmem:v6+s25+$0x0] =	vst.idx.add.f32.msk vm0, v7  }
0x139: {  	v6 =	vld [tilespmem:s4+$0xC90];
	_ =	sdelay $0x4  }
0x13a: {  	(xrf1) =	vunique.msk.u32 $0xffff, v6;
	_ =	sdelay $0xd  }
0x13b: {  	_, v7, vm0 =	vpop (xrf1);
	_ =	sdelay $0x3  }
0x13c: {  	v7 =	vcvt.s32.f32 v7;
	_ =	sdelay $0x1  }
0x13d: {  	[tilespmem:v6+s25+$0x0] =	vst.idx.add.f32.msk vm0, v7  }
0x13e: {  	v6 =	vld [tilespmem:s4+$0xCA0];
	_ =	sdelay $0x4  }
0x13f: {  	(xrf1) =	vunique.msk.u32 $0xffff, v6;
	_ =	sdelay $0xd  }
0x140: {  	_, v7, vm0 =	vpop (xrf1);
	_ =	sdelay $0x3  }
0x141: {  	v7 =	vcvt.s32.f32 v7;
	_ =	sdelay $0x1  }
0x142: {  	[tilespmem:v6+s25+$0x0] =	vst.idx.add.f32.msk vm0, v7  }
0x143: {  	v6 =	vld [tilespmem:s4+$0xCB0];
	_ =	sdelay $0x4  }
0x144: {  	(xrf1) =	vunique.msk.u32 $0xffff, v6;
	_ =	sdelay $0xd  }
0x145: {  	_, v7, vm0 =	vpop (xrf1);
	_ =	sdelay $0x3  }
0x146: {  	v7 =	vcvt.s32.f32 v7;
	_ =	sdelay $0x1  }
0x147: {  	[tilespmem:v6+s25+$0x0] =	vst.idx.add.f32.msk vm0, v7  }
0x148: {  	v6 =	vld [tilespmem:s4+$0xCC0];
	_ =	sdelay $0x4  }
0x149: {  	(xrf1) =	vunique.msk.u32 $0xffff, v6;
	_ =	sdelay $0xd  }
0x14a: {  	_, v7, vm0 =	vpop (xrf1);
	_ =	sdelay $0x3  }
0x14b: {  	v7 =	vcvt.s32.f32 v7;
	_ =	sdelay $0x1  }
0x14c: {  	[tilespmem:v6+s25+$0x0] =	vst.idx.add.f32.msk vm0, v7  }
0x14d: {  	v6 =	vld [tilespmem:s4+$0xCD0];
	_ =	sdelay $0x4  }
0x14e: {  	(xrf1) =	vunique.msk.u32 $0xffff, v6;
	_ =	sdelay $0xd  }
0x14f: {  	_, v7, vm0 =	vpop (xrf1);
	_ =	sdelay $0x3  }
0x150: {  	v7 =	vcvt.s32.f32 v7;
	_ =	sdelay $0x1  }
0x151: {  	[tilespmem:v6+s25+$0x0] =	vst.idx.add.f32.msk vm0, v7  }
0x152: {  	v6 =	vld [tilespmem:s4+$0xCE0];
	_ =	sdelay $0x4  }
0x153: {  	(xrf1) =	vunique.msk.u32 $0xffff, v6;
	_ =	sdelay $0xd  }
0x154: {  	_, v7, vm0 =	vpop (xrf1);
	_ =	sdelay $0x3  }
0x155: {  	v7 =	vcvt.s32.f32 v7;
	_ =	sdelay $0x1  }
0x156: {  	[tilespmem:v6+s25+$0x0] =	vst.idx.add.f32.msk vm0, v7  }
0x157: {  	v6 =	vld [tilespmem:s4+$0xCF0];
	_ =	sdelay $0x4  }
0x158: {  	(xrf1) =	vunique.msk.u32 $0xffff, v6;
	_ =	sdelay $0xd  }
0x159: {  	_, v7, vm0 =	vpop (xrf1);
	_ =	sdelay $0x3  }
0x15a: {  	v7 =	vcvt.s32.f32 v7;
	_ =	sdelay $0x1  }
0x15b: {  	[tilespmem:v6+s25+$0x0] =	vst.idx.add.f32.msk vm0, v7  }
0x15c: {  	p0 =	seq.s32 s3, $0x2C00;
	_ =	swait.ge [sflag:s19], $0x4000  }
0x15d: {  	s10 =	simm.s32 @!p0 $0x80;
	s8 =	sshra.s32 @!p0 s3, $0x2;
	[sflag:s19] =	ssyncset.done $0x0  }
0x15e: {  	s14 =	simm.s32 @!p0 $0x1880;
	s8 =	sadd.s32 @!p0 $0x180, s8;
	[sflag:s19] =	ssyncadd.s32 $0xFFFFC000  }
0x15f: {  	[tilespmem:s14], [sflag:$0x1] =	stream.indirect.gather @!p0 [hbm4b:s1+s10], $0x80, s8, s10, $0xb8;
	[tilespmem:$0x1FC80] =	vst v63  }
0x160: {  	_ =	swait.ge [sflag:s26], $0x4000  }
0x161: {  	[sflag:s26] =	ssyncset.done $0x0  }
0x162: {  	s16 =	sadd.s32 $0xD00, s4;
	[sflag:s26] =	ssyncadd.s32 $0xFFFFC000  }
0x163: {  	[spmem:s2] =	stream.indirect.scatter.add.f32 [tilespmem:s24], [sflag:$0x4], $0x80, s16, s21, $0xb8;
	[tilespmem:$0x1FC80] =	vst v63  }
0x164: {  	v6 =	vld [tilespmem:s4+$0xD00];
	_ =	sdelay $0x4  }
0x165: {  	(xrf1) =	vunique.msk.u32 $0xffff, v6;
	_ =	sdelay $0xd  }
0x166: {  	_, v7, vm0 =	vpop (xrf1);
	_ =	sdelay $0x3  }
0x167: {  	v7 =	vcvt.s32.f32 v7;
	_ =	sdelay $0x1  }
0x168: {  	[tilespmem:v6+s25+$0x0] =	vst.idx.add.f32.msk vm0, v7  }
0x169: {  	v6 =	vld [tilespmem:s4+$0xD10];
	_ =	sdelay $0x4  }
0x16a: {  	(xrf1) =	vunique.msk.u32 $0xffff, v6;
	_ =	sdelay $0xd  }
0x16b: {  	_, v7, vm0 =	vpop (xrf1);
	_ =	sdelay $0x3  }
0x16c: {  	v7 =	vcvt.s32.f32 v7;
	_ =	sdelay $0x1  }
0x16d: {  	[tilespmem:v6+s25+$0x0] =	vst.idx.add.f32.msk vm0, v7  }
0x16e: {  	v6 =	vld [tilespmem:s4+$0xD20];
	_ =	sdelay $0x4  }
0x16f: {  	(xrf1) =	vunique.msk.u32 $0xffff, v6;
	_ =	sdelay $0xd  }
0x170: {  	_, v7, vm0 =	vpop (xrf1);
	_ =	sdelay $0x3  }
0x171: {  	v7 =	vcvt.s32.f32 v7;
	_ =	sdelay $0x1  }
0x172: {  	[tilespmem:v6+s25+$0x0] =	vst.idx.add.f32.msk vm0, v7  }
0x173: {  	v6 =	vld [tilespmem:s4+$0xD30];
	_ =	sdelay $0x4  }
0x174: {  	(xrf1) =	vunique.msk.u32 $0xffff, v6;
	_ =	sdelay $0xd  }
0x175: {  	_, v7, vm0 =	vpop (xrf1);
	_ =	sdelay $0x3  }
0x176: {  	v7 =	vcvt.s32.f32 v7;
	_ =	sdelay $0x1  }
0x177: {  	[tilespmem:v6+s25+$0x0] =	vst.idx.add.f32.msk vm0, v7  }
0x178: {  	v6 =	vld [tilespmem:s4+$0xD40];
	_ =	sdelay $0x4  }
0x179: {  	(xrf1) =	vunique.msk.u32 $0xffff, v6;
	_ =	sdelay $0xd  }
0x17a: {  	_, v7, vm0 =	vpop (xrf1);
	_ =	sdelay $0x3  }
0x17b: {  	v7 =	vcvt.s32.f32 v7;
	_ =	sdelay $0x1  }
0x17c: {  	[tilespmem:v6+s25+$0x0] =	vst.idx.add.f32.msk vm0, v7  }
0x17d: {  	v6 =	vld [tilespmem:s4+$0xD50];
	_ =	sdelay $0x4  }
0x17e: {  	(xrf1) =	vunique.msk.u32 $0xffff, v6;
	_ =	sdelay $0xd  }
0x17f: {  	_, v7, vm0 =	vpop (xrf1);
	_ =	sdelay $0x3  }
0x180: {  	v7 =	vcvt.s32.f32 v7;
	_ =	sdelay $0x1  }
0x181: {  	[tilespmem:v6+s25+$0x0] =	vst.idx.add.f32.msk vm0, v7  }
0x182: {  	v6 =	vld [tilespmem:s4+$0xD60];
	_ =	sdelay $0x4  }
0x183: {  	(xrf1) =	vunique.msk.u32 $0xffff, v6;
	_ =	sdelay $0xd  }
0x184: {  	_, v7, vm0 =	vpop (xrf1);
	_ =	sdelay $0x3  }
0x185: {  	v7 =	vcvt.s32.f32 v7;
	_ =	sdelay $0x1  }
0x186: {  	[tilespmem:v6+s25+$0x0] =	vst.idx.add.f32.msk vm0, v7  }
0x187: {  	v6 =	vld [tilespmem:s4+$0xD70];
	_ =	sdelay $0x4  }
0x188: {  	(xrf1) =	vunique.msk.u32 $0xffff, v6;
	_ =	sdelay $0xd  }
0x189: {  	_, v7, vm0 =	vpop (xrf1);
	_ =	sdelay $0x2  }
0x18a: {  	s3 =	sadd.s32 $0x400, s3  }
0x18b: {  	p0 =	sne.s32 s3, $0x3000;
	v7 =	vcvt.s32.f32 v7  }
.Ltmp4:
0x18c: {  	_ = 	snop;
	(pc) =	sbr.rel @p0 .LBB2_10-.Ltmp4, $4  }
0x18d: {  	[tilespmem:v6+s25+$0x0] =	vst.idx.add.f32.msk vm0, v7  }
0x18e: {  	_ =	swait.ge [sflag:s13], $0x4000  }
0x18f: {  	[sflag:s13] =	ssyncset.done $0x0  }
0x190: {  	[sflag:s13] =	ssyncadd.s32 $0xFFFFC000  }
0x191: {  	[tilespmem:s21], [sflag:$0x1] =	stream.indirect.gather [hbm4b:s5+s29], $0x80, s30, s29, $0xb8;
	[tilespmem:$0x1FC80] =	vst v63  }
0x192: {  	_ = 	snop  }
0x193: {  	[tilespmem:s22], [sflag:$0x1] =	stream.indirect.gather [hbm4b:s6+s29], $0x80, s30, s29, $0xb8;
	[tilespmem:$0x1FC80] =	vst v63  }
0x194: {  	_ =	swait.ge [sflag:s23], $0x400  }
0x195: {  	[sflag:s23] =	ssyncset.done $0x0  }
0x196: {  	[sflag:s23] =	ssyncadd.s32 $0xFFFFFC00  }
0x197: {  	_ =	swait.ge [sflag:s23], $0x400  }
0x198: {  	s4 =	simm.s32 $0xD00;
	s3 =	simm.s32 $0x2;
	[sflag:s23] =	ssyncset.done $0x0  }
0x199: {  	s8 =	simm.s32 $0x180;
	s14 =	smov.u32 s9;
	[sflag:s23] =	ssyncadd.s32 $0xFFFFFC00  }
0x19a: {  	[tilespmem:s18], [sflag:$0x1] =	stream.indirect.gather [hbm4b:s1+s21], $0x80, s21, s21, $0xb8;
	[tilespmem:$0x1FC80] =	vst v63  }
.LBB2_12:
0x19b: {  	s10 =	sadd.s32 $0xFFFFFFFF, s3  }
0x19c: {  	p0 =	sge.u32 s10, s12  }
0x19d: {  	s10 =	sadd.s32 @!p0 $0xFFFFFF80, s8;
	s11 =	simm.s32 @!p0 $0x80;
	s15 =	simm.s32 @!p0 $0x5880  }
0x19e: {  	[tilespmem:s15], [sflag:$0x2] =	stream.indirect.gather @!p0 [hbm4b:s1+s11], $0x80, s10, s11, $0xb8;
	[tilespmem:$0x1FC80] =	vst v63  }
0x19f: {  	_ =	swait.ge [sflag:s23], $0x4000  }
0x1a0: {  	[sflag:s23] =	ssyncset.done $0x0  }
0x1a1: {  	s16 =	sadd.s32 $0xFFFFFF80, s4;
	[sflag:s23] =	ssyncadd.s32 $0xFFFFC000  }
0x1a2: {  	[spmem:s2] =	stream.indirect.scatter.add.f32 [tilespmem:s18], [sflag:$0x3], $0x80, s16, s21, $0xb8;
	[tilespmem:$0x1FC80] =	vst v63  }
0x1a3: {  	v6 =	vld [tilespmem:s4+$0xFFFFFF80];
	_ =	sdelay $0x4  }
0x1a4: {  	(xrf1) =	vunique.msk.u32 $0xffff, v6;
	_ =	sdelay $0xd  }
0x1a5: {  	_, v7, vm0 =	vpop (xrf1);
	_ =	sdelay $0x3  }
0x1a6: {  	v7 =	vcvt.s32.f32 v7;
	_ =	sdelay $0x1  }
0x1a7: {  	[tilespmem:v6+s25+$0x0] =	vst.idx.add.f32.msk vm0, v7  }
0x1a8: {  	v6 =	vld [tilespmem:s4+$0xFFFFFF90];
	_ =	sdelay $0x4  }
0x1a9: {  	(xrf1) =	vunique.msk.u32 $0xffff, v6;
	_ =	sdelay $0xd  }
0x1aa: {  	_, v7, vm0 =	vpop (xrf1);
	_ =	sdelay $0x3  }
0x1ab: {  	v7 =	vcvt.s32.f32 v7;
	_ =	sdelay $0x1  }
0x1ac: {  	[tilespmem:v6+s25+$0x0] =	vst.idx.add.f32.msk vm0, v7  }
0x1ad: {  	v6 =	vld [tilespmem:s4+$0xFFFFFFA0];
	_ =	sdelay $0x4  }
0x1ae: {  	(xrf1) =	vunique.msk.u32 $0xffff, v6;
	_ =	sdelay $0xd  }
0x1af: {  	_, v7, vm0 =	vpop (xrf1);
	_ =	sdelay $0x3  }
0x1b0: {  	v7 =	vcvt.s32.f32 v7;
	_ =	sdelay $0x1  }
0x1b1: {  	[tilespmem:v6+s25+$0x0] =	vst.idx.add.f32.msk vm0, v7  }
0x1b2: {  	v6 =	vld [tilespmem:s4+$0xFFFFFFB0];
	_ =	sdelay $0x4  }
0x1b3: {  	(xrf1) =	vunique.msk.u32 $0xffff, v6;
	_ =	sdelay $0xd  }
0x1b4: {  	_, v7, vm0 =	vpop (xrf1);
	_ =	sdelay $0x3  }
0x1b5: {  	v7 =	vcvt.s32.f32 v7;
	_ =	sdelay $0x1  }
0x1b6: {  	[tilespmem:v6+s25+$0x0] =	vst.idx.add.f32.msk vm0, v7  }
0x1b7: {  	v6 =	vld [tilespmem:s4+$0xFFFFFFC0];
	_ =	sdelay $0x4  }
0x1b8: {  	(xrf1) =	vunique.msk.u32 $0xffff, v6;
	_ =	sdelay $0xd  }
0x1b9: {  	_, v7, vm0 =	vpop (xrf1);
	_ =	sdelay $0x3  }
0x1ba: {  	v7 =	vcvt.s32.f32 v7;
	_ =	sdelay $0x1  }
0x1bb: {  	[tilespmem:v6+s25+$0x0] =	vst.idx.add.f32.msk vm0, v7  }
0x1bc: {  	v6 =	vld [tilespmem:s4+$0xFFFFFFD0];
	_ =	sdelay $0x4  }
0x1bd: {  	(xrf1) =	vunique.msk.u32 $0xffff, v6;
	_ =	sdelay $0xd  }
0x1be: {  	_, v7, vm0 =	vpop (xrf1);
	_ =	sdelay $0x3  }
0x1bf: {  	v7 =	vcvt.s32.f32 v7;
	_ =	sdelay $0x1  }
0x1c0: {  	[tilespmem:v6+s25+$0x0] =	vst.idx.add.f32.msk vm0, v7  }
0x1c1: {  	v6 =	vld [tilespmem:s4+$0xFFFFFFE0];
	_ =	sdelay $0x4  }
0x1c2: {  	(xrf1) =	vunique.msk.u32 $0xffff, v6;
	_ =	sdelay $0xd  }
0x1c3: {  	_, v7, vm0 =	vpop (xrf1);
	_ =	sdelay $0x3  }
0x1c4: {  	v7 =	vcvt.s32.f32 v7;
	_ =	sdelay $0x1  }
0x1c5: {  	[tilespmem:v6+s25+$0x0] =	vst.idx.add.f32.msk vm0, v7  }
0x1c6: {  	v6 =	vld [tilespmem:s4+$0xFFFFFFF0];
	_ =	sdelay $0x4  }
0x1c7: {  	(xrf1) =	vunique.msk.u32 $0xffff, v6;
	_ =	sdelay $0xd  }
0x1c8: {  	_, v7, vm0 =	vpop (xrf1);
	_ =	sdelay $0x3  }
0x1c9: {  	v7 =	vcvt.s32.f32 v7;
	_ =	sdelay $0x1  }
0x1ca: {  	[tilespmem:v6+s25+$0x0] =	vst.idx.add.f32.msk vm0, v7  }
0x1cb: {  	_ =	swait.ge [sflag:s19], $0x4000  }
0x1cc: {  	p1 =	sge.u32 s3, s12;
	[sflag:s19] =	ssyncset.done $0x0  }
0x1cd: {  	s10 =	simm.s32 @!p1 $0x80;
	s16 =	simm.s32 @!p1 $0x1880;
	[sflag:s19] =	ssyncadd.s32 $0xFFFFC000  }
0x1ce: {  	[tilespmem:s16], [sflag:$0x1] =	stream.indirect.gather @!p1 [hbm4b:s1+s10], $0x80, s8, s10, $0xb8;
	[tilespmem:$0x1FC80] =	vst v63  }
0x1cf: {  	s10 =	simm.s32 @!p0 $0x2  }
0x1d0: {  	_ =	swait.ge @!p0 [sflag:s10], $0x4000  }
0x1d1: {  	[sflag:s10] =	ssyncset.done @!p0 $0x0  }
0x1d2: {  	[sflag:s10] =	ssyncadd.s32 @!p0 $0xFFFFC000  }
0x1d3: {  	[spmem:s2] =	stream.indirect.scatter.add.f32 @!p0 [tilespmem:s15], [sflag:$0x4], $0x80, s4, s11, $0xb8;
	[tilespmem:$0x1FC80] =	vst v63  }
0x1d4: {  	v6 =	vld @!p0 [tilespmem:s4+$0x0];
	_ =	sdelay $0x4  }
0x1d5: {  	(xrf1) =	vunique.msk.u32 @!p0 $0xffff, v6;
	_ =	sdelay $0xd  }
0x1d6: {  	_, v7, vm0 =	vpop @!p0 (xrf1);
	_ =	sdelay $0x3  }
0x1d7: {  	v7 =	vcvt.s32.f32 @!p0 v7  }
0x1d8: {  	s10 =	simm.s32 @!p0 $0x9880  }
0x1d9: {  	[tilespmem:v6+s10+$0x0] =	vst.idx.add.f32.msk @!p0 vm0, v7  }
0x1da: {  	v6 =	vld @!p0 [tilespmem:s4+$0x10];
	_ =	sdelay $0x4  }
0x1db: {  	(xrf1) =	vunique.msk.u32 @!p0 $0xffff, v6;
	_ =	sdelay $0xd  }
0x1dc: {  	_, v7, vm0 =	vpop @!p0 (xrf1);
	_ =	sdelay $0x3  }
0x1dd: {  	v7 =	vcvt.s32.f32 @!p0 v7;
	_ =	sdelay $0x1  }
0x1de: {  	[tilespmem:v6+s10+$0x0] =	vst.idx.add.f32.msk @!p0 vm0, v7  }
0x1df: {  	v6 =	vld @!p0 [tilespmem:s4+$0x20];
	_ =	sdelay $0x4  }
0x1e0: {  	(xrf1) =	vunique.msk.u32 @!p0 $0xffff, v6;
	_ =	sdelay $0xd  }
0x1e1: {  	_, v7, vm0 =	vpop @!p0 (xrf1);
	_ =	sdelay $0x3  }
0x1e2: {  	v7 =	vcvt.s32.f32 @!p0 v7;
	_ =	sdelay $0x1  }
0x1e3: {  	[tilespmem:v6+s10+$0x0] =	vst.idx.add.f32.msk @!p0 vm0, v7  }
0x1e4: {  	v6 =	vld @!p0 [tilespmem:s4+$0x30];
	_ =	sdelay $0x4  }
0x1e5: {  	(xrf1) =	vunique.msk.u32 @!p0 $0xffff, v6;
	_ =	sdelay $0xd  }
0x1e6: {  	_, v7, vm0 =	vpop @!p0 (xrf1);
	_ =	sdelay $0x3  }
0x1e7: {  	v7 =	vcvt.s32.f32 @!p0 v7;
	_ =	sdelay $0x1  }
0x1e8: {  	[tilespmem:v6+s10+$0x0] =	vst.idx.add.f32.msk @!p0 vm0, v7  }
0x1e9: {  	v6 =	vld @!p0 [tilespmem:s4+$0x40];
	_ =	sdelay $0x4  }
0x1ea: {  	(xrf1) =	vunique.msk.u32 @!p0 $0xffff, v6;
	_ =	sdelay $0xd  }
0x1eb: {  	_, v7, vm0 =	vpop @!p0 (xrf1);
	_ =	sdelay $0x3  }
0x1ec: {  	v7 =	vcvt.s32.f32 @!p0 v7;
	_ =	sdelay $0x1  }
0x1ed: {  	[tilespmem:v6+s10+$0x0] =	vst.idx.add.f32.msk @!p0 vm0, v7  }
0x1ee: {  	v6 =	vld @!p0 [tilespmem:s4+$0x50];
	_ =	sdelay $0x4  }
0x1ef: {  	(xrf1) =	vunique.msk.u32 @!p0 $0xffff, v6;
	_ =	sdelay $0xd  }
0x1f0: {  	_, v7, vm0 =	vpop @!p0 (xrf1);
	_ =	sdelay $0x3  }
0x1f1: {  	v7 =	vcvt.s32.f32 @!p0 v7;
	_ =	sdelay $0x1  }
0x1f2: {  	[tilespmem:v6+s10+$0x0] =	vst.idx.add.f32.msk @!p0 vm0, v7  }
0x1f3: {  	v6 =	vld @!p0 [tilespmem:s4+$0x60];
	_ =	sdelay $0x4  }
0x1f4: {  	(xrf1) =	vunique.msk.u32 @!p0 $0xffff, v6;
	_ =	sdelay $0xd  }
0x1f5: {  	_, v7, vm0 =	vpop @!p0 (xrf1);
	_ =	sdelay $0x3  }
0x1f6: {  	v7 =	vcvt.s32.f32 @!p0 v7;
	_ =	sdelay $0x1  }
0x1f7: {  	[tilespmem:v6+s10+$0x0] =	vst.idx.add.f32.msk @!p0 vm0, v7  }
0x1f8: {  	v6 =	vld @!p0 [tilespmem:s4+$0x70];
	_ =	sdelay $0x4  }
0x1f9: {  	(xrf1) =	vunique.msk.u32 @!p0 $0xffff, v6;
	_ =	sdelay $0xd  }
0x1fa: {  	_, v7, vm0 =	vpop @!p0 (xrf1);
	_ =	sdelay $0x3  }
0x1fb: {  	v7 =	vcvt.s32.f32 @!p0 v7;
	_ =	sdelay $0x1  }
0x1fc: {  	[tilespmem:v6+s10+$0x0] =	vst.idx.add.f32.msk @!p0 vm0, v7;
	s10 =	simm.s32 @!p0 $0x4  }
0x1fd: {  	_ =	swait.ge @!p0 [sflag:s10], $0x4000  }
0x1fe: {  	s14 =	sadd.s32 $0xFFFFFFFF, s14;
	[sflag:s10] =	ssyncset.done @!p0 $0x0  }
0x1ff: {  	[sflag:s10] =	ssyncadd.s32 @!p0 $0xFFFFC000;
	p0 =	sne.s32 s14, $0x0  }
.Ltmp5:
0x200: {  	_ = 	snop;
	(pc) =	sbr.rel @p0 .LBB2_12-.Ltmp5, $2  }
0x201: {  	_ =	sdelay $0x2  }
0x202: {  	s3 =	sadd.s32 $0x2, s3;
	s8 =	sadd.s32 $0x100, s8;
	s4 =	sadd.s32 $0x100, s4  }
0x203: {  	s3 =	stileid.u32  }
0x204: {  	[bflag:$0x0] =	sbarrier.arrive $0xFFFF;
	s3 =	sshll.u32 s3, $0x6  }
0x205: {  	s4 =	sshrl.u32 s7, $0x3;
	s8 =	rddreg [dreg:$0x8];
	s3 =	sor.u32 $0x1C05, s3  }
0x206: {  	[hbm:s8], [sflag:s3] =	dma.local [spmem:s4], $0x2780  }
0x207: {  	s0 =	sadd.s32 $0x1, s0;
	_ =	swait.ge [sflag:s31], $0x2780  }
0x208: {  	s15 =	simm.s32 $0x0;
	p0 =	sne.s32 s0, s17;
	[sflag:s31] =	ssyncset.done $0x0  }
.Ltmp6:
0x209: {  	s16 =	rddreg [dreg:$0x9];
	[sflag:s31] =	ssyncadd.s32 $0xFFFFD880;
	(pc) =	sbr.rel @p0 .LBB2_1-.Ltmp6, $4  }
0x20a: {  	[hbm4b:s16+s15] =	stream.linear.scatter [tilespmem:s25], [sflag:$0x5], $0x2780, $0x38;
	[tilespmem:$0x1FC80] =	vst v63  }
0x20b: {  	_ =	swait.ge [sflag:s31], $0x2780  }
0x20c: {  	[sflag:s31] =	ssyncset.done $0x0  }
0x20d: {  	[sflag:s31] =	ssyncadd.s32 $0xFFFFD880  }
0x20e: {  	_ =	sfence.sel $0x180000  }
0x20f: {  	[bflag:$0x0] =	sbarrier.arrive $0xFFFF  }
0x210: {  	_ =	strace $0x90000047  }
0x211: {  	s0 =	stileid.u32;
	[bflag:$0x2] =	sbarrier.arrive $0xFFFF  }
0x212: {  	p0 =	sne.s32 s0, $0x0;
	s0 =	rddreg [dreg:$0x3]  }
0x213: {  	s0 =	sadd.s32 @!p0 $0x100000, s0  }
0x214: {  	[sflag:s0] =	ssyncadd.tile.s32 @!p0 $0x1;
	_ =	shalt  }
.Lfunc_end2:
_tile_overlayer_lowered:
.L_overlay_start_2:
0x215: {  	(tag) =	ssettag $0x2  }
0x216: {  	s0 =	rddreg [dreg:$0x0];
	s2 =	stileid.u32  }
0x217: {  	s1 =	rddreg [dreg:$0x1];
	p0 =	sne.s32 s2, $0x0  }
0x218: {  	s3 =	rddreg [dreg:$0x2];
	[bflag:$0x3] =	sbarrier.arrive $0xFFFF;
	s2 =	simm.s32 @!p0 $0x1C05  }
0x219: {  	[timem:s3], [sflag:s2] =	dma.local @!p0 [hbm:s0], s1  }
0x21a: {  	s0 =	simm.s32 @!p0 $0x5  }
0x21b: {  	_ =	swait.ge @!p0 [sflag:s0], s1  }
0x21c: {  	s1 =	ssub.s32 @!p0 $0x0, s1;
	[sflag:s0] =	ssyncset.done @!p0 $0x0  }
0x21d: {  	[sflag:s0] =	ssyncadd.s32 @!p0 s1  }
0x21e: {  	[bflag:$0x3] =	sbarrier.arrive $0xFFFF  }
0x21f: {  	_ =	shalt  }

</sc_bundles>
